<compile_context>
chip_gen: v7x
topology: tpu7x:2x2x1
jax: 0.10.2.dev20260603
libtpu: 0.0.44.dev20260713+nightly
codegen_flags: <defaults>
</compile_context>

<pallas_src>
import functools
import jax
import jax.numpy as jnp
from jax import lax
from jax.experimental import pallas as pl
from jax.experimental.pallas import tpu as pltpu
from jax.experimental.pallas import tpu_sc as plsc

NQ = 1000
ND = 10000
NG = 11000
D = 128
NQ_P = 1008
ND_P = 10008
NG_P = 11008

NC = 2
NS = 16
NW = NC * NS
K = 128

CQ = 4
CD = 79
CG = 43

_MESH = plsc.VectorSubcoreMesh(core_axis_name="c", subcore_axis_name="s")
_HIGH = jax.lax.Precision.HIGHEST


def _dot(a, b):
    return jnp.dot(a, b, precision=_HIGH, preferred_element_type=jnp.float32)


def _segsum_body(qtab, dtab, qsrc, qdst, dsrc, ddst, z2d,
                 outq, outd, accq, accd, srcv, dstv, rows, sem):
    c = lax.axis_index("c")
    s = lax.axis_index("s")
    wid = s * NC + c

    @pl.when(s == 0)
    def _zero():
        pltpu.sync_copy(z2d.at[pl.ds(0, NQ_P)], accq)
        pltpu.sync_copy(z2d.at[pl.ds(0, ND_P)], accd)

    plsc.subcore_barrier()

    def pipe(tab, acc, src_h, dst_h, base, n_chunks):
        def body(i, _):
            b = base + i * K
            pltpu.sync_copy(src_h.at[pl.ds(b, K)], srcv)
            pltpu.sync_copy(dst_h.at[pl.ds(b, K)], dstv)
            pltpu.async_copy(tab.at[srcv], rows, sem).wait()
            pltpu.sync_copy(rows, acc.at[dstv], add=True)
            return _
        lax.fori_loop(0, n_chunks, body, None)

    pipe(qtab, accq, qsrc, qdst, wid * (CQ * K), CQ)
    pipe(dtab, accd, dsrc, ddst, wid * (CD * K), CD)

    plsc.subcore_barrier()

    @pl.when(s == 0)
    def _dump():
        pltpu.sync_copy(accq, outq.at[c])
        pltpu.sync_copy(accd, outd.at[c])


_segsum_call = pl.kernel(
    _segsum_body,
    out_type=(
        jax.ShapeDtypeStruct((NC, NQ_P, D), jnp.float32),
        jax.ShapeDtypeStruct((NC, ND_P, D), jnp.float32),
    ),
    mesh=_MESH,
    scratch_types=[
        pltpu.VMEM_SHARED((NQ_P, D), jnp.float32),
        pltpu.VMEM_SHARED((ND_P, D), jnp.float32),
        pltpu.VMEM((K,), jnp.int32),
        pltpu.VMEM((K,), jnp.int32),
        pltpu.VMEM((K, D), jnp.float32),
        pltpu.SemaphoreType.DMA,
    ],
)


def _gat_body(hg, gsrc, gdst, es_h, ed_h, m_h, z2d, z1d,
              outp, outden, acc, den_sh, srcv, dstv, esb, edb, wv, rows,
              mv, sem):
    c = lax.axis_index("c")
    s = lax.axis_index("s")
    wid = s * NC + c

    @pl.when(s == 0)
    def _zero():
        pltpu.sync_copy(z2d.at[pl.ds(0, NG_P)], acc)
        pltpu.sync_copy(z1d.at[pl.ds(0, NG_P)], den_sh)

    pltpu.sync_copy(m_h, mv)

    plsc.subcore_barrier()

    mvec = mv[...]
    base = wid * (CG * K)

    def chunk(i, _):
        b = base + i * K
        pltpu.sync_copy(gsrc.at[pl.ds(b, K)], srcv)
        pltpu.sync_copy(gdst.at[pl.ds(b, K)], dstv)
        pltpu.async_copy(es_h.at[srcv], esb, sem).wait()
        pltpu.async_copy(ed_h.at[dstv], edb, sem).wait()
        for t in range(K // 16):
            e16 = esb[pl.ds(t * 16, 16)] + edb[pl.ds(t * 16, 16)]
            e16 = jnp.maximum(e16, 0.2 * e16)
            wv[pl.ds(t * 16, 16)] = jnp.exp(e16 - mvec)
        pltpu.sync_copy(wv, den_sh.at[dstv], add=True)
        pltpu.async_copy(hg.at[srcv], rows, sem).wait()

        def scale(t, _):
            w16 = wv[pl.ds(t * 16, 16)]
            for j in range(16):
                wj = jnp.full((16,), w16[j], jnp.float32)
                r = t * 16 + j
                for g in range(D // 16):
                    rows[r, pl.ds(g * 16, 16)] = rows[r, pl.ds(g * 16, 16)] * wj
            return _

        lax.fori_loop(0, K // 16, scale, None)
        pltpu.sync_copy(rows, acc.at[dstv], add=True)
        return _

    lax.fori_loop(0, CG, chunk, None)

    plsc.subcore_barrier()

    @pl.when(s == 0)
    def _dump():
        pltpu.sync_copy(acc, outp.at[c])
        pltpu.sync_copy(den_sh, outden.at[c])


_gat_call = pl.kernel(
    _gat_body,
    out_type=(
        jax.ShapeDtypeStruct((NC, NG_P, D), jnp.float32),
        jax.ShapeDtypeStruct((NC, NG_P), jnp.float32),
    ),
    mesh=_MESH,
    scratch_types=[
        pltpu.VMEM_SHARED((NG_P, D), jnp.float32),
        pltpu.VMEM_SHARED((NG_P,), jnp.float32),
        pltpu.VMEM((K,), jnp.int32),
        pltpu.VMEM((K,), jnp.int32),
        pltpu.VMEM((K,), jnp.float32),
        pltpu.VMEM((K,), jnp.float32),
        pltpu.VMEM((K,), jnp.float32),
        pltpu.VMEM((K, D), jnp.float32),
        pltpu.VMEM((16,), jnp.float32),
        pltpu.SemaphoreType.DMA,
    ],
)


def _tc_data_gin_body(dx, sd1p, dW1, db1, dW2, pD):
    agg = dx[...] + sd1p[0] + sd1p[1]
    h = jnp.maximum(_dot(agg, dW1[...]) + db1[...][None, :], 0.0)
    pD[...] = _dot(h, dW2[...])


def _tc_query_gat_body(qx, dx, sq1p, qW1, qb1, qW2, gW, ga_src, ga_dst,
                       pQ, hg, esq, esd, edq, edd, mrow):
    aggq = qx[...] + sq1p[0, :NQ, :] + sq1p[1, :NQ, :]
    hq = jnp.maximum(_dot(aggq, qW1[...]) + qb1[...][None, :], 0.0)
    pQ[...] = _dot(hq, qW2[...])
    hgq = _dot(qx[...], gW[...])
    hgd = _dot(dx[...], gW[...])
    hg[0:NQ, :] = hgq
    hg[NQ:NG, :] = hgd
    hg[NG:NG_P, :] = jnp.zeros((NG_P - NG, D), jnp.float32)
    a_s = ga_src[...][None, :]
    a_d = ga_dst[...][None, :]
    vq_s = jnp.sum(hgq * a_s, axis=1)
    vd_s = jnp.sum(hgd * a_s, axis=1)
    vq_d = jnp.sum(hgq * a_d, axis=1)
    vd_d = jnp.sum(hgd * a_d, axis=1)
    esq[...] = vq_s
    esd[...] = vd_s
    edq[...] = vq_d
    edd[...] = vd_d
    mes = jnp.maximum(jnp.maximum(jnp.max(vq_s), jnp.max(vd_s)), 0.0)
    med = jnp.maximum(jnp.maximum(jnp.max(vq_d), jnp.max(vd_d)), 0.0)
    mb = mes + med
    m = jnp.maximum(mb, 0.2 * mb)
    mrow[...] = jnp.full((1, D), m, jnp.float32)


def _make_node_out_body(n):
    def body(p, sp, b, out, pool):
        x = p[...] + sp[0, :n, :] + sp[1, :n, :] + b[...][None, :]
        out[...] = x
        pool[...] = jnp.sum(x, axis=0, keepdims=True)
    return body


def _tc_gat_pool_body(outp_p, outden_p, qpool2, dpool2):
    op = outp_p[0] + outp_p[1]
    den = (outden_p[0] + outden_p[1]).reshape(1, NG_P)
    r = 1.0 / (den + 1e-16)
    cols = lax.broadcasted_iota(jnp.int32, (1, NG_P), 1)
    rq = jnp.where(cols < NQ, r, 0.0)
    rd = jnp.where((cols >= NQ) & (cols < NG), r, 0.0)
    qpool2[...] = _dot(rq, op)
    dpool2[...] = _dot(rd, op)


def _tc_mlp_body(qpool, qpool2, dpool, dpool2,
                 l1W, l1b, l2W, l2b, l3W, l3b, l4W, l4b, out):
    pooled = jnp.concatenate(
        [qpool[...], qpool2[...], dpool[...], dpool2[...]], axis=1)
    h = _dot(pooled, l1W[...]) + l1b[...][None, :]
    h = _dot(h, l2W[...]) + l2b[...][None, :]
    h = jnp.maximum(h, 0.0)
    h = _dot(h, l3W[...]) + l3b[...][None, :]
    h = jnp.maximum(h, 0.0)
    h = _dot(h, l4W[...]) + l4b[...][None, :]
    out[...] = jnp.maximum(h, 0.0)


def _pad_edges(edges, n_chunks_per_worker, dummy):
    e = edges.astype(jnp.int32)
    total = NW * n_chunks_per_worker * K
    pad = total - e.shape[1]
    src = jnp.concatenate([e[0], jnp.zeros((pad,), jnp.int32)])
    dst = jnp.concatenate([e[1], jnp.full((pad,), dummy, jnp.int32)])
    return src, dst


def kernel(query_in_feat, data_in_feat, query_edge_list, data_edge_list,
           query2data_edge_list, qW1, qb1, qW2, qb2, dW1, db1, dW2, db2,
           gW, ga_src, ga_dst, l1W, l1b, l2W, l2b, l3W, l3b, l4W, l4b):
    qx = query_in_feat
    dx = data_in_feat
    qsrc, qdst = _pad_edges(query_edge_list, CQ, NQ)
    dsrc, ddst = _pad_edges(data_edge_list, CD, ND)
    gsrc, gdst = _pad_edges(query2data_edge_list, CG, NG)
    z2d = jnp.zeros((NG_P, D), jnp.float32)
    z1d = jnp.zeros((NG_P,), jnp.float32)

    sq1p, sd1p = _segsum_call(qx, dx, qsrc, qdst, dsrc, ddst, z2d)

    pD = pl.pallas_call(
        _tc_data_gin_body,
        grid=(10,),
        in_specs=[
            pl.BlockSpec((1000, D), lambda i: (i, 0)),
            pl.BlockSpec((NC, 1000, D), lambda i: (0, i, 0)),
            pl.BlockSpec((D, 256), lambda i: (0, 0)),
            pl.BlockSpec((256,), lambda i: (0,)),
            pl.BlockSpec((256, D), lambda i: (0, 0)),
        ],
        out_specs=pl.BlockSpec((1000, D), lambda i: (i, 0)),
        out_shape=jax.ShapeDtypeStruct((ND, D), jnp.float32),
    )(dx, sd1p, dW1, db1, dW2)

    pQ, hg, esq, esd, edq, edd, mrow = pl.pallas_call(
        _tc_query_gat_body,
        out_shape=(
            jax.ShapeDtypeStruct((NQ, D), jnp.float32),
            jax.ShapeDtypeStruct((NG_P, D), jnp.float32),
            jax.ShapeDtypeStruct((NQ,), jnp.float32),
            jax.ShapeDtypeStruct((ND,), jnp.float32),
            jax.ShapeDtypeStruct((NQ,), jnp.float32),
            jax.ShapeDtypeStruct((ND,), jnp.float32),
            jax.ShapeDtypeStruct((1, D), jnp.float32),
        ),
    )(qx, dx, sq1p, qW1, qb1, qW2, gW, ga_src, ga_dst)

    zpad = jnp.zeros((NG_P - NG,), jnp.float32)
    es = jnp.concatenate([esq, esd, zpad])
    ed = jnp.concatenate([edq, edd, zpad])
    m16 = mrow[0, :16]

    sq2p, sd2p = _segsum_call(pQ, pD, qsrc, qdst, dsrc, ddst, z2d)

    outp_p, outden_p = _gat_call(hg, gsrc, gdst, es, ed, m16, z2d, z1d)

    query_x, qpool = pl.pallas_call(
        _make_node_out_body(NQ),
        out_shape=(
            jax.ShapeDtypeStruct((NQ, D), jnp.float32),
            jax.ShapeDtypeStruct((1, D), jnp.float32),
        ),
    )(pQ, sq2p, qb2)
    data_x, dpool = pl.pallas_call(
        _make_node_out_body(ND),
        out_shape=(
            jax.ShapeDtypeStruct((ND, D), jnp.float32),
            jax.ShapeDtypeStruct((1, D), jnp.float32),
        ),
    )(pD, sd2p, db2)
    qpool2, dpool2 = pl.pallas_call(
        _tc_gat_pool_body,
        out_shape=(
            jax.ShapeDtypeStruct((1, D), jnp.float32),
            jax.ShapeDtypeStruct((1, D), jnp.float32),
        ),
    )(outp_p, outden_p)

    h4 = pl.pallas_call(
        _tc_mlp_body,
        out_shape=jax.ShapeDtypeStruct((1, 8 * 4674), jnp.float32),
    )(qpool, qpool2, dpool, dpool2, l1W, l1b, l2W, l2b, l3W, l3b, l4W, l4b)

    pred = h4.reshape(8, 4674)
    return (pred, query_x, data_x)

# --- scband reference (transcript-rebuilt; emitter-appended) ---
"""Pipeline reference for scband-attentive-count-net-6871947674186 (READ-ONLY COPY).

The authoritative reference and input builder live on the scoring server;
editing this copy changes nothing except your own understanding.
"""

import jax, jax.numpy as jnp
import numpy as np

NQ = 1000
ND = 10000
D = 128
HQ = 128
HD = 256
OUT = 128
OUT_FLAT = 8 * 4674


def _gin(x, edges, W1, b1, W2, b2):
    n = x.shape[0]
    src = edges[0]
    dst = edges[1]
    agg = x + jax.ops.segment_sum(x[src], dst, num_segments=n)
    h = jax.nn.relu(agg @ W1 + b1)
    agg2 = h + jax.ops.segment_sum(h[src], dst, num_segments=n)
    return agg2 @ W2 + b2


def _gat(x, edges, W, a_src, a_dst):
    n = x.shape[0]
    src = edges[0]
    dst = edges[1]
    h = x @ W
    e = jax.nn.leaky_relu((h @ a_src)[src] + (h @ a_dst)[dst], negative_slope=0.2)
    m = jax.ops.segment_max(e, dst, num_segments=n)
    m = jnp.where(jnp.isfinite(m), m, 0.0)
    ex = jnp.exp(e - m[dst])
    denom = jax.ops.segment_sum(ex, dst, num_segments=n)
    alpha = ex / (denom[dst] + 1e-16)
    return jax.ops.segment_sum(alpha[:, None] * h[src], dst, num_segments=n)


def setup_inputs(seed: int = 0):
    key = jax.random.key(seed)
    ks = jax.random.split(key, 32)
    s = 0.05
    inp = {}
    inp['query_in_feat'] = jax.random.normal(ks[0], (NQ, D), dtype=jnp.float32)
    inp['data_in_feat'] = jax.random.normal(ks[1], (ND, D), dtype=jnp.float32)
    inp['query_edge_list'] = jax.random.randint(ks[2], (2, 16000), 0, NQ)
    inp['data_edge_list'] = jax.random.randint(ks[3], (2, 320000), 0, ND)
    inp['query2data_edge_list'] = jax.random.randint(ks[4], (2, 176000), 0, NQ + ND)
    # query GIN params (in=D, hidden=HQ, out=OUT)
    inp['qW1'] = jax.random.normal(ks[5], (D, HQ), dtype=jnp.float32) * s
    inp['qb1'] = jnp.zeros((HQ,), dtype=jnp.float32)
    inp['qW2'] = jax.random.normal(ks[6], (HQ, OUT), dtype=jnp.float32) * s
    inp['qb2'] = jnp.zeros((OUT,), dtype=jnp.float32)
    # data GIN params (in=D, hidden=HD, out=OUT)
    inp['dW1'] = jax.random.normal(ks[7], (D, HD), dtype=jnp.float32) * s
    inp['db1'] = jnp.zeros((HD,), dtype=jnp.float32)
    inp['dW2'] = jax.random.normal(ks[8], (HD, OUT), dtype=jnp.float32) * s
    inp['db2'] = jnp.zeros((OUT,), dtype=jnp.float32)
    # GAT params (in=D, out=OUT, single head)
    inp['gW'] = jax.random.normal(ks[9], (D, OUT), dtype=jnp.float32) * s
    inp['ga_src'] = jax.random.normal(ks[10], (OUT,), dtype=jnp.float32) * s
    inp['ga_dst'] = jax.random.normal(ks[11], (OUT,), dtype=jnp.float32) * s
    # final MLP: 4*OUT -> 2*OUT -> OUT -> OUT//2 -> 8*4674
    inp['l1W'] = jax.random.normal(ks[12], (4 * OUT, 2 * OUT), dtype=jnp.float32) * s
    inp['l1b'] = jnp.zeros((2 * OUT,), dtype=jnp.float32)
    inp['l2W'] = jax.random.normal(ks[13], (2 * OUT, OUT), dtype=jnp.float32) * s
    inp['l2b'] = jnp.zeros((OUT,), dtype=jnp.float32)
    inp['l3W'] = jax.random.normal(ks[14], (OUT, OUT // 2), dtype=jnp.float32) * s
    inp['l3b'] = jnp.zeros((OUT // 2,), dtype=jnp.float32)
    inp['l4W'] = jax.random.normal(ks[15], (OUT // 2, OUT_FLAT), dtype=jnp.float32) * s
    inp['l4b'] = jnp.zeros((OUT_FLAT,), dtype=jnp.float32)
    return inp


def reference(query_in_feat, data_in_feat, query_edge_list, data_edge_list, query2data_edge_list,
              qW1, qb1, qW2, qb2, dW1, db1, dW2, db2, gW, ga_src, ga_dst,
              l1W, l1b, l2W, l2b, l3W, l3b, l4W, l4b):
    query_x = _gin(query_in_feat, query_edge_list, qW1, qb1, qW2, qb2)
    data_x = _gin(data_in_feat, data_edge_list, dW1, db1, dW2, db2)
    nq = query_x.shape[0]
    q2d_in = jnp.concatenate([query_in_feat, data_in_feat], axis=0)
    q2d_x = _gat(q2d_in, query2data_edge_list, gW, ga_src, ga_dst)
    out_query_x = jnp.concatenate([query_x, q2d_x[:nq]], axis=1)
    out_data_x = jnp.concatenate([data_x, q2d_x[nq:]], axis=1)
    pooled_q = jnp.sum(out_query_x, axis=0, keepdims=True)
    pooled_d = jnp.sum(out_data_x, axis=0, keepdims=True)
    out_feat = jnp.concatenate([pooled_q, pooled_d], axis=1)
    h = out_feat @ l1W + l1b
    h = h @ l2W + l2b
    h = jax.nn.relu(h)
    h = h @ l3W + l3b
    h = jax.nn.relu(h)
    h = h @ l4W + l4b
    h = jax.nn.relu(h)
    pred = h.reshape(8, 4674)
    return (pred, query_x, data_x)

if __name__ == "__main__":
    import jax
    _d = setup_inputs()
    print(jax.jit(kernel)(*tuple(_d.values())))

</pallas_src>

<mosaic_0001>
#map = affine_map<(d0, d1) -> (0, 0)>
#map1 = affine_map<(d0, d1) -> (0)>
#map2 = affine_map<(d0, d1) -> (0, 0, 0)>
module attributes {stable_mosaic.version = 14 : i64} {
  func.func @_segsum_body(%arg0: i32, %arg1: i32, %arg2: memref<1000x128xf32, #tpu.memory_space<hbm>>, %arg3: memref<10000x128xf32, #tpu.memory_space<hbm>>, %arg4: memref<16384xi32, #tpu.memory_space<hbm>>, %arg5: memref<16384xi32, #tpu.memory_space<hbm>>, %arg6: memref<323584xi32, #tpu.memory_space<hbm>>, %arg7: memref<323584xi32, #tpu.memory_space<hbm>>, %arg8: memref<11008x128xf32, #tpu.memory_space<hbm>>, %arg9: memref<2x1008x128xf32, #tpu.memory_space<hbm>>, %arg10: memref<2x10008x128xf32, #tpu.memory_space<hbm>>, %arg11: memref<1008x128xf32, #tpu.memory_space<vmem_shared>>, %arg12: memref<10008x128xf32, #tpu.memory_space<vmem_shared>>, %arg13: memref<128xi32, #tpu.memory_space<vmem>>, %arg14: memref<128xi32, #tpu.memory_space<vmem>>, %arg15: memref<128x128xf32, #tpu.memory_space<vmem>>, %arg16: memref<!tpu.dma_semaphore, #tpu.memory_space<semaphore_mem>>) attributes {dimension_semantics = [#tpu.dimension_semantics<core_parallel>, #tpu.dimension_semantics<subcore_parallel>], iteration_bounds = array<i64: 2, 16>, scalar_prefetch = 0 : i64, scratch_operands = 6 : i64, tpu.core_type = #tpu.core_type<sc_vector_subcore>, window_params = [{transform_indices = #map}, {transform_indices = #map}, {transform_indices = #map1}, {transform_indices = #map1}, {transform_indices = #map1}, {transform_indices = #map1}, {transform_indices = #map}, {transform_indices = #map2}, {transform_indices = #map2}]} {
    %mul3A = arith.constant 2 : i32
    %mul3A_0 = arith.muli %arg1, %mul3A : i32
    %add3A = arith.addi %mul3A_0, %arg0 : i32
    %eq3A = arith.constant 0 : i32
    %eq3A_1 = arith.cmpi eq, %arg1, %eq3A : i32
    %convert_element_type3A = arith.extui %eq3A_1 : i1 to i32
    %cond3A = arith.constant 0 : i32
    %cond3A_2 = arith.cmpi ne, %convert_element_type3A, %cond3A : i32
    scf.if %cond3A_2 {
      "tpu.region"() ({
        %run_scoped3A = tpu.sem_alloc : memref<!tpu.dma_semaphore, #tpu.memory_space<semaphore_mem>>
        %dma_start3A = arith.constant 0 : i32
        %dma_start3A_22 = arith.constant 0 : i32
        %dma_start3A_23 = tpu.memref_slice %arg8[%dma_start3A, %dma_start3A_22] : memref<11008x128xf32, #tpu.memory_space<hbm>> -> memref<1008x128xf32, #tpu.memory_space<hbm>>
        tpu.enqueue_dma source(%dma_start3A_23 : memref<1008x128xf32, #tpu.memory_space<hbm>>) target(%arg11 : memref<1008x128xf32, #tpu.memory_space<vmem_shared>>) target_semaphore(%run_scoped3A : memref<!tpu.dma_semaphore, #tpu.memory_space<semaphore_mem>>)
        %dma_wait3A = arith.constant 0 : i32
        %dma_wait3A_24 = arith.constant 0 : i32
        %dma_wait3A_25 = tpu.memref_slice %arg8[%dma_wait3A, %dma_wait3A_24] : memref<11008x128xf32, #tpu.memory_space<hbm>> -> memref<1008x128xf32, #tpu.memory_space<hbm>>
        tpu.wait_dma2 semaphore(%run_scoped3A : memref<!tpu.dma_semaphore, #tpu.memory_space<semaphore_mem>>) src(%dma_wait3A_25 : memref<1008x128xf32, #tpu.memory_space<hbm>>) dst(%arg11 : memref<1008x128xf32, #tpu.memory_space<vmem_shared>>)
        tpu.yield
      }) : () -> ()
      "tpu.region"() ({
        %run_scoped3A = tpu.sem_alloc : memref<!tpu.dma_semaphore, #tpu.memory_space<semaphore_mem>>
        %dma_start3A = arith.constant 0 : i32
        %dma_start3A_22 = arith.constant 0 : i32
        %dma_start3A_23 = tpu.memref_slice %arg8[%dma_start3A, %dma_start3A_22] : memref<11008x128xf32, #tpu.memory_space<hbm>> -> memref<10008x128xf32, #tpu.memory_space<hbm>>
        tpu.enqueue_dma source(%dma_start3A_23 : memref<10008x128xf32, #tpu.memory_space<hbm>>) target(%arg12 : memref<10008x128xf32, #tpu.memory_space<vmem_shared>>) target_semaphore(%run_scoped3A : memref<!tpu.dma_semaphore, #tpu.memory_space<semaphore_mem>>)
        %dma_wait3A = arith.constant 0 : i32
        %dma_wait3A_24 = arith.constant 0 : i32
        %dma_wait3A_25 = tpu.memref_slice %arg8[%dma_wait3A, %dma_wait3A_24] : memref<11008x128xf32, #tpu.memory_space<hbm>> -> memref<10008x128xf32, #tpu.memory_space<hbm>>
        tpu.wait_dma2 semaphore(%run_scoped3A : memref<!tpu.dma_semaphore, #tpu.memory_space<semaphore_mem>>) src(%dma_wait3A_25 : memref<10008x128xf32, #tpu.memory_space<hbm>>) dst(%arg12 : memref<10008x128xf32, #tpu.memory_space<vmem_shared>>)
        tpu.yield
      }) : () -> ()
    } else {
    }
    %barrier3A = arith.constant 0 : index
    tpu.barrier barrier_id(%barrier3A)
    %mul3A_3 = arith.constant 512 : i32
    %mul3A_4 = arith.muli %add3A, %mul3A_3 : i32
    %scan3A = arith.constant 0 : i32
    %scan3A_5 = arith.constant 4 : i32
    %scan3A_6 = arith.addi %scan3A, %scan3A_5 : i32
    %scan3A_7 = arith.constant 1 : i32
    scf.for %scan3A_22 = %scan3A to %scan3A_6 step %scan3A_7  : i32 {
      %mul3A_23 = arith.constant 128 : i32
      %mul3A_24 = arith.muli %scan3A_22, %mul3A_23 : i32
      %add3A_25 = arith.addi %mul3A_4, %mul3A_24 : i32
      "tpu.region"() ({
        %run_scoped3A = tpu.sem_alloc : memref<!tpu.dma_semaphore, #tpu.memory_space<semaphore_mem>>
        %dma_start3A_30 = tpu.memref_slice %arg4[%add3A_25] : memref<16384xi32, #tpu.memory_space<hbm>> -> memref<128xi32, #tpu.memory_space<hbm>>
        %dma_start3A_31 = tpu.memref_slice %arg4[%add3A_25] : memref<16384xi32, #tpu.memory_space<hbm>> -> memref<128xi32, #tpu.memory_space<hbm>>
        tpu.enqueue_dma source(%dma_start3A_31 : memref<128xi32, #tpu.memory_space<hbm>>) target(%arg13 : memref<128xi32, #tpu.memory_space<vmem>>) target_semaphore(%run_scoped3A : memref<!tpu.dma_semaphore, #tpu.memory_space<semaphore_mem>>)
        %dma_wait3A_32 = tpu.memref_slice %arg4[%add3A_25] : memref<16384xi32, #tpu.memory_space<hbm>> -> memref<128xi32, #tpu.memory_space<hbm>>
        %dma_wait3A_33 = tpu.memref_slice %arg4[%add3A_25] : memref<16384xi32, #tpu.memory_space<hbm>> -> memref<128xi32, #tpu.memory_space<hbm>>
        tpu.wait_dma2 semaphore(%run_scoped3A : memref<!tpu.dma_semaphore, #tpu.memory_space<semaphore_mem>>) src(%dma_wait3A_33 : memref<128xi32, #tpu.memory_space<hbm>>) dst(%arg13 : memref<128xi32, #tpu.memory_space<vmem>>)
        tpu.yield
      }) : () -> ()
      "tpu.region"() ({
        %run_scoped3A = tpu.sem_alloc : memref<!tpu.dma_semaphore, #tpu.memory_space<semaphore_mem>>
        %dma_start3A_30 = tpu.memref_slice %arg5[%add3A_25] : memref<16384xi32, #tpu.memory_space<hbm>> -> memref<128xi32, #tpu.memory_space<hbm>>
        %dma_start3A_31 = tpu.memref_slice %arg5[%add3A_25] : memref<16384xi32, #tpu.memory_space<hbm>> -> memref<128xi32, #tpu.memory_space<hbm>>
        tpu.enqueue_dma source(%dma_start3A_31 : memref<128xi32, #tpu.memory_space<hbm>>) target(%arg14 : memref<128xi32, #tpu.memory_space<vmem>>) target_semaphore(%run_scoped3A : memref<!tpu.dma_semaphore, #tpu.memory_space<semaphore_mem>>)
        %dma_wait3A_32 = tpu.memref_slice %arg5[%add3A_25] : memref<16384xi32, #tpu.memory_space<hbm>> -> memref<128xi32, #tpu.memory_space<hbm>>
        %dma_wait3A_33 = tpu.memref_slice %arg5[%add3A_25] : memref<16384xi32, #tpu.memory_space<hbm>> -> memref<128xi32, #tpu.memory_space<hbm>>
        tpu.wait_dma2 semaphore(%run_scoped3A : memref<!tpu.dma_semaphore, #tpu.memory_space<semaphore_mem>>) src(%dma_wait3A_33 : memref<128xi32, #tpu.memory_space<hbm>>) dst(%arg14 : memref<128xi32, #tpu.memory_space<vmem>>)
        tpu.yield
      }) : () -> ()
      %dma_start3A = arith.constant 0 : i32
      %dma_start3A_26 = arith.constant 0 : i32
      %dma_start3A_27 = tpu.memref_slice %arg2[%dma_start3A, %dma_start3A_26] : memref<1000x128xf32, #tpu.memory_space<hbm>> -> memref<1000x128xf32, #tpu.memory_space<hbm>>
      tpu.enqueue_indirect_dma source(%dma_start3A_27 : memref<1000x128xf32, #tpu.memory_space<hbm>>) target(%arg15 : memref<128x128xf32, #tpu.memory_space<vmem>>) offsets(%arg13 : memref<128xi32, #tpu.memory_space<vmem>>) semaphore(%arg16 : memref<!tpu.dma_semaphore, #tpu.memory_space<semaphore_mem>>)
      %dma_wait3A = arith.constant 0 : i32
      %dma_wait3A_28 = arith.constant 0 : i32
      %dma_wait3A_29 = tpu.memref_slice %arg2[%dma_wait3A, %dma_wait3A_28] : memref<1000x128xf32, #tpu.memory_space<hbm>> -> memref<1000x128xf32, #tpu.memory_space<hbm>>
      tpu.wait_indirect_dma semaphore(%arg16 : memref<!tpu.dma_semaphore, #tpu.memory_space<semaphore_mem>>) src(%dma_wait3A_29 : memref<1000x128xf32, #tpu.memory_space<hbm>>) dst(%arg15 : memref<128x128xf32, #tpu.memory_space<vmem>>)
      "tpu.region"() ({
        %run_scoped3A = tpu.sem_alloc : memref<!tpu.dma_semaphore, #tpu.memory_space<semaphore_mem>>
        %dma_start3A_30 = arith.constant 0 : i32
        %dma_start3A_31 = arith.constant 0 : i32
        %dma_start3A_32 = tpu.memref_slice %arg11[%dma_start3A_30, %dma_start3A_31] : memref<1008x128xf32, #tpu.memory_space<vmem_shared>> -> memref<1008x128xf32, #tpu.memory_space<vmem_shared>>
        tpu.enqueue_indirect_dma source(%arg15 : memref<128x128xf32, #tpu.memory_space<vmem>>) target(%dma_start3A_32 : memref<1008x128xf32, #tpu.memory_space<vmem_shared>>) offsets(%arg14 : memref<128xi32, #tpu.memory_space<vmem>>) semaphore(%run_scoped3A : memref<!tpu.dma_semaphore, #tpu.memory_space<semaphore_mem>>) {add = true}
        %dma_wait3A_33 = arith.constant 0 : i32
        %dma_wait3A_34 = arith.constant 0 : i32
        %dma_wait3A_35 = tpu.memref_slice %arg11[%dma_wait3A_33, %dma_wait3A_34] : memref<1008x128xf32, #tpu.memory_space<vmem_shared>> -> memref<1008x128xf32, #tpu.memory_space<vmem_shared>>
        tpu.wait_indirect_dma semaphore(%run_scoped3A : memref<!tpu.dma_semaphore, #tpu.memory_space<semaphore_mem>>) src(%arg15 : memref<128x128xf32, #tpu.memory_space<vmem>>) dst(%dma_wait3A_35 : memref<1008x128xf32, #tpu.memory_space<vmem_shared>>)
        tpu.yield
      }) : () -> ()
    }
    %scan3A_8 = arith.constant 4 : i32
    %mul3A_9 = arith.constant 10112 : i32
    %mul3A_10 = arith.muli %add3A, %mul3A_9 : i32
    %scan3A_11 = arith.constant 0 : i32
    %scan3A_12 = arith.constant 79 : i32
    %scan3A_13 = arith.addi %scan3A_11, %scan3A_12 : i32
    %scan3A_14 = arith.constant 1 : i32
    scf.for %scan3A_22 = %scan3A_11 to %scan3A_13 step %scan3A_14  : i32 {
      %mul3A_23 = arith.constant 128 : i32
      %mul3A_24 = arith.muli %scan3A_22, %mul3A_23 : i32
      %add3A_25 = arith.addi %mul3A_10, %mul3A_24 : i32
      "tpu.region"() ({
        %run_scoped3A = tpu.sem_alloc : memref<!tpu.dma_semaphore, #tpu.memory_space<semaphore_mem>>
        %dma_start3A_30 = tpu.memref_slice %arg6[%add3A_25] : memref<323584xi32, #tpu.memory_space<hbm>> -> memref<128xi32, #tpu.memory_space<hbm>>
        %dma_start3A_31 = tpu.memref_slice %arg6[%add3A_25] : memref<323584xi32, #tpu.memory_space<hbm>> -> memref<128xi32, #tpu.memory_space<hbm>>
        tpu.enqueue_dma source(%dma_start3A_31 : memref<128xi32, #tpu.memory_space<hbm>>) target(%arg13 : memref<128xi32, #tpu.memory_space<vmem>>) target_semaphore(%run_scoped3A : memref<!tpu.dma_semaphore, #tpu.memory_space<semaphore_mem>>)
        %dma_wait3A_32 = tpu.memref_slice %arg6[%add3A_25] : memref<323584xi32, #tpu.memory_space<hbm>> -> memref<128xi32, #tpu.memory_space<hbm>>
        %dma_wait3A_33 = tpu.memref_slice %arg6[%add3A_25] : memref<323584xi32, #tpu.memory_space<hbm>> -> memref<128xi32, #tpu.memory_space<hbm>>
        tpu.wait_dma2 semaphore(%run_scoped3A : memref<!tpu.dma_semaphore, #tpu.memory_space<semaphore_mem>>) src(%dma_wait3A_33 : memref<128xi32, #tpu.memory_space<hbm>>) dst(%arg13 : memref<128xi32, #tpu.memory_space<vmem>>)
        tpu.yield
      }) : () -> ()
      "tpu.region"() ({
        %run_scoped3A = tpu.sem_alloc : memref<!tpu.dma_semaphore, #tpu.memory_space<semaphore_mem>>
        %dma_start3A_30 = tpu.memref_slice %arg7[%add3A_25] : memref<323584xi32, #tpu.memory_space<hbm>> -> memref<128xi32, #tpu.memory_space<hbm>>
        %dma_start3A_31 = tpu.memref_slice %arg7[%add3A_25] : memref<323584xi32, #tpu.memory_space<hbm>> -> memref<128xi32, #tpu.memory_space<hbm>>
        tpu.enqueue_dma source(%dma_start3A_31 : memref<128xi32, #tpu.memory_space<hbm>>) target(%arg14 : memref<128xi32, #tpu.memory_space<vmem>>) target_semaphore(%run_scoped3A : memref<!tpu.dma_semaphore, #tpu.memory_space<semaphore_mem>>)
        %dma_wait3A_32 = tpu.memref_slice %arg7[%add3A_25] : memref<323584xi32, #tpu.memory_space<hbm>> -> memref<128xi32, #tpu.memory_space<hbm>>
        %dma_wait3A_33 = tpu.memref_slice %arg7[%add3A_25] : memref<323584xi32, #tpu.memory_space<hbm>> -> memref<128xi32, #tpu.memory_space<hbm>>
        tpu.wait_dma2 semaphore(%run_scoped3A : memref<!tpu.dma_semaphore, #tpu.memory_space<semaphore_mem>>) src(%dma_wait3A_33 : memref<128xi32, #tpu.memory_space<hbm>>) dst(%arg14 : memref<128xi32, #tpu.memory_space<vmem>>)
        tpu.yield
      }) : () -> ()
      %dma_start3A = arith.constant 0 : i32
      %dma_start3A_26 = arith.constant 0 : i32
      %dma_start3A_27 = tpu.memref_slice %arg3[%dma_start3A, %dma_start3A_26] : memref<10000x128xf32, #tpu.memory_space<hbm>> -> memref<10000x128xf32, #tpu.memory_space<hbm>>
      tpu.enqueue_indirect_dma source(%dma_start3A_27 : memref<10000x128xf32, #tpu.memory_space<hbm>>) target(%arg15 : memref<128x128xf32, #tpu.memory_space<vmem>>) offsets(%arg13 : memref<128xi32, #tpu.memory_space<vmem>>) semaphore(%arg16 : memref<!tpu.dma_semaphore, #tpu.memory_space<semaphore_mem>>)
      %dma_wait3A = arith.constant 0 : i32
      %dma_wait3A_28 = arith.constant 0 : i32
      %dma_wait3A_29 = tpu.memref_slice %arg3[%dma_wait3A, %dma_wait3A_28] : memref<10000x128xf32, #tpu.memory_space<hbm>> -> memref<10000x128xf32, #tpu.memory_space<hbm>>
      tpu.wait_indirect_dma semaphore(%arg16 : memref<!tpu.dma_semaphore, #tpu.memory_space<semaphore_mem>>) src(%dma_wait3A_29 : memref<10000x128xf32, #tpu.memory_space<hbm>>) dst(%arg15 : memref<128x128xf32, #tpu.memory_space<vmem>>)
      "tpu.region"() ({
        %run_scoped3A = tpu.sem_alloc : memref<!tpu.dma_semaphore, #tpu.memory_space<semaphore_mem>>
        %dma_start3A_30 = arith.constant 0 : i32
        %dma_start3A_31 = arith.constant 0 : i32
        %dma_start3A_32 = tpu.memref_slice %arg12[%dma_start3A_30, %dma_start3A_31] : memref<10008x128xf32, #tpu.memory_space<vmem_shared>> -> memref<10008x128xf32, #tpu.memory_space<vmem_shared>>
        tpu.enqueue_indirect_dma source(%arg15 : memref<128x128xf32, #tpu.memory_space<vmem>>) target(%dma_start3A_32 : memref<10008x128xf32, #tpu.memory_space<vmem_shared>>) offsets(%arg14 : memref<128xi32, #tpu.memory_space<vmem>>) semaphore(%run_scoped3A : memref<!tpu.dma_semaphore, #tpu.memory_space<semaphore_mem>>) {add = true}
        %dma_wait3A_33 = arith.constant 0 : i32
        %dma_wait3A_34 = arith.constant 0 : i32
        %dma_wait3A_35 = tpu.memref_slice %arg12[%dma_wait3A_33, %dma_wait3A_34] : memref<10008x128xf32, #tpu.memory_space<vmem_shared>> -> memref<10008x128xf32, #tpu.memory_space<vmem_shared>>
        tpu.wait_indirect_dma semaphore(%run_scoped3A : memref<!tpu.dma_semaphore, #tpu.memory_space<semaphore_mem>>) src(%arg15 : memref<128x128xf32, #tpu.memory_space<vmem>>) dst(%dma_wait3A_35 : memref<10008x128xf32, #tpu.memory_space<vmem_shared>>)
        tpu.yield
      }) : () -> ()
    }
    %scan3A_15 = arith.constant 79 : i32
    %barrier3A_16 = arith.constant 0 : index
    tpu.barrier barrier_id(%barrier3A_16)
    %eq3A_17 = arith.constant 0 : i32
    %eq3A_18 = arith.cmpi eq, %arg1, %eq3A_17 : i32
    %convert_element_type3A_19 = arith.extui %eq3A_18 : i1 to i32
    %cond3A_20 = arith.constant 0 : i32
    %cond3A_21 = arith.cmpi ne, %convert_element_type3A_19, %cond3A_20 : i32
    scf.if %cond3A_21 {
      "tpu.region"() ({
        %run_scoped3A = tpu.sem_alloc : memref<!tpu.dma_semaphore, #tpu.memory_space<semaphore_mem>>
        %dma_start3A = arith.constant 0 : i32
        %dma_start3A_22 = arith.constant 0 : i32
        %dma_start3A_23 = tpu.memref_slice %arg9[%arg0, %dma_start3A, %dma_start3A_22] : memref<2x1008x128xf32, #tpu.memory_space<hbm>> -> memref<1x1008x128xf32, #tpu.memory_space<hbm>>
        %dma_start3A_24 = tpu.memref_squeeze %dma_start3A_23 : memref<1x1008x128xf32, #tpu.memory_space<hbm>> -> memref<1008x128xf32, #tpu.memory_space<hbm>>
        tpu.enqueue_dma source(%arg11 : memref<1008x128xf32, #tpu.memory_space<vmem_shared>>) target(%dma_start3A_24 : memref<1008x128xf32, #tpu.memory_space<hbm>>) target_semaphore(%run_scoped3A : memref<!tpu.dma_semaphore, #tpu.memory_space<semaphore_mem>>)
        %dma_wait3A = arith.constant 0 : i32
        %dma_wait3A_25 = arith.constant 0 : i32
        %dma_wait3A_26 = tpu.memref_slice %arg9[%arg0, %dma_wait3A, %dma_wait3A_25] : memref<2x1008x128xf32, #tpu.memory_space<hbm>> -> memref<1x1008x128xf32, #tpu.memory_space<hbm>>
        %dma_wait3A_27 = tpu.memref_squeeze %dma_wait3A_26 : memref<1x1008x128xf32, #tpu.memory_space<hbm>> -> memref<1008x128xf32, #tpu.memory_space<hbm>>
        tpu.wait_dma2 semaphore(%run_scoped3A : memref<!tpu.dma_semaphore, #tpu.memory_space<semaphore_mem>>) src(%arg11 : memref<1008x128xf32, #tpu.memory_space<vmem_shared>>) dst(%dma_wait3A_27 : memref<1008x128xf32, #tpu.memory_space<hbm>>)
        tpu.yield
      }) : () -> ()
      "tpu.region"() ({
        %run_scoped3A = tpu.sem_alloc : memref<!tpu.dma_semaphore, #tpu.memory_space<semaphore_mem>>
        %dma_start3A = arith.constant 0 : i32
        %dma_start3A_22 = arith.constant 0 : i32
        %dma_start3A_23 = tpu.memref_slice %arg10[%arg0, %dma_start3A, %dma_start3A_22] : memref<2x10008x128xf32, #tpu.memory_space<hbm>> -> memref<1x10008x128xf32, #tpu.memory_space<hbm>>
        %dma_start3A_24 = tpu.memref_squeeze %dma_start3A_23 : memref<1x10008x128xf32, #tpu.memory_space<hbm>> -> memref<10008x128xf32, #tpu.memory_space<hbm>>
        tpu.enqueue_dma source(%arg12 : memref<10008x128xf32, #tpu.memory_space<vmem_shared>>) target(%dma_start3A_24 : memref<10008x128xf32, #tpu.memory_space<hbm>>) target_semaphore(%run_scoped3A : memref<!tpu.dma_semaphore, #tpu.memory_space<semaphore_mem>>)
        %dma_wait3A = arith.constant 0 : i32
        %dma_wait3A_25 = arith.constant 0 : i32
        %dma_wait3A_26 = tpu.memref_slice %arg10[%arg0, %dma_wait3A, %dma_wait3A_25] : memref<2x10008x128xf32, #tpu.memory_space<hbm>> -> memref<1x10008x128xf32, #tpu.memory_space<hbm>>
        %dma_wait3A_27 = tpu.memref_squeeze %dma_wait3A_26 : memref<1x10008x128xf32, #tpu.memory_space<hbm>> -> memref<10008x128xf32, #tpu.memory_space<hbm>>
        tpu.wait_dma2 semaphore(%run_scoped3A : memref<!tpu.dma_semaphore, #tpu.memory_space<semaphore_mem>>) src(%arg12 : memref<10008x128xf32, #tpu.memory_space<vmem_shared>>) dst(%dma_wait3A_27 : memref<10008x128xf32, #tpu.memory_space<hbm>>)
        tpu.yield
      }) : () -> ()
    } else {
    }
    return
  }
}

#map = affine_map<(d0, d1) -> (0, 0)>
#map1 = affine_map<(d0, d1) -> (0)>
#map2 = affine_map<(d0, d1) -> (0, 0, 0)>
module attributes {stable_mosaic.version = 14 : i64} {
  func.func @_segsum_body(%arg0: i32, %arg1: i32, %arg2: memref<1000x128xf32, #tpu.memory_space<hbm>>, %arg3: memref<10000x128xf32, #tpu.memory_space<hbm>>, %arg4: memref<16384xi32, #tpu.memory_space<hbm>>, %arg5: memref<16384xi32, #tpu.memory_space<hbm>>, %arg6: memref<323584xi32, #tpu.memory_space<hbm>>, %arg7: memref<323584xi32, #tpu.memory_space<hbm>>, %arg8: memref<11008x128xf32, #tpu.memory_space<hbm>>, %arg9: memref<2x1008x128xf32, #tpu.memory_space<hbm>>, %arg10: memref<2x10008x128xf32, #tpu.memory_space<hbm>>, %arg11: memref<1008x128xf32, #tpu.memory_space<vmem_shared>>, %arg12: memref<10008x128xf32, #tpu.memory_space<vmem_shared>>, %arg13: memref<128xi32, #tpu.memory_space<vmem>>, %arg14: memref<128xi32, #tpu.memory_space<vmem>>, %arg15: memref<128x128xf32, #tpu.memory_space<vmem>>, %arg16: memref<!tpu.dma_semaphore, #tpu.memory_space<semaphore_mem>>) attributes {dimension_semantics = [#tpu.dimension_semantics<core_parallel>, #tpu.dimension_semantics<subcore_parallel>], iteration_bounds = array<i64: 2, 16>, scalar_prefetch = 0 : i64, scratch_operands = 6 : i64, tpu.core_type = #tpu.core_type<sc_vector_subcore>, window_params = [{transform_indices = #map}, {transform_indices = #map}, {transform_indices = #map1}, {transform_indices = #map1}, {transform_indices = #map1}, {transform_indices = #map1}, {transform_indices = #map}, {transform_indices = #map2}, {transform_indices = #map2}]} {
    %mul3A = arith.constant 2 : i32
    %mul3A_0 = arith.muli %arg1, %mul3A : i32
    %add3A = arith.addi %mul3A_0, %arg0 : i32
    %eq3A = arith.constant 0 : i32
    %eq3A_1 = arith.cmpi eq, %arg1, %eq3A : i32
    %convert_element_type3A = arith.extui %eq3A_1 : i1 to i32
    %cond3A = arith.constant 0 : i32
    %cond3A_2 = arith.cmpi ne, %convert_element_type3A, %cond3A : i32
    scf.if %cond3A_2 {
      "tpu.region"() ({
        %run_scoped3A = tpu.sem_alloc : memref<!tpu.dma_semaphore, #tpu.memory_space<semaphore_mem>>
        %dma_start3A = arith.constant 0 : i32
        %dma_start3A_22 = arith.constant 0 : i32
        %dma_start3A_23 = tpu.memref_slice %arg8[%dma_start3A, %dma_start3A_22] : memref<11008x128xf32, #tpu.memory_space<hbm>> -> memref<1008x128xf32, #tpu.memory_space<hbm>>
        tpu.enqueue_dma source(%dma_start3A_23 : memref<1008x128xf32, #tpu.memory_space<hbm>>) target(%arg11 : memref<1008x128xf32, #tpu.memory_space<vmem_shared>>) target_semaphore(%run_scoped3A : memref<!tpu.dma_semaphore, #tpu.memory_space<semaphore_mem>>)
        %dma_wait3A = arith.constant 0 : i32
        %dma_wait3A_24 = arith.constant 0 : i32
        %dma_wait3A_25 = tpu.memref_slice %arg8[%dma_wait3A, %dma_wait3A_24] : memref<11008x128xf32, #tpu.memory_space<hbm>> -> memref<1008x128xf32, #tpu.memory_space<hbm>>
        tpu.wait_dma2 semaphore(%run_scoped3A : memref<!tpu.dma_semaphore, #tpu.memory_space<semaphore_mem>>) src(%dma_wait3A_25 : memref<1008x128xf32, #tpu.memory_space<hbm>>) dst(%arg11 : memref<1008x128xf32, #tpu.memory_space<vmem_shared>>)
        tpu.yield
      }) : () -> ()
      "tpu.region"() ({
        %run_scoped3A = tpu.sem_alloc : memref<!tpu.dma_semaphore, #tpu.memory_space<semaphore_mem>>
        %dma_start3A = arith.constant 0 : i32
        %dma_start3A_22 = arith.constant 0 : i32
        %dma_start3A_23 = tpu.memref_slice %arg8[%dma_start3A, %dma_start3A_22] : memref<11008x128xf32, #tpu.memory_space<hbm>> -> memref<10008x128xf32, #tpu.memory_space<hbm>>
        tpu.enqueue_dma source(%dma_start3A_23 : memref<10008x128xf32, #tpu.memory_space<hbm>>) target(%arg12 : memref<10008x128xf32, #tpu.memory_space<vmem_shared>>) target_semaphore(%run_scoped3A : memref<!tpu.dma_semaphore, #tpu.memory_space<semaphore_mem>>)
        %dma_wait3A = arith.constant 0 : i32
        %dma_wait3A_24 = arith.constant 0 : i32
        %dma_wait3A_25 = tpu.memref_slice %arg8[%dma_wait3A, %dma_wait3A_24] : memref<11008x128xf32, #tpu.memory_space<hbm>> -> memref<10008x128xf32, #tpu.memory_space<hbm>>
        tpu.wait_dma2 semaphore(%run_scoped3A : memref<!tpu.dma_semaphore, #tpu.memory_space<semaphore_mem>>) src(%dma_wait3A_25 : memref<10008x128xf32, #tpu.memory_space<hbm>>) dst(%arg12 : memref<10008x128xf32, #tpu.memory_space<vmem_shared>>)
        tpu.yield
      }) : () -> ()
    } else {
    }
    %barrier3A = arith.constant 0 : index
    tpu.barrier barrier_id(%barrier3A)
    %mul3A_3 = arith.constant 512 : i32
    %mul3A_4 = arith.muli %add3A, %mul3A_3 : i32
    %scan3A = arith.constant 0 : i32
    %scan3A_5 = arith.constant 4 : i32
    %scan3A_6 = arith.addi %scan3A, %scan3A_5 : i32
    %scan3A_7 = arith.constant 1 : i32
    scf.for %scan3A_22 = %scan3A to %scan3A_6 step %scan3A_7  : i32 {
      %mul3A_23 = arith.constant 128 : i32
      %mul3A_24 = arith.muli %scan3A_22, %mul3A_23 : i32
      %add3A_25 = arith.addi %mul3A_4, %mul3A_24 : i32
      "tpu.region"() ({
        %run_scoped3A = tpu.sem_alloc : memref<!tpu.dma_semaphore, #tpu.memory_space<semaphore_mem>>
        %dma_start3A_30 = tpu.memref_slice %arg4[%add3A_25] : memref<16384xi32, #tpu.memory_space<hbm>> -> memref<128xi32, #tpu.memory_space<hbm>>
        %dma_start3A_31 = tpu.memref_slice %arg4[%add3A_25] : memref<16384xi32, #tpu.memory_space<hbm>> -> memref<128xi32, #tpu.memory_space<hbm>>
        tpu.enqueue_dma source(%dma_start3A_31 : memref<128xi32, #tpu.memory_space<hbm>>) target(%arg13 : memref<128xi32, #tpu.memory_space<vmem>>) target_semaphore(%run_scoped3A : memref<!tpu.dma_semaphore, #tpu.memory_space<semaphore_mem>>)
        %dma_wait3A_32 = tpu.memref_slice %arg4[%add3A_25] : memref<16384xi32, #tpu.memory_space<hbm>> -> memref<128xi32, #tpu.memory_space<hbm>>
        %dma_wait3A_33 = tpu.memref_slice %arg4[%add3A_25] : memref<16384xi32, #tpu.memory_space<hbm>> -> memref<128xi32, #tpu.memory_space<hbm>>
        tpu.wait_dma2 semaphore(%run_scoped3A : memref<!tpu.dma_semaphore, #tpu.memory_space<semaphore_mem>>) src(%dma_wait3A_33 : memref<128xi32, #tpu.memory_space<hbm>>) dst(%arg13 : memref<128xi32, #tpu.memory_space<vmem>>)
        tpu.yield
      }) : () -> ()
      "tpu.region"() ({
        %run_scoped3A = tpu.sem_alloc : memref<!tpu.dma_semaphore, #tpu.memory_space<semaphore_mem>>
        %dma_start3A_30 = tpu.memref_slice %arg5[%add3A_25] : memref<16384xi32, #tpu.memory_space<hbm>> -> memref<128xi32, #tpu.memory_space<hbm>>
        %dma_start3A_31 = tpu.memref_slice %arg5[%add3A_25] : memref<16384xi32, #tpu.memory_space<hbm>> -> memref<128xi32, #tpu.memory_space<hbm>>
        tpu.enqueue_dma source(%dma_start3A_31 : memref<128xi32, #tpu.memory_space<hbm>>) target(%arg14 : memref<128xi32, #tpu.memory_space<vmem>>) target_semaphore(%run_scoped3A : memref<!tpu.dma_semaphore, #tpu.memory_space<semaphore_mem>>)
        %dma_wait3A_32 = tpu.memref_slice %arg5[%add3A_25] : memref<16384xi32, #tpu.memory_space<hbm>> -> memref<128xi32, #tpu.memory_space<hbm>>
        %dma_wait3A_33 = tpu.memref_slice %arg5[%add3A_25] : memref<16384xi32, #tpu.memory_space<hbm>> -> memref<128xi32, #tpu.memory_space<hbm>>
        tpu.wait_dma2 semaphore(%run_scoped3A : memref<!tpu.dma_semaphore, #tpu.memory_space<semaphore_mem>>) src(%dma_wait3A_33 : memref<128xi32, #tpu.memory_space<hbm>>) dst(%arg14 : memref<128xi32, #tpu.memory_space<vmem>>)
        tpu.yield
      }) : () -> ()
      %dma_start3A = arith.constant 0 : i32
      %dma_start3A_26 = arith.constant 0 : i32
      %dma_start3A_27 = tpu.memref_slice %arg2[%dma_start3A, %dma_start3A_26] : memref<1000x128xf32, #tpu.memory_space<hbm>> -> memref<1000x128xf32, #tpu.memory_space<hbm>>
      tpu.enqueue_indirect_dma source(%dma_start3A_27 : memref<1000x128xf32, #tpu.memory_space<hbm>>) target(%arg15 : memref<128x128xf32, #tpu.memory_space<vmem>>) offsets(%arg13 : memref<128xi32, #tpu.memory_space<vmem>>) semaphore(%arg16 : memref<!tpu.dma_semaphore, #tpu.memory_space<semaphore_mem>>)
      %dma_wait3A = arith.constant 0 : i32
      %dma_wait3A_28 = arith.constant 0 : i32
      %dma_wait3A_29 = tpu.memref_slice %arg2[%dma_wait3A, %dma_wait3A_28] : memref<1000x128xf32, #tpu.memory_space<hbm>> -> memref<1000x128xf32, #tpu.memory_space<hbm>>
      tpu.wait_indirect_dma semaphore(%arg16 : memref<!tpu.dma_semaphore, #tpu.memory_space<semaphore_mem>>) src(%dma_wait3A_29 : memref<1000x128xf32, #tpu.memory_space<hbm>>) dst(%arg15 : memref<128x128xf32, #tpu.memory_space<vmem>>)
      "tpu.region"() ({
        %run_scoped3A = tpu.sem_alloc : memref<!tpu.dma_semaphore, #tpu.memory_space<semaphore_mem>>
        %dma_start3A_30 = arith.constant 0 : i32
        %dma_start3A_31 = arith.constant 0 : i32
        %dma_start3A_32 = tpu.memref_slice %arg11[%dma_start3A_30, %dma_start3A_31] : memref<1008x128xf32, #tpu.memory_space<vmem_shared>> -> memref<1008x128xf32, #tpu.memory_space<vmem_shared>>
        tpu.enqueue_indirect_dma source(%arg15 : memref<128x128xf32, #tpu.memory_space<vmem>>) target(%dma_start3A_32 : memref<1008x128xf32, #tpu.memory_space<vmem_shared>>) offsets(%arg14 : memref<128xi32, #tpu.memory_space<vmem>>) semaphore(%run_scoped3A : memref<!tpu.dma_semaphore, #tpu.memory_space<semaphore_mem>>) {add = true}
        %dma_wait3A_33 = arith.constant 0 : i32
        %dma_wait3A_34 = arith.constant 0 : i32
        %dma_wait3A_35 = tpu.memref_slice %arg11[%dma_wait3A_33, %dma_wait3A_34] : memref<1008x128xf32, #tpu.memory_space<vmem_shared>> -> memref<1008x128xf32, #tpu.memory_space<vmem_shared>>
        tpu.wait_indirect_dma semaphore(%run_scoped3A : memref<!tpu.dma_semaphore, #tpu.memory_space<semaphore_mem>>) src(%arg15 : memref<128x128xf32, #tpu.memory_space<vmem>>) dst(%dma_wait3A_35 : memref<1008x128xf32, #tpu.memory_space<vmem_shared>>)
        tpu.yield
      }) : () -> ()
    }
    %scan3A_8 = arith.constant 4 : i32
    %mul3A_9 = arith.constant 10112 : i32
    %mul3A_10 = arith.muli %add3A, %mul3A_9 : i32
    %scan3A_11 = arith.constant 0 : i32
    %scan3A_12 = arith.constant 79 : i32
    %scan3A_13 = arith.addi %scan3A_11, %scan3A_12 : i32
    %scan3A_14 = arith.constant 1 : i32
    scf.for %scan3A_22 = %scan3A_11 to %scan3A_13 step %scan3A_14  : i32 {
      %mul3A_23 = arith.constant 128 : i32
      %mul3A_24 = arith.muli %scan3A_22, %mul3A_23 : i32
      %add3A_25 = arith.addi %mul3A_10, %mul3A_24 : i32
      "tpu.region"() ({
        %run_scoped3A = tpu.sem_alloc : memref<!tpu.dma_semaphore, #tpu.memory_space<semaphore_mem>>
        %dma_start3A_30 = tpu.memref_slice %arg6[%add3A_25] : memref<323584xi32, #tpu.memory_space<hbm>> -> memref<128xi32, #tpu.memory_space<hbm>>
        %dma_start3A_31 = tpu.memref_slice %arg6[%add3A_25] : memref<323584xi32, #tpu.memory_space<hbm>> -> memref<128xi32, #tpu.memory_space<hbm>>
        tpu.enqueue_dma source(%dma_start3A_31 : memref<128xi32, #tpu.memory_space<hbm>>) target(%arg13 : memref<128xi32, #tpu.memory_space<vmem>>) target_semaphore(%run_scoped3A : memref<!tpu.dma_semaphore, #tpu.memory_space<semaphore_mem>>)
        %dma_wait3A_32 = tpu.memref_slice %arg6[%add3A_25] : memref<323584xi32, #tpu.memory_space<hbm>> -> memref<128xi32, #tpu.memory_space<hbm>>
        %dma_wait3A_33 = tpu.memref_slice %arg6[%add3A_25] : memref<323584xi32, #tpu.memory_space<hbm>> -> memref<128xi32, #tpu.memory_space<hbm>>
        tpu.wait_dma2 semaphore(%run_scoped3A : memref<!tpu.dma_semaphore, #tpu.memory_space<semaphore_mem>>) src(%dma_wait3A_33 : memref<128xi32, #tpu.memory_space<hbm>>) dst(%arg13 : memref<128xi32, #tpu.memory_space<vmem>>)
        tpu.yield
      }) : () -> ()
      "tpu.region"() ({
        %run_scoped3A = tpu.sem_alloc : memref<!tpu.dma_semaphore, #tpu.memory_space<semaphore_mem>>
        %dma_start3A_30 = tpu.memref_slice %arg7[%add3A_25] : memref<323584xi32, #tpu.memory_space<hbm>> -> memref<128xi32, #tpu.memory_space<hbm>>
        %dma_start3A_31 = tpu.memref_slice %arg7[%add3A_25] : memref<323584xi32, #tpu.memory_space<hbm>> -> memref<128xi32, #tpu.memory_space<hbm>>
        tpu.enqueue_dma source(%dma_start3A_31 : memref<128xi32, #tpu.memory_space<hbm>>) target(%arg14 : memref<128xi32, #tpu.memory_space<vmem>>) target_semaphore(%run_scoped3A : memref<!tpu.dma_semaphore, #tpu.memory_space<semaphore_mem>>)
        %dma_wait3A_32 = tpu.memref_slice %arg7[%add3A_25] : memref<323584xi32, #tpu.memory_space<hbm>> -> memref<128xi32, #tpu.memory_space<hbm>>
        %dma_wait3A_33 = tpu.memref_slice %arg7[%add3A_25] : memref<323584xi32, #tpu.memory_space<hbm>> -> memref<128xi32, #tpu.memory_space<hbm>>
        tpu.wait_dma2 semaphore(%run_scoped3A : memref<!tpu.dma_semaphore, #tpu.memory_space<semaphore_mem>>) src(%dma_wait3A_33 : memref<128xi32, #tpu.memory_space<hbm>>) dst(%arg14 : memref<128xi32, #tpu.memory_space<vmem>>)
        tpu.yield
      }) : () -> ()
      %dma_start3A = arith.constant 0 : i32
      %dma_start3A_26 = arith.constant 0 : i32
      %dma_start3A_27 = tpu.memref_slice %arg3[%dma_start3A, %dma_start3A_26] : memref<10000x128xf32, #tpu.memory_space<hbm>> -> memref<10000x128xf32, #tpu.memory_space<hbm>>
      tpu.enqueue_indirect_dma source(%dma_start3A_27 : memref<10000x128xf32, #tpu.memory_space<hbm>>) target(%arg15 : memref<128x128xf32, #tpu.memory_space<vmem>>) offsets(%arg13 : memref<128xi32, #tpu.memory_space<vmem>>) semaphore(%arg16 : memref<!tpu.dma_semaphore, #tpu.memory_space<semaphore_mem>>)
      %dma_wait3A = arith.constant 0 : i32
      %dma_wait3A_28 = arith.constant 0 : i32
      %dma_wait3A_29 = tpu.memref_slice %arg3[%dma_wait3A, %dma_wait3A_28] : memref<10000x128xf32, #tpu.memory_space<hbm>> -> memref<10000x128xf32, #tpu.memory_space<hbm>>
      tpu.wait_indirect_dma semaphore(%arg16 : memref<!tpu.dma_semaphore, #tpu.memory_space<semaphore_mem>>) src(%dma_wait3A_29 : memref<10000x128xf32, #tpu.memory_space<hbm>>) dst(%arg15 : memref<128x128xf32, #tpu.memory_space<vmem>>)
      "tpu.region"() ({
        %run_scoped3A = tpu.sem_alloc : memref<!tpu.dma_semaphore, #tpu.memory_space<semaphore_mem>>
        %dma_start3A_30 = arith.constant 0 : i32
        %dma_start3A_31 = arith.constant 0 : i32
        %dma_start3A_32 = tpu.memref_slice %arg12[%dma_start3A_30, %dma_start3A_31] : memref<10008x128xf32, #tpu.memory_space<vmem_shared>> -> memref<10008x128xf32, #tpu.memory_space<vmem_shared>>
        tpu.enqueue_indirect_dma source(%arg15 : memref<128x128xf32, #tpu.memory_space<vmem>>) target(%dma_start3A_32 : memref<10008x128xf32, #tpu.memory_space<vmem_shared>>) offsets(%arg14 : memref<128xi32, #tpu.memory_space<vmem>>) semaphore(%run_scoped3A : memref<!tpu.dma_semaphore, #tpu.memory_space<semaphore_mem>>) {add = true}
        %dma_wait3A_33 = arith.constant 0 : i32
        %dma_wait3A_34 = arith.constant 0 : i32
        %dma_wait3A_35 = tpu.memref_slice %arg12[%dma_wait3A_33, %dma_wait3A_34] : memref<10008x128xf32, #tpu.memory_space<vmem_shared>> -> memref<10008x128xf32, #tpu.memory_space<vmem_shared>>
        tpu.wait_indirect_dma semaphore(%run_scoped3A : memref<!tpu.dma_semaphore, #tpu.memory_space<semaphore_mem>>) src(%arg15 : memref<128x128xf32, #tpu.memory_space<vmem>>) dst(%dma_wait3A_35 : memref<10008x128xf32, #tpu.memory_space<vmem_shared>>)
        tpu.yield
      }) : () -> ()
    }
    %scan3A_15 = arith.constant 79 : i32
    %barrier3A_16 = arith.constant 0 : index
    tpu.barrier barrier_id(%barrier3A_16)
    %eq3A_17 = arith.constant 0 : i32
    %eq3A_18 = arith.cmpi eq, %arg1, %eq3A_17 : i32
    %convert_element_type3A_19 = arith.extui %eq3A_18 : i1 to i32
    %cond3A_20 = arith.constant 0 : i32
    %cond3A_21 = arith.cmpi ne, %convert_element_type3A_19, %cond3A_20 : i32
    scf.if %cond3A_21 {
      "tpu.region"() ({
        %run_scoped3A = tpu.sem_alloc : memref<!tpu.dma_semaphore, #tpu.memory_space<semaphore_mem>>
        %dma_start3A = arith.constant 0 : i32
        %dma_start3A_22 = arith.constant 0 : i32
        %dma_start3A_23 = tpu.memref_slice %arg9[%arg0, %dma_start3A, %dma_start3A_22] : memref<2x1008x128xf32, #tpu.memory_space<hbm>> -> memref<1x1008x128xf32, #tpu.memory_space<hbm>>
        %dma_start3A_24 = tpu.memref_squeeze %dma_start3A_23 : memref<1x1008x128xf32, #tpu.memory_space<hbm>> -> memref<1008x128xf32, #tpu.memory_space<hbm>>
        tpu.enqueue_dma source(%arg11 : memref<1008x128xf32, #tpu.memory_space<vmem_shared>>) target(%dma_start3A_24 : memref<1008x128xf32, #tpu.memory_space<hbm>>) target_semaphore(%run_scoped3A : memref<!tpu.dma_semaphore, #tpu.memory_space<semaphore_mem>>)
        %dma_wait3A = arith.constant 0 : i32
        %dma_wait3A_25 = arith.constant 0 : i32
        %dma_wait3A_26 = tpu.memref_slice %arg9[%arg0, %dma_wait3A, %dma_wait3A_25] : memref<2x1008x128xf32, #tpu.memory_space<hbm>> -> memref<1x1008x128xf32, #tpu.memory_space<hbm>>
        %dma_wait3A_27 = tpu.memref_squeeze %dma_wait3A_26 : memref<1x1008x128xf32, #tpu.memory_space<hbm>> -> memref<1008x128xf32, #tpu.memory_space<hbm>>
        tpu.wait_dma2 semaphore(%run_scoped3A : memref<!tpu.dma_semaphore, #tpu.memory_space<semaphore_mem>>) src(%arg11 : memref<1008x128xf32, #tpu.memory_space<vmem_shared>>) dst(%dma_wait3A_27 : memref<1008x128xf32, #tpu.memory_space<hbm>>)
        tpu.yield
      }) : () -> ()
      "tpu.region"() ({
        %run_scoped3A = tpu.sem_alloc : memref<!tpu.dma_semaphore, #tpu.memory_space<semaphore_mem>>
        %dma_start3A = arith.constant 0 : i32
        %dma_start3A_22 = arith.constant 0 : i32
        %dma_start3A_23 = tpu.memref_slice %arg10[%arg0, %dma_start3A, %dma_start3A_22] : memref<2x10008x128xf32, #tpu.memory_space<hbm>> -> memref<1x10008x128xf32, #tpu.memory_space<hbm>>
        %dma_start3A_24 = tpu.memref_squeeze %dma_start3A_23 : memref<1x10008x128xf32, #tpu.memory_space<hbm>> -> memref<10008x128xf32, #tpu.memory_space<hbm>>
        tpu.enqueue_dma source(%arg12 : memref<10008x128xf32, #tpu.memory_space<vmem_shared>>) target(%dma_start3A_24 : memref<10008x128xf32, #tpu.memory_space<hbm>>) target_semaphore(%run_scoped3A : memref<!tpu.dma_semaphore, #tpu.memory_space<semaphore_mem>>)
        %dma_wait3A = arith.constant 0 : i32
        %dma_wait3A_25 = arith.constant 0 : i32
        %dma_wait3A_26 = tpu.memref_slice %arg10[%arg0, %dma_wait3A, %dma_wait3A_25] : memref<2x10008x128xf32, #tpu.memory_space<hbm>> -> memref<1x10008x128xf32, #tpu.memory_space<hbm>>
        %dma_wait3A_27 = tpu.memref_squeeze %dma_wait3A_26 : memref<1x10008x128xf32, #tpu.memory_space<hbm>> -> memref<10008x128xf32, #tpu.memory_space<hbm>>
        tpu.wait_dma2 semaphore(%run_scoped3A : memref<!tpu.dma_semaphore, #tpu.memory_space<semaphore_mem>>) src(%arg12 : memref<10008x128xf32, #tpu.memory_space<vmem_shared>>) dst(%dma_wait3A_27 : memref<10008x128xf32, #tpu.memory_space<hbm>>)
        tpu.yield
      }) : () -> ()
    } else {
    }
    return
  }
}

#map = affine_map<(d0, d1) -> (0, 0)>
#map1 = affine_map<(d0, d1) -> (0)>
#map2 = affine_map<(d0, d1) -> (0, 0, 0)>
module attributes {stable_mosaic.version = 14 : i64} {
  func.func @_gat_body(%arg0: i32, %arg1: i32, %arg2: memref<11008x128xf32, #tpu.memory_space<hbm>>, %arg3: memref<176128xi32, #tpu.memory_space<hbm>>, %arg4: memref<176128xi32, #tpu.memory_space<hbm>>, %arg5: memref<11008xf32, #tpu.memory_space<hbm>>, %arg6: memref<11008xf32, #tpu.memory_space<hbm>>, %arg7: memref<16xf32, #tpu.memory_space<hbm>>, %arg8: memref<11008x128xf32, #tpu.memory_space<hbm>>, %arg9: memref<11008xf32, #tpu.memory_space<hbm>>, %arg10: memref<2x11008x128xf32, #tpu.memory_space<hbm>>, %arg11: memref<2x11008xf32, #tpu.memory_space<hbm>>, %arg12: memref<11008x128xf32, #tpu.memory_space<vmem_shared>>, %arg13: memref<11008xf32, #tpu.memory_space<vmem_shared>>, %arg14: memref<128xi32, #tpu.memory_space<vmem>>, %arg15: memref<128xi32, #tpu.memory_space<vmem>>, %arg16: memref<128xf32, #tpu.memory_space<vmem>>, %arg17: memref<128xf32, #tpu.memory_space<vmem>>, %arg18: memref<128xf32, #tpu.memory_space<vmem>>, %arg19: memref<128x128xf32, #tpu.memory_space<vmem>>, %arg20: memref<16xf32, #tpu.memory_space<vmem>>, %arg21: memref<!tpu.dma_semaphore, #tpu.memory_space<semaphore_mem>>) attributes {dimension_semantics = [#tpu.dimension_semantics<core_parallel>, #tpu.dimension_semantics<subcore_parallel>], iteration_bounds = array<i64: 2, 16>, scalar_prefetch = 0 : i64, scratch_operands = 10 : i64, tpu.core_type = #tpu.core_type<sc_vector_subcore>, window_params = [{transform_indices = #map}, {transform_indices = #map1}, {transform_indices = #map1}, {transform_indices = #map1}, {transform_indices = #map1}, {transform_indices = #map1}, {transform_indices = #map}, {transform_indices = #map1}, {transform_indices = #map2}, {transform_indices = #map}]} {
    %mul3A = arith.constant 2 : i32
    %mul3A_0 = arith.muli %arg1, %mul3A : i32
    %add3A = arith.addi %mul3A_0, %arg0 : i32
    %eq3A = arith.constant 0 : i32
    %eq3A_1 = arith.cmpi eq, %arg1, %eq3A : i32
    %convert_element_type3A = arith.extui %eq3A_1 : i1 to i32
    %cond3A = arith.constant 0 : i32
    %cond3A_2 = arith.cmpi ne, %convert_element_type3A, %cond3A : i32
    scf.if %cond3A_2 {
      "tpu.region"() ({
        %run_scoped3A = tpu.sem_alloc : memref<!tpu.dma_semaphore, #tpu.memory_space<semaphore_mem>>
        %dma_start3A = arith.constant 0 : i32
        %dma_start3A_17 = arith.constant 0 : i32
        %dma_start3A_18 = tpu.memref_slice %arg8[%dma_start3A, %dma_start3A_17] : memref<11008x128xf32, #tpu.memory_space<hbm>> -> memref<11008x128xf32, #tpu.memory_space<hbm>>
        tpu.enqueue_dma source(%dma_start3A_18 : memref<11008x128xf32, #tpu.memory_space<hbm>>) target(%arg12 : memref<11008x128xf32, #tpu.memory_space<vmem_shared>>) target_semaphore(%run_scoped3A : memref<!tpu.dma_semaphore, #tpu.memory_space<semaphore_mem>>)
        %dma_wait3A = arith.constant 0 : i32
        %dma_wait3A_19 = arith.constant 0 : i32
        %dma_wait3A_20 = tpu.memref_slice %arg8[%dma_wait3A, %dma_wait3A_19] : memref<11008x128xf32, #tpu.memory_space<hbm>> -> memref<11008x128xf32, #tpu.memory_space<hbm>>
        tpu.wait_dma2 semaphore(%run_scoped3A : memref<!tpu.dma_semaphore, #tpu.memory_space<semaphore_mem>>) src(%dma_wait3A_20 : memref<11008x128xf32, #tpu.memory_space<hbm>>) dst(%arg12 : memref<11008x128xf32, #tpu.memory_space<vmem_shared>>)
        tpu.yield
      }) : () -> ()
      "tpu.region"() ({
        %run_scoped3A = tpu.sem_alloc : memref<!tpu.dma_semaphore, #tpu.memory_space<semaphore_mem>>
        %dma_start3A = arith.constant 0 : i32
        %dma_start3A_17 = tpu.memref_slice %arg9[%dma_start3A] : memref<11008xf32, #tpu.memory_space<hbm>> -> memref<11008xf32, #tpu.memory_space<hbm>>
        tpu.enqueue_dma source(%dma_start3A_17 : memref<11008xf32, #tpu.memory_space<hbm>>) target(%arg13 : memref<11008xf32, #tpu.memory_space<vmem_shared>>) target_semaphore(%run_scoped3A : memref<!tpu.dma_semaphore, #tpu.memory_space<semaphore_mem>>)
        %dma_wait3A = arith.constant 0 : i32
        %dma_wait3A_18 = tpu.memref_slice %arg9[%dma_wait3A] : memref<11008xf32, #tpu.memory_space<hbm>> -> memref<11008xf32, #tpu.memory_space<hbm>>
        tpu.wait_dma2 semaphore(%run_scoped3A : memref<!tpu.dma_semaphore, #tpu.memory_space<semaphore_mem>>) src(%dma_wait3A_18 : memref<11008xf32, #tpu.memory_space<hbm>>) dst(%arg13 : memref<11008xf32, #tpu.memory_space<vmem_shared>>)
        tpu.yield
      }) : () -> ()
    } else {
    }
    "tpu.region"() ({
      %run_scoped3A = tpu.sem_alloc : memref<!tpu.dma_semaphore, #tpu.memory_space<semaphore_mem>>
      tpu.enqueue_dma source(%arg7 : memref<16xf32, #tpu.memory_space<hbm>>) target(%arg20 : memref<16xf32, #tpu.memory_space<vmem>>) target_semaphore(%run_scoped3A : memref<!tpu.dma_semaphore, #tpu.memory_space<semaphore_mem>>)
      tpu.wait_dma2 semaphore(%run_scoped3A : memref<!tpu.dma_semaphore, #tpu.memory_space<semaphore_mem>>) src(%arg7 : memref<16xf32, #tpu.memory_space<hbm>>) dst(%arg20 : memref<16xf32, #tpu.memory_space<vmem>>)
      tpu.yield
    }) : () -> ()
    %barrier3A = arith.constant 0 : index
    tpu.barrier barrier_id(%barrier3A)
    %get3A = arith.constant 0 : index
    %get3A_3 = tpu.vector_load %arg20[%get3A] {strides = array<i32>} : memref<16xf32, #tpu.memory_space<vmem>>, vector<16xf32>,
    %get3A_4 = vector.shape_cast %get3A_3 : vector<16xf32> to vector<16xf32>
    %mul3A_5 = arith.constant 5504 : i32
    %mul3A_6 = arith.muli %add3A, %mul3A_5 : i32
    %scan3A = arith.constant 0 : i32
    %scan3A_7 = arith.constant 43 : i32
    %scan3A_8 = arith.addi %scan3A, %scan3A_7 : i32
    %scan3A_9 = arith.constant 1 : i32
    scf.for %scan3A_17 = %scan3A to %scan3A_8 step %scan3A_9  : i32 {
      %mul3A_18 = arith.constant 128 : i32
      %mul3A_19 = arith.muli %scan3A_17, %mul3A_18 : i32
      %add3A_20 = arith.addi %mul3A_6, %mul3A_19 : i32
      "tpu.region"() ({
        %run_scoped3A = tpu.sem_alloc : memref<!tpu.dma_semaphore, #tpu.memory_space<semaphore_mem>>
        %dma_start3A_170 = tpu.memref_slice %arg3[%add3A_20] : memref<176128xi32, #tpu.memory_space<hbm>> -> memref<128xi32, #tpu.memory_space<hbm>>
        %dma_start3A_171 = tpu.memref_slice %arg3[%add3A_20] : memref<176128xi32, #tpu.memory_space<hbm>> -> memref<128xi32, #tpu.memory_space<hbm>>
        tpu.enqueue_dma source(%dma_start3A_171 : memref<128xi32, #tpu.memory_space<hbm>>) target(%arg14 : memref<128xi32, #tpu.memory_space<vmem>>) target_semaphore(%run_scoped3A : memref<!tpu.dma_semaphore, #tpu.memory_space<semaphore_mem>>)
        %dma_wait3A_172 = tpu.memref_slice %arg3[%add3A_20] : memref<176128xi32, #tpu.memory_space<hbm>> -> memref<128xi32, #tpu.memory_space<hbm>>
        %dma_wait3A_173 = tpu.memref_slice %arg3[%add3A_20] : memref<176128xi32, #tpu.memory_space<hbm>> -> memref<128xi32, #tpu.memory_space<hbm>>
        tpu.wait_dma2 semaphore(%run_scoped3A : memref<!tpu.dma_semaphore, #tpu.memory_space<semaphore_mem>>) src(%dma_wait3A_173 : memref<128xi32, #tpu.memory_space<hbm>>) dst(%arg14 : memref<128xi32, #tpu.memory_space<vmem>>)
        tpu.yield
      }) : () -> ()
      "tpu.region"() ({
        %run_scoped3A = tpu.sem_alloc : memref<!tpu.dma_semaphore, #tpu.memory_space<semaphore_mem>>
        %dma_start3A_170 = tpu.memref_slice %arg4[%add3A_20] : memref<176128xi32, #tpu.memory_space<hbm>> -> memref<128xi32, #tpu.memory_space<hbm>>
        %dma_start3A_171 = tpu.memref_slice %arg4[%add3A_20] : memref<176128xi32, #tpu.memory_space<hbm>> -> memref<128xi32, #tpu.memory_space<hbm>>
        tpu.enqueue_dma source(%dma_start3A_171 : memref<128xi32, #tpu.memory_space<hbm>>) target(%arg15 : memref<128xi32, #tpu.memory_space<vmem>>) target_semaphore(%run_scoped3A : memref<!tpu.dma_semaphore, #tpu.memory_space<semaphore_mem>>)
        %dma_wait3A_172 = tpu.memref_slice %arg4[%add3A_20] : memref<176128xi32, #tpu.memory_space<hbm>> -> memref<128xi32, #tpu.memory_space<hbm>>
        %dma_wait3A_173 = tpu.memref_slice %arg4[%add3A_20] : memref<176128xi32, #tpu.memory_space<hbm>> -> memref<128xi32, #tpu.memory_space<hbm>>
        tpu.wait_dma2 semaphore(%run_scoped3A : memref<!tpu.dma_semaphore, #tpu.memory_space<semaphore_mem>>) src(%dma_wait3A_173 : memref<128xi32, #tpu.memory_space<hbm>>) dst(%arg15 : memref<128xi32, #tpu.memory_space<vmem>>)
        tpu.yield
      }) : () -> ()
      %dma_start3A = arith.constant 0 : i32
      %dma_start3A_21 = tpu.memref_slice %arg5[%dma_start3A] : memref<11008xf32, #tpu.memory_space<hbm>> -> memref<11008xf32, #tpu.memory_space<hbm>>
      tpu.enqueue_indirect_dma source(%dma_start3A_21 : memref<11008xf32, #tpu.memory_space<hbm>>) target(%arg16 : memref<128xf32, #tpu.memory_space<vmem>>) offsets(%arg14 : memref<128xi32, #tpu.memory_space<vmem>>) semaphore(%arg21 : memref<!tpu.dma_semaphore, #tpu.memory_space<semaphore_mem>>)
      %dma_wait3A = arith.constant 0 : i32
      %dma_wait3A_22 = tpu.memref_slice %arg5[%dma_wait3A] : memref<11008xf32, #tpu.memory_space<hbm>> -> memref<11008xf32, #tpu.memory_space<hbm>>
      tpu.wait_indirect_dma semaphore(%arg21 : memref<!tpu.dma_semaphore, #tpu.memory_space<semaphore_mem>>) src(%dma_wait3A_22 : memref<11008xf32, #tpu.memory_space<hbm>>) dst(%arg16 : memref<128xf32, #tpu.memory_space<vmem>>)
      %dma_start3A_23 = arith.constant 0 : i32
      %dma_start3A_24 = tpu.memref_slice %arg6[%dma_start3A_23] : memref<11008xf32, #tpu.memory_space<hbm>> -> memref<11008xf32, #tpu.memory_space<hbm>>
      tpu.enqueue_indirect_dma source(%dma_start3A_24 : memref<11008xf32, #tpu.memory_space<hbm>>) target(%arg17 : memref<128xf32, #tpu.memory_space<vmem>>) offsets(%arg15 : memref<128xi32, #tpu.memory_space<vmem>>) semaphore(%arg21 : memref<!tpu.dma_semaphore, #tpu.memory_space<semaphore_mem>>)
      %dma_wait3A_25 = arith.constant 0 : i32
      %dma_wait3A_26 = tpu.memref_slice %arg6[%dma_wait3A_25] : memref<11008xf32, #tpu.memory_space<hbm>> -> memref<11008xf32, #tpu.memory_space<hbm>>
      tpu.wait_indirect_dma semaphore(%arg21 : memref<!tpu.dma_semaphore, #tpu.memory_space<semaphore_mem>>) src(%dma_wait3A_26 : memref<11008xf32, #tpu.memory_space<hbm>>) dst(%arg17 : memref<128xf32, #tpu.memory_space<vmem>>)
      %get3A_27 = arith.constant 0 : index
      %get3A_28 = tpu.vector_load %arg16[%get3A_27] {strides = array<i32>} : memref<128xf32, #tpu.memory_space<vmem>>, vector<16xf32>,
      %get3A_29 = vector.shape_cast %get3A_28 : vector<16xf32> to vector<16xf32>
      %get3A_30 = arith.constant 0 : index
      %get3A_31 = tpu.vector_load %arg17[%get3A_30] {strides = array<i32>} : memref<128xf32, #tpu.memory_space<vmem>>, vector<16xf32>,
      %get3A_32 = vector.shape_cast %get3A_31 : vector<16xf32> to vector<16xf32>
      %add3A_33 = arith.addf %get3A_29, %get3A_32 : vector<16xf32>
      %mul3A_34 = arith.constant 2.000000e-01 : f32
      %mul3A_35 = vector.broadcast %mul3A_34 : f32 to vector<16xf32>
      %mul3A_36 = arith.mulf %mul3A_35, %add3A_33 : vector<16xf32>
      %max3A = arith.maximumf %add3A_33, %mul3A_36 : vector<16xf32>
      %sub3A = arith.subf %max3A, %get3A_4 : vector<16xf32>
      %exp3A = math.exp %sub3A : vector<16xf32>
      %swap3A = arith.constant 0 : index
      %swap3A_37 = tpu.vector_load %arg18[%swap3A] {strides = array<i32>} : memref<128xf32, #tpu.memory_space<vmem>>, vector<16xf32>,
      %swap3A_38 = vector.shape_cast %swap3A_37 : vector<16xf32> to vector<16xf32>
      %swap3A_39 = vector.shape_cast %exp3A : vector<16xf32> to vector<16xf32>
      tpu.vector_store %arg18[%swap3A], %swap3A_39 {strides = array<i32>} : memref<128xf32, #tpu.memory_space<vmem>>, vector<16xf32>,
      %get3A_40 = arith.constant 16 : index
      %get3A_41 = tpu.vector_load %arg16[%get3A_40] {strides = array<i32>} : memref<128xf32, #tpu.memory_space<vmem>>, vector<16xf32>,
      %get3A_42 = vector.shape_cast %get3A_41 : vector<16xf32> to vector<16xf32>
      %get3A_43 = arith.constant 16 : index
      %get3A_44 = tpu.vector_load %arg17[%get3A_43] {strides = array<i32>} : memref<128xf32, #tpu.memory_space<vmem>>, vector<16xf32>,
      %get3A_45 = vector.shape_cast %get3A_44 : vector<16xf32> to vector<16xf32>
      %add3A_46 = arith.addf %get3A_42, %get3A_45 : vector<16xf32>
      %mul3A_47 = arith.constant 2.000000e-01 : f32
      %mul3A_48 = vector.broadcast %mul3A_47 : f32 to vector<16xf32>
      %mul3A_49 = arith.mulf %mul3A_48, %add3A_46 : vector<16xf32>
      %max3A_50 = arith.maximumf %add3A_46, %mul3A_49 : vector<16xf32>
      %sub3A_51 = arith.subf %max3A_50, %get3A_4 : vector<16xf32>
      %exp3A_52 = math.exp %sub3A_51 : vector<16xf32>
      %swap3A_53 = arith.constant 16 : index
      %swap3A_54 = tpu.vector_load %arg18[%swap3A_53] {strides = array<i32>} : memref<128xf32, #tpu.memory_space<vmem>>, vector<16xf32>,
      %swap3A_55 = vector.shape_cast %swap3A_54 : vector<16xf32> to vector<16xf32>
      %swap3A_56 = vector.shape_cast %exp3A_52 : vector<16xf32> to vector<16xf32>
      tpu.vector_store %arg18[%swap3A_53], %swap3A_56 {strides = array<i32>} : memref<128xf32, #tpu.memory_space<vmem>>, vector<16xf32>,
      %get3A_57 = arith.constant 32 : index
      %get3A_58 = tpu.vector_load %arg16[%get3A_57] {strides = array<i32>} : memref<128xf32, #tpu.memory_space<vmem>>, vector<16xf32>,
      %get3A_59 = vector.shape_cast %get3A_58 : vector<16xf32> to vector<16xf32>
      %get3A_60 = arith.constant 32 : index
      %get3A_61 = tpu.vector_load %arg17[%get3A_60] {strides = array<i32>} : memref<128xf32, #tpu.memory_space<vmem>>, vector<16xf32>,
      %get3A_62 = vector.shape_cast %get3A_61 : vector<16xf32> to vector<16xf32>
      %add3A_63 = arith.addf %get3A_59, %get3A_62 : vector<16xf32>
      %mul3A_64 = arith.constant 2.000000e-01 : f32
      %mul3A_65 = vector.broadcast %mul3A_64 : f32 to vector<16xf32>
      %mul3A_66 = arith.mulf %mul3A_65, %add3A_63 : vector<16xf32>
      %max3A_67 = arith.maximumf %add3A_63, %mul3A_66 : vector<16xf32>
      %sub3A_68 = arith.subf %max3A_67, %get3A_4 : vector<16xf32>
      %exp3A_69 = math.exp %sub3A_68 : vector<16xf32>
      %swap3A_70 = arith.constant 32 : index
      %swap3A_71 = tpu.vector_load %arg18[%swap3A_70] {strides = array<i32>} : memref<128xf32, #tpu.memory_space<vmem>>, vector<16xf32>,
      %swap3A_72 = vector.shape_cast %swap3A_71 : vector<16xf32> to vector<16xf32>
      %swap3A_73 = vector.shape_cast %exp3A_69 : vector<16xf32> to vector<16xf32>
      tpu.vector_store %arg18[%swap3A_70], %swap3A_73 {strides = array<i32>} : memref<128xf32, #tpu.memory_space<vmem>>, vector<16xf32>,
      %get3A_74 = arith.constant 48 : index
      %get3A_75 = tpu.vector_load %arg16[%get3A_74] {strides = array<i32>} : memref<128xf32, #tpu.memory_space<vmem>>, vector<16xf32>,
      %get3A_76 = vector.shape_cast %get3A_75 : vector<16xf32> to vector<16xf32>
      %get3A_77 = arith.constant 48 : index
      %get3A_78 = tpu.vector_load %arg17[%get3A_77] {strides = array<i32>} : memref<128xf32, #tpu.memory_space<vmem>>, vector<16xf32>,
      %get3A_79 = vector.shape_cast %get3A_78 : vector<16xf32> to vector<16xf32>
      %add3A_80 = arith.addf %get3A_76, %get3A_79 : vector<16xf32>
      %mul3A_81 = arith.constant 2.000000e-01 : f32
      %mul3A_82 = vector.broadcast %mul3A_81 : f32 to vector<16xf32>
      %mul3A_83 = arith.mulf %mul3A_82, %add3A_80 : vector<16xf32>
      %max3A_84 = arith.maximumf %add3A_80, %mul3A_83 : vector<16xf32>
      %sub3A_85 = arith.subf %max3A_84, %get3A_4 : vector<16xf32>
      %exp3A_86 = math.exp %sub3A_85 : vector<16xf32>
      %swap3A_87 = arith.constant 48 : index
      %swap3A_88 = tpu.vector_load %arg18[%swap3A_87] {strides = array<i32>} : memref<128xf32, #tpu.memory_space<vmem>>, vector<16xf32>,
      %swap3A_89 = vector.shape_cast %swap3A_88 : vector<16xf32> to vector<16xf32>
      %swap3A_90 = vector.shape_cast %exp3A_86 : vector<16xf32> to vector<16xf32>
      tpu.vector_store %arg18[%swap3A_87], %swap3A_90 {strides = array<i32>} : memref<128xf32, #tpu.memory_space<vmem>>, vector<16xf32>,
      %get3A_91 = arith.constant 64 : index
      %get3A_92 = tpu.vector_load %arg16[%get3A_91] {strides = array<i32>} : memref<128xf32, #tpu.memory_space<vmem>>, vector<16xf32>,
      %get3A_93 = vector.shape_cast %get3A_92 : vector<16xf32> to vector<16xf32>
      %get3A_94 = arith.constant 64 : index
      %get3A_95 = tpu.vector_load %arg17[%get3A_94] {strides = array<i32>} : memref<128xf32, #tpu.memory_space<vmem>>, vector<16xf32>,
      %get3A_96 = vector.shape_cast %get3A_95 : vector<16xf32> to vector<16xf32>
      %add3A_97 = arith.addf %get3A_93, %get3A_96 : vector<16xf32>
      %mul3A_98 = arith.constant 2.000000e-01 : f32
      %mul3A_99 = vector.broadcast %mul3A_98 : f32 to vector<16xf32>
      %mul3A_100 = arith.mulf %mul3A_99, %add3A_97 : vector<16xf32>
      %max3A_101 = arith.maximumf %add3A_97, %mul3A_100 : vector<16xf32>
      %sub3A_102 = arith.subf %max3A_101, %get3A_4 : vector<16xf32>
      %exp3A_103 = math.exp %sub3A_102 : vector<16xf32>
      %swap3A_104 = arith.constant 64 : index
      %swap3A_105 = tpu.vector_load %arg18[%swap3A_104] {strides = array<i32>} : memref<128xf32, #tpu.memory_space<vmem>>, vector<16xf32>,
      %swap3A_106 = vector.shape_cast %swap3A_105 : vector<16xf32> to vector<16xf32>
      %swap3A_107 = vector.shape_cast %exp3A_103 : vector<16xf32> to vector<16xf32>
      tpu.vector_store %arg18[%swap3A_104], %swap3A_107 {strides = array<i32>} : memref<128xf32, #tpu.memory_space<vmem>>, vector<16xf32>,
      %get3A_108 = arith.constant 80 : index
      %get3A_109 = tpu.vector_load %arg16[%get3A_108] {strides = array<i32>} : memref<128xf32, #tpu.memory_space<vmem>>, vector<16xf32>,
      %get3A_110 = vector.shape_cast %get3A_109 : vector<16xf32> to vector<16xf32>
      %get3A_111 = arith.constant 80 : index
      %get3A_112 = tpu.vector_load %arg17[%get3A_111] {strides = array<i32>} : memref<128xf32, #tpu.memory_space<vmem>>, vector<16xf32>,
      %get3A_113 = vector.shape_cast %get3A_112 : vector<16xf32> to vector<16xf32>
      %add3A_114 = arith.addf %get3A_110, %get3A_113 : vector<16xf32>
      %mul3A_115 = arith.constant 2.000000e-01 : f32
      %mul3A_116 = vector.broadcast %mul3A_115 : f32 to vector<16xf32>
      %mul3A_117 = arith.mulf %mul3A_116, %add3A_114 : vector<16xf32>
      %max3A_118 = arith.maximumf %add3A_114, %mul3A_117 : vector<16xf32>
      %sub3A_119 = arith.subf %max3A_118, %get3A_4 : vector<16xf32>
      %exp3A_120 = math.exp %sub3A_119 : vector<16xf32>
      %swap3A_121 = arith.constant 80 : index
      %swap3A_122 = tpu.vector_load %arg18[%swap3A_121] {strides = array<i32>} : memref<128xf32, #tpu.memory_space<vmem>>, vector<16xf32>,
      %swap3A_123 = vector.shape_cast %swap3A_122 : vector<16xf32> to vector<16xf32>
      %swap3A_124 = vector.shape_cast %exp3A_120 : vector<16xf32> to vector<16xf32>
      tpu.vector_store %arg18[%swap3A_121], %swap3A_124 {strides = array<i32>} : memref<128xf32, #tpu.memory_space<vmem>>, vector<16xf32>,
      %get3A_125 = arith.constant 96 : index
      %get3A_126 = tpu.vector_load %arg16[%get3A_125] {strides = array<i32>} : memref<128xf32, #tpu.memory_space<vmem>>, vector<16xf32>,
      %get3A_127 = vector.shape_cast %get3A_126 : vector<16xf32> to vector<16xf32>
      %get3A_128 = arith.constant 96 : index
      %get3A_129 = tpu.vector_load %arg17[%get3A_128] {strides = array<i32>} : memref<128xf32, #tpu.memory_space<vmem>>, vector<16xf32>,
      %get3A_130 = vector.shape_cast %get3A_129 : vector<16xf32> to vector<16xf32>
      %add3A_131 = arith.addf %get3A_127, %get3A_130 : vector<16xf32>
      %mul3A_132 = arith.constant 2.000000e-01 : f32
      %mul3A_133 = vector.broadcast %mul3A_132 : f32 to vector<16xf32>
      %mul3A_134 = arith.mulf %mul3A_133, %add3A_131 : vector<16xf32>
      %max3A_135 = arith.maximumf %add3A_131, %mul3A_134 : vector<16xf32>
      %sub3A_136 = arith.subf %max3A_135, %get3A_4 : vector<16xf32>
      %exp3A_137 = math.exp %sub3A_136 : vector<16xf32>
      %swap3A_138 = arith.constant 96 : index
      %swap3A_139 = tpu.vector_load %arg18[%swap3A_138] {strides = array<i32>} : memref<128xf32, #tpu.memory_space<vmem>>, vector<16xf32>,
      %swap3A_140 = vector.shape_cast %swap3A_139 : vector<16xf32> to vector<16xf32>
      %swap3A_141 = vector.shape_cast %exp3A_137 : vector<16xf32> to vector<16xf32>
      tpu.vector_store %arg18[%swap3A_138], %swap3A_141 {strides = array<i32>} : memref<128xf32, #tpu.memory_space<vmem>>, vector<16xf32>,
      %get3A_142 = arith.constant 112 : index
      %get3A_143 = tpu.vector_load %arg16[%get3A_142] {strides = array<i32>} : memref<128xf32, #tpu.memory_space<vmem>>, vector<16xf32>,
      %get3A_144 = vector.shape_cast %get3A_143 : vector<16xf32> to vector<16xf32>
      %get3A_145 = arith.constant 112 : index
      %get3A_146 = tpu.vector_load %arg17[%get3A_145] {strides = array<i32>} : memref<128xf32, #tpu.memory_space<vmem>>, vector<16xf32>,
      %get3A_147 = vector.shape_cast %get3A_146 : vector<16xf32> to vector<16xf32>
      %add3A_148 = arith.addf %get3A_144, %get3A_147 : vector<16xf32>
      %mul3A_149 = arith.constant 2.000000e-01 : f32
      %mul3A_150 = vector.broadcast %mul3A_149 : f32 to vector<16xf32>
      %mul3A_151 = arith.mulf %mul3A_150, %add3A_148 : vector<16xf32>
      %max3A_152 = arith.maximumf %add3A_148, %mul3A_151 : vector<16xf32>
      %sub3A_153 = arith.subf %max3A_152, %get3A_4 : vector<16xf32>
      %exp3A_154 = math.exp %sub3A_153 : vector<16xf32>
      %swap3A_155 = arith.constant 112 : index
      %swap3A_156 = tpu.vector_load %arg18[%swap3A_155] {strides = array<i32>} : memref<128xf32, #tpu.memory_space<vmem>>, vector<16xf32>,
      %swap3A_157 = vector.shape_cast %swap3A_156 : vector<16xf32> to vector<16xf32>
      %swap3A_158 = vector.shape_cast %exp3A_154 : vector<16xf32> to vector<16xf32>
      tpu.vector_store %arg18[%swap3A_155], %swap3A_158 {strides = array<i32>} : memref<128xf32, #tpu.memory_space<vmem>>, vector<16xf32>,
      "tpu.region"() ({
        %run_scoped3A = tpu.sem_alloc : memref<!tpu.dma_semaphore, #tpu.memory_space<semaphore_mem>>
        %dma_start3A_170 = arith.constant 0 : i32
        %dma_start3A_171 = tpu.memref_slice %arg13[%dma_start3A_170] : memref<11008xf32, #tpu.memory_space<vmem_shared>> -> memref<11008xf32, #tpu.memory_space<vmem_shared>>
        tpu.enqueue_indirect_dma source(%arg18 : memref<128xf32, #tpu.memory_space<vmem>>) target(%dma_start3A_171 : memref<11008xf32, #tpu.memory_space<vmem_shared>>) offsets(%arg15 : memref<128xi32, #tpu.memory_space<vmem>>) semaphore(%run_scoped3A : memref<!tpu.dma_semaphore, #tpu.memory_space<semaphore_mem>>) {add = true}
        %dma_wait3A_172 = arith.constant 0 : i32
        %dma_wait3A_173 = tpu.memref_slice %arg13[%dma_wait3A_172] : memref<11008xf32, #tpu.memory_space<vmem_shared>> -> memref<11008xf32, #tpu.memory_space<vmem_shared>>
        tpu.wait_indirect_dma semaphore(%run_scoped3A : memref<!tpu.dma_semaphore, #tpu.memory_space<semaphore_mem>>) src(%arg18 : memref<128xf32, #tpu.memory_space<vmem>>) dst(%dma_wait3A_173 : memref<11008xf32, #tpu.memory_space<vmem_shared>>)
        tpu.yield
      }) : () -> ()
      %dma_start3A_159 = arith.constant 0 : i32
      %dma_start3A_160 = arith.constant 0 : i32
      %dma_start3A_161 = tpu.memref_slice %arg2[%dma_start3A_159, %dma_start3A_160] : memref<11008x128xf32, #tpu.memory_space<hbm>> -> memref<11008x128xf32, #tpu.memory_space<hbm>>
      tpu.enqueue_indirect_dma source(%dma_start3A_161 : memref<11008x128xf32, #tpu.memory_space<hbm>>) target(%arg19 : memref<128x128xf32, #tpu.memory_space<vmem>>) offsets(%arg14 : memref<128xi32, #tpu.memory_space<vmem>>) semaphore(%arg21 : memref<!tpu.dma_semaphore, #tpu.memory_space<semaphore_mem>>)
      %dma_wait3A_162 = arith.constant 0 : i32
      %dma_wait3A_163 = arith.constant 0 : i32
      %dma_wait3A_164 = tpu.memref_slice %arg2[%dma_wait3A_162, %dma_wait3A_163] : memref<11008x128xf32, #tpu.memory_space<hbm>> -> memref<11008x128xf32, #tpu.memory_space<hbm>>
      tpu.wait_indirect_dma semaphore(%arg21 : memref<!tpu.dma_semaphore, #tpu.memory_space<semaphore_mem>>) src(%dma_wait3A_164 : memref<11008x128xf32, #tpu.memory_space<hbm>>) dst(%arg19 : memref<128x128xf32, #tpu.memory_space<vmem>>)
      %scan3A_165 = arith.constant 0 : i32
      %scan3A_166 = arith.constant 8 : i32
      %scan3A_167 = arith.addi %scan3A_165, %scan3A_166 : i32
      %scan3A_168 = arith.constant 1 : i32
      scf.for %scan3A_170 = %scan3A_165 to %scan3A_167 step %scan3A_168  : i32 {
        %mul3A_171 = arith.constant 16 : i32
        %mul3A_172 = arith.muli %scan3A_170, %mul3A_171 : i32
        %get3A_173 = arith.index_cast %mul3A_172 : i32 to index
        %get3A_174 = tpu.vector_load %arg18[%get3A_173] {strides = array<i32>} : memref<128xf32, #tpu.memory_space<vmem>>, vector<16xf32>,
        %get3A_175 = vector.shape_cast %get3A_174 : vector<16xf32> to vector<16xf32>
        %slice3A = vector.extract_strided_slice %get3A_175 {offsets = [0], sizes = [1], strides = [1]} : vector<16xf32> to vector<1xf32>
        %squeeze3A = vector.extract %slice3A[0] : f32 from vector<1xf32>
        %broadcast_in_dim3A = vector.broadcast %squeeze3A : f32 to vector<16xf32>
        %mul3A_176 = arith.constant 16 : i32
        %mul3A_177 = arith.muli %scan3A_170, %mul3A_176 : i32
        %add3A_178 = arith.constant 0 : i32
        %add3A_179 = arith.addi %mul3A_177, %add3A_178 : i32
        %get3A_180 = arith.index_cast %add3A_179 : i32 to index
        %get3A_181 = arith.constant 0 : index
        %get3A_182 = tpu.vector_load %arg19[%get3A_180, %get3A_181] {strides = array<i32>} : memref<128x128xf32, #tpu.memory_space<vmem>>, vector<1x16xf32>,
        %get3A_183 = vector.shape_cast %get3A_182 : vector<1x16xf32> to vector<16xf32>
        %mul3A_184 = arith.mulf %get3A_183, %broadcast_in_dim3A : vector<16xf32>
        %swap3A_185 = arith.index_cast %add3A_179 : i32 to index
        %swap3A_186 = arith.constant 0 : index
        %swap3A_187 = tpu.vector_load %arg19[%swap3A_185, %swap3A_186] {strides = array<i32>} : memref<128x128xf32, #tpu.memory_space<vmem>>, vector<1x16xf32>,
        %swap3A_188 = vector.shape_cast %swap3A_187 : vector<1x16xf32> to vector<16xf32>
        %swap3A_189 = vector.shape_cast %mul3A_184 : vector<16xf32> to vector<1x16xf32>
        tpu.vector_store %arg19[%swap3A_185, %swap3A_186], %swap3A_189 {strides = array<i32>} : memref<128x128xf32, #tpu.memory_space<vmem>>, vector<1x16xf32>,
        %get3A_190 = arith.index_cast %add3A_179 : i32 to index
        %get3A_191 = arith.constant 16 : index
        %get3A_192 = tpu.vector_load %arg19[%get3A_190, %get3A_191] {strides = array<i32>} : memref<128x128xf32, #tpu.memory_space<vmem>>, vector<1x16xf32>,
        %get3A_193 = vector.shape_cast %get3A_192 : vector<1x16xf32> to vector<16xf32>
        %mul3A_194 = arith.mulf %get3A_193, %broadcast_in_dim3A : vector<16xf32>
        %swap3A_195 = arith.index_cast %add3A_179 : i32 to index
        %swap3A_196 = arith.constant 16 : index
        %swap3A_197 = tpu.vector_load %arg19[%swap3A_195, %swap3A_196] {strides = array<i32>} : memref<128x128xf32, #tpu.memory_space<vmem>>, vector<1x16xf32>,
        %swap3A_198 = vector.shape_cast %swap3A_197 : vector<1x16xf32> to vector<16xf32>
        %swap3A_199 = vector.shape_cast %mul3A_194 : vector<16xf32> to vector<1x16xf32>
        tpu.vector_store %arg19[%swap3A_195, %swap3A_196], %swap3A_199 {strides = array<i32>} : memref<128x128xf32, #tpu.memory_space<vmem>>, vector<1x16xf32>,
        %get3A_200 = arith.index_cast %add3A_179 : i32 to index
        %get3A_201 = arith.constant 32 : index
        %get3A_202 = tpu.vector_load %arg19[%get3A_200, %get3A_201] {strides = array<i32>} : memref<128x128xf32, #tpu.memory_space<vmem>>, vector<1x16xf32>,
        %get3A_203 = vector.shape_cast %get3A_202 : vector<1x16xf32> to vector<16xf32>
        %mul3A_204 = arith.mulf %get3A_203, %broadcast_in_dim3A : vector<16xf32>
        %swap3A_205 = arith.index_cast %add3A_179 : i32 to index
        %swap3A_206 = arith.constant 32 : index
        %swap3A_207 = tpu.vector_load %arg19[%swap3A_205, %swap3A_206] {strides = array<i32>} : memref<128x128xf32, #tpu.memory_space<vmem>>, vector<1x16xf32>,
        %swap3A_208 = vector.shape_cast %swap3A_207 : vector<1x16xf32> to vector<16xf32>
        %swap3A_209 = vector.shape_cast %mul3A_204 : vector<16xf32> to vector<1x16xf32>
        tpu.vector_store %arg19[%swap3A_205, %swap3A_206], %swap3A_209 {strides = array<i32>} : memref<128x128xf32, #tpu.memory_space<vmem>>, vector<1x16xf32>,
        %get3A_210 = arith.index_cast %add3A_179 : i32 to index
        %get3A_211 = arith.constant 48 : index
        %get3A_212 = tpu.vector_load %arg19[%get3A_210, %get3A_211] {strides = array<i32>} : memref<128x128xf32, #tpu.memory_space<vmem>>, vector<1x16xf32>,
        %get3A_213 = vector.shape_cast %get3A_212 : vector<1x16xf32> to vector<16xf32>
        %mul3A_214 = arith.mulf %get3A_213, %broadcast_in_dim3A : vector<16xf32>
        %swap3A_215 = arith.index_cast %add3A_179 : i32 to index
        %swap3A_216 = arith.constant 48 : index
        %swap3A_217 = tpu.vector_load %arg19[%swap3A_215, %swap3A_216] {strides = array<i32>} : memref<128x128xf32, #tpu.memory_space<vmem>>, vector<1x16xf32>,
        %swap3A_218 = vector.shape_cast %swap3A_217 : vector<1x16xf32> to vector<16xf32>
        %swap3A_219 = vector.shape_cast %mul3A_214 : vector<16xf32> to vector<1x16xf32>
        tpu.vector_store %arg19[%swap3A_215, %swap3A_216], %swap3A_219 {strides = array<i32>} : memref<128x128xf32, #tpu.memory_space<vmem>>, vector<1x16xf32>,
        %get3A_220 = arith.index_cast %add3A_179 : i32 to index
        %get3A_221 = arith.constant 64 : index
        %get3A_222 = tpu.vector_load %arg19[%get3A_220, %get3A_221] {strides = array<i32>} : memref<128x128xf32, #tpu.memory_space<vmem>>, vector<1x16xf32>,
        %get3A_223 = vector.shape_cast %get3A_222 : vector<1x16xf32> to vector<16xf32>
        %mul3A_224 = arith.mulf %get3A_223, %broadcast_in_dim3A : vector<16xf32>
        %swap3A_225 = arith.index_cast %add3A_179 : i32 to index
        %swap3A_226 = arith.constant 64 : index
        %swap3A_227 = tpu.vector_load %arg19[%swap3A_225, %swap3A_226] {strides = array<i32>} : memref<128x128xf32, #tpu.memory_space<vmem>>, vector<1x16xf32>,
        %swap3A_228 = vector.shape_cast %swap3A_227 : vector<1x16xf32> to vector<16xf32>
        %swap3A_229 = vector.shape_cast %mul3A_224 : vector<16xf32> to vector<1x16xf32>
        tpu.vector_store %arg19[%swap3A_225, %swap3A_226], %swap3A_229 {strides = array<i32>} : memref<128x128xf32, #tpu.memory_space<vmem>>, vector<1x16xf32>,
        %get3A_230 = arith.index_cast %add3A_179 : i32 to index
        %get3A_231 = arith.constant 80 : index
        %get3A_232 = tpu.vector_load %arg19[%get3A_230, %get3A_231] {strides = array<i32>} : memref<128x128xf32, #tpu.memory_space<vmem>>, vector<1x16xf32>,
        %get3A_233 = vector.shape_cast %get3A_232 : vector<1x16xf32> to vector<16xf32>
        %mul3A_234 = arith.mulf %get3A_233, %broadcast_in_dim3A : vector<16xf32>
        %swap3A_235 = arith.index_cast %add3A_179 : i32 to index
        %swap3A_236 = arith.constant 80 : index
        %swap3A_237 = tpu.vector_load %arg19[%swap3A_235, %swap3A_236] {strides = array<i32>} : memref<128x128xf32, #tpu.memory_space<vmem>>, vector<1x16xf32>,
        %swap3A_238 = vector.shape_cast %swap3A_237 : vector<1x16xf32> to vector<16xf32>
        %swap3A_239 = vector.shape_cast %mul3A_234 : vector<16xf32> to vector<1x16xf32>
        tpu.vector_store %arg19[%swap3A_235, %swap3A_236], %swap3A_239 {strides = array<i32>} : memref<128x128xf32, #tpu.memory_space<vmem>>, vector<1x16xf32>,
        %get3A_240 = arith.index_cast %add3A_179 : i32 to index
        %get3A_241 = arith.constant 96 : index
        %get3A_242 = tpu.vector_load %arg19[%get3A_240, %get3A_241] {strides = array<i32>} : memref<128x128xf32, #tpu.memory_space<vmem>>, vector<1x16xf32>,
        %get3A_243 = vector.shape_cast %get3A_242 : vector<1x16xf32> to vector<16xf32>
        %mul3A_244 = arith.mulf %get3A_243, %broadcast_in_dim3A : vector<16xf32>
        %swap3A_245 = arith.index_cast %add3A_179 : i32 to index
        %swap3A_246 = arith.constant 96 : index
        %swap3A_247 = tpu.vector_load %arg19[%swap3A_245, %swap3A_246] {strides = array<i32>} : memref<128x128xf32, #tpu.memory_space<vmem>>, vector<1x16xf32>,
        %swap3A_248 = vector.shape_cast %swap3A_247 : vector<1x16xf32> to vector<16xf32>
        %swap3A_249 = vector.shape_cast %mul3A_244 : vector<16xf32> to vector<1x16xf32>
        tpu.vector_store %arg19[%swap3A_245, %swap3A_246], %swap3A_249 {strides = array<i32>} : memref<128x128xf32, #tpu.memory_space<vmem>>, vector<1x16xf32>,
        %get3A_250 = arith.index_cast %add3A_179 : i32 to index
        %get3A_251 = arith.constant 112 : index
        %get3A_252 = tpu.vector_load %arg19[%get3A_250, %get3A_251] {strides = array<i32>} : memref<128x128xf32, #tpu.memory_space<vmem>>, vector<1x16xf32>,
        %get3A_253 = vector.shape_cast %get3A_252 : vector<1x16xf32> to vector<16xf32>
        %mul3A_254 = arith.mulf %get3A_253, %broadcast_in_dim3A : vector<16xf32>
        %swap3A_255 = arith.index_cast %add3A_179 : i32 to index
        %swap3A_256 = arith.constant 112 : index
        %swap3A_257 = tpu.vector_load %arg19[%swap3A_255, %swap3A_256] {strides = array<i32>} : memref<128x128xf32, #tpu.memory_space<vmem>>, vector<1x16xf32>,
        %swap3A_258 = vector.shape_cast %swap3A_257 : vector<1x16xf32> to vector<16xf32>
        %swap3A_259 = vector.shape_cast %mul3A_254 : vector<16xf32> to vector<1x16xf32>
        tpu.vector_store %arg19[%swap3A_255, %swap3A_256], %swap3A_259 {strides = array<i32>} : memref<128x128xf32, #tpu.memory_space<vmem>>, vector<1x16xf32>,
        %slice3A_260 = vector.extract_strided_slice %get3A_175 {offsets = [1], sizes = [1], strides = [1]} : vector<16xf32> to vector<1xf32>
        %squeeze3A_261 = vector.extract %slice3A_260[0] : f32 from vector<1xf32>
        %broadcast_in_dim3A_262 = vector.broadcast %squeeze3A_261 : f32 to vector<16xf32>
        %mul3A_263 = arith.constant 16 : i32
        %mul3A_264 = arith.muli %scan3A_170, %mul3A_263 : i32
        %add3A_265 = arith.constant 1 : i32
        %add3A_266 = arith.addi %mul3A_264, %add3A_265 : i32
        %get3A_267 = arith.index_cast %add3A_266 : i32 to index
        %get3A_268 = arith.constant 0 : index
        %get3A_269 = tpu.vector_load %arg19[%get3A_267, %get3A_268] {strides = array<i32>} : memref<128x128xf32, #tpu.memory_space<vmem>>, vector<1x16xf32>,
        %get3A_270 = vector.shape_cast %get3A_269 : vector<1x16xf32> to vector<16xf32>
        %mul3A_271 = arith.mulf %get3A_270, %broadcast_in_dim3A_262 : vector<16xf32>
        %swap3A_272 = arith.index_cast %add3A_266 : i32 to index
        %swap3A_273 = arith.constant 0 : index
        %swap3A_274 = tpu.vector_load %arg19[%swap3A_272, %swap3A_273] {strides = array<i32>} : memref<128x128xf32, #tpu.memory_space<vmem>>, vector<1x16xf32>,
        %swap3A_275 = vector.shape_cast %swap3A_274 : vector<1x16xf32> to vector<16xf32>
        %swap3A_276 = vector.shape_cast %mul3A_271 : vector<16xf32> to vector<1x16xf32>
        tpu.vector_store %arg19[%swap3A_272, %swap3A_273], %swap3A_276 {strides = array<i32>} : memref<128x128xf32, #tpu.memory_space<vmem>>, vector<1x16xf32>,
        %get3A_277 = arith.index_cast %add3A_266 : i32 to index
        %get3A_278 = arith.constant 16 : index
        %get3A_279 = tpu.vector_load %arg19[%get3A_277, %get3A_278] {strides = array<i32>} : memref<128x128xf32, #tpu.memory_space<vmem>>, vector<1x16xf32>,
        %get3A_280 = vector.shape_cast %get3A_279 : vector<1x16xf32> to vector<16xf32>
        %mul3A_281 = arith.mulf %get3A_280, %broadcast_in_dim3A_262 : vector<16xf32>
        %swap3A_282 = arith.index_cast %add3A_266 : i32 to index
        %swap3A_283 = arith.constant 16 : index
        %swap3A_284 = tpu.vector_load %arg19[%swap3A_282, %swap3A_283] {strides = array<i32>} : memref<128x128xf32, #tpu.memory_space<vmem>>, vector<1x16xf32>,
        %swap3A_285 = vector.shape_cast %swap3A_284 : vector<1x16xf32> to vector<16xf32>
        %swap3A_286 = vector.shape_cast %mul3A_281 : vector<16xf32> to vector<1x16xf32>
        tpu.vector_store %arg19[%swap3A_282, %swap3A_283], %swap3A_286 {strides = array<i32>} : memref<128x128xf32, #tpu.memory_space<vmem>>, vector<1x16xf32>,
        %get3A_287 = arith.index_cast %add3A_266 : i32 to index
        %get3A_288 = arith.constant 32 : index
        %get3A_289 = tpu.vector_load %arg19[%get3A_287, %get3A_288] {strides = array<i32>} : memref<128x128xf32, #tpu.memory_space<vmem>>, vector<1x16xf32>,
        %get3A_290 = vector.shape_cast %get3A_289 : vector<1x16xf32> to vector<16xf32>
        %mul3A_291 = arith.mulf %get3A_290, %broadcast_in_dim3A_262 : vector<16xf32>
        %swap3A_292 = arith.index_cast %add3A_266 : i32 to index
        %swap3A_293 = arith.constant 32 : index
        %swap3A_294 = tpu.vector_load %arg19[%swap3A_292, %swap3A_293] {strides = array<i32>} : memref<128x128xf32, #tpu.memory_space<vmem>>, vector<1x16xf32>,
        %swap3A_295 = vector.shape_cast %swap3A_294 : vector<1x16xf32> to vector<16xf32>
        %swap3A_296 = vector.shape_cast %mul3A_291 : vector<16xf32> to vector<1x16xf32>
        tpu.vector_store %arg19[%swap3A_292, %swap3A_293], %swap3A_296 {strides = array<i32>} : memref<128x128xf32, #tpu.memory_space<vmem>>, vector<1x16xf32>,
        %get3A_297 = arith.index_cast %add3A_266 : i32 to index
        %get3A_298 = arith.constant 48 : index
        %get3A_299 = tpu.vector_load %arg19[%get3A_297, %get3A_298] {strides = array<i32>} : memref<128x128xf32, #tpu.memory_space<vmem>>, vector<1x16xf32>,
        %get3A_300 = vector.shape_cast %get3A_299 : vector<1x16xf32> to vector<16xf32>
        %mul3A_301 = arith.mulf %get3A_300, %broadcast_in_dim3A_262 : vector<16xf32>
        %swap3A_302 = arith.index_cast %add3A_266 : i32 to index
        %swap3A_303 = arith.constant 48 : index
        %swap3A_304 = tpu.vector_load %arg19[%swap3A_302, %swap3A_303] {strides = array<i32>} : memref<128x128xf32, #tpu.memory_space<vmem>>, vector<1x16xf32>,
        %swap3A_305 = vector.shape_cast %swap3A_304 : vector<1x16xf32> to vector<16xf32>
        %swap3A_306 = vector.shape_cast %mul3A_301 : vector<16xf32> to vector<1x16xf32>
        tpu.vector_store %arg19[%swap3A_302, %swap3A_303], %swap3A_306 {strides = array<i32>} : memref<128x128xf32, #tpu.memory_space<vmem>>, vector<1x16xf32>,
        %get3A_307 = arith.index_cast %add3A_266 : i32 to index
        %get3A_308 = arith.constant 64 : index
        %get3A_309 = tpu.vector_load %arg19[%get3A_307, %get3A_308] {strides = array<i32>} : memref<128x128xf32, #tpu.memory_space<vmem>>, vector<1x16xf32>,
        %get3A_310 = vector.shape_cast %get3A_309 : vector<1x16xf32> to vector<16xf32>
        %mul3A_311 = arith.mulf %get3A_310, %broadcast_in_dim3A_262 : vector<16xf32>
        %swap3A_312 = arith.index_cast %add3A_266 : i32 to index
        %swap3A_313 = arith.constant 64 : index
        %swap3A_314 = tpu.vector_load %arg19[%swap3A_312, %swap3A_313] {strides = array<i32>} : memref<128x128xf32, #tpu.memory_space<vmem>>, vector<1x16xf32>,
        %swap3A_315 = vector.shape_cast %swap3A_314 : vector<1x16xf32> to vector<16xf32>
        %swap3A_316 = vector.shape_cast %mul3A_311 : vector<16xf32> to vector<1x16xf32>
        tpu.vector_store %arg19[%swap3A_312, %swap3A_313], %swap3A_316 {strides = array<i32>} : memref<128x128xf32, #tpu.memory_space<vmem>>, vector<1x16xf32>,
        %get3A_317 = arith.index_cast %add3A_266 : i32 to index
        %get3A_318 = arith.constant 80 : index
        %get3A_319 = tpu.vector_load %arg19[%get3A_317, %get3A_318] {strides = array<i32>} : memref<128x128xf32, #tpu.memory_space<vmem>>, vector<1x16xf32>,
        %get3A_320 = vector.shape_cast %get3A_319 : vector<1x16xf32> to vector<16xf32>
        %mul3A_321 = arith.mulf %get3A_320, %broadcast_in_dim3A_262 : vector<16xf32>
        %swap3A_322 = arith.index_cast %add3A_266 : i32 to index
        %swap3A_323 = arith.constant 80 : index
        %swap3A_324 = tpu.vector_load %arg19[%swap3A_322, %swap3A_323] {strides = array<i32>} : memref<128x128xf32, #tpu.memory_space<vmem>>, vector<1x16xf32>,
        %swap3A_325 = vector.shape_cast %swap3A_324 : vector<1x16xf32> to vector<16xf32>
        %swap3A_326 = vector.shape_cast %mul3A_321 : vector<16xf32> to vector<1x16xf32>
        tpu.vector_store %arg19[%swap3A_322, %swap3A_323], %swap3A_326 {strides = array<i32>} : memref<128x128xf32, #tpu.memory_space<vmem>>, vector<1x16xf32>,
        %get3A_327 = arith.index_cast %add3A_266 : i32 to index
        %get3A_328 = arith.constant 96 : index
        %get3A_329 = tpu.vector_load %arg19[%get3A_327, %get3A_328] {strides = array<i32>} : memref<128x128xf32, #tpu.memory_space<vmem>>, vector<1x16xf32>,
        %get3A_330 = vector.shape_cast %get3A_329 : vector<1x16xf32> to vector<16xf32>
        %mul3A_331 = arith.mulf %get3A_330, %broadcast_in_dim3A_262 : vector<16xf32>
        %swap3A_332 = arith.index_cast %add3A_266 : i32 to index
        %swap3A_333 = arith.constant 96 : index
        %swap3A_334 = tpu.vector_load %arg19[%swap3A_332, %swap3A_333] {strides = array<i32>} : memref<128x128xf32, #tpu.memory_space<vmem>>, vector<1x16xf32>,
        %swap3A_335 = vector.shape_cast %swap3A_334 : vector<1x16xf32> to vector<16xf32>
        %swap3A_336 = vector.shape_cast %mul3A_331 : vector<16xf32> to vector<1x16xf32>
        tpu.vector_store %arg19[%swap3A_332, %swap3A_333], %swap3A_336 {strides = array<i32>} : memref<128x128xf32, #tpu.memory_space<vmem>>, vector<1x16xf32>,
        %get3A_337 = arith.index_cast %add3A_266 : i32 to index
        %get3A_338 = arith.constant 112 : index
        %get3A_339 = tpu.vector_load %arg19[%get3A_337, %get3A_338] {strides = array<i32>} : memref<128x128xf32, #tpu.memory_space<vmem>>, vector<1x16xf32>,
        %get3A_340 = vector.shape_cast %get3A_339 : vector<1x16xf32> to vector<16xf32>
        %mul3A_341 = arith.mulf %get3A_340, %broadcast_in_dim3A_262 : vector<16xf32>
        %swap3A_342 = arith.index_cast %add3A_266 : i32 to index
        %swap3A_343 = arith.constant 112 : index
        %swap3A_344 = tpu.vector_load %arg19[%swap3A_342, %swap3A_343] {strides = array<i32>} : memref<128x128xf32, #tpu.memory_space<vmem>>, vector<1x16xf32>,
        %swap3A_345 = vector.shape_cast %swap3A_344 : vector<1x16xf32> to vector<16xf32>
        %swap3A_346 = vector.shape_cast %mul3A_341 : vector<16xf32> to vector<1x16xf32>
        tpu.vector_store %arg19[%swap3A_342, %swap3A_343], %swap3A_346 {strides = array<i32>} : memref<128x128xf32, #tpu.memory_space<vmem>>, vector<1x16xf32>,
        %slice3A_347 = vector.extract_strided_slice %get3A_175 {offsets = [2], sizes = [1], strides = [1]} : vector<16xf32> to vector<1xf32>
        %squeeze3A_348 = vector.extract %slice3A_347[0] : f32 from vector<1xf32>
        %broadcast_in_dim3A_349 = vector.broadcast %squeeze3A_348 : f32 to vector<16xf32>
        %mul3A_350 = arith.constant 16 : i32
        %mul3A_351 = arith.muli %scan3A_170, %mul3A_350 : i32
        %add3A_352 = arith.constant 2 : i32
        %add3A_353 = arith.addi %mul3A_351, %add3A_352 : i32
        %get3A_354 = arith.index_cast %add3A_353 : i32 to index
        %get3A_355 = arith.constant 0 : index
        %get3A_356 = tpu.vector_load %arg19[%get3A_354, %get3A_355] {strides = array<i32>} : memref<128x128xf32, #tpu.memory_space<vmem>>, vector<1x16xf32>,
        %get3A_357 = vector.shape_cast %get3A_356 : vector<1x16xf32> to vector<16xf32>
        %mul3A_358 = arith.mulf %get3A_357, %broadcast_in_dim3A_349 : vector<16xf32>
        %swap3A_359 = arith.index_cast %add3A_353 : i32 to index
        %swap3A_360 = arith.constant 0 : index
        %swap3A_361 = tpu.vector_load %arg19[%swap3A_359, %swap3A_360] {strides = array<i32>} : memref<128x128xf32, #tpu.memory_space<vmem>>, vector<1x16xf32>,
        %swap3A_362 = vector.shape_cast %swap3A_361 : vector<1x16xf32> to vector<16xf32>
        %swap3A_363 = vector.shape_cast %mul3A_358 : vector<16xf32> to vector<1x16xf32>
        tpu.vector_store %arg19[%swap3A_359, %swap3A_360], %swap3A_363 {strides = array<i32>} : memref<128x128xf32, #tpu.memory_space<vmem>>, vector<1x16xf32>,
        %get3A_364 = arith.index_cast %add3A_353 : i32 to index
        %get3A_365 = arith.constant 16 : index
        %get3A_366 = tpu.vector_load %arg19[%get3A_364, %get3A_365] {strides = array<i32>} : memref<128x128xf32, #tpu.memory_space<vmem>>, vector<1x16xf32>,
        %get3A_367 = vector.shape_cast %get3A_366 : vector<1x16xf32> to vector<16xf32>
        %mul3A_368 = arith.mulf %get3A_367, %broadcast_in_dim3A_349 : vector<16xf32>
        %swap3A_369 = arith.index_cast %add3A_353 : i32 to index
        %swap3A_370 = arith.constant 16 : index
        %swap3A_371 = tpu.vector_load %arg19[%swap3A_369, %swap3A_370] {strides = array<i32>} : memref<128x128xf32, #tpu.memory_space<vmem>>, vector<1x16xf32>,
        %swap3A_372 = vector.shape_cast %swap3A_371 : vector<1x16xf32> to vector<16xf32>
        %swap3A_373 = vector.shape_cast %mul3A_368 : vector<16xf32> to vector<1x16xf32>
        tpu.vector_store %arg19[%swap3A_369, %swap3A_370], %swap3A_373 {strides = array<i32>} : memref<128x128xf32, #tpu.memory_space<vmem>>, vector<1x16xf32>,
        %get3A_374 = arith.index_cast %add3A_353 : i32 to index
        %get3A_375 = arith.constant 32 : index
        %get3A_376 = tpu.vector_load %arg19[%get3A_374, %get3A_375] {strides = array<i32>} : memref<128x128xf32, #tpu.memory_space<vmem>>, vector<1x16xf32>,
        %get3A_377 = vector.shape_cast %get3A_376 : vector<1x16xf32> to vector<16xf32>
        %mul3A_378 = arith.mulf %get3A_377, %broadcast_in_dim3A_349 : vector<16xf32>
        %swap3A_379 = arith.index_cast %add3A_353 : i32 to index
        %swap3A_380 = arith.constant 32 : index
        %swap3A_381 = tpu.vector_load %arg19[%swap3A_379, %swap3A_380] {strides = array<i32>} : memref<128x128xf32, #tpu.memory_space<vmem>>, vector<1x16xf32>,
        %swap3A_382 = vector.shape_cast %swap3A_381 : vector<1x16xf32> to vector<16xf32>
        %swap3A_383 = vector.shape_cast %mul3A_378 : vector<16xf32> to vector<1x16xf32>
        tpu.vector_store %arg19[%swap3A_379, %swap3A_380], %swap3A_383 {strides = array<i32>} : memref<128x128xf32, #tpu.memory_space<vmem>>, vector<1x16xf32>,
        %get3A_384 = arith.index_cast %add3A_353 : i32 to index
        %get3A_385 = arith.constant 48 : index
        %get3A_386 = tpu.vector_load %arg19[%get3A_384, %get3A_385] {strides = array<i32>} : memref<128x128xf32, #tpu.memory_space<vmem>>, vector<1x16xf32>,
        %get3A_387 = vector.shape_cast %get3A_386 : vector<1x16xf32> to vector<16xf32>
        %mul3A_388 = arith.mulf %get3A_387, %broadcast_in_dim3A_349 : vector<16xf32>
        %swap3A_389 = arith.index_cast %add3A_353 : i32 to index
        %swap3A_390 = arith.constant 48 : index
        %swap3A_391 = tpu.vector_load %arg19[%swap3A_389, %swap3A_390] {strides = array<i32>} : memref<128x128xf32, #tpu.memory_space<vmem>>, vector<1x16xf32>,
        %swap3A_392 = vector.shape_cast %swap3A_391 : vector<1x16xf32> to vector<16xf32>
        %swap3A_393 = vector.shape_cast %mul3A_388 : vector<16xf32> to vector<1x16xf32>
        tpu.vector_store %arg19[%swap3A_389, %swap3A_390], %swap3A_393 {strides = array<i32>} : memref<128x128xf32, #tpu.memory_space<vmem>>, vector<1x16xf32>,
        %get3A_394 = arith.index_cast %add3A_353 : i32 to index
        %get3A_395 = arith.constant 64 : index
        %get3A_396 = tpu.vector_load %arg19[%get3A_394, %get3A_395] {strides = array<i32>} : memref<128x128xf32, #tpu.memory_space<vmem>>, vector<1x16xf32>,
        %get3A_397 = vector.shape_cast %get3A_396 : vector<1x16xf32> to vector<16xf32>
        %mul3A_398 = arith.mulf %get3A_397, %broadcast_in_dim3A_349 : vector<16xf32>
        %swap3A_399 = arith.index_cast %add3A_353 : i32 to index
        %swap3A_400 = arith.constant 64 : index
        %swap3A_401 = tpu.vector_load %arg19[%swap3A_399, %swap3A_400] {strides = array<i32>} : memref<128x128xf32, #tpu.memory_space<vmem>>, vector<1x16xf32>,
        %swap3A_402 = vector.shape_cast %swap3A_401 : vector<1x16xf32> to vector<16xf32>
        %swap3A_403 = vector.shape_cast %mul3A_398 : vector<16xf32> to vector<1x16xf32>
        tpu.vector_store %arg19[%swap3A_399, %swap3A_400], %swap3A_403 {strides = array<i32>} : memref<128x128xf32, #tpu.memory_space<vmem>>, vector<1x16xf32>,
        %get3A_404 = arith.index_cast %add3A_353 : i32 to index
        %get3A_405 = arith.constant 80 : index
        %get3A_406 = tpu.vector_load %arg19[%get3A_404, %get3A_405] {strides = array<i32>} : memref<128x128xf32, #tpu.memory_space<vmem>>, vector<1x16xf32>,
        %get3A_407 = vector.shape_cast %get3A_406 : vector<1x16xf32> to vector<16xf32>
        %mul3A_408 = arith.mulf %get3A_407, %broadcast_in_dim3A_349 : vector<16xf32>
        %swap3A_409 = arith.index_cast %add3A_353 : i32 to index
        %swap3A_410 = arith.constant 80 : index
        %swap3A_411 = tpu.vector_load %arg19[%swap3A_409, %swap3A_410] {strides = array<i32>} : memref<128x128xf32, #tpu.memory_space<vmem>>, vector<1x16xf32>,
        %swap3A_412 = vector.shape_cast %swap3A_411 : vector<1x16xf32> to vector<16xf32>
        %swap3A_413 = vector.shape_cast %mul3A_408 : vector<16xf32> to vector<1x16xf32>
        tpu.vector_store %arg19[%swap3A_409, %swap3A_410], %swap3A_413 {strides = array<i32>} : memref<128x128xf32, #tpu.memory_space<vmem>>, vector<1x16xf32>,
        %get3A_414 = arith.index_cast %add3A_353 : i32 to index
        %get3A_415 = arith.constant 96 : index
        %get3A_416 = tpu.vector_load %arg19[%get3A_414, %get3A_415] {strides = array<i32>} : memref<128x128xf32, #tpu.memory_space<vmem>>, vector<1x16xf32>,
        %get3A_417 = vector.shape_cast %get3A_416 : vector<1x16xf32> to vector<16xf32>
        %mul3A_418 = arith.mulf %get3A_417, %broadcast_in_dim3A_349 : vector<16xf32>
        %swap3A_419 = arith.index_cast %add3A_353 : i32 to index
        %swap3A_420 = arith.constant 96 : index
        %swap3A_421 = tpu.vector_load %arg19[%swap3A_419, %swap3A_420] {strides = array<i32>} : memref<128x128xf32, #tpu.memory_space<vmem>>, vector<1x16xf32>,
        %swap3A_422 = vector.shape_cast %swap3A_421 : vector<1x16xf32> to vector<16xf32>
        %swap3A_423 = vector.shape_cast %mul3A_418 : vector<16xf32> to vector<1x16xf32>
        tpu.vector_store %arg19[%swap3A_419, %swap3A_420], %swap3A_423 {strides = array<i32>} : memref<128x128xf32, #tpu.memory_space<vmem>>, vector<1x16xf32>,
        %get3A_424 = arith.index_cast %add3A_353 : i32 to index
        %get3A_425 = arith.constant 112 : index
        %get3A_426 = tpu.vector_load %arg19[%get3A_424, %get3A_425] {strides = array<i32>} : memref<128x128xf32, #tpu.memory_space<vmem>>, vector<1x16xf32>,
        %get3A_427 = vector.shape_cast %get3A_426 : vector<1x16xf32> to vector<16xf32>
        %mul3A_428 = arith.mulf %get3A_427, %broadcast_in_dim3A_349 : vector<16xf32>
        %swap3A_429 = arith.index_cast %add3A_353 : i32 to index
        %swap3A_430 = arith.constant 112 : index
        %swap3A_431 = tpu.vector_load %arg19[%swap3A_429, %swap3A_430] {strides = array<i32>} : memref<128x128xf32, #tpu.memory_space<vmem>>, vector<1x16xf32>,
        %swap3A_432 = vector.shape_cast %swap3A_431 : vector<1x16xf32> to vector<16xf32>
        %swap3A_433 = vector.shape_cast %mul3A_428 : vector<16xf32> to vector<1x16xf32>
        tpu.vector_store %arg19[%swap3A_429, %swap3A_430], %swap3A_433 {strides = array<i32>} : memref<128x128xf32, #tpu.memory_space<vmem>>, vector<1x16xf32>,
        %slice3A_434 = vector.extract_strided_slice %get3A_175 {offsets = [3], sizes = [1], strides = [1]} : vector<16xf32> to vector<1xf32>
        %squeeze3A_435 = vector.extract %slice3A_434[0] : f32 from vector<1xf32>
        %broadcast_in_dim3A_436 = vector.broadcast %squeeze3A_435 : f32 to vector<16xf32>
        %mul3A_437 = arith.constant 16 : i32
        %mul3A_438 = arith.muli %scan3A_170, %mul3A_437 : i32
        %add3A_439 = arith.constant 3 : i32
        %add3A_440 = arith.addi %mul3A_438, %add3A_439 : i32
        %get3A_441 = arith.index_cast %add3A_440 : i32 to index
        %get3A_442 = arith.constant 0 : index
        %get3A_443 = tpu.vector_load %arg19[%get3A_441, %get3A_442] {strides = array<i32>} : memref<128x128xf32, #tpu.memory_space<vmem>>, vector<1x16xf32>,
        %get3A_444 = vector.shape_cast %get3A_443 : vector<1x16xf32> to vector<16xf32>
        %mul3A_445 = arith.mulf %get3A_444, %broadcast_in_dim3A_436 : vector<16xf32>
        %swap3A_446 = arith.index_cast %add3A_440 : i32 to index
        %swap3A_447 = arith.constant 0 : index
        %swap3A_448 = tpu.vector_load %arg19[%swap3A_446, %swap3A_447] {strides = array<i32>} : memref<128x128xf32, #tpu.memory_space<vmem>>, vector<1x16xf32>,
        %swap3A_449 = vector.shape_cast %swap3A_448 : vector<1x16xf32> to vector<16xf32>
        %swap3A_450 = vector.shape_cast %mul3A_445 : vector<16xf32> to vector<1x16xf32>
        tpu.vector_store %arg19[%swap3A_446, %swap3A_447], %swap3A_450 {strides = array<i32>} : memref<128x128xf32, #tpu.memory_space<vmem>>, vector<1x16xf32>,
        %get3A_451 = arith.index_cast %add3A_440 : i32 to index
        %get3A_452 = arith.constant 16 : index
        %get3A_453 = tpu.vector_load %arg19[%get3A_451, %get3A_452] {strides = array<i32>} : memref<128x128xf32, #tpu.memory_space<vmem>>, vector<1x16xf32>,
        %get3A_454 = vector.shape_cast %get3A_453 : vector<1x16xf32> to vector<16xf32>
        %mul3A_455 = arith.mulf %get3A_454, %broadcast_in_dim3A_436 : vector<16xf32>
        %swap3A_456 = arith.index_cast %add3A_440 : i32 to index
        %swap3A_457 = arith.constant 16 : index
        %swap3A_458 = tpu.vector_load %arg19[%swap3A_456, %swap3A_457] {strides = array<i32>} : memref<128x128xf32, #tpu.memory_space<vmem>>, vector<1x16xf32>,
        %swap3A_459 = vector.shape_cast %swap3A_458 : vector<1x16xf32> to vector<16xf32>
        %swap3A_460 = vector.shape_cast %mul3A_455 : vector<16xf32> to vector<1x16xf32>
        tpu.vector_store %arg19[%swap3A_456, %swap3A_457], %swap3A_460 {strides = array<i32>} : memref<128x128xf32, #tpu.memory_space<vmem>>, vector<1x16xf32>,
        %get3A_461 = arith.index_cast %add3A_440 : i32 to index
        %get3A_462 = arith.constant 32 : index
        %get3A_463 = tpu.vector_load %arg19[%get3A_461, %get3A_462] {strides = array<i32>} : memref<128x128xf32, #tpu.memory_space<vmem>>, vector<1x16xf32>,
        %get3A_464 = vector.shape_cast %get3A_463 : vector<1x16xf32> to vector<16xf32>
        %mul3A_465 = arith.mulf %get3A_464, %broadcast_in_dim3A_436 : vector<16xf32>
        %swap3A_466 = arith.index_cast %add3A_440 : i32 to index
        %swap3A_467 = arith.constant 32 : index
        %swap3A_468 = tpu.vector_load %arg19[%swap3A_466, %swap3A_467] {strides = array<i32>} : memref<128x128xf32, #tpu.memory_space<vmem>>, vector<1x16xf32>,
        %swap3A_469 = vector.shape_cast %swap3A_468 : vector<1x16xf32> to vector<16xf32>
        %swap3A_470 = vector.shape_cast %mul3A_465 : vector<16xf32> to vector<1x16xf32>
        tpu.vector_store %arg19[%swap3A_466, %swap3A_467], %swap3A_470 {strides = array<i32>} : memref<128x128xf32, #tpu.memory_space<vmem>>, vector<1x16xf32>,
        %get3A_471 = arith.index_cast %add3A_440 : i32 to index
        %get3A_472 = arith.constant 48 : index
        %get3A_473 = tpu.vector_load %arg19[%get3A_471, %get3A_472] {strides = array<i32>} : memref<128x128xf32, #tpu.memory_space<vmem>>, vector<1x16xf32>,
        %get3A_474 = vector.shape_cast %get3A_473 : vector<1x16xf32> to vector<16xf32>
        %mul3A_475 = arith.mulf %get3A_474, %broadcast_in_dim3A_436 : vector<16xf32>
        %swap3A_476 = arith.index_cast %add3A_440 : i32 to index
        %swap3A_477 = arith.constant 48 : index
        %swap3A_478 = tpu.vector_load %arg19[%swap3A_476, %swap3A_477] {strides = array<i32>} : memref<128x128xf32, #tpu.memory_space<vmem>>, vector<1x16xf32>,
        %swap3A_479 = vector.shape_cast %swap3A_478 : vector<1x16xf32> to vector<16xf32>
        %swap3A_480 = vector.shape_cast %mul3A_475 : vector<16xf32> to vector<1x16xf32>
        tpu.vector_store %arg19[%swap3A_476, %swap3A_477], %swap3A_480 {strides = array<i32>} : memref<128x128xf32, #tpu.memory_space<vmem>>, vector<1x16xf32>,
        %get3A_481 = arith.index_cast %add3A_440 : i32 to index
        %get3A_482 = arith.constant 64 : index
        %get3A_483 = tpu.vector_load %arg19[%get3A_481, %get3A_482] {strides = array<i32>} : memref<128x128xf32, #tpu.memory_space<vmem>>, vector<1x16xf32>,
        %get3A_484 = vector.shape_cast %get3A_483 : vector<1x16xf32> to vector<16xf32>
        %mul3A_485 = arith.mulf %get3A_484, %broadcast_in_dim3A_436 : vector<16xf32>
        %swap3A_486 = arith.index_cast %add3A_440 : i32 to index
        %swap3A_487 = arith.constant 64 : index
        %swap3A_488 = tpu.vector_load %arg19[%swap3A_486, %swap3A_487] {strides = array<i32>} : memref<128x128xf32, #tpu.memory_space<vmem>>, vector<1x16xf32>,
        %swap3A_489 = vector.shape_cast %swap3A_488 : vector<1x16xf32> to vector<16xf32>
        %swap3A_490 = vector.shape_cast %mul3A_485 : vector<16xf32> to vector<1x16xf32>
        tpu.vector_store %arg19[%swap3A_486, %swap3A_487], %swap3A_490 {strides = array<i32>} : memref<128x128xf32, #tpu.memory_space<vmem>>, vector<1x16xf32>,
        %get3A_491 = arith.index_cast %add3A_440 : i32 to index
        %get3A_492 = arith.constant 80 : index
        %get3A_493 = tpu.vector_load %arg19[%get3A_491, %get3A_492] {strides = array<i32>} : memref<128x128xf32, #tpu.memory_space<vmem>>, vector<1x16xf32>,
        %get3A_494 = vector.shape_cast %get3A_493 : vector<1x16xf32> to vector<16xf32>
        %mul3A_495 = arith.mulf %get3A_494, %broadcast_in_dim3A_436 : vector<16xf32>
        %swap3A_496 = arith.index_cast %add3A_440 : i32 to index
        %swap3A_497 = arith.constant 80 : index
        %swap3A_498 = tpu.vector_load %arg19[%swap3A_496, %swap3A_497] {strides = array<i32>} : memref<128x128xf32, #tpu.memory_space<vmem>>, vector<1x16xf32>,
        %swap3A_499 = vector.shape_cast %swap3A_498 : vector<1x16xf32> to vector<16xf32>
        %swap3A_500 = vector.shape_cast %mul3A_495 : vector<16xf32> to vector<1x16xf32>
        tpu.vector_store %arg19[%swap3A_496, %swap3A_497], %swap3A_500 {strides = array<i32>} : memref<128x128xf32, #tpu.memory_space<vmem>>, vector<1x16xf32>,
        %get3A_501 = arith.index_cast %add3A_440 : i32 to index
        %get3A_502 = arith.constant 96 : index
        %get3A_503 = tpu.vector_load %arg19[%get3A_501, %get3A_502] {strides = array<i32>} : memref<128x128xf32, #tpu.memory_space<vmem>>, vector<1x16xf32>,
        %get3A_504 = vector.shape_cast %get3A_503 : vector<1x16xf32> to vector<16xf32>
        %mul3A_505 = arith.mulf %get3A_504, %broadcast_in_dim3A_436 : vector<16xf32>
        %swap3A_506 = arith.index_cast %add3A_440 : i32 to index
        %swap3A_507 = arith.constant 96 : index
        %swap3A_508 = tpu.vector_load %arg19[%swap3A_506, %swap3A_507] {strides = array<i32>} : memref<128x128xf32, #tpu.memory_space<vmem>>, vector<1x16xf32>,
        %swap3A_509 = vector.shape_cast %swap3A_508 : vector<1x16xf32> to vector<16xf32>
        %swap3A_510 = vector.shape_cast %mul3A_505 : vector<16xf32> to vector<1x16xf32>
        tpu.vector_store %arg19[%swap3A_506, %swap3A_507], %swap3A_510 {strides = array<i32>} : memref<128x128xf32, #tpu.memory_space<vmem>>, vector<1x16xf32>,
        %get3A_511 = arith.index_cast %add3A_440 : i32 to index
        %get3A_512 = arith.constant 112 : index
        %get3A_513 = tpu.vector_load %arg19[%get3A_511, %get3A_512] {strides = array<i32>} : memref<128x128xf32, #tpu.memory_space<vmem>>, vector<1x16xf32>,
        %get3A_514 = vector.shape_cast %get3A_513 : vector<1x16xf32> to vector<16xf32>
        %mul3A_515 = arith.mulf %get3A_514, %broadcast_in_dim3A_436 : vector<16xf32>
        %swap3A_516 = arith.index_cast %add3A_440 : i32 to index
        %swap3A_517 = arith.constant 112 : index
        %swap3A_518 = tpu.vector_load %arg19[%swap3A_516, %swap3A_517] {strides = array<i32>} : memref<128x128xf32, #tpu.memory_space<vmem>>, vector<1x16xf32>,
        %swap3A_519 = vector.shape_cast %swap3A_518 : vector<1x16xf32> to vector<16xf32>
        %swap3A_520 = vector.shape_cast %mul3A_515 : vector<16xf32> to vector<1x16xf32>
        tpu.vector_store %arg19[%swap3A_516, %swap3A_517], %swap3A_520 {strides = array<i32>} : memref<128x128xf32, #tpu.memory_space<vmem>>, vector<1x16xf32>,
        %slice3A_521 = vector.extract_strided_slice %get3A_175 {offsets = [4], sizes = [1], strides = [1]} : vector<16xf32> to vector<1xf32>
        %squeeze3A_522 = vector.extract %slice3A_521[0] : f32 from vector<1xf32>
        %broadcast_in_dim3A_523 = vector.broadcast %squeeze3A_522 : f32 to vector<16xf32>
        %mul3A_524 = arith.constant 16 : i32
        %mul3A_525 = arith.muli %scan3A_170, %mul3A_524 : i32
        %add3A_526 = arith.constant 4 : i32
        %add3A_527 = arith.addi %mul3A_525, %add3A_526 : i32
        %get3A_528 = arith.index_cast %add3A_527 : i32 to index
        %get3A_529 = arith.constant 0 : index
        %get3A_530 = tpu.vector_load %arg19[%get3A_528, %get3A_529] {strides = array<i32>} : memref<128x128xf32, #tpu.memory_space<vmem>>, vector<1x16xf32>,
        %get3A_531 = vector.shape_cast %get3A_530 : vector<1x16xf32> to vector<16xf32>
        %mul3A_532 = arith.mulf %get3A_531, %broadcast_in_dim3A_523 : vector<16xf32>
        %swap3A_533 = arith.index_cast %add3A_527 : i32 to index
        %swap3A_534 = arith.constant 0 : index
        %swap3A_535 = tpu.vector_load %arg19[%swap3A_533, %swap3A_534] {strides = array<i32>} : memref<128x128xf32, #tpu.memory_space<vmem>>, vector<1x16xf32>,
        %swap3A_536 = vector.shape_cast %swap3A_535 : vector<1x16xf32> to vector<16xf32>
        %swap3A_537 = vector.shape_cast %mul3A_532 : vector<16xf32> to vector<1x16xf32>
        tpu.vector_store %arg19[%swap3A_533, %swap3A_534], %swap3A_537 {strides = array<i32>} : memref<128x128xf32, #tpu.memory_space<vmem>>, vector<1x16xf32>,
        %get3A_538 = arith.index_cast %add3A_527 : i32 to index
        %get3A_539 = arith.constant 16 : index
        %get3A_540 = tpu.vector_load %arg19[%get3A_538, %get3A_539] {strides = array<i32>} : memref<128x128xf32, #tpu.memory_space<vmem>>, vector<1x16xf32>,
        %get3A_541 = vector.shape_cast %get3A_540 : vector<1x16xf32> to vector<16xf32>
        %mul3A_542 = arith.mulf %get3A_541, %broadcast_in_dim3A_523 : vector<16xf32>
        %swap3A_543 = arith.index_cast %add3A_527 : i32 to index
        %swap3A_544 = arith.constant 16 : index
        %swap3A_545 = tpu.vector_load %arg19[%swap3A_543, %swap3A_544] {strides = array<i32>} : memref<128x128xf32, #tpu.memory_space<vmem>>, vector<1x16xf32>,
        %swap3A_546 = vector.shape_cast %swap3A_545 : vector<1x16xf32> to vector<16xf32>
        %swap3A_547 = vector.shape_cast %mul3A_542 : vector<16xf32> to vector<1x16xf32>
        tpu.vector_store %arg19[%swap3A_543, %swap3A_544], %swap3A_547 {strides = array<i32>} : memref<128x128xf32, #tpu.memory_space<vmem>>, vector<1x16xf32>,
        %get3A_548 = arith.index_cast %add3A_527 : i32 to index
        %get3A_549 = arith.constant 32 : index
        %get3A_550 = tpu.vector_load %arg19[%get3A_548, %get3A_549] {strides = array<i32>} : memref<128x128xf32, #tpu.memory_space<vmem>>, vector<1x16xf32>,
        %get3A_551 = vector.shape_cast %get3A_550 : vector<1x16xf32> to vector<16xf32>
        %mul3A_552 = arith.mulf %get3A_551, %broadcast_in_dim3A_523 : vector<16xf32>
        %swap3A_553 = arith.index_cast %add3A_527 : i32 to index
        %swap3A_554 = arith.constant 32 : index
        %swap3A_555 = tpu.vector_load %arg19[%swap3A_553, %swap3A_554] {strides = array<i32>} : memref<128x128xf32, #tpu.memory_space<vmem>>, vector<1x16xf32>,
        %swap3A_556 = vector.shape_cast %swap3A_555 : vector<1x16xf32> to vector<16xf32>
        %swap3A_557 = vector.shape_cast %mul3A_552 : vector<16xf32> to vector<1x16xf32>
        tpu.vector_store %arg19[%swap3A_553, %swap3A_554], %swap3A_557 {strides = array<i32>} : memref<128x128xf32, #tpu.memory_space<vmem>>, vector<1x16xf32>,
        %get3A_558 = arith.index_cast %add3A_527 : i32 to index
        %get3A_559 = arith.constant 48 : index
        %get3A_560 = tpu.vector_load %arg19[%get3A_558, %get3A_559] {strides = array<i32>} : memref<128x128xf32, #tpu.memory_space<vmem>>, vector<1x16xf32>,
        %get3A_561 = vector.shape_cast %get3A_560 : vector<1x16xf32> to vector<16xf32>
        %mul3A_562 = arith.mulf %get3A_561, %broadcast_in_dim3A_523 : vector<16xf32>
        %swap3A_563 = arith.index_cast %add3A_527 : i32 to index
        %swap3A_564 = arith.constant 48 : index
        %swap3A_565 = tpu.vector_load %arg19[%swap3A_563, %swap3A_564] {strides = array<i32>} : memref<128x128xf32, #tpu.memory_space<vmem>>, vector<1x16xf32>,
        %swap3A_566 = vector.shape_cast %swap3A_565 : vector<1x16xf32> to vector<16xf32>
        %swap3A_567 = vector.shape_cast %mul3A_562 : vector<16xf32> to vector<1x16xf32>
        tpu.vector_store %arg19[%swap3A_563, %swap3A_564], %swap3A_567 {strides = array<i32>} : memref<128x128xf32, #tpu.memory_space<vmem>>, vector<1x16xf32>,
        %get3A_568 = arith.index_cast %add3A_527 : i32 to index
        %get3A_569 = arith.constant 64 : index
        %get3A_570 = tpu.vector_load %arg19[%get3A_568, %get3A_569] {strides = array<i32>} : memref<128x128xf32, #tpu.memory_space<vmem>>, vector<1x16xf32>,
        %get3A_571 = vector.shape_cast %get3A_570 : vector<1x16xf32> to vector<16xf32>
        %mul3A_572 = arith.mulf %get3A_571, %broadcast_in_dim3A_523 : vector<16xf32>
        %swap3A_573 = arith.index_cast %add3A_527 : i32 to index
        %swap3A_574 = arith.constant 64 : index
        %swap3A_575 = tpu.vector_load %arg19[%swap3A_573, %swap3A_574] {strides = array<i32>} : memref<128x128xf32, #tpu.memory_space<vmem>>, vector<1x16xf32>,
        %swap3A_576 = vector.shape_cast %swap3A_575 : vector<1x16xf32> to vector<16xf32>
        %swap3A_577 = vector.shape_cast %mul3A_572 : vector<16xf32> to vector<1x16xf32>
        tpu.vector_store %arg19[%swap3A_573, %swap3A_574], %swap3A_577 {strides = array<i32>} : memref<128x128xf32, #tpu.memory_space<vmem>>, vector<1x16xf32>,
        %get3A_578 = arith.index_cast %add3A_527 : i32 to index
        %get3A_579 = arith.constant 80 : index
        %get3A_580 = tpu.vector_load %arg19[%get3A_578, %get3A_579] {strides = array<i32>} : memref<128x128xf32, #tpu.memory_space<vmem>>, vector<1x16xf32>,
        %get3A_581 = vector.shape_cast %get3A_580 : vector<1x16xf32> to vector<16xf32>
        %mul3A_582 = arith.mulf %get3A_581, %broadcast_in_dim3A_523 : vector<16xf32>
        %swap3A_583 = arith.index_cast %add3A_527 : i32 to index
        %swap3A_584 = arith.constant 80 : index
        %swap3A_585 = tpu.vector_load %arg19[%swap3A_583, %swap3A_584] {strides = array<i32>} : memref<128x128xf32, #tpu.memory_space<vmem>>, vector<1x16xf32>,
        %swap3A_586 = vector.shape_cast %swap3A_585 : vector<1x16xf32> to vector<16xf32>
        %swap3A_587 = vector.shape_cast %mul3A_582 : vector<16xf32> to vector<1x16xf32>
        tpu.vector_store %arg19[%swap3A_583, %swap3A_584], %swap3A_587 {strides = array<i32>} : memref<128x128xf32, #tpu.memory_space<vmem>>, vector<1x16xf32>,
        %get3A_588 = arith.index_cast %add3A_527 : i32 to index
        %get3A_589 = arith.constant 96 : index
        %get3A_590 = tpu.vector_load %arg19[%get3A_588, %get3A_589] {strides = array<i32>} : memref<128x128xf32, #tpu.memory_space<vmem>>, vector<1x16xf32>,
        %get3A_591 = vector.shape_cast %get3A_590 : vector<1x16xf32> to vector<16xf32>
        %mul3A_592 = arith.mulf %get3A_591, %broadcast_in_dim3A_523 : vector<16xf32>
        %swap3A_593 = arith.index_cast %add3A_527 : i32 to index
        %swap3A_594 = arith.constant 96 : index
        %swap3A_595 = tpu.vector_load %arg19[%swap3A_593, %swap3A_594] {strides = array<i32>} : memref<128x128xf32, #tpu.memory_space<vmem>>, vector<1x16xf32>,
        %swap3A_596 = vector.shape_cast %swap3A_595 : vector<1x16xf32> to vector<16xf32>
        %swap3A_597 = vector.shape_cast %mul3A_592 : vector<16xf32> to vector<1x16xf32>
        tpu.vector_store %arg19[%swap3A_593, %swap3A_594], %swap3A_597 {strides = array<i32>} : memref<128x128xf32, #tpu.memory_space<vmem>>, vector<1x16xf32>,
        %get3A_598 = arith.index_cast %add3A_527 : i32 to index
        %get3A_599 = arith.constant 112 : index
        %get3A_600 = tpu.vector_load %arg19[%get3A_598, %get3A_599] {strides = array<i32>} : memref<128x128xf32, #tpu.memory_space<vmem>>, vector<1x16xf32>,
        %get3A_601 = vector.shape_cast %get3A_600 : vector<1x16xf32> to vector<16xf32>
        %mul3A_602 = arith.mulf %get3A_601, %broadcast_in_dim3A_523 : vector<16xf32>
        %swap3A_603 = arith.index_cast %add3A_527 : i32 to index
        %swap3A_604 = arith.constant 112 : index
        %swap3A_605 = tpu.vector_load %arg19[%swap3A_603, %swap3A_604] {strides = array<i32>} : memref<128x128xf32, #tpu.memory_space<vmem>>, vector<1x16xf32>,
        %swap3A_606 = vector.shape_cast %swap3A_605 : vector<1x16xf32> to vector<16xf32>
        %swap3A_607 = vector.shape_cast %mul3A_602 : vector<16xf32> to vector<1x16xf32>
        tpu.vector_store %arg19[%swap3A_603, %swap3A_604], %swap3A_607 {strides = array<i32>} : memref<128x128xf32, #tpu.memory_space<vmem>>, vector<1x16xf32>,
        %slice3A_608 = vector.extract_strided_slice %get3A_175 {offsets = [5], sizes = [1], strides = [1]} : vector<16xf32> to vector<1xf32>
        %squeeze3A_609 = vector.extract %slice3A_608[0] : f32 from vector<1xf32>
        %broadcast_in_dim3A_610 = vector.broadcast %squeeze3A_609 : f32 to vector<16xf32>
        %mul3A_611 = arith.constant 16 : i32
        %mul3A_612 = arith.muli %scan3A_170, %mul3A_611 : i32
        %add3A_613 = arith.constant 5 : i32
        %add3A_614 = arith.addi %mul3A_612, %add3A_613 : i32
        %get3A_615 = arith.index_cast %add3A_614 : i32 to index
        %get3A_616 = arith.constant 0 : index
        %get3A_617 = tpu.vector_load %arg19[%get3A_615, %get3A_616] {strides = array<i32>} : memref<128x128xf32, #tpu.memory_space<vmem>>, vector<1x16xf32>,
        %get3A_618 = vector.shape_cast %get3A_617 : vector<1x16xf32> to vector<16xf32>
        %mul3A_619 = arith.mulf %get3A_618, %broadcast_in_dim3A_610 : vector<16xf32>
        %swap3A_620 = arith.index_cast %add3A_614 : i32 to index
        %swap3A_621 = arith.constant 0 : index
        %swap3A_622 = tpu.vector_load %arg19[%swap3A_620, %swap3A_621] {strides = array<i32>} : memref<128x128xf32, #tpu.memory_space<vmem>>, vector<1x16xf32>,
        %swap3A_623 = vector.shape_cast %swap3A_622 : vector<1x16xf32> to vector<16xf32>
        %swap3A_624 = vector.shape_cast %mul3A_619 : vector<16xf32> to vector<1x16xf32>
        tpu.vector_store %arg19[%swap3A_620, %swap3A_621], %swap3A_624 {strides = array<i32>} : memref<128x128xf32, #tpu.memory_space<vmem>>, vector<1x16xf32>,
        %get3A_625 = arith.index_cast %add3A_614 : i32 to index
        %get3A_626 = arith.constant 16 : index
        %get3A_627 = tpu.vector_load %arg19[%get3A_625, %get3A_626] {strides = array<i32>} : memref<128x128xf32, #tpu.memory_space<vmem>>, vector<1x16xf32>,
        %get3A_628 = vector.shape_cast %get3A_627 : vector<1x16xf32> to vector<16xf32>
        %mul3A_629 = arith.mulf %get3A_628, %broadcast_in_dim3A_610 : vector<16xf32>
        %swap3A_630 = arith.index_cast %add3A_614 : i32 to index
        %swap3A_631 = arith.constant 16 : index
        %swap3A_632 = tpu.vector_load %arg19[%swap3A_630, %swap3A_631] {strides = array<i32>} : memref<128x128xf32, #tpu.memory_space<vmem>>, vector<1x16xf32>,
        %swap3A_633 = vector.shape_cast %swap3A_632 : vector<1x16xf32> to vector<16xf32>
        %swap3A_634 = vector.shape_cast %mul3A_629 : vector<16xf32> to vector<1x16xf32>
        tpu.vector_store %arg19[%swap3A_630, %swap3A_631], %swap3A_634 {strides = array<i32>} : memref<128x128xf32, #tpu.memory_space<vmem>>, vector<1x16xf32>,
        %get3A_635 = arith.index_cast %add3A_614 : i32 to index
        %get3A_636 = arith.constant 32 : index
        %get3A_637 = tpu.vector_load %arg19[%get3A_635, %get3A_636] {strides = array<i32>} : memref<128x128xf32, #tpu.memory_space<vmem>>, vector<1x16xf32>,
        %get3A_638 = vector.shape_cast %get3A_637 : vector<1x16xf32> to vector<16xf32>
        %mul3A_639 = arith.mulf %get3A_638, %broadcast_in_dim3A_610 : vector<16xf32>
        %swap3A_640 = arith.index_cast %add3A_614 : i32 to index
        %swap3A_641 = arith.constant 32 : index
        %swap3A_642 = tpu.vector_load %arg19[%swap3A_640, %swap3A_641] {strides = array<i32>} : memref<128x128xf32, #tpu.memory_space<vmem>>, vector<1x16xf32>,
        %swap3A_643 = vector.shape_cast %swap3A_642 : vector<1x16xf32> to vector<16xf32>
        %swap3A_644 = vector.shape_cast %mul3A_639 : vector<16xf32> to vector<1x16xf32>
        tpu.vector_store %arg19[%swap3A_640, %swap3A_641], %swap3A_644 {strides = array<i32>} : memref<128x128xf32, #tpu.memory_space<vmem>>, vector<1x16xf32>,
        %get3A_645 = arith.index_cast %add3A_614 : i32 to index
        %get3A_646 = arith.constant 48 : index
        %get3A_647 = tpu.vector_load %arg19[%get3A_645, %get3A_646] {strides = array<i32>} : memref<128x128xf32, #tpu.memory_space<vmem>>, vector<1x16xf32>,
        %get3A_648 = vector.shape_cast %get3A_647 : vector<1x16xf32> to vector<16xf32>
        %mul3A_649 = arith.mulf %get3A_648, %broadcast_in_dim3A_610 : vector<16xf32>
        %swap3A_650 = arith.index_cast %add3A_614 : i32 to index
        %swap3A_651 = arith.constant 48 : index
        %swap3A_652 = tpu.vector_load %arg19[%swap3A_650, %swap3A_651] {strides = array<i32>} : memref<128x128xf32, #tpu.memory_space<vmem>>, vector<1x16xf32>,
        %swap3A_653 = vector.shape_cast %swap3A_652 : vector<1x16xf32> to vector<16xf32>
        %swap3A_654 = vector.shape_cast %mul3A_649 : vector<16xf32> to vector<1x16xf32>
        tpu.vector_store %arg19[%swap3A_650, %swap3A_651], %swap3A_654 {strides = array<i32>} : memref<128x128xf32, #tpu.memory_space<vmem>>, vector<1x16xf32>,
        %get3A_655 = arith.index_cast %add3A_614 : i32 to index
        %get3A_656 = arith.constant 64 : index
        %get3A_657 = tpu.vector_load %arg19[%get3A_655, %get3A_656] {strides = array<i32>} : memref<128x128xf32, #tpu.memory_space<vmem>>, vector<1x16xf32>,
        %get3A_658 = vector.shape_cast %get3A_657 : vector<1x16xf32> to vector<16xf32>
        %mul3A_659 = arith.mulf %get3A_658, %broadcast_in_dim3A_610 : vector<16xf32>
        %swap3A_660 = arith.index_cast %add3A_614 : i32 to index
        %swap3A_661 = arith.constant 64 : index
        %swap3A_662 = tpu.vector_load %arg19[%swap3A_660, %swap3A_661] {strides = array<i32>} : memref<128x128xf32, #tpu.memory_space<vmem>>, vector<1x16xf32>,
        %swap3A_663 = vector.shape_cast %swap3A_662 : vector<1x16xf32> to vector<16xf32>
        %swap3A_664 = vector.shape_cast %mul3A_659 : vector<16xf32> to vector<1x16xf32>
        tpu.vector_store %arg19[%swap3A_660, %swap3A_661], %swap3A_664 {strides = array<i32>} : memref<128x128xf32, #tpu.memory_space<vmem>>, vector<1x16xf32>,
        %get3A_665 = arith.index_cast %add3A_614 : i32 to index
        %get3A_666 = arith.constant 80 : index
        %get3A_667 = tpu.vector_load %arg19[%get3A_665, %get3A_666] {strides = array<i32>} : memref<128x128xf32, #tpu.memory_space<vmem>>, vector<1x16xf32>,
        %get3A_668 = vector.shape_cast %get3A_667 : vector<1x16xf32> to vector<16xf32>
        %mul3A_669 = arith.mulf %get3A_668, %broadcast_in_dim3A_610 : vector<16xf32>
        %swap3A_670 = arith.index_cast %add3A_614 : i32 to index
        %swap3A_671 = arith.constant 80 : index
        %swap3A_672 = tpu.vector_load %arg19[%swap3A_670, %swap3A_671] {strides = array<i32>} : memref<128x128xf32, #tpu.memory_space<vmem>>, vector<1x16xf32>,
        %swap3A_673 = vector.shape_cast %swap3A_672 : vector<1x16xf32> to vector<16xf32>
        %swap3A_674 = vector.shape_cast %mul3A_669 : vector<16xf32> to vector<1x16xf32>
        tpu.vector_store %arg19[%swap3A_670, %swap3A_671], %swap3A_674 {strides = array<i32>} : memref<128x128xf32, #tpu.memory_space<vmem>>, vector<1x16xf32>,
        %get3A_675 = arith.index_cast %add3A_614 : i32 to index
        %get3A_676 = arith.constant 96 : index
        %get3A_677 = tpu.vector_load %arg19[%get3A_675, %get3A_676] {strides = array<i32>} : memref<128x128xf32, #tpu.memory_space<vmem>>, vector<1x16xf32>,
        %get3A_678 = vector.shape_cast %get3A_677 : vector<1x16xf32> to vector<16xf32>
        %mul3A_679 = arith.mulf %get3A_678, %broadcast_in_dim3A_610 : vector<16xf32>
        %swap3A_680 = arith.index_cast %add3A_614 : i32 to index
        %swap3A_681 = arith.constant 96 : index
        %swap3A_682 = tpu.vector_load %arg19[%swap3A_680, %swap3A_681] {strides = array<i32>} : memref<128x128xf32, #tpu.memory_space<vmem>>, vector<1x16xf32>,
        %swap3A_683 = vector.shape_cast %swap3A_682 : vector<1x16xf32> to vector<16xf32>
        %swap3A_684 = vector.shape_cast %mul3A_679 : vector<16xf32> to vector<1x16xf32>
        tpu.vector_store %arg19[%swap3A_680, %swap3A_681], %swap3A_684 {strides = array<i32>} : memref<128x128xf32, #tpu.memory_space<vmem>>, vector<1x16xf32>,
        %get3A_685 = arith.index_cast %add3A_614 : i32 to index
        %get3A_686 = arith.constant 112 : index
        %get3A_687 = tpu.vector_load %arg19[%get3A_685, %get3A_686] {strides = array<i32>} : memref<128x128xf32, #tpu.memory_space<vmem>>, vector<1x16xf32>,
        %get3A_688 = vector.shape_cast %get3A_687 : vector<1x16xf32> to vector<16xf32>
        %mul3A_689 = arith.mulf %get3A_688, %broadcast_in_dim3A_610 : vector<16xf32>
        %swap3A_690 = arith.index_cast %add3A_614 : i32 to index
        %swap3A_691 = arith.constant 112 : index
        %swap3A_692 = tpu.vector_load %arg19[%swap3A_690, %swap3A_691] {strides = array<i32>} : memref<128x128xf32, #tpu.memory_space<vmem>>, vector<1x16xf32>,
        %swap3A_693 = vector.shape_cast %swap3A_692 : vector<1x16xf32> to vector<16xf32>
        %swap3A_694 = vector.shape_cast %mul3A_689 : vector<16xf32> to vector<1x16xf32>
        tpu.vector_store %arg19[%swap3A_690, %swap3A_691], %swap3A_694 {strides = array<i32>} : memref<128x128xf32, #tpu.memory_space<vmem>>, vector<1x16xf32>,
        %slice3A_695 = vector.extract_strided_slice %get3A_175 {offsets = [6], sizes = [1], strides = [1]} : vector<16xf32> to vector<1xf32>
        %squeeze3A_696 = vector.extract %slice3A_695[0] : f32 from vector<1xf32>
        %broadcast_in_dim3A_697 = vector.broadcast %squeeze3A_696 : f32 to vector<16xf32>
        %mul3A_698 = arith.constant 16 : i32
        %mul3A_699 = arith.muli %scan3A_170, %mul3A_698 : i32
        %add3A_700 = arith.constant 6 : i32
        %add3A_701 = arith.addi %mul3A_699, %add3A_700 : i32
        %get3A_702 = arith.index_cast %add3A_701 : i32 to index
        %get3A_703 = arith.constant 0 : index
        %get3A_704 = tpu.vector_load %arg19[%get3A_702, %get3A_703] {strides = array<i32>} : memref<128x128xf32, #tpu.memory_space<vmem>>, vector<1x16xf32>,
        %get3A_705 = vector.shape_cast %get3A_704 : vector<1x16xf32> to vector<16xf32>
        %mul3A_706 = arith.mulf %get3A_705, %broadcast_in_dim3A_697 : vector<16xf32>
        %swap3A_707 = arith.index_cast %add3A_701 : i32 to index
        %swap3A_708 = arith.constant 0 : index
        %swap3A_709 = tpu.vector_load %arg19[%swap3A_707, %swap3A_708] {strides = array<i32>} : memref<128x128xf32, #tpu.memory_space<vmem>>, vector<1x16xf32>,
        %swap3A_710 = vector.shape_cast %swap3A_709 : vector<1x16xf32> to vector<16xf32>
        %swap3A_711 = vector.shape_cast %mul3A_706 : vector<16xf32> to vector<1x16xf32>
        tpu.vector_store %arg19[%swap3A_707, %swap3A_708], %swap3A_711 {strides = array<i32>} : memref<128x128xf32, #tpu.memory_space<vmem>>, vector<1x16xf32>,
        %get3A_712 = arith.index_cast %add3A_701 : i32 to index
        %get3A_713 = arith.constant 16 : index
        %get3A_714 = tpu.vector_load %arg19[%get3A_712, %get3A_713] {strides = array<i32>} : memref<128x128xf32, #tpu.memory_space<vmem>>, vector<1x16xf32>,
        %get3A_715 = vector.shape_cast %get3A_714 : vector<1x16xf32> to vector<16xf32>
        %mul3A_716 = arith.mulf %get3A_715, %broadcast_in_dim3A_697 : vector<16xf32>
        %swap3A_717 = arith.index_cast %add3A_701 : i32 to index
        %swap3A_718 = arith.constant 16 : index
        %swap3A_719 = tpu.vector_load %arg19[%swap3A_717, %swap3A_718] {strides = array<i32>} : memref<128x128xf32, #tpu.memory_space<vmem>>, vector<1x16xf32>,
        %swap3A_720 = vector.shape_cast %swap3A_719 : vector<1x16xf32> to vector<16xf32>
        %swap3A_721 = vector.shape_cast %mul3A_716 : vector<16xf32> to vector<1x16xf32>
        tpu.vector_store %arg19[%swap3A_717, %swap3A_718], %swap3A_721 {strides = array<i32>} : memref<128x128xf32, #tpu.memory_space<vmem>>, vector<1x16xf32>,
        %get3A_722 = arith.index_cast %add3A_701 : i32 to index
        %get3A_723 = arith.constant 32 : index
        %get3A_724 = tpu.vector_load %arg19[%get3A_722, %get3A_723] {strides = array<i32>} : memref<128x128xf32, #tpu.memory_space<vmem>>, vector<1x16xf32>,
        %get3A_725 = vector.shape_cast %get3A_724 : vector<1x16xf32> to vector<16xf32>
        %mul3A_726 = arith.mulf %get3A_725, %broadcast_in_dim3A_697 : vector<16xf32>
        %swap3A_727 = arith.index_cast %add3A_701 : i32 to index
        %swap3A_728 = arith.constant 32 : index
        %swap3A_729 = tpu.vector_load %arg19[%swap3A_727, %swap3A_728] {strides = array<i32>} : memref<128x128xf32, #tpu.memory_space<vmem>>, vector<1x16xf32>,
        %swap3A_730 = vector.shape_cast %swap3A_729 : vector<1x16xf32> to vector<16xf32>
        %swap3A_731 = vector.shape_cast %mul3A_726 : vector<16xf32> to vector<1x16xf32>
        tpu.vector_store %arg19[%swap3A_727, %swap3A_728], %swap3A_731 {strides = array<i32>} : memref<128x128xf32, #tpu.memory_space<vmem>>, vector<1x16xf32>,
        %get3A_732 = arith.index_cast %add3A_701 : i32 to index
        %get3A_733 = arith.constant 48 : index
        %get3A_734 = tpu.vector_load %arg19[%get3A_732, %get3A_733] {strides = array<i32>} : memref<128x128xf32, #tpu.memory_space<vmem>>, vector<1x16xf32>,
        %get3A_735 = vector.shape_cast %get3A_734 : vector<1x16xf32> to vector<16xf32>
        %mul3A_736 = arith.mulf %get3A_735, %broadcast_in_dim3A_697 : vector<16xf32>
        %swap3A_737 = arith.index_cast %add3A_701 : i32 to index
        %swap3A_738 = arith.constant 48 : index
        %swap3A_739 = tpu.vector_load %arg19[%swap3A_737, %swap3A_738] {strides = array<i32>} : memref<128x128xf32, #tpu.memory_space<vmem>>, vector<1x16xf32>,
        %swap3A_740 = vector.shape_cast %swap3A_739 : vector<1x16xf32> to vector<16xf32>
        %swap3A_741 = vector.shape_cast %mul3A_736 : vector<16xf32> to vector<1x16xf32>
        tpu.vector_store %arg19[%swap3A_737, %swap3A_738], %swap3A_741 {strides = array<i32>} : memref<128x128xf32, #tpu.memory_space<vmem>>, vector<1x16xf32>,
        %get3A_742 = arith.index_cast %add3A_701 : i32 to index
        %get3A_743 = arith.constant 64 : index
        %get3A_744 = tpu.vector_load %arg19[%get3A_742, %get3A_743] {strides = array<i32>} : memref<128x128xf32, #tpu.memory_space<vmem>>, vector<1x16xf32>,
        %get3A_745 = vector.shape_cast %get3A_744 : vector<1x16xf32> to vector<16xf32>
        %mul3A_746 = arith.mulf %get3A_745, %broadcast_in_dim3A_697 : vector<16xf32>
        %swap3A_747 = arith.index_cast %add3A_701 : i32 to index
        %swap3A_748 = arith.constant 64 : index
        %swap3A_749 = tpu.vector_load %arg19[%swap3A_747, %swap3A_748] {strides = array<i32>} : memref<128x128xf32, #tpu.memory_space<vmem>>, vector<1x16xf32>,
        %swap3A_750 = vector.shape_cast %swap3A_749 : vector<1x16xf32> to vector<16xf32>
        %swap3A_751 = vector.shape_cast %mul3A_746 : vector<16xf32> to vector<1x16xf32>
        tpu.vector_store %arg19[%swap3A_747, %swap3A_748], %swap3A_751 {strides = array<i32>} : memref<128x128xf32, #tpu.memory_space<vmem>>, vector<1x16xf32>,
        %get3A_752 = arith.index_cast %add3A_701 : i32 to index
        %get3A_753 = arith.constant 80 : index
        %get3A_754 = tpu.vector_load %arg19[%get3A_752, %get3A_753] {strides = array<i32>} : memref<128x128xf32, #tpu.memory_space<vmem>>, vector<1x16xf32>,
        %get3A_755 = vector.shape_cast %get3A_754 : vector<1x16xf32> to vector<16xf32>
        %mul3A_756 = arith.mulf %get3A_755, %broadcast_in_dim3A_697 : vector<16xf32>
        %swap3A_757 = arith.index_cast %add3A_701 : i32 to index
        %swap3A_758 = arith.constant 80 : index
        %swap3A_759 = tpu.vector_load %arg19[%swap3A_757, %swap3A_758] {strides = array<i32>} : memref<128x128xf32, #tpu.memory_space<vmem>>, vector<1x16xf32>,
        %swap3A_760 = vector.shape_cast %swap3A_759 : vector<1x16xf32> to vector<16xf32>
        %swap3A_761 = vector.shape_cast %mul3A_756 : vector<16xf32> to vector<1x16xf32>
        tpu.vector_store %arg19[%swap3A_757, %swap3A_758], %swap3A_761 {strides = array<i32>} : memref<128x128xf32, #tpu.memory_space<vmem>>, vector<1x16xf32>,
        %get3A_762 = arith.index_cast %add3A_701 : i32 to index
        %get3A_763 = arith.constant 96 : index
        %get3A_764 = tpu.vector_load %arg19[%get3A_762, %get3A_763] {strides = array<i32>} : memref<128x128xf32, #tpu.memory_space<vmem>>, vector<1x16xf32>,
        %get3A_765 = vector.shape_cast %get3A_764 : vector<1x16xf32> to vector<16xf32>
        %mul3A_766 = arith.mulf %get3A_765, %broadcast_in_dim3A_697 : vector<16xf32>
        %swap3A_767 = arith.index_cast %add3A_701 : i32 to index
        %swap3A_768 = arith.constant 96 : index
        %swap3A_769 = tpu.vector_load %arg19[%swap3A_767, %swap3A_768] {strides = array<i32>} : memref<128x128xf32, #tpu.memory_space<vmem>>, vector<1x16xf32>,
        %swap3A_770 = vector.shape_cast %swap3A_769 : vector<1x16xf32> to vector<16xf32>
        %swap3A_771 = vector.shape_cast %mul3A_766 : vector<16xf32> to vector<1x16xf32>
        tpu.vector_store %arg19[%swap3A_767, %swap3A_768], %swap3A_771 {strides = array<i32>} : memref<128x128xf32, #tpu.memory_space<vmem>>, vector<1x16xf32>,
        %get3A_772 = arith.index_cast %add3A_701 : i32 to index
        %get3A_773 = arith.constant 112 : index
        %get3A_774 = tpu.vector_load %arg19[%get3A_772, %get3A_773] {strides = array<i32>} : memref<128x128xf32, #tpu.memory_space<vmem>>, vector<1x16xf32>,
        %get3A_775 = vector.shape_cast %get3A_774 : vector<1x16xf32> to vector<16xf32>
        %mul3A_776 = arith.mulf %get3A_775, %broadcast_in_dim3A_697 : vector<16xf32>
        %swap3A_777 = arith.index_cast %add3A_701 : i32 to index
        %swap3A_778 = arith.constant 112 : index
        %swap3A_779 = tpu.vector_load %arg19[%swap3A_777, %swap3A_778] {strides = array<i32>} : memref<128x128xf32, #tpu.memory_space<vmem>>, vector<1x16xf32>,
        %swap3A_780 = vector.shape_cast %swap3A_779 : vector<1x16xf32> to vector<16xf32>
        %swap3A_781 = vector.shape_cast %mul3A_776 : vector<16xf32> to vector<1x16xf32>
        tpu.vector_store %arg19[%swap3A_777, %swap3A_778], %swap3A_781 {strides = array<i32>} : memref<128x128xf32, #tpu.memory_space<vmem>>, vector<1x16xf32>,
        %slice3A_782 = vector.extract_strided_slice %get3A_175 {offsets = [7], sizes = [1], strides = [1]} : vector<16xf32> to vector<1xf32>
        %squeeze3A_783 = vector.extract %slice3A_782[0] : f32 from vector<1xf32>
        %broadcast_in_dim3A_784 = vector.broadcast %squeeze3A_783 : f32 to vector<16xf32>
        %mul3A_785 = arith.constant 16 : i32
        %mul3A_786 = arith.muli %scan3A_170, %mul3A_785 : i32
        %add3A_787 = arith.constant 7 : i32
        %add3A_788 = arith.addi %mul3A_786, %add3A_787 : i32
        %get3A_789 = arith.index_cast %add3A_788 : i32 to index
        %get3A_790 = arith.constant 0 : index
        %get3A_791 = tpu.vector_load %arg19[%get3A_789, %get3A_790] {strides = array<i32>} : memref<128x128xf32, #tpu.memory_space<vmem>>, vector<1x16xf32>,
        %get3A_792 = vector.shape_cast %get3A_791 : vector<1x16xf32> to vector<16xf32>
        %mul3A_793 = arith.mulf %get3A_792, %broadcast_in_dim3A_784 : vector<16xf32>
        %swap3A_794 = arith.index_cast %add3A_788 : i32 to index
        %swap3A_795 = arith.constant 0 : index
        %swap3A_796 = tpu.vector_load %arg19[%swap3A_794, %swap3A_795] {strides = array<i32>} : memref<128x128xf32, #tpu.memory_space<vmem>>, vector<1x16xf32>,
        %swap3A_797 = vector.shape_cast %swap3A_796 : vector<1x16xf32> to vector<16xf32>
        %swap3A_798 = vector.shape_cast %mul3A_793 : vector<16xf32> to vector<1x16xf32>
        tpu.vector_store %arg19[%swap3A_794, %swap3A_795], %swap3A_798 {strides = array<i32>} : memref<128x128xf32, #tpu.memory_space<vmem>>, vector<1x16xf32>,
        %get3A_799 = arith.index_cast %add3A_788 : i32 to index
        %get3A_800 = arith.constant 16 : index
        %get3A_801 = tpu.vector_load %arg19[%get3A_799, %get3A_800] {strides = array<i32>} : memref<128x128xf32, #tpu.memory_space<vmem>>, vector<1x16xf32>,
        %get3A_802 = vector.shape_cast %get3A_801 : vector<1x16xf32> to vector<16xf32>
        %mul3A_803 = arith.mulf %get3A_802, %broadcast_in_dim3A_784 : vector<16xf32>
        %swap3A_804 = arith.index_cast %add3A_788 : i32 to index
        %swap3A_805 = arith.constant 16 : index
        %swap3A_806 = tpu.vector_load %arg19[%swap3A_804, %swap3A_805] {strides = array<i32>} : memref<128x128xf32, #tpu.memory_space<vmem>>, vector<1x16xf32>,
        %swap3A_807 = vector.shape_cast %swap3A_806 : vector<1x16xf32> to vector<16xf32>
        %swap3A_808 = vector.shape_cast %mul3A_803 : vector<16xf32> to vector<1x16xf32>
        tpu.vector_store %arg19[%swap3A_804, %swap3A_805], %swap3A_808 {strides = array<i32>} : memref<128x128xf32, #tpu.memory_space<vmem>>, vector<1x16xf32>,
        %get3A_809 = arith.index_cast %add3A_788 : i32 to index
        %get3A_810 = arith.constant 32 : index
        %get3A_811 = tpu.vector_load %arg19[%get3A_809, %get3A_810] {strides = array<i32>} : memref<128x128xf32, #tpu.memory_space<vmem>>, vector<1x16xf32>,
        %get3A_812 = vector.shape_cast %get3A_811 : vector<1x16xf32> to vector<16xf32>
        %mul3A_813 = arith.mulf %get3A_812, %broadcast_in_dim3A_784 : vector<16xf32>
        %swap3A_814 = arith.index_cast %add3A_788 : i32 to index
        %swap3A_815 = arith.constant 32 : index
        %swap3A_816 = tpu.vector_load %arg19[%swap3A_814, %swap3A_815] {strides = array<i32>} : memref<128x128xf32, #tpu.memory_space<vmem>>, vector<1x16xf32>,
        %swap3A_817 = vector.shape_cast %swap3A_816 : vector<1x16xf32> to vector<16xf32>
        %swap3A_818 = vector.shape_cast %mul3A_813 : vector<16xf32> to vector<1x16xf32>
        tpu.vector_store %arg19[%swap3A_814, %swap3A_815], %swap3A_818 {strides = array<i32>} : memref<128x128xf32, #tpu.memory_space<vmem>>, vector<1x16xf32>,
        %get3A_819 = arith.index_cast %add3A_788 : i32 to index
        %get3A_820 = arith.constant 48 : index
        %get3A_821 = tpu.vector_load %arg19[%get3A_819, %get3A_820] {strides = array<i32>} : memref<128x128xf32, #tpu.memory_space<vmem>>, vector<1x16xf32>,
        %get3A_822 = vector.shape_cast %get3A_821 : vector<1x16xf32> to vector<16xf32>
        %mul3A_823 = arith.mulf %get3A_822, %broadcast_in_dim3A_784 : vector<16xf32>
        %swap3A_824 = arith.index_cast %add3A_788 : i32 to index
        %swap3A_825 = arith.constant 48 : index
        %swap3A_826 = tpu.vector_load %arg19[%swap3A_824, %swap3A_825] {strides = array<i32>} : memref<128x128xf32, #tpu.memory_space<vmem>>, vector<1x16xf32>,
        %swap3A_827 = vector.shape_cast %swap3A_826 : vector<1x16xf32> to vector<16xf32>
        %swap3A_828 = vector.shape_cast %mul3A_823 : vector<16xf32> to vector<1x16xf32>
        tpu.vector_store %arg19[%swap3A_824, %swap3A_825], %swap3A_828 {strides = array<i32>} : memref<128x128xf32, #tpu.memory_space<vmem>>, vector<1x16xf32>,
        %get3A_829 = arith.index_cast %add3A_788 : i32 to index
        %get3A_830 = arith.constant 64 : index
        %get3A_831 = tpu.vector_load %arg19[%get3A_829, %get3A_830] {strides = array<i32>} : memref<128x128xf32, #tpu.memory_space<vmem>>, vector<1x16xf32>,
        %get3A_832 = vector.shape_cast %get3A_831 : vector<1x16xf32> to vector<16xf32>
        %mul3A_833 = arith.mulf %get3A_832, %broadcast_in_dim3A_784 : vector<16xf32>
        %swap3A_834 = arith.index_cast %add3A_788 : i32 to index
        %swap3A_835 = arith.constant 64 : index
        %swap3A_836 = tpu.vector_load %arg19[%swap3A_834, %swap3A_835] {strides = array<i32>} : memref<128x128xf32, #tpu.memory_space<vmem>>, vector<1x16xf32>,
        %swap3A_837 = vector.shape_cast %swap3A_836 : vector<1x16xf32> to vector<16xf32>
        %swap3A_838 = vector.shape_cast %mul3A_833 : vector<16xf32> to vector<1x16xf32>
        tpu.vector_store %arg19[%swap3A_834, %swap3A_835], %swap3A_838 {strides = array<i32>} : memref<128x128xf32, #tpu.memory_space<vmem>>, vector<1x16xf32>,
        %get3A_839 = arith.index_cast %add3A_788 : i32 to index
        %get3A_840 = arith.constant 80 : index
        %get3A_841 = tpu.vector_load %arg19[%get3A_839, %get3A_840] {strides = array<i32>} : memref<128x128xf32, #tpu.memory_space<vmem>>, vector<1x16xf32>,
        %get3A_842 = vector.shape_cast %get3A_841 : vector<1x16xf32> to vector<16xf32>
        %mul3A_843 = arith.mulf %get3A_842, %broadcast_in_dim3A_784 : vector<16xf32>
        %swap3A_844 = arith.index_cast %add3A_788 : i32 to index
        %swap3A_845 = arith.constant 80 : index
        %swap3A_846 = tpu.vector_load %arg19[%swap3A_844, %swap3A_845] {strides = array<i32>} : memref<128x128xf32, #tpu.memory_space<vmem>>, vector<1x16xf32>,
        %swap3A_847 = vector.shape_cast %swap3A_846 : vector<1x16xf32> to vector<16xf32>
        %swap3A_848 = vector.shape_cast %mul3A_843 : vector<16xf32> to vector<1x16xf32>
        tpu.vector_store %arg19[%swap3A_844, %swap3A_845], %swap3A_848 {strides = array<i32>} : memref<128x128xf32, #tpu.memory_space<vmem>>, vector<1x16xf32>,
        %get3A_849 = arith.index_cast %add3A_788 : i32 to index
        %get3A_850 = arith.constant 96 : index
        %get3A_851 = tpu.vector_load %arg19[%get3A_849, %get3A_850] {strides = array<i32>} : memref<128x128xf32, #tpu.memory_space<vmem>>, vector<1x16xf32>,
        %get3A_852 = vector.shape_cast %get3A_851 : vector<1x16xf32> to vector<16xf32>
        %mul3A_853 = arith.mulf %get3A_852, %broadcast_in_dim3A_784 : vector<16xf32>
        %swap3A_854 = arith.index_cast %add3A_788 : i32 to index
        %swap3A_855 = arith.constant 96 : index
        %swap3A_856 = tpu.vector_load %arg19[%swap3A_854, %swap3A_855] {strides = array<i32>} : memref<128x128xf32, #tpu.memory_space<vmem>>, vector<1x16xf32>,
        %swap3A_857 = vector.shape_cast %swap3A_856 : vector<1x16xf32> to vector<16xf32>
        %swap3A_858 = vector.shape_cast %mul3A_853 : vector<16xf32> to vector<1x16xf32>
        tpu.vector_store %arg19[%swap3A_854, %swap3A_855], %swap3A_858 {strides = array<i32>} : memref<128x128xf32, #tpu.memory_space<vmem>>, vector<1x16xf32>,
        %get3A_859 = arith.index_cast %add3A_788 : i32 to index
        %get3A_860 = arith.constant 112 : index
        %get3A_861 = tpu.vector_load %arg19[%get3A_859, %get3A_860] {strides = array<i32>} : memref<128x128xf32, #tpu.memory_space<vmem>>, vector<1x16xf32>,
        %get3A_862 = vector.shape_cast %get3A_861 : vector<1x16xf32> to vector<16xf32>
        %mul3A_863 = arith.mulf %get3A_862, %broadcast_in_dim3A_784 : vector<16xf32>
        %swap3A_864 = arith.index_cast %add3A_788 : i32 to index
        %swap3A_865 = arith.constant 112 : index
        %swap3A_866 = tpu.vector_load %arg19[%swap3A_864, %swap3A_865] {strides = array<i32>} : memref<128x128xf32, #tpu.memory_space<vmem>>, vector<1x16xf32>,
        %swap3A_867 = vector.shape_cast %swap3A_866 : vector<1x16xf32> to vector<16xf32>
        %swap3A_868 = vector.shape_cast %mul3A_863 : vector<16xf32> to vector<1x16xf32>
        tpu.vector_store %arg19[%swap3A_864, %swap3A_865], %swap3A_868 {strides = array<i32>} : memref<128x128xf32, #tpu.memory_space<vmem>>, vector<1x16xf32>,
        %slice3A_869 = vector.extract_strided_slice %get3A_175 {offsets = [8], sizes = [1], strides = [1]} : vector<16xf32> to vector<1xf32>
        %squeeze3A_870 = vector.extract %slice3A_869[0] : f32 from vector<1xf32>
        %broadcast_in_dim3A_871 = vector.broadcast %squeeze3A_870 : f32 to vector<16xf32>
        %mul3A_872 = arith.constant 16 : i32
        %mul3A_873 = arith.muli %scan3A_170, %mul3A_872 : i32
        %add3A_874 = arith.constant 8 : i32
        %add3A_875 = arith.addi %mul3A_873, %add3A_874 : i32
        %get3A_876 = arith.index_cast %add3A_875 : i32 to index
        %get3A_877 = arith.constant 0 : index
        %get3A_878 = tpu.vector_load %arg19[%get3A_876, %get3A_877] {strides = array<i32>} : memref<128x128xf32, #tpu.memory_space<vmem>>, vector<1x16xf32>,
        %get3A_879 = vector.shape_cast %get3A_878 : vector<1x16xf32> to vector<16xf32>
        %mul3A_880 = arith.mulf %get3A_879, %broadcast_in_dim3A_871 : vector<16xf32>
        %swap3A_881 = arith.index_cast %add3A_875 : i32 to index
        %swap3A_882 = arith.constant 0 : index
        %swap3A_883 = tpu.vector_load %arg19[%swap3A_881, %swap3A_882] {strides = array<i32>} : memref<128x128xf32, #tpu.memory_space<vmem>>, vector<1x16xf32>,
        %swap3A_884 = vector.shape_cast %swap3A_883 : vector<1x16xf32> to vector<16xf32>
        %swap3A_885 = vector.shape_cast %mul3A_880 : vector<16xf32> to vector<1x16xf32>
        tpu.vector_store %arg19[%swap3A_881, %swap3A_882], %swap3A_885 {strides = array<i32>} : memref<128x128xf32, #tpu.memory_space<vmem>>, vector<1x16xf32>,
        %get3A_886 = arith.index_cast %add3A_875 : i32 to index
        %get3A_887 = arith.constant 16 : index
        %get3A_888 = tpu.vector_load %arg19[%get3A_886, %get3A_887] {strides = array<i32>} : memref<128x128xf32, #tpu.memory_space<vmem>>, vector<1x16xf32>,
        %get3A_889 = vector.shape_cast %get3A_888 : vector<1x16xf32> to vector<16xf32>
        %mul3A_890 = arith.mulf %get3A_889, %broadcast_in_dim3A_871 : vector<16xf32>
        %swap3A_891 = arith.index_cast %add3A_875 : i32 to index
        %swap3A_892 = arith.constant 16 : index
        %swap3A_893 = tpu.vector_load %arg19[%swap3A_891, %swap3A_892] {strides = array<i32>} : memref<128x128xf32, #tpu.memory_space<vmem>>, vector<1x16xf32>,
        %swap3A_894 = vector.shape_cast %swap3A_893 : vector<1x16xf32> to vector<16xf32>
        %swap3A_895 = vector.shape_cast %mul3A_890 : vector<16xf32> to vector<1x16xf32>
        tpu.vector_store %arg19[%swap3A_891, %swap3A_892], %swap3A_895 {strides = array<i32>} : memref<128x128xf32, #tpu.memory_space<vmem>>, vector<1x16xf32>,
        %get3A_896 = arith.index_cast %add3A_875 : i32 to index
        %get3A_897 = arith.constant 32 : index
        %get3A_898 = tpu.vector_load %arg19[%get3A_896, %get3A_897] {strides = array<i32>} : memref<128x128xf32, #tpu.memory_space<vmem>>, vector<1x16xf32>,
        %get3A_899 = vector.shape_cast %get3A_898 : vector<1x16xf32> to vector<16xf32>
        %mul3A_900 = arith.mulf %get3A_899, %broadcast_in_dim3A_871 : vector<16xf32>
        %swap3A_901 = arith.index_cast %add3A_875 : i32 to index
        %swap3A_902 = arith.constant 32 : index
        %swap3A_903 = tpu.vector_load %arg19[%swap3A_901, %swap3A_902] {strides = array<i32>} : memref<128x128xf32, #tpu.memory_space<vmem>>, vector<1x16xf32>,
        %swap3A_904 = vector.shape_cast %swap3A_903 : vector<1x16xf32> to vector<16xf32>
        %swap3A_905 = vector.shape_cast %mul3A_900 : vector<16xf32> to vector<1x16xf32>
        tpu.vector_store %arg19[%swap3A_901, %swap3A_902], %swap3A_905 {strides = array<i32>} : memref<128x128xf32, #tpu.memory_space<vmem>>, vector<1x16xf32>,
        %get3A_906 = arith.index_cast %add3A_875 : i32 to index
        %get3A_907 = arith.constant 48 : index
        %get3A_908 = tpu.vector_load %arg19[%get3A_906, %get3A_907] {strides = array<i32>} : memref<128x128xf32, #tpu.memory_space<vmem>>, vector<1x16xf32>,
        %get3A_909 = vector.shape_cast %get3A_908 : vector<1x16xf32> to vector<16xf32>
        %mul3A_910 = arith.mulf %get3A_909, %broadcast_in_dim3A_871 : vector<16xf32>
        %swap3A_911 = arith.index_cast %add3A_875 : i32 to index
        %swap3A_912 = arith.constant 48 : index
        %swap3A_913 = tpu.vector_load %arg19[%swap3A_911, %swap3A_912] {strides = array<i32>} : memref<128x128xf32, #tpu.memory_space<vmem>>, vector<1x16xf32>,
        %swap3A_914 = vector.shape_cast %swap3A_913 : vector<1x16xf32> to vector<16xf32>
        %swap3A_915 = vector.shape_cast %mul3A_910 : vector<16xf32> to vector<1x16xf32>
        tpu.vector_store %arg19[%swap3A_911, %swap3A_912], %swap3A_915 {strides = array<i32>} : memref<128x128xf32, #tpu.memory_space<vmem>>, vector<1x16xf32>,
        %get3A_916 = arith.index_cast %add3A_875 : i32 to index
        %get3A_917 = arith.constant 64 : index
        %get3A_918 = tpu.vector_load %arg19[%get3A_916, %get3A_917] {strides = array<i32>} : memref<128x128xf32, #tpu.memory_space<vmem>>, vector<1x16xf32>,
        %get3A_919 = vector.shape_cast %get3A_918 : vector<1x16xf32> to vector<16xf32>
        %mul3A_920 = arith.mulf %get3A_919, %broadcast_in_dim3A_871 : vector<16xf32>
        %swap3A_921 = arith.index_cast %add3A_875 : i32 to index
        %swap3A_922 = arith.constant 64 : index
        %swap3A_923 = tpu.vector_load %arg19[%swap3A_921, %swap3A_922] {strides = array<i32>} : memref<128x128xf32, #tpu.memory_space<vmem>>, vector<1x16xf32>,
        %swap3A_924 = vector.shape_cast %swap3A_923 : vector<1x16xf32> to vector<16xf32>
        %swap3A_925 = vector.shape_cast %mul3A_920 : vector<16xf32> to vector<1x16xf32>
        tpu.vector_store %arg19[%swap3A_921, %swap3A_922], %swap3A_925 {strides = array<i32>} : memref<128x128xf32, #tpu.memory_space<vmem>>, vector<1x16xf32>,
        %get3A_926 = arith.index_cast %add3A_875 : i32 to index
        %get3A_927 = arith.constant 80 : index
        %get3A_928 = tpu.vector_load %arg19[%get3A_926, %get3A_927] {strides = array<i32>} : memref<128x128xf32, #tpu.memory_space<vmem>>, vector<1x16xf32>,
        %get3A_929 = vector.shape_cast %get3A_928 : vector<1x16xf32> to vector<16xf32>
        %mul3A_930 = arith.mulf %get3A_929, %broadcast_in_dim3A_871 : vector<16xf32>
        %swap3A_931 = arith.index_cast %add3A_875 : i32 to index
        %swap3A_932 = arith.constant 80 : index
        %swap3A_933 = tpu.vector_load %arg19[%swap3A_931, %swap3A_932] {strides = array<i32>} : memref<128x128xf32, #tpu.memory_space<vmem>>, vector<1x16xf32>,
        %swap3A_934 = vector.shape_cast %swap3A_933 : vector<1x16xf32> to vector<16xf32>
        %swap3A_935 = vector.shape_cast %mul3A_930 : vector<16xf32> to vector<1x16xf32>
        tpu.vector_store %arg19[%swap3A_931, %swap3A_932], %swap3A_935 {strides = array<i32>} : memref<128x128xf32, #tpu.memory_space<vmem>>, vector<1x16xf32>,
        %get3A_936 = arith.index_cast %add3A_875 : i32 to index
        %get3A_937 = arith.constant 96 : index
        %get3A_938 = tpu.vector_load %arg19[%get3A_936, %get3A_937] {strides = array<i32>} : memref<128x128xf32, #tpu.memory_space<vmem>>, vector<1x16xf32>,
        %get3A_939 = vector.shape_cast %get3A_938 : vector<1x16xf32> to vector<16xf32>
        %mul3A_940 = arith.mulf %get3A_939, %broadcast_in_dim3A_871 : vector<16xf32>
        %swap3A_941 = arith.index_cast %add3A_875 : i32 to index
        %swap3A_942 = arith.constant 96 : index
        %swap3A_943 = tpu.vector_load %arg19[%swap3A_941, %swap3A_942] {strides = array<i32>} : memref<128x128xf32, #tpu.memory_space<vmem>>, vector<1x16xf32>,
        %swap3A_944 = vector.shape_cast %swap3A_943 : vector<1x16xf32> to vector<16xf32>
        %swap3A_945 = vector.shape_cast %mul3A_940 : vector<16xf32> to vector<1x16xf32>
        tpu.vector_store %arg19[%swap3A_941, %swap3A_942], %swap3A_945 {strides = array<i32>} : memref<128x128xf32, #tpu.memory_space<vmem>>, vector<1x16xf32>,
        %get3A_946 = arith.index_cast %add3A_875 : i32 to index
        %get3A_947 = arith.constant 112 : index
        %get3A_948 = tpu.vector_load %arg19[%get3A_946, %get3A_947] {strides = array<i32>} : memref<128x128xf32, #tpu.memory_space<vmem>>, vector<1x16xf32>,
        %get3A_949 = vector.shape_cast %get3A_948 : vector<1x16xf32> to vector<16xf32>
        %mul3A_950 = arith.mulf %get3A_949, %broadcast_in_dim3A_871 : vector<16xf32>
        %swap3A_951 = arith.index_cast %add3A_875 : i32 to index
        %swap3A_952 = arith.constant 112 : index
        %swap3A_953 = tpu.vector_load %arg19[%swap3A_951, %swap3A_952] {strides = array<i32>} : memref<128x128xf32, #tpu.memory_space<vmem>>, vector<1x16xf32>,
        %swap3A_954 = vector.shape_cast %swap3A_953 : vector<1x16xf32> to vector<16xf32>
        %swap3A_955 = vector.shape_cast %mul3A_950 : vector<16xf32> to vector<1x16xf32>
        tpu.vector_store %arg19[%swap3A_951, %swap3A_952], %swap3A_955 {strides = array<i32>} : memref<128x128xf32, #tpu.memory_space<vmem>>, vector<1x16xf32>,
        %slice3A_956 = vector.extract_strided_slice %get3A_175 {offsets = [9], sizes = [1], strides = [1]} : vector<16xf32> to vector<1xf32>
        %squeeze3A_957 = vector.extract %slice3A_956[0] : f32 from vector<1xf32>
        %broadcast_in_dim3A_958 = vector.broadcast %squeeze3A_957 : f32 to vector<16xf32>
        %mul3A_959 = arith.constant 16 : i32
        %mul3A_960 = arith.muli %scan3A_170, %mul3A_959 : i32
        %add3A_961 = arith.constant 9 : i32
        %add3A_962 = arith.addi %mul3A_960, %add3A_961 : i32
        %get3A_963 = arith.index_cast %add3A_962 : i32 to index
        %get3A_964 = arith.constant 0 : index
        %get3A_965 = tpu.vector_load %arg19[%get3A_963, %get3A_964] {strides = array<i32>} : memref<128x128xf32, #tpu.memory_space<vmem>>, vector<1x16xf32>,
        %get3A_966 = vector.shape_cast %get3A_965 : vector<1x16xf32> to vector<16xf32>
        %mul3A_967 = arith.mulf %get3A_966, %broadcast_in_dim3A_958 : vector<16xf32>
        %swap3A_968 = arith.index_cast %add3A_962 : i32 to index
        %swap3A_969 = arith.constant 0 : index
        %swap3A_970 = tpu.vector_load %arg19[%swap3A_968, %swap3A_969] {strides = array<i32>} : memref<128x128xf32, #tpu.memory_space<vmem>>, vector<1x16xf32>,
        %swap3A_971 = vector.shape_cast %swap3A_970 : vector<1x16xf32> to vector<16xf32>
        %swap3A_972 = vector.shape_cast %mul3A_967 : vector<16xf32> to vector<1x16xf32>
        tpu.vector_store %arg19[%swap3A_968, %swap3A_969], %swap3A_972 {strides = array<i32>} : memref<128x128xf32, #tpu.memory_space<vmem>>, vector<1x16xf32>,
        %get3A_973 = arith.index_cast %add3A_962 : i32 to index
        %get3A_974 = arith.constant 16 : index
        %get3A_975 = tpu.vector_load %arg19[%get3A_973, %get3A_974] {strides = array<i32>} : memref<128x128xf32, #tpu.memory_space<vmem>>, vector<1x16xf32>,
        %get3A_976 = vector.shape_cast %get3A_975 : vector<1x16xf32> to vector<16xf32>
        %mul3A_977 = arith.mulf %get3A_976, %broadcast_in_dim3A_958 : vector<16xf32>
        %swap3A_978 = arith.index_cast %add3A_962 : i32 to index
        %swap3A_979 = arith.constant 16 : index
        %swap3A_980 = tpu.vector_load %arg19[%swap3A_978, %swap3A_979] {strides = array<i32>} : memref<128x128xf32, #tpu.memory_space<vmem>>, vector<1x16xf32>,
        %swap3A_981 = vector.shape_cast %swap3A_980 : vector<1x16xf32> to vector<16xf32>
        %swap3A_982 = vector.shape_cast %mul3A_977 : vector<16xf32> to vector<1x16xf32>
        tpu.vector_store %arg19[%swap3A_978, %swap3A_979], %swap3A_982 {strides = array<i32>} : memref<128x128xf32, #tpu.memory_space<vmem>>, vector<1x16xf32>,
        %get3A_983 = arith.index_cast %add3A_962 : i32 to index
        %get3A_984 = arith.constant 32 : index
        %get3A_985 = tpu.vector_load %arg19[%get3A_983, %get3A_984] {strides = array<i32>} : memref<128x128xf32, #tpu.memory_space<vmem>>, vector<1x16xf32>,
        %get3A_986 = vector.shape_cast %get3A_985 : vector<1x16xf32> to vector<16xf32>
        %mul3A_987 = arith.mulf %get3A_986, %broadcast_in_dim3A_958 : vector<16xf32>
        %swap3A_988 = arith.index_cast %add3A_962 : i32 to index
        %swap3A_989 = arith.constant 32 : index
        %swap3A_990 = tpu.vector_load %arg19[%swap3A_988, %swap3A_989] {strides = array<i32>} : memref<128x128xf32, #tpu.memory_space<vmem>>, vector<1x16xf32>,
        %swap3A_991 = vector.shape_cast %swap3A_990 : vector<1x16xf32> to vector<16xf32>
        %swap3A_992 = vector.shape_cast %mul3A_987 : vector<16xf32> to vector<1x16xf32>
        tpu.vector_store %arg19[%swap3A_988, %swap3A_989], %swap3A_992 {strides = array<i32>} : memref<128x128xf32, #tpu.memory_space<vmem>>, vector<1x16xf32>,
        %get3A_993 = arith.index_cast %add3A_962 : i32 to index
        %get3A_994 = arith.constant 48 : index
        %get3A_995 = tpu.vector_load %arg19[%get3A_993, %get3A_994] {strides = array<i32>} : memref<128x128xf32, #tpu.memory_space<vmem>>, vector<1x16xf32>,
        %get3A_996 = vector.shape_cast %get3A_995 : vector<1x16xf32> to vector<16xf32>
        %mul3A_997 = arith.mulf %get3A_996, %broadcast_in_dim3A_958 : vector<16xf32>
        %swap3A_998 = arith.index_cast %add3A_962 : i32 to index
        %swap3A_999 = arith.constant 48 : index
        %swap3A_1000 = tpu.vector_load %arg19[%swap3A_998, %swap3A_999] {strides = array<i32>} : memref<128x128xf32, #tpu.memory_space<vmem>>, vector<1x16xf32>,
        %swap3A_1001 = vector.shape_cast %swap3A_1000 : vector<1x16xf32> to vector<16xf32>
        %swap3A_1002 = vector.shape_cast %mul3A_997 : vector<16xf32> to vector<1x16xf32>
        tpu.vector_store %arg19[%swap3A_998, %swap3A_999], %swap3A_1002 {strides = array<i32>} : memref<128x128xf32, #tpu.memory_space<vmem>>, vector<1x16xf32>,
        %get3A_1003 = arith.index_cast %add3A_962 : i32 to index
        %get3A_1004 = arith.constant 64 : index
        %get3A_1005 = tpu.vector_load %arg19[%get3A_1003, %get3A_1004] {strides = array<i32>} : memref<128x128xf32, #tpu.memory_space<vmem>>, vector<1x16xf32>,
        %get3A_1006 = vector.shape_cast %get3A_1005 : vector<1x16xf32> to vector<16xf32>
        %mul3A_1007 = arith.mulf %get3A_1006, %broadcast_in_dim3A_958 : vector<16xf32>
        %swap3A_1008 = arith.index_cast %add3A_962 : i32 to index
        %swap3A_1009 = arith.constant 64 : index
        %swap3A_1010 = tpu.vector_load %arg19[%swap3A_1008, %swap3A_1009] {strides = array<i32>} : memref<128x128xf32, #tpu.memory_space<vmem>>, vector<1x16xf32>,
        %swap3A_1011 = vector.shape_cast %swap3A_1010 : vector<1x16xf32> to vector<16xf32>
        %swap3A_1012 = vector.shape_cast %mul3A_1007 : vector<16xf32> to vector<1x16xf32>
        tpu.vector_store %arg19[%swap3A_1008, %swap3A_1009], %swap3A_1012 {strides = array<i32>} : memref<128x128xf32, #tpu.memory_space<vmem>>, vector<1x16xf32>,
        %get3A_1013 = arith.index_cast %add3A_962 : i32 to index
        %get3A_1014 = arith.constant 80 : index
        %get3A_1015 = tpu.vector_load %arg19[%get3A_1013, %get3A_1014] {strides = array<i32>} : memref<128x128xf32, #tpu.memory_space<vmem>>, vector<1x16xf32>,
        %get3A_1016 = vector.shape_cast %get3A_1015 : vector<1x16xf32> to vector<16xf32>
        %mul3A_1017 = arith.mulf %get3A_1016, %broadcast_in_dim3A_958 : vector<16xf32>
        %swap3A_1018 = arith.index_cast %add3A_962 : i32 to index
        %swap3A_1019 = arith.constant 80 : index
        %swap3A_1020 = tpu.vector_load %arg19[%swap3A_1018, %swap3A_1019] {strides = array<i32>} : memref<128x128xf32, #tpu.memory_space<vmem>>, vector<1x16xf32>,
        %swap3A_1021 = vector.shape_cast %swap3A_1020 : vector<1x16xf32> to vector<16xf32>
        %swap3A_1022 = vector.shape_cast %mul3A_1017 : vector<16xf32> to vector<1x16xf32>
        tpu.vector_store %arg19[%swap3A_1018, %swap3A_1019], %swap3A_1022 {strides = array<i32>} : memref<128x128xf32, #tpu.memory_space<vmem>>, vector<1x16xf32>,
        %get3A_1023 = arith.index_cast %add3A_962 : i32 to index
        %get3A_1024 = arith.constant 96 : index
        %get3A_1025 = tpu.vector_load %arg19[%get3A_1023, %get3A_1024] {strides = array<i32>} : memref<128x128xf32, #tpu.memory_space<vmem>>, vector<1x16xf32>,
        %get3A_1026 = vector.shape_cast %get3A_1025 : vector<1x16xf32> to vector<16xf32>
        %mul3A_1027 = arith.mulf %get3A_1026, %broadcast_in_dim3A_958 : vector<16xf32>
        %swap3A_1028 = arith.index_cast %add3A_962 : i32 to index
        %swap3A_1029 = arith.constant 96 : index
        %swap3A_1030 = tpu.vector_load %arg19[%swap3A_1028, %swap3A_1029] {strides = array<i32>} : memref<128x128xf32, #tpu.memory_space<vmem>>, vector<1x16xf32>,
        %swap3A_1031 = vector.shape_cast %swap3A_1030 : vector<1x16xf32> to vector<16xf32>
        %swap3A_1032 = vector.shape_cast %mul3A_1027 : vector<16xf32> to vector<1x16xf32>
        tpu.vector_store %arg19[%swap3A_1028, %swap3A_1029], %swap3A_1032 {strides = array<i32>} : memref<128x128xf32, #tpu.memory_space<vmem>>, vector<1x16xf32>,
        %get3A_1033 = arith.index_cast %add3A_962 : i32 to index
        %get3A_1034 = arith.constant 112 : index
        %get3A_1035 = tpu.vector_load %arg19[%get3A_1033, %get3A_1034] {strides = array<i32>} : memref<128x128xf32, #tpu.memory_space<vmem>>, vector<1x16xf32>,
        %get3A_1036 = vector.shape_cast %get3A_1035 : vector<1x16xf32> to vector<16xf32>
        %mul3A_1037 = arith.mulf %get3A_1036, %broadcast_in_dim3A_958 : vector<16xf32>
        %swap3A_1038 = arith.index_cast %add3A_962 : i32 to index
        %swap3A_1039 = arith.constant 112 : index
        %swap3A_1040 = tpu.vector_load %arg19[%swap3A_1038, %swap3A_1039] {strides = array<i32>} : memref<128x128xf32, #tpu.memory_space<vmem>>, vector<1x16xf32>,
        %swap3A_1041 = vector.shape_cast %swap3A_1040 : vector<1x16xf32> to vector<16xf32>
        %swap3A_1042 = vector.shape_cast %mul3A_1037 : vector<16xf32> to vector<1x16xf32>
        tpu.vector_store %arg19[%swap3A_1038, %swap3A_1039], %swap3A_1042 {strides = array<i32>} : memref<128x128xf32, #tpu.memory_space<vmem>>, vector<1x16xf32>,
        %slice3A_1043 = vector.extract_strided_slice %get3A_175 {offsets = [10], sizes = [1], strides = [1]} : vector<16xf32> to vector<1xf32>
        %squeeze3A_1044 = vector.extract %slice3A_1043[0] : f32 from vector<1xf32>
        %broadcast_in_dim3A_1045 = vector.broadcast %squeeze3A_1044 : f32 to vector<16xf32>
        %mul3A_1046 = arith.constant 16 : i32
        %mul3A_1047 = arith.muli %scan3A_170, %mul3A_1046 : i32
        %add3A_1048 = arith.constant 10 : i32
        %add3A_1049 = arith.addi %mul3A_1047, %add3A_1048 : i32
        %get3A_1050 = arith.index_cast %add3A_1049 : i32 to index
        %get3A_1051 = arith.constant 0 : index
        %get3A_1052 = tpu.vector_load %arg19[%get3A_1050, %get3A_1051] {strides = array<i32>} : memref<128x128xf32, #tpu.memory_space<vmem>>, vector<1x16xf32>,
        %get3A_1053 = vector.shape_cast %get3A_1052 : vector<1x16xf32> to vector<16xf32>
        %mul3A_1054 = arith.mulf %get3A_1053, %broadcast_in_dim3A_1045 : vector<16xf32>
        %swap3A_1055 = arith.index_cast %add3A_1049 : i32 to index
        %swap3A_1056 = arith.constant 0 : index
        %swap3A_1057 = tpu.vector_load %arg19[%swap3A_1055, %swap3A_1056] {strides = array<i32>} : memref<128x128xf32, #tpu.memory_space<vmem>>, vector<1x16xf32>,
        %swap3A_1058 = vector.shape_cast %swap3A_1057 : vector<1x16xf32> to vector<16xf32>
        %swap3A_1059 = vector.shape_cast %mul3A_1054 : vector<16xf32> to vector<1x16xf32>
        tpu.vector_store %arg19[%swap3A_1055, %swap3A_1056], %swap3A_1059 {strides = array<i32>} : memref<128x128xf32, #tpu.memory_space<vmem>>, vector<1x16xf32>,
        %get3A_1060 = arith.index_cast %add3A_1049 : i32 to index
        %get3A_1061 = arith.constant 16 : index
        %get3A_1062 = tpu.vector_load %arg19[%get3A_1060, %get3A_1061] {strides = array<i32>} : memref<128x128xf32, #tpu.memory_space<vmem>>, vector<1x16xf32>,
        %get3A_1063 = vector.shape_cast %get3A_1062 : vector<1x16xf32> to vector<16xf32>
        %mul3A_1064 = arith.mulf %get3A_1063, %broadcast_in_dim3A_1045 : vector<16xf32>
        %swap3A_1065 = arith.index_cast %add3A_1049 : i32 to index
        %swap3A_1066 = arith.constant 16 : index
        %swap3A_1067 = tpu.vector_load %arg19[%swap3A_1065, %swap3A_1066] {strides = array<i32>} : memref<128x128xf32, #tpu.memory_space<vmem>>, vector<1x16xf32>,
        %swap3A_1068 = vector.shape_cast %swap3A_1067 : vector<1x16xf32> to vector<16xf32>
        %swap3A_1069 = vector.shape_cast %mul3A_1064 : vector<16xf32> to vector<1x16xf32>
        tpu.vector_store %arg19[%swap3A_1065, %swap3A_1066], %swap3A_1069 {strides = array<i32>} : memref<128x128xf32, #tpu.memory_space<vmem>>, vector<1x16xf32>,
        %get3A_1070 = arith.index_cast %add3A_1049 : i32 to index
        %get3A_1071 = arith.constant 32 : index
        %get3A_1072 = tpu.vector_load %arg19[%get3A_1070, %get3A_1071] {strides = array<i32>} : memref<128x128xf32, #tpu.memory_space<vmem>>, vector<1x16xf32>,
        %get3A_1073 = vector.shape_cast %get3A_1072 : vector<1x16xf32> to vector<16xf32>
        %mul3A_1074 = arith.mulf %get3A_1073, %broadcast_in_dim3A_1045 : vector<16xf32>
        %swap3A_1075 = arith.index_cast %add3A_1049 : i32 to index
        %swap3A_1076 = arith.constant 32 : index
        %swap3A_1077 = tpu.vector_load %arg19[%swap3A_1075, %swap3A_1076] {strides = array<i32>} : memref<128x128xf32, #tpu.memory_space<vmem>>, vector<1x16xf32>,
        %swap3A_1078 = vector.shape_cast %swap3A_1077 : vector<1x16xf32> to vector<16xf32>
        %swap3A_1079 = vector.shape_cast %mul3A_1074 : vector<16xf32> to vector<1x16xf32>
        tpu.vector_store %arg19[%swap3A_1075, %swap3A_1076], %swap3A_1079 {strides = array<i32>} : memref<128x128xf32, #tpu.memory_space<vmem>>, vector<1x16xf32>,
        %get3A_1080 = arith.index_cast %add3A_1049 : i32 to index
        %get3A_1081 = arith.constant 48 : index
        %get3A_1082 = tpu.vector_load %arg19[%get3A_1080, %get3A_1081] {strides = array<i32>} : memref<128x128xf32, #tpu.memory_space<vmem>>, vector<1x16xf32>,
        %get3A_1083 = vector.shape_cast %get3A_1082 : vector<1x16xf32> to vector<16xf32>
        %mul3A_1084 = arith.mulf %get3A_1083, %broadcast_in_dim3A_1045 : vector<16xf32>
        %swap3A_1085 = arith.index_cast %add3A_1049 : i32 to index
        %swap3A_1086 = arith.constant 48 : index
        %swap3A_1087 = tpu.vector_load %arg19[%swap3A_1085, %swap3A_1086] {strides = array<i32>} : memref<128x128xf32, #tpu.memory_space<vmem>>, vector<1x16xf32>,
        %swap3A_1088 = vector.shape_cast %swap3A_1087 : vector<1x16xf32> to vector<16xf32>
        %swap3A_1089 = vector.shape_cast %mul3A_1084 : vector<16xf32> to vector<1x16xf32>
        tpu.vector_store %arg19[%swap3A_1085, %swap3A_1086], %swap3A_1089 {strides = array<i32>} : memref<128x128xf32, #tpu.memory_space<vmem>>, vector<1x16xf32>,
        %get3A_1090 = arith.index_cast %add3A_1049 : i32 to index
        %get3A_1091 = arith.constant 64 : index
        %get3A_1092 = tpu.vector_load %arg19[%get3A_1090, %get3A_1091] {strides = array<i32>} : memref<128x128xf32, #tpu.memory_space<vmem>>, vector<1x16xf32>,
        %get3A_1093 = vector.shape_cast %get3A_1092 : vector<1x16xf32> to vector<16xf32>
        %mul3A_1094 = arith.mulf %get3A_1093, %broadcast_in_dim3A_1045 : vector<16xf32>
        %swap3A_1095 = arith.index_cast %add3A_1049 : i32 to index
        %swap3A_1096 = arith.constant 64 : index
        %swap3A_1097 = tpu.vector_load %arg19[%swap3A_1095, %swap3A_1096] {strides = array<i32>} : memref<128x128xf32, #tpu.memory_space<vmem>>, vector<1x16xf32>,
        %swap3A_1098 = vector.shape_cast %swap3A_1097 : vector<1x16xf32> to vector<16xf32>
        %swap3A_1099 = vector.shape_cast %mul3A_1094 : vector<16xf32> to vector<1x16xf32>
        tpu.vector_store %arg19[%swap3A_1095, %swap3A_1096], %swap3A_1099 {strides = array<i32>} : memref<128x128xf32, #tpu.memory_space<vmem>>, vector<1x16xf32>,
        %get3A_1100 = arith.index_cast %add3A_1049 : i32 to index
        %get3A_1101 = arith.constant 80 : index
        %get3A_1102 = tpu.vector_load %arg19[%get3A_1100, %get3A_1101] {strides = array<i32>} : memref<128x128xf32, #tpu.memory_space<vmem>>, vector<1x16xf32>,
        %get3A_1103 = vector.shape_cast %get3A_1102 : vector<1x16xf32> to vector<16xf32>
        %mul3A_1104 = arith.mulf %get3A_1103, %broadcast_in_dim3A_1045 : vector<16xf32>
        %swap3A_1105 = arith.index_cast %add3A_1049 : i32 to index
        %swap3A_1106 = arith.constant 80 : index
        %swap3A_1107 = tpu.vector_load %arg19[%swap3A_1105, %swap3A_1106] {strides = array<i32>} : memref<128x128xf32, #tpu.memory_space<vmem>>, vector<1x16xf32>,
        %swap3A_1108 = vector.shape_cast %swap3A_1107 : vector<1x16xf32> to vector<16xf32>
        %swap3A_1109 = vector.shape_cast %mul3A_1104 : vector<16xf32> to vector<1x16xf32>
        tpu.vector_store %arg19[%swap3A_1105, %swap3A_1106], %swap3A_1109 {strides = array<i32>} : memref<128x128xf32, #tpu.memory_space<vmem>>, vector<1x16xf32>,
        %get3A_1110 = arith.index_cast %add3A_1049 : i32 to index
        %get3A_1111 = arith.constant 96 : index
        %get3A_1112 = tpu.vector_load %arg19[%get3A_1110, %get3A_1111] {strides = array<i32>} : memref<128x128xf32, #tpu.memory_space<vmem>>, vector<1x16xf32>,
        %get3A_1113 = vector.shape_cast %get3A_1112 : vector<1x16xf32> to vector<16xf32>
        %mul3A_1114 = arith.mulf %get3A_1113, %broadcast_in_dim3A_1045 : vector<16xf32>
        %swap3A_1115 = arith.index_cast %add3A_1049 : i32 to index
        %swap3A_1116 = arith.constant 96 : index
        %swap3A_1117 = tpu.vector_load %arg19[%swap3A_1115, %swap3A_1116] {strides = array<i32>} : memref<128x128xf32, #tpu.memory_space<vmem>>, vector<1x16xf32>,
        %swap3A_1118 = vector.shape_cast %swap3A_1117 : vector<1x16xf32> to vector<16xf32>
        %swap3A_1119 = vector.shape_cast %mul3A_1114 : vector<16xf32> to vector<1x16xf32>
        tpu.vector_store %arg19[%swap3A_1115, %swap3A_1116], %swap3A_1119 {strides = array<i32>} : memref<128x128xf32, #tpu.memory_space<vmem>>, vector<1x16xf32>,
        %get3A_1120 = arith.index_cast %add3A_1049 : i32 to index
        %get3A_1121 = arith.constant 112 : index
        %get3A_1122 = tpu.vector_load %arg19[%get3A_1120, %get3A_1121] {strides = array<i32>} : memref<128x128xf32, #tpu.memory_space<vmem>>, vector<1x16xf32>,
        %get3A_1123 = vector.shape_cast %get3A_1122 : vector<1x16xf32> to vector<16xf32>
        %mul3A_1124 = arith.mulf %get3A_1123, %broadcast_in_dim3A_1045 : vector<16xf32>
        %swap3A_1125 = arith.index_cast %add3A_1049 : i32 to index
        %swap3A_1126 = arith.constant 112 : index
        %swap3A_1127 = tpu.vector_load %arg19[%swap3A_1125, %swap3A_1126] {strides = array<i32>} : memref<128x128xf32, #tpu.memory_space<vmem>>, vector<1x16xf32>,
        %swap3A_1128 = vector.shape_cast %swap3A_1127 : vector<1x16xf32> to vector<16xf32>
        %swap3A_1129 = vector.shape_cast %mul3A_1124 : vector<16xf32> to vector<1x16xf32>
        tpu.vector_store %arg19[%swap3A_1125, %swap3A_1126], %swap3A_1129 {strides = array<i32>} : memref<128x128xf32, #tpu.memory_space<vmem>>, vector<1x16xf32>,
        %slice3A_1130 = vector.extract_strided_slice %get3A_175 {offsets = [11], sizes = [1], strides = [1]} : vector<16xf32> to vector<1xf32>
        %squeeze3A_1131 = vector.extract %slice3A_1130[0] : f32 from vector<1xf32>
        %broadcast_in_dim3A_1132 = vector.broadcast %squeeze3A_1131 : f32 to vector<16xf32>
        %mul3A_1133 = arith.constant 16 : i32
        %mul3A_1134 = arith.muli %scan3A_170, %mul3A_1133 : i32
        %add3A_1135 = arith.constant 11 : i32
        %add3A_1136 = arith.addi %mul3A_1134, %add3A_1135 : i32
        %get3A_1137 = arith.index_cast %add3A_1136 : i32 to index
        %get3A_1138 = arith.constant 0 : index
        %get3A_1139 = tpu.vector_load %arg19[%get3A_1137, %get3A_1138] {strides = array<i32>} : memref<128x128xf32, #tpu.memory_space<vmem>>, vector<1x16xf32>,
        %get3A_1140 = vector.shape_cast %get3A_1139 : vector<1x16xf32> to vector<16xf32>
        %mul3A_1141 = arith.mulf %get3A_1140, %broadcast_in_dim3A_1132 : vector<16xf32>
        %swap3A_1142 = arith.index_cast %add3A_1136 : i32 to index
        %swap3A_1143 = arith.constant 0 : index
        %swap3A_1144 = tpu.vector_load %arg19[%swap3A_1142, %swap3A_1143] {strides = array<i32>} : memref<128x128xf32, #tpu.memory_space<vmem>>, vector<1x16xf32>,
        %swap3A_1145 = vector.shape_cast %swap3A_1144 : vector<1x16xf32> to vector<16xf32>
        %swap3A_1146 = vector.shape_cast %mul3A_1141 : vector<16xf32> to vector<1x16xf32>
        tpu.vector_store %arg19[%swap3A_1142, %swap3A_1143], %swap3A_1146 {strides = array<i32>} : memref<128x128xf32, #tpu.memory_space<vmem>>, vector<1x16xf32>,
        %get3A_1147 = arith.index_cast %add3A_1136 : i32 to index
        %get3A_1148 = arith.constant 16 : index
        %get3A_1149 = tpu.vector_load %arg19[%get3A_1147, %get3A_1148] {strides = array<i32>} : memref<128x128xf32, #tpu.memory_space<vmem>>, vector<1x16xf32>,
        %get3A_1150 = vector.shape_cast %get3A_1149 : vector<1x16xf32> to vector<16xf32>
        %mul3A_1151 = arith.mulf %get3A_1150, %broadcast_in_dim3A_1132 : vector<16xf32>
        %swap3A_1152 = arith.index_cast %add3A_1136 : i32 to index
        %swap3A_1153 = arith.constant 16 : index
        %swap3A_1154 = tpu.vector_load %arg19[%swap3A_1152, %swap3A_1153] {strides = array<i32>} : memref<128x128xf32, #tpu.memory_space<vmem>>, vector<1x16xf32>,
        %swap3A_1155 = vector.shape_cast %swap3A_1154 : vector<1x16xf32> to vector<16xf32>
        %swap3A_1156 = vector.shape_cast %mul3A_1151 : vector<16xf32> to vector<1x16xf32>
        tpu.vector_store %arg19[%swap3A_1152, %swap3A_1153], %swap3A_1156 {strides = array<i32>} : memref<128x128xf32, #tpu.memory_space<vmem>>, vector<1x16xf32>,
        %get3A_1157 = arith.index_cast %add3A_1136 : i32 to index
        %get3A_1158 = arith.constant 32 : index
        %get3A_1159 = tpu.vector_load %arg19[%get3A_1157, %get3A_1158] {strides = array<i32>} : memref<128x128xf32, #tpu.memory_space<vmem>>, vector<1x16xf32>,
        %get3A_1160 = vector.shape_cast %get3A_1159 : vector<1x16xf32> to vector<16xf32>
        %mul3A_1161 = arith.mulf %get3A_1160, %broadcast_in_dim3A_1132 : vector<16xf32>
        %swap3A_1162 = arith.index_cast %add3A_1136 : i32 to index
        %swap3A_1163 = arith.constant 32 : index
        %swap3A_1164 = tpu.vector_load %arg19[%swap3A_1162, %swap3A_1163] {strides = array<i32>} : memref<128x128xf32, #tpu.memory_space<vmem>>, vector<1x16xf32>,
        %swap3A_1165 = vector.shape_cast %swap3A_1164 : vector<1x16xf32> to vector<16xf32>
        %swap3A_1166 = vector.shape_cast %mul3A_1161 : vector<16xf32> to vector<1x16xf32>
        tpu.vector_store %arg19[%swap3A_1162, %swap3A_1163], %swap3A_1166 {strides = array<i32>} : memref<128x128xf32, #tpu.memory_space<vmem>>, vector<1x16xf32>,
        %get3A_1167 = arith.index_cast %add3A_1136 : i32 to index
        %get3A_1168 = arith.constant 48 : index
        %get3A_1169 = tpu.vector_load %arg19[%get3A_1167, %get3A_1168] {strides = array<i32>} : memref<128x128xf32, #tpu.memory_space<vmem>>, vector<1x16xf32>,
        %get3A_1170 = vector.shape_cast %get3A_1169 : vector<1x16xf32> to vector<16xf32>
        %mul3A_1171 = arith.mulf %get3A_1170, %broadcast_in_dim3A_1132 : vector<16xf32>
        %swap3A_1172 = arith.index_cast %add3A_1136 : i32 to index
        %swap3A_1173 = arith.constant 48 : index
        %swap3A_1174 = tpu.vector_load %arg19[%swap3A_1172, %swap3A_1173] {strides = array<i32>} : memref<128x128xf32, #tpu.memory_space<vmem>>, vector<1x16xf32>,
        %swap3A_1175 = vector.shape_cast %swap3A_1174 : vector<1x16xf32> to vector<16xf32>
        %swap3A_1176 = vector.shape_cast %mul3A_1171 : vector<16xf32> to vector<1x16xf32>
        tpu.vector_store %arg19[%swap3A_1172, %swap3A_1173], %swap3A_1176 {strides = array<i32>} : memref<128x128xf32, #tpu.memory_space<vmem>>, vector<1x16xf32>,
        %get3A_1177 = arith.index_cast %add3A_1136 : i32 to index
        %get3A_1178 = arith.constant 64 : index
        %get3A_1179 = tpu.vector_load %arg19[%get3A_1177, %get3A_1178] {strides = array<i32>} : memref<128x128xf32, #tpu.memory_space<vmem>>, vector<1x16xf32>,
        %get3A_1180 = vector.shape_cast %get3A_1179 : vector<1x16xf32> to vector<16xf32>
        %mul3A_1181 = arith.mulf %get3A_1180, %broadcast_in_dim3A_1132 : vector<16xf32>
        %swap3A_1182 = arith.index_cast %add3A_1136 : i32 to index
        %swap3A_1183 = arith.constant 64 : index
        %swap3A_1184 = tpu.vector_load %arg19[%swap3A_1182, %swap3A_1183] {strides = array<i32>} : memref<128x128xf32, #tpu.memory_space<vmem>>, vector<1x16xf32>,
        %swap3A_1185 = vector.shape_cast %swap3A_1184 : vector<1x16xf32> to vector<16xf32>
        %swap3A_1186 = vector.shape_cast %mul3A_1181 : vector<16xf32> to vector<1x16xf32>
        tpu.vector_store %arg19[%swap3A_1182, %swap3A_1183], %swap3A_1186 {strides = array<i32>} : memref<128x128xf32, #tpu.memory_space<vmem>>, vector<1x16xf32>,
        %get3A_1187 = arith.index_cast %add3A_1136 : i32 to index
        %get3A_1188 = arith.constant 80 : index
        %get3A_1189 = tpu.vector_load %arg19[%get3A_1187, %get3A_1188] {strides = array<i32>} : memref<128x128xf32, #tpu.memory_space<vmem>>, vector<1x16xf32>,
        %get3A_1190 = vector.shape_cast %get3A_1189 : vector<1x16xf32> to vector<16xf32>
        %mul3A_1191 = arith.mulf %get3A_1190, %broadcast_in_dim3A_1132 : vector<16xf32>
        %swap3A_1192 = arith.index_cast %add3A_1136 : i32 to index
        %swap3A_1193 = arith.constant 80 : index
        %swap3A_1194 = tpu.vector_load %arg19[%swap3A_1192, %swap3A_1193] {strides = array<i32>} : memref<128x128xf32, #tpu.memory_space<vmem>>, vector<1x16xf32>,
        %swap3A_1195 = vector.shape_cast %swap3A_1194 : vector<1x16xf32> to vector<16xf32>
        %swap3A_1196 = vector.shape_cast %mul3A_1191 : vector<16xf32> to vector<1x16xf32>
        tpu.vector_store %arg19[%swap3A_1192, %swap3A_1193], %swap3A_1196 {strides = array<i32>} : memref<128x128xf32, #tpu.memory_space<vmem>>, vector<1x16xf32>,
        %get3A_1197 = arith.index_cast %add3A_1136 : i32 to index
        %get3A_1198 = arith.constant 96 : index
        %get3A_1199 = tpu.vector_load %arg19[%get3A_1197, %get3A_1198] {strides = array<i32>} : memref<128x128xf32, #tpu.memory_space<vmem>>, vector<1x16xf32>,
        %get3A_1200 = vector.shape_cast %get3A_1199 : vector<1x16xf32> to vector<16xf32>
        %mul3A_1201 = arith.mulf %get3A_1200, %broadcast_in_dim3A_1132 : vector<16xf32>
        %swap3A_1202 = arith.index_cast %add3A_1136 : i32 to index
        %swap3A_1203 = arith.constant 96 : index
        %swap3A_1204 = tpu.vector_load %arg19[%swap3A_1202, %swap3A_1203] {strides = array<i32>} : memref<128x128xf32, #tpu.memory_space<vmem>>, vector<1x16xf32>,
        %swap3A_1205 = vector.shape_cast %swap3A_1204 : vector<1x16xf32> to vector<16xf32>
        %swap3A_1206 = vector.shape_cast %mul3A_1201 : vector<16xf32> to vector<1x16xf32>
        tpu.vector_store %arg19[%swap3A_1202, %swap3A_1203], %swap3A_1206 {strides = array<i32>} : memref<128x128xf32, #tpu.memory_space<vmem>>, vector<1x16xf32>,
        %get3A_1207 = arith.index_cast %add3A_1136 : i32 to index
        %get3A_1208 = arith.constant 112 : index
        %get3A_1209 = tpu.vector_load %arg19[%get3A_1207, %get3A_1208] {strides = array<i32>} : memref<128x128xf32, #tpu.memory_space<vmem>>, vector<1x16xf32>,
        %get3A_1210 = vector.shape_cast %get3A_1209 : vector<1x16xf32> to vector<16xf32>
        %mul3A_1211 = arith.mulf %get3A_1210, %broadcast_in_dim3A_1132 : vector<16xf32>
        %swap3A_1212 = arith.index_cast %add3A_1136 : i32 to index
        %swap3A_1213 = arith.constant 112 : index
        %swap3A_1214 = tpu.vector_load %arg19[%swap3A_1212, %swap3A_1213] {strides = array<i32>} : memref<128x128xf32, #tpu.memory_space<vmem>>, vector<1x16xf32>,
        %swap3A_1215 = vector.shape_cast %swap3A_1214 : vector<1x16xf32> to vector<16xf32>
        %swap3A_1216 = vector.shape_cast %mul3A_1211 : vector<16xf32> to vector<1x16xf32>
        tpu.vector_store %arg19[%swap3A_1212, %swap3A_1213], %swap3A_1216 {strides = array<i32>} : memref<128x128xf32, #tpu.memory_space<vmem>>, vector<1x16xf32>,
        %slice3A_1217 = vector.extract_strided_slice %get3A_175 {offsets = [12], sizes = [1], strides = [1]} : vector<16xf32> to vector<1xf32>
        %squeeze3A_1218 = vector.extract %slice3A_1217[0] : f32 from vector<1xf32>
        %broadcast_in_dim3A_1219 = vector.broadcast %squeeze3A_1218 : f32 to vector<16xf32>
        %mul3A_1220 = arith.constant 16 : i32
        %mul3A_1221 = arith.muli %scan3A_170, %mul3A_1220 : i32
        %add3A_1222 = arith.constant 12 : i32
        %add3A_1223 = arith.addi %mul3A_1221, %add3A_1222 : i32
        %get3A_1224 = arith.index_cast %add3A_1223 : i32 to index
        %get3A_1225 = arith.constant 0 : index
        %get3A_1226 = tpu.vector_load %arg19[%get3A_1224, %get3A_1225] {strides = array<i32>} : memref<128x128xf32, #tpu.memory_space<vmem>>, vector<1x16xf32>,
        %get3A_1227 = vector.shape_cast %get3A_1226 : vector<1x16xf32> to vector<16xf32>
        %mul3A_1228 = arith.mulf %get3A_1227, %broadcast_in_dim3A_1219 : vector<16xf32>
        %swap3A_1229 = arith.index_cast %add3A_1223 : i32 to index
        %swap3A_1230 = arith.constant 0 : index
        %swap3A_1231 = tpu.vector_load %arg19[%swap3A_1229, %swap3A_1230] {strides = array<i32>} : memref<128x128xf32, #tpu.memory_space<vmem>>, vector<1x16xf32>,
        %swap3A_1232 = vector.shape_cast %swap3A_1231 : vector<1x16xf32> to vector<16xf32>
        %swap3A_1233 = vector.shape_cast %mul3A_1228 : vector<16xf32> to vector<1x16xf32>
        tpu.vector_store %arg19[%swap3A_1229, %swap3A_1230], %swap3A_1233 {strides = array<i32>} : memref<128x128xf32, #tpu.memory_space<vmem>>, vector<1x16xf32>,
        %get3A_1234 = arith.index_cast %add3A_1223 : i32 to index
        %get3A_1235 = arith.constant 16 : index
        %get3A_1236 = tpu.vector_load %arg19[%get3A_1234, %get3A_1235] {strides = array<i32>} : memref<128x128xf32, #tpu.memory_space<vmem>>, vector<1x16xf32>,
        %get3A_1237 = vector.shape_cast %get3A_1236 : vector<1x16xf32> to vector<16xf32>
        %mul3A_1238 = arith.mulf %get3A_1237, %broadcast_in_dim3A_1219 : vector<16xf32>
        %swap3A_1239 = arith.index_cast %add3A_1223 : i32 to index
        %swap3A_1240 = arith.constant 16 : index
        %swap3A_1241 = tpu.vector_load %arg19[%swap3A_1239, %swap3A_1240] {strides = array<i32>} : memref<128x128xf32, #tpu.memory_space<vmem>>, vector<1x16xf32>,
        %swap3A_1242 = vector.shape_cast %swap3A_1241 : vector<1x16xf32> to vector<16xf32>
        %swap3A_1243 = vector.shape_cast %mul3A_1238 : vector<16xf32> to vector<1x16xf32>
        tpu.vector_store %arg19[%swap3A_1239, %swap3A_1240], %swap3A_1243 {strides = array<i32>} : memref<128x128xf32, #tpu.memory_space<vmem>>, vector<1x16xf32>,
        %get3A_1244 = arith.index_cast %add3A_1223 : i32 to index
        %get3A_1245 = arith.constant 32 : index
        %get3A_1246 = tpu.vector_load %arg19[%get3A_1244, %get3A_1245] {strides = array<i32>} : memref<128x128xf32, #tpu.memory_space<vmem>>, vector<1x16xf32>,
        %get3A_1247 = vector.shape_cast %get3A_1246 : vector<1x16xf32> to vector<16xf32>
        %mul3A_1248 = arith.mulf %get3A_1247, %broadcast_in_dim3A_1219 : vector<16xf32>
        %swap3A_1249 = arith.index_cast %add3A_1223 : i32 to index
        %swap3A_1250 = arith.constant 32 : index
        %swap3A_1251 = tpu.vector_load %arg19[%swap3A_1249, %swap3A_1250] {strides = array<i32>} : memref<128x128xf32, #tpu.memory_space<vmem>>, vector<1x16xf32>,
        %swap3A_1252 = vector.shape_cast %swap3A_1251 : vector<1x16xf32> to vector<16xf32>
        %swap3A_1253 = vector.shape_cast %mul3A_1248 : vector<16xf32> to vector<1x16xf32>
        tpu.vector_store %arg19[%swap3A_1249, %swap3A_1250], %swap3A_1253 {strides = array<i32>} : memref<128x128xf32, #tpu.memory_space<vmem>>, vector<1x16xf32>,
        %get3A_1254 = arith.index_cast %add3A_1223 : i32 to index
        %get3A_1255 = arith.constant 48 : index
        %get3A_1256 = tpu.vector_load %arg19[%get3A_1254, %get3A_1255] {strides = array<i32>} : memref<128x128xf32, #tpu.memory_space<vmem>>, vector<1x16xf32>,
        %get3A_1257 = vector.shape_cast %get3A_1256 : vector<1x16xf32> to vector<16xf32>
        %mul3A_1258 = arith.mulf %get3A_1257, %broadcast_in_dim3A_1219 : vector<16xf32>
        %swap3A_1259 = arith.index_cast %add3A_1223 : i32 to index
        %swap3A_1260 = arith.constant 48 : index
        %swap3A_1261 = tpu.vector_load %arg19[%swap3A_1259, %swap3A_1260] {strides = array<i32>} : memref<128x128xf32, #tpu.memory_space<vmem>>, vector<1x16xf32>,
        %swap3A_1262 = vector.shape_cast %swap3A_1261 : vector<1x16xf32> to vector<16xf32>
        %swap3A_1263 = vector.shape_cast %mul3A_1258 : vector<16xf32> to vector<1x16xf32>
        tpu.vector_store %arg19[%swap3A_1259, %swap3A_1260], %swap3A_1263 {strides = array<i32>} : memref<128x128xf32, #tpu.memory_space<vmem>>, vector<1x16xf32>,
        %get3A_1264 = arith.index_cast %add3A_1223 : i32 to index
        %get3A_1265 = arith.constant 64 : index
        %get3A_1266 = tpu.vector_load %arg19[%get3A_1264, %get3A_1265] {strides = array<i32>} : memref<128x128xf32, #tpu.memory_space<vmem>>, vector<1x16xf32>,
        %get3A_1267 = vector.shape_cast %get3A_1266 : vector<1x16xf32> to vector<16xf32>
        %mul3A_1268 = arith.mulf %get3A_1267, %broadcast_in_dim3A_1219 : vector<16xf32>
        %swap3A_1269 = arith.index_cast %add3A_1223 : i32 to index
        %swap3A_1270 = arith.constant 64 : index
        %swap3A_1271 = tpu.vector_load %arg19[%swap3A_1269, %swap3A_1270] {strides = array<i32>} : memref<128x128xf32, #tpu.memory_space<vmem>>, vector<1x16xf32>,
        %swap3A_1272 = vector.shape_cast %swap3A_1271 : vector<1x16xf32> to vector<16xf32>
        %swap3A_1273 = vector.shape_cast %mul3A_1268 : vector<16xf32> to vector<1x16xf32>
        tpu.vector_store %arg19[%swap3A_1269, %swap3A_1270], %swap3A_1273 {strides = array<i32>} : memref<128x128xf32, #tpu.memory_space<vmem>>, vector<1x16xf32>,
        %get3A_1274 = arith.index_cast %add3A_1223 : i32 to index
        %get3A_1275 = arith.constant 80 : index
        %get3A_1276 = tpu.vector_load %arg19[%get3A_1274, %get3A_1275] {strides = array<i32>} : memref<128x128xf32, #tpu.memory_space<vmem>>, vector<1x16xf32>,
        %get3A_1277 = vector.shape_cast %get3A_1276 : vector<1x16xf32> to vector<16xf32>
        %mul3A_1278 = arith.mulf %get3A_1277, %broadcast_in_dim3A_1219 : vector<16xf32>
        %swap3A_1279 = arith.index_cast %add3A_1223 : i32 to index
        %swap3A_1280 = arith.constant 80 : index
        %swap3A_1281 = tpu.vector_load %arg19[%swap3A_1279, %swap3A_1280] {strides = array<i32>} : memref<128x128xf32, #tpu.memory_space<vmem>>, vector<1x16xf32>,
        %swap3A_1282 = vector.shape_cast %swap3A_1281 : vector<1x16xf32> to vector<16xf32>
        %swap3A_1283 = vector.shape_cast %mul3A_1278 : vector<16xf32> to vector<1x16xf32>
        tpu.vector_store %arg19[%swap3A_1279, %swap3A_1280], %swap3A_1283 {strides = array<i32>} : memref<128x128xf32, #tpu.memory_space<vmem>>, vector<1x16xf32>,
        %get3A_1284 = arith.index_cast %add3A_1223 : i32 to index
        %get3A_1285 = arith.constant 96 : index
        %get3A_1286 = tpu.vector_load %arg19[%get3A_1284, %get3A_1285] {strides = array<i32>} : memref<128x128xf32, #tpu.memory_space<vmem>>, vector<1x16xf32>,
        %get3A_1287 = vector.shape_cast %get3A_1286 : vector<1x16xf32> to vector<16xf32>
        %mul3A_1288 = arith.mulf %get3A_1287, %broadcast_in_dim3A_1219 : vector<16xf32>
        %swap3A_1289 = arith.index_cast %add3A_1223 : i32 to index
        %swap3A_1290 = arith.constant 96 : index
        %swap3A_1291 = tpu.vector_load %arg19[%swap3A_1289, %swap3A_1290] {strides = array<i32>} : memref<128x128xf32, #tpu.memory_space<vmem>>, vector<1x16xf32>,
        %swap3A_1292 = vector.shape_cast %swap3A_1291 : vector<1x16xf32> to vector<16xf32>
        %swap3A_1293 = vector.shape_cast %mul3A_1288 : vector<16xf32> to vector<1x16xf32>
        tpu.vector_store %arg19[%swap3A_1289, %swap3A_1290], %swap3A_1293 {strides = array<i32>} : memref<128x128xf32, #tpu.memory_space<vmem>>, vector<1x16xf32>,
        %get3A_1294 = arith.index_cast %add3A_1223 : i32 to index
        %get3A_1295 = arith.constant 112 : index
        %get3A_1296 = tpu.vector_load %arg19[%get3A_1294, %get3A_1295] {strides = array<i32>} : memref<128x128xf32, #tpu.memory_space<vmem>>, vector<1x16xf32>,
        %get3A_1297 = vector.shape_cast %get3A_1296 : vector<1x16xf32> to vector<16xf32>
        %mul3A_1298 = arith.mulf %get3A_1297, %broadcast_in_dim3A_1219 : vector<16xf32>
        %swap3A_1299 = arith.index_cast %add3A_1223 : i32 to index
        %swap3A_1300 = arith.constant 112 : index
        %swap3A_1301 = tpu.vector_load %arg19[%swap3A_1299, %swap3A_1300] {strides = array<i32>} : memref<128x128xf32, #tpu.memory_space<vmem>>, vector<1x16xf32>,
        %swap3A_1302 = vector.shape_cast %swap3A_1301 : vector<1x16xf32> to vector<16xf32>
        %swap3A_1303 = vector.shape_cast %mul3A_1298 : vector<16xf32> to vector<1x16xf32>
        tpu.vector_store %arg19[%swap3A_1299, %swap3A_1300], %swap3A_1303 {strides = array<i32>} : memref<128x128xf32, #tpu.memory_space<vmem>>, vector<1x16xf32>,
        %slice3A_1304 = vector.extract_strided_slice %get3A_175 {offsets = [13], sizes = [1], strides = [1]} : vector<16xf32> to vector<1xf32>
        %squeeze3A_1305 = vector.extract %slice3A_1304[0] : f32 from vector<1xf32>
        %broadcast_in_dim3A_1306 = vector.broadcast %squeeze3A_1305 : f32 to vector<16xf32>
        %mul3A_1307 = arith.constant 16 : i32
        %mul3A_1308 = arith.muli %scan3A_170, %mul3A_1307 : i32
        %add3A_1309 = arith.constant 13 : i32
        %add3A_1310 = arith.addi %mul3A_1308, %add3A_1309 : i32
        %get3A_1311 = arith.index_cast %add3A_1310 : i32 to index
        %get3A_1312 = arith.constant 0 : index
        %get3A_1313 = tpu.vector_load %arg19[%get3A_1311, %get3A_1312] {strides = array<i32>} : memref<128x128xf32, #tpu.memory_space<vmem>>, vector<1x16xf32>,
        %get3A_1314 = vector.shape_cast %get3A_1313 : vector<1x16xf32> to vector<16xf32>
        %mul3A_1315 = arith.mulf %get3A_1314, %broadcast_in_dim3A_1306 : vector<16xf32>
        %swap3A_1316 = arith.index_cast %add3A_1310 : i32 to index
        %swap3A_1317 = arith.constant 0 : index
        %swap3A_1318 = tpu.vector_load %arg19[%swap3A_1316, %swap3A_1317] {strides = array<i32>} : memref<128x128xf32, #tpu.memory_space<vmem>>, vector<1x16xf32>,
        %swap3A_1319 = vector.shape_cast %swap3A_1318 : vector<1x16xf32> to vector<16xf32>
        %swap3A_1320 = vector.shape_cast %mul3A_1315 : vector<16xf32> to vector<1x16xf32>
        tpu.vector_store %arg19[%swap3A_1316, %swap3A_1317], %swap3A_1320 {strides = array<i32>} : memref<128x128xf32, #tpu.memory_space<vmem>>, vector<1x16xf32>,
        %get3A_1321 = arith.index_cast %add3A_1310 : i32 to index
        %get3A_1322 = arith.constant 16 : index
        %get3A_1323 = tpu.vector_load %arg19[%get3A_1321, %get3A_1322] {strides = array<i32>} : memref<128x128xf32, #tpu.memory_space<vmem>>, vector<1x16xf32>,
        %get3A_1324 = vector.shape_cast %get3A_1323 : vector<1x16xf32> to vector<16xf32>
        %mul3A_1325 = arith.mulf %get3A_1324, %broadcast_in_dim3A_1306 : vector<16xf32>
        %swap3A_1326 = arith.index_cast %add3A_1310 : i32 to index
        %swap3A_1327 = arith.constant 16 : index
        %swap3A_1328 = tpu.vector_load %arg19[%swap3A_1326, %swap3A_1327] {strides = array<i32>} : memref<128x128xf32, #tpu.memory_space<vmem>>, vector<1x16xf32>,
        %swap3A_1329 = vector.shape_cast %swap3A_1328 : vector<1x16xf32> to vector<16xf32>
        %swap3A_1330 = vector.shape_cast %mul3A_1325 : vector<16xf32> to vector<1x16xf32>
        tpu.vector_store %arg19[%swap3A_1326, %swap3A_1327], %swap3A_1330 {strides = array<i32>} : memref<128x128xf32, #tpu.memory_space<vmem>>, vector<1x16xf32>,
        %get3A_1331 = arith.index_cast %add3A_1310 : i32 to index
        %get3A_1332 = arith.constant 32 : index
        %get3A_1333 = tpu.vector_load %arg19[%get3A_1331, %get3A_1332] {strides = array<i32>} : memref<128x128xf32, #tpu.memory_space<vmem>>, vector<1x16xf32>,
        %get3A_1334 = vector.shape_cast %get3A_1333 : vector<1x16xf32> to vector<16xf32>
        %mul3A_1335 = arith.mulf %get3A_1334, %broadcast_in_dim3A_1306 : vector<16xf32>
        %swap3A_1336 = arith.index_cast %add3A_1310 : i32 to index
        %swap3A_1337 = arith.constant 32 : index
        %swap3A_1338 = tpu.vector_load %arg19[%swap3A_1336, %swap3A_1337] {strides = array<i32>} : memref<128x128xf32, #tpu.memory_space<vmem>>, vector<1x16xf32>,
        %swap3A_1339 = vector.shape_cast %swap3A_1338 : vector<1x16xf32> to vector<16xf32>
        %swap3A_1340 = vector.shape_cast %mul3A_1335 : vector<16xf32> to vector<1x16xf32>
        tpu.vector_store %arg19[%swap3A_1336, %swap3A_1337], %swap3A_1340 {strides = array<i32>} : memref<128x128xf32, #tpu.memory_space<vmem>>, vector<1x16xf32>,
        %get3A_1341 = arith.index_cast %add3A_1310 : i32 to index
        %get3A_1342 = arith.constant 48 : index
        %get3A_1343 = tpu.vector_load %arg19[%get3A_1341, %get3A_1342] {strides = array<i32>} : memref<128x128xf32, #tpu.memory_space<vmem>>, vector<1x16xf32>,
        %get3A_1344 = vector.shape_cast %get3A_1343 : vector<1x16xf32> to vector<16xf32>
        %mul3A_1345 = arith.mulf %get3A_1344, %broadcast_in_dim3A_1306 : vector<16xf32>
        %swap3A_1346 = arith.index_cast %add3A_1310 : i32 to index
        %swap3A_1347 = arith.constant 48 : index
        %swap3A_1348 = tpu.vector_load %arg19[%swap3A_1346, %swap3A_1347] {strides = array<i32>} : memref<128x128xf32, #tpu.memory_space<vmem>>, vector<1x16xf32>,
        %swap3A_1349 = vector.shape_cast %swap3A_1348 : vector<1x16xf32> to vector<16xf32>
        %swap3A_1350 = vector.shape_cast %mul3A_1345 : vector<16xf32> to vector<1x16xf32>
        tpu.vector_store %arg19[%swap3A_1346, %swap3A_1347], %swap3A_1350 {strides = array<i32>} : memref<128x128xf32, #tpu.memory_space<vmem>>, vector<1x16xf32>,
        %get3A_1351 = arith.index_cast %add3A_1310 : i32 to index
        %get3A_1352 = arith.constant 64 : index
        %get3A_1353 = tpu.vector_load %arg19[%get3A_1351, %get3A_1352] {strides = array<i32>} : memref<128x128xf32, #tpu.memory_space<vmem>>, vector<1x16xf32>,
        %get3A_1354 = vector.shape_cast %get3A_1353 : vector<1x16xf32> to vector<16xf32>
        %mul3A_1355 = arith.mulf %get3A_1354, %broadcast_in_dim3A_1306 : vector<16xf32>
        %swap3A_1356 = arith.index_cast %add3A_1310 : i32 to index
        %swap3A_1357 = arith.constant 64 : index
        %swap3A_1358 = tpu.vector_load %arg19[%swap3A_1356, %swap3A_1357] {strides = array<i32>} : memref<128x128xf32, #tpu.memory_space<vmem>>, vector<1x16xf32>,
        %swap3A_1359 = vector.shape_cast %swap3A_1358 : vector<1x16xf32> to vector<16xf32>
        %swap3A_1360 = vector.shape_cast %mul3A_1355 : vector<16xf32> to vector<1x16xf32>
        tpu.vector_store %arg19[%swap3A_1356, %swap3A_1357], %swap3A_1360 {strides = array<i32>} : memref<128x128xf32, #tpu.memory_space<vmem>>, vector<1x16xf32>,
        %get3A_1361 = arith.index_cast %add3A_1310 : i32 to index
        %get3A_1362 = arith.constant 80 : index
        %get3A_1363 = tpu.vector_load %arg19[%get3A_1361, %get3A_1362] {strides = array<i32>} : memref<128x128xf32, #tpu.memory_space<vmem>>, vector<1x16xf32>,
        %get3A_1364 = vector.shape_cast %get3A_1363 : vector<1x16xf32> to vector<16xf32>
        %mul3A_1365 = arith.mulf %get3A_1364, %broadcast_in_dim3A_1306 : vector<16xf32>
        %swap3A_1366 = arith.index_cast %add3A_1310 : i32 to index
        %swap3A_1367 = arith.constant 80 : index
        %swap3A_1368 = tpu.vector_load %arg19[%swap3A_1366, %swap3A_1367] {strides = array<i32>} : memref<128x128xf32, #tpu.memory_space<vmem>>, vector<1x16xf32>,
        %swap3A_1369 = vector.shape_cast %swap3A_1368 : vector<1x16xf32> to vector<16xf32>
        %swap3A_1370 = vector.shape_cast %mul3A_1365 : vector<16xf32> to vector<1x16xf32>
        tpu.vector_store %arg19[%swap3A_1366, %swap3A_1367], %swap3A_1370 {strides = array<i32>} : memref<128x128xf32, #tpu.memory_space<vmem>>, vector<1x16xf32>,
        %get3A_1371 = arith.index_cast %add3A_1310 : i32 to index
        %get3A_1372 = arith.constant 96 : index
        %get3A_1373 = tpu.vector_load %arg19[%get3A_1371, %get3A_1372] {strides = array<i32>} : memref<128x128xf32, #tpu.memory_space<vmem>>, vector<1x16xf32>,
        %get3A_1374 = vector.shape_cast %get3A_1373 : vector<1x16xf32> to vector<16xf32>
        %mul3A_1375 = arith.mulf %get3A_1374, %broadcast_in_dim3A_1306 : vector<16xf32>
        %swap3A_1376 = arith.index_cast %add3A_1310 : i32 to index
        %swap3A_1377 = arith.constant 96 : index
        %swap3A_1378 = tpu.vector_load %arg19[%swap3A_1376, %swap3A_1377] {strides = array<i32>} : memref<128x128xf32, #tpu.memory_space<vmem>>, vector<1x16xf32>,
        %swap3A_1379 = vector.shape_cast %swap3A_1378 : vector<1x16xf32> to vector<16xf32>
        %swap3A_1380 = vector.shape_cast %mul3A_1375 : vector<16xf32> to vector<1x16xf32>
        tpu.vector_store %arg19[%swap3A_1376, %swap3A_1377], %swap3A_1380 {strides = array<i32>} : memref<128x128xf32, #tpu.memory_space<vmem>>, vector<1x16xf32>,
        %get3A_1381 = arith.index_cast %add3A_1310 : i32 to index
        %get3A_1382 = arith.constant 112 : index
        %get3A_1383 = tpu.vector_load %arg19[%get3A_1381, %get3A_1382] {strides = array<i32>} : memref<128x128xf32, #tpu.memory_space<vmem>>, vector<1x16xf32>,
        %get3A_1384 = vector.shape_cast %get3A_1383 : vector<1x16xf32> to vector<16xf32>
        %mul3A_1385 = arith.mulf %get3A_1384, %broadcast_in_dim3A_1306 : vector<16xf32>
        %swap3A_1386 = arith.index_cast %add3A_1310 : i32 to index
        %swap3A_1387 = arith.constant 112 : index
        %swap3A_1388 = tpu.vector_load %arg19[%swap3A_1386, %swap3A_1387] {strides = array<i32>} : memref<128x128xf32, #tpu.memory_space<vmem>>, vector<1x16xf32>,
        %swap3A_1389 = vector.shape_cast %swap3A_1388 : vector<1x16xf32> to vector<16xf32>
        %swap3A_1390 = vector.shape_cast %mul3A_1385 : vector<16xf32> to vector<1x16xf32>
        tpu.vector_store %arg19[%swap3A_1386, %swap3A_1387], %swap3A_1390 {strides = array<i32>} : memref<128x128xf32, #tpu.memory_space<vmem>>, vector<1x16xf32>,
        %slice3A_1391 = vector.extract_strided_slice %get3A_175 {offsets = [14], sizes = [1], strides = [1]} : vector<16xf32> to vector<1xf32>
        %squeeze3A_1392 = vector.extract %slice3A_1391[0] : f32 from vector<1xf32>
        %broadcast_in_dim3A_1393 = vector.broadcast %squeeze3A_1392 : f32 to vector<16xf32>
        %mul3A_1394 = arith.constant 16 : i32
        %mul3A_1395 = arith.muli %scan3A_170, %mul3A_1394 : i32
        %add3A_1396 = arith.constant 14 : i32
        %add3A_1397 = arith.addi %mul3A_1395, %add3A_1396 : i32
        %get3A_1398 = arith.index_cast %add3A_1397 : i32 to index
        %get3A_1399 = arith.constant 0 : index
        %get3A_1400 = tpu.vector_load %arg19[%get3A_1398, %get3A_1399] {strides = array<i32>} : memref<128x128xf32, #tpu.memory_space<vmem>>, vector<1x16xf32>,
        %get3A_1401 = vector.shape_cast %get3A_1400 : vector<1x16xf32> to vector<16xf32>
        %mul3A_1402 = arith.mulf %get3A_1401, %broadcast_in_dim3A_1393 : vector<16xf32>
        %swap3A_1403 = arith.index_cast %add3A_1397 : i32 to index
        %swap3A_1404 = arith.constant 0 : index
        %swap3A_1405 = tpu.vector_load %arg19[%swap3A_1403, %swap3A_1404] {strides = array<i32>} : memref<128x128xf32, #tpu.memory_space<vmem>>, vector<1x16xf32>,
        %swap3A_1406 = vector.shape_cast %swap3A_1405 : vector<1x16xf32> to vector<16xf32>
        %swap3A_1407 = vector.shape_cast %mul3A_1402 : vector<16xf32> to vector<1x16xf32>
        tpu.vector_store %arg19[%swap3A_1403, %swap3A_1404], %swap3A_1407 {strides = array<i32>} : memref<128x128xf32, #tpu.memory_space<vmem>>, vector<1x16xf32>,
        %get3A_1408 = arith.index_cast %add3A_1397 : i32 to index
        %get3A_1409 = arith.constant 16 : index
        %get3A_1410 = tpu.vector_load %arg19[%get3A_1408, %get3A_1409] {strides = array<i32>} : memref<128x128xf32, #tpu.memory_space<vmem>>, vector<1x16xf32>,
        %get3A_1411 = vector.shape_cast %get3A_1410 : vector<1x16xf32> to vector<16xf32>
        %mul3A_1412 = arith.mulf %get3A_1411, %broadcast_in_dim3A_1393 : vector<16xf32>
        %swap3A_1413 = arith.index_cast %add3A_1397 : i32 to index
        %swap3A_1414 = arith.constant 16 : index
        %swap3A_1415 = tpu.vector_load %arg19[%swap3A_1413, %swap3A_1414] {strides = array<i32>} : memref<128x128xf32, #tpu.memory_space<vmem>>, vector<1x16xf32>,
        %swap3A_1416 = vector.shape_cast %swap3A_1415 : vector<1x16xf32> to vector<16xf32>
        %swap3A_1417 = vector.shape_cast %mul3A_1412 : vector<16xf32> to vector<1x16xf32>
        tpu.vector_store %arg19[%swap3A_1413, %swap3A_1414], %swap3A_1417 {strides = array<i32>} : memref<128x128xf32, #tpu.memory_space<vmem>>, vector<1x16xf32>,
        %get3A_1418 = arith.index_cast %add3A_1397 : i32 to index
        %get3A_1419 = arith.constant 32 : index
        %get3A_1420 = tpu.vector_load %arg19[%get3A_1418, %get3A_1419] {strides = array<i32>} : memref<128x128xf32, #tpu.memory_space<vmem>>, vector<1x16xf32>,
        %get3A_1421 = vector.shape_cast %get3A_1420 : vector<1x16xf32> to vector<16xf32>
        %mul3A_1422 = arith.mulf %get3A_1421, %broadcast_in_dim3A_1393 : vector<16xf32>
        %swap3A_1423 = arith.index_cast %add3A_1397 : i32 to index
        %swap3A_1424 = arith.constant 32 : index
        %swap3A_1425 = tpu.vector_load %arg19[%swap3A_1423, %swap3A_1424] {strides = array<i32>} : memref<128x128xf32, #tpu.memory_space<vmem>>, vector<1x16xf32>,
        %swap3A_1426 = vector.shape_cast %swap3A_1425 : vector<1x16xf32> to vector<16xf32>
        %swap3A_1427 = vector.shape_cast %mul3A_1422 : vector<16xf32> to vector<1x16xf32>
        tpu.vector_store %arg19[%swap3A_1423, %swap3A_1424], %swap3A_1427 {strides = array<i32>} : memref<128x128xf32, #tpu.memory_space<vmem>>, vector<1x16xf32>,
        %get3A_1428 = arith.index_cast %add3A_1397 : i32 to index
        %get3A_1429 = arith.constant 48 : index
        %get3A_1430 = tpu.vector_load %arg19[%get3A_1428, %get3A_1429] {strides = array<i32>} : memref<128x128xf32, #tpu.memory_space<vmem>>, vector<1x16xf32>,
        %get3A_1431 = vector.shape_cast %get3A_1430 : vector<1x16xf32> to vector<16xf32>
        %mul3A_1432 = arith.mulf %get3A_1431, %broadcast_in_dim3A_1393 : vector<16xf32>
        %swap3A_1433 = arith.index_cast %add3A_1397 : i32 to index
        %swap3A_1434 = arith.constant 48 : index
        %swap3A_1435 = tpu.vector_load %arg19[%swap3A_1433, %swap3A_1434] {strides = array<i32>} : memref<128x128xf32, #tpu.memory_space<vmem>>, vector<1x16xf32>,
        %swap3A_1436 = vector.shape_cast %swap3A_1435 : vector<1x16xf32> to vector<16xf32>
        %swap3A_1437 = vector.shape_cast %mul3A_1432 : vector<16xf32> to vector<1x16xf32>
        tpu.vector_store %arg19[%swap3A_1433, %swap3A_1434], %swap3A_1437 {strides = array<i32>} : memref<128x128xf32, #tpu.memory_space<vmem>>, vector<1x16xf32>,
        %get3A_1438 = arith.index_cast %add3A_1397 : i32 to index
        %get3A_1439 = arith.constant 64 : index
        %get3A_1440 = tpu.vector_load %arg19[%get3A_1438, %get3A_1439] {strides = array<i32>} : memref<128x128xf32, #tpu.memory_space<vmem>>, vector<1x16xf32>,
        %get3A_1441 = vector.shape_cast %get3A_1440 : vector<1x16xf32> to vector<16xf32>
        %mul3A_1442 = arith.mulf %get3A_1441, %broadcast_in_dim3A_1393 : vector<16xf32>
        %swap3A_1443 = arith.index_cast %add3A_1397 : i32 to index
        %swap3A_1444 = arith.constant 64 : index
        %swap3A_1445 = tpu.vector_load %arg19[%swap3A_1443, %swap3A_1444] {strides = array<i32>} : memref<128x128xf32, #tpu.memory_space<vmem>>, vector<1x16xf32>,
        %swap3A_1446 = vector.shape_cast %swap3A_1445 : vector<1x16xf32> to vector<16xf32>
        %swap3A_1447 = vector.shape_cast %mul3A_1442 : vector<16xf32> to vector<1x16xf32>
        tpu.vector_store %arg19[%swap3A_1443, %swap3A_1444], %swap3A_1447 {strides = array<i32>} : memref<128x128xf32, #tpu.memory_space<vmem>>, vector<1x16xf32>,
        %get3A_1448 = arith.index_cast %add3A_1397 : i32 to index
        %get3A_1449 = arith.constant 80 : index
        %get3A_1450 = tpu.vector_load %arg19[%get3A_1448, %get3A_1449] {strides = array<i32>} : memref<128x128xf32, #tpu.memory_space<vmem>>, vector<1x16xf32>,
        %get3A_1451 = vector.shape_cast %get3A_1450 : vector<1x16xf32> to vector<16xf32>
        %mul3A_1452 = arith.mulf %get3A_1451, %broadcast_in_dim3A_1393 : vector<16xf32>
        %swap3A_1453 = arith.index_cast %add3A_1397 : i32 to index
        %swap3A_1454 = arith.constant 80 : index
        %swap3A_1455 = tpu.vector_load %arg19[%swap3A_1453, %swap3A_1454] {strides = array<i32>} : memref<128x128xf32, #tpu.memory_space<vmem>>, vector<1x16xf32>,
        %swap3A_1456 = vector.shape_cast %swap3A_1455 : vector<1x16xf32> to vector<16xf32>
        %swap3A_1457 = vector.shape_cast %mul3A_1452 : vector<16xf32> to vector<1x16xf32>
        tpu.vector_store %arg19[%swap3A_1453, %swap3A_1454], %swap3A_1457 {strides = array<i32>} : memref<128x128xf32, #tpu.memory_space<vmem>>, vector<1x16xf32>,
        %get3A_1458 = arith.index_cast %add3A_1397 : i32 to index
        %get3A_1459 = arith.constant 96 : index
        %get3A_1460 = tpu.vector_load %arg19[%get3A_1458, %get3A_1459] {strides = array<i32>} : memref<128x128xf32, #tpu.memory_space<vmem>>, vector<1x16xf32>,
        %get3A_1461 = vector.shape_cast %get3A_1460 : vector<1x16xf32> to vector<16xf32>
        %mul3A_1462 = arith.mulf %get3A_1461, %broadcast_in_dim3A_1393 : vector<16xf32>
        %swap3A_1463 = arith.index_cast %add3A_1397 : i32 to index
        %swap3A_1464 = arith.constant 96 : index
        %swap3A_1465 = tpu.vector_load %arg19[%swap3A_1463, %swap3A_1464] {strides = array<i32>} : memref<128x128xf32, #tpu.memory_space<vmem>>, vector<1x16xf32>,
        %swap3A_1466 = vector.shape_cast %swap3A_1465 : vector<1x16xf32> to vector<16xf32>
        %swap3A_1467 = vector.shape_cast %mul3A_1462 : vector<16xf32> to vector<1x16xf32>
        tpu.vector_store %arg19[%swap3A_1463, %swap3A_1464], %swap3A_1467 {strides = array<i32>} : memref<128x128xf32, #tpu.memory_space<vmem>>, vector<1x16xf32>,
        %get3A_1468 = arith.index_cast %add3A_1397 : i32 to index
        %get3A_1469 = arith.constant 112 : index
        %get3A_1470 = tpu.vector_load %arg19[%get3A_1468, %get3A_1469] {strides = array<i32>} : memref<128x128xf32, #tpu.memory_space<vmem>>, vector<1x16xf32>,
        %get3A_1471 = vector.shape_cast %get3A_1470 : vector<1x16xf32> to vector<16xf32>
        %mul3A_1472 = arith.mulf %get3A_1471, %broadcast_in_dim3A_1393 : vector<16xf32>
        %swap3A_1473 = arith.index_cast %add3A_1397 : i32 to index
        %swap3A_1474 = arith.constant 112 : index
        %swap3A_1475 = tpu.vector_load %arg19[%swap3A_1473, %swap3A_1474] {strides = array<i32>} : memref<128x128xf32, #tpu.memory_space<vmem>>, vector<1x16xf32>,
        %swap3A_1476 = vector.shape_cast %swap3A_1475 : vector<1x16xf32> to vector<16xf32>
        %swap3A_1477 = vector.shape_cast %mul3A_1472 : vector<16xf32> to vector<1x16xf32>
        tpu.vector_store %arg19[%swap3A_1473, %swap3A_1474], %swap3A_1477 {strides = array<i32>} : memref<128x128xf32, #tpu.memory_space<vmem>>, vector<1x16xf32>,
        %slice3A_1478 = vector.extract_strided_slice %get3A_175 {offsets = [15], sizes = [1], strides = [1]} : vector<16xf32> to vector<1xf32>
        %squeeze3A_1479 = vector.extract %slice3A_1478[0] : f32 from vector<1xf32>
        %broadcast_in_dim3A_1480 = vector.broadcast %squeeze3A_1479 : f32 to vector<16xf32>
        %mul3A_1481 = arith.constant 16 : i32
        %mul3A_1482 = arith.muli %scan3A_170, %mul3A_1481 : i32
        %add3A_1483 = arith.constant 15 : i32
        %add3A_1484 = arith.addi %mul3A_1482, %add3A_1483 : i32
        %get3A_1485 = arith.index_cast %add3A_1484 : i32 to index
        %get3A_1486 = arith.constant 0 : index
        %get3A_1487 = tpu.vector_load %arg19[%get3A_1485, %get3A_1486] {strides = array<i32>} : memref<128x128xf32, #tpu.memory_space<vmem>>, vector<1x16xf32>,
        %get3A_1488 = vector.shape_cast %get3A_1487 : vector<1x16xf32> to vector<16xf32>
        %mul3A_1489 = arith.mulf %get3A_1488, %broadcast_in_dim3A_1480 : vector<16xf32>
        %swap3A_1490 = arith.index_cast %add3A_1484 : i32 to index
        %swap3A_1491 = arith.constant 0 : index
        %swap3A_1492 = tpu.vector_load %arg19[%swap3A_1490, %swap3A_1491] {strides = array<i32>} : memref<128x128xf32, #tpu.memory_space<vmem>>, vector<1x16xf32>,
        %swap3A_1493 = vector.shape_cast %swap3A_1492 : vector<1x16xf32> to vector<16xf32>
        %swap3A_1494 = vector.shape_cast %mul3A_1489 : vector<16xf32> to vector<1x16xf32>
        tpu.vector_store %arg19[%swap3A_1490, %swap3A_1491], %swap3A_1494 {strides = array<i32>} : memref<128x128xf32, #tpu.memory_space<vmem>>, vector<1x16xf32>,
        %get3A_1495 = arith.index_cast %add3A_1484 : i32 to index
        %get3A_1496 = arith.constant 16 : index
        %get3A_1497 = tpu.vector_load %arg19[%get3A_1495, %get3A_1496] {strides = array<i32>} : memref<128x128xf32, #tpu.memory_space<vmem>>, vector<1x16xf32>,
        %get3A_1498 = vector.shape_cast %get3A_1497 : vector<1x16xf32> to vector<16xf32>
        %mul3A_1499 = arith.mulf %get3A_1498, %broadcast_in_dim3A_1480 : vector<16xf32>
        %swap3A_1500 = arith.index_cast %add3A_1484 : i32 to index
        %swap3A_1501 = arith.constant 16 : index
        %swap3A_1502 = tpu.vector_load %arg19[%swap3A_1500, %swap3A_1501] {strides = array<i32>} : memref<128x128xf32, #tpu.memory_space<vmem>>, vector<1x16xf32>,
        %swap3A_1503 = vector.shape_cast %swap3A_1502 : vector<1x16xf32> to vector<16xf32>
        %swap3A_1504 = vector.shape_cast %mul3A_1499 : vector<16xf32> to vector<1x16xf32>
        tpu.vector_store %arg19[%swap3A_1500, %swap3A_1501], %swap3A_1504 {strides = array<i32>} : memref<128x128xf32, #tpu.memory_space<vmem>>, vector<1x16xf32>,
        %get3A_1505 = arith.index_cast %add3A_1484 : i32 to index
        %get3A_1506 = arith.constant 32 : index
        %get3A_1507 = tpu.vector_load %arg19[%get3A_1505, %get3A_1506] {strides = array<i32>} : memref<128x128xf32, #tpu.memory_space<vmem>>, vector<1x16xf32>,
        %get3A_1508 = vector.shape_cast %get3A_1507 : vector<1x16xf32> to vector<16xf32>
        %mul3A_1509 = arith.mulf %get3A_1508, %broadcast_in_dim3A_1480 : vector<16xf32>
        %swap3A_1510 = arith.index_cast %add3A_1484 : i32 to index
        %swap3A_1511 = arith.constant 32 : index
        %swap3A_1512 = tpu.vector_load %arg19[%swap3A_1510, %swap3A_1511] {strides = array<i32>} : memref<128x128xf32, #tpu.memory_space<vmem>>, vector<1x16xf32>,
        %swap3A_1513 = vector.shape_cast %swap3A_1512 : vector<1x16xf32> to vector<16xf32>
        %swap3A_1514 = vector.shape_cast %mul3A_1509 : vector<16xf32> to vector<1x16xf32>
        tpu.vector_store %arg19[%swap3A_1510, %swap3A_1511], %swap3A_1514 {strides = array<i32>} : memref<128x128xf32, #tpu.memory_space<vmem>>, vector<1x16xf32>,
        %get3A_1515 = arith.index_cast %add3A_1484 : i32 to index
        %get3A_1516 = arith.constant 48 : index
        %get3A_1517 = tpu.vector_load %arg19[%get3A_1515, %get3A_1516] {strides = array<i32>} : memref<128x128xf32, #tpu.memory_space<vmem>>, vector<1x16xf32>,
        %get3A_1518 = vector.shape_cast %get3A_1517 : vector<1x16xf32> to vector<16xf32>
        %mul3A_1519 = arith.mulf %get3A_1518, %broadcast_in_dim3A_1480 : vector<16xf32>
        %swap3A_1520 = arith.index_cast %add3A_1484 : i32 to index
        %swap3A_1521 = arith.constant 48 : index
        %swap3A_1522 = tpu.vector_load %arg19[%swap3A_1520, %swap3A_1521] {strides = array<i32>} : memref<128x128xf32, #tpu.memory_space<vmem>>, vector<1x16xf32>,
        %swap3A_1523 = vector.shape_cast %swap3A_1522 : vector<1x16xf32> to vector<16xf32>
        %swap3A_1524 = vector.shape_cast %mul3A_1519 : vector<16xf32> to vector<1x16xf32>
        tpu.vector_store %arg19[%swap3A_1520, %swap3A_1521], %swap3A_1524 {strides = array<i32>} : memref<128x128xf32, #tpu.memory_space<vmem>>, vector<1x16xf32>,
        %get3A_1525 = arith.index_cast %add3A_1484 : i32 to index
        %get3A_1526 = arith.constant 64 : index
        %get3A_1527 = tpu.vector_load %arg19[%get3A_1525, %get3A_1526] {strides = array<i32>} : memref<128x128xf32, #tpu.memory_space<vmem>>, vector<1x16xf32>,
        %get3A_1528 = vector.shape_cast %get3A_1527 : vector<1x16xf32> to vector<16xf32>
        %mul3A_1529 = arith.mulf %get3A_1528, %broadcast_in_dim3A_1480 : vector<16xf32>
        %swap3A_1530 = arith.index_cast %add3A_1484 : i32 to index
        %swap3A_1531 = arith.constant 64 : index
        %swap3A_1532 = tpu.vector_load %arg19[%swap3A_1530, %swap3A_1531] {strides = array<i32>} : memref<128x128xf32, #tpu.memory_space<vmem>>, vector<1x16xf32>,
        %swap3A_1533 = vector.shape_cast %swap3A_1532 : vector<1x16xf32> to vector<16xf32>
        %swap3A_1534 = vector.shape_cast %mul3A_1529 : vector<16xf32> to vector<1x16xf32>
        tpu.vector_store %arg19[%swap3A_1530, %swap3A_1531], %swap3A_1534 {strides = array<i32>} : memref<128x128xf32, #tpu.memory_space<vmem>>, vector<1x16xf32>,
        %get3A_1535 = arith.index_cast %add3A_1484 : i32 to index
        %get3A_1536 = arith.constant 80 : index
        %get3A_1537 = tpu.vector_load %arg19[%get3A_1535, %get3A_1536] {strides = array<i32>} : memref<128x128xf32, #tpu.memory_space<vmem>>, vector<1x16xf32>,
        %get3A_1538 = vector.shape_cast %get3A_1537 : vector<1x16xf32> to vector<16xf32>
        %mul3A_1539 = arith.mulf %get3A_1538, %broadcast_in_dim3A_1480 : vector<16xf32>
        %swap3A_1540 = arith.index_cast %add3A_1484 : i32 to index
        %swap3A_1541 = arith.constant 80 : index
        %swap3A_1542 = tpu.vector_load %arg19[%swap3A_1540, %swap3A_1541] {strides = array<i32>} : memref<128x128xf32, #tpu.memory_space<vmem>>, vector<1x16xf32>,
        %swap3A_1543 = vector.shape_cast %swap3A_1542 : vector<1x16xf32> to vector<16xf32>
        %swap3A_1544 = vector.shape_cast %mul3A_1539 : vector<16xf32> to vector<1x16xf32>
        tpu.vector_store %arg19[%swap3A_1540, %swap3A_1541], %swap3A_1544 {strides = array<i32>} : memref<128x128xf32, #tpu.memory_space<vmem>>, vector<1x16xf32>,
        %get3A_1545 = arith.index_cast %add3A_1484 : i32 to index
        %get3A_1546 = arith.constant 96 : index
        %get3A_1547 = tpu.vector_load %arg19[%get3A_1545, %get3A_1546] {strides = array<i32>} : memref<128x128xf32, #tpu.memory_space<vmem>>, vector<1x16xf32>,
        %get3A_1548 = vector.shape_cast %get3A_1547 : vector<1x16xf32> to vector<16xf32>
        %mul3A_1549 = arith.mulf %get3A_1548, %broadcast_in_dim3A_1480 : vector<16xf32>
        %swap3A_1550 = arith.index_cast %add3A_1484 : i32 to index
        %swap3A_1551 = arith.constant 96 : index
        %swap3A_1552 = tpu.vector_load %arg19[%swap3A_1550, %swap3A_1551] {strides = array<i32>} : memref<128x128xf32, #tpu.memory_space<vmem>>, vector<1x16xf32>,
        %swap3A_1553 = vector.shape_cast %swap3A_1552 : vector<1x16xf32> to vector<16xf32>
        %swap3A_1554 = vector.shape_cast %mul3A_1549 : vector<16xf32> to vector<1x16xf32>
        tpu.vector_store %arg19[%swap3A_1550, %swap3A_1551], %swap3A_1554 {strides = array<i32>} : memref<128x128xf32, #tpu.memory_space<vmem>>, vector<1x16xf32>,
        %get3A_1555 = arith.index_cast %add3A_1484 : i32 to index
        %get3A_1556 = arith.constant 112 : index
        %get3A_1557 = tpu.vector_load %arg19[%get3A_1555, %get3A_1556] {strides = array<i32>} : memref<128x128xf32, #tpu.memory_space<vmem>>, vector<1x16xf32>,
        %get3A_1558 = vector.shape_cast %get3A_1557 : vector<1x16xf32> to vector<16xf32>
        %mul3A_1559 = arith.mulf %get3A_1558, %broadcast_in_dim3A_1480 : vector<16xf32>
        %swap3A_1560 = arith.index_cast %add3A_1484 : i32 to index
        %swap3A_1561 = arith.constant 112 : index
        %swap3A_1562 = tpu.vector_load %arg19[%swap3A_1560, %swap3A_1561] {strides = array<i32>} : memref<128x128xf32, #tpu.memory_space<vmem>>, vector<1x16xf32>,
        %swap3A_1563 = vector.shape_cast %swap3A_1562 : vector<1x16xf32> to vector<16xf32>
        %swap3A_1564 = vector.shape_cast %mul3A_1559 : vector<16xf32> to vector<1x16xf32>
        tpu.vector_store %arg19[%swap3A_1560, %swap3A_1561], %swap3A_1564 {strides = array<i32>} : memref<128x128xf32, #tpu.memory_space<vmem>>, vector<1x16xf32>,
      }
      %scan3A_169 = arith.constant 8 : i32
      "tpu.region"() ({
        %run_scoped3A = tpu.sem_alloc : memref<!tpu.dma_semaphore, #tpu.memory_space<semaphore_mem>>
        %dma_start3A_170 = arith.constant 0 : i32
        %dma_start3A_171 = arith.constant 0 : i32
        %dma_start3A_172 = tpu.memref_slice %arg12[%dma_start3A_170, %dma_start3A_171] : memref<11008x128xf32, #tpu.memory_space<vmem_shared>> -> memref<11008x128xf32, #tpu.memory_space<vmem_shared>>
        tpu.enqueue_indirect_dma source(%arg19 : memref<128x128xf32, #tpu.memory_space<vmem>>) target(%dma_start3A_172 : memref<11008x128xf32, #tpu.memory_space<vmem_shared>>) offsets(%arg15 : memref<128xi32, #tpu.memory_space<vmem>>) semaphore(%run_scoped3A : memref<!tpu.dma_semaphore, #tpu.memory_space<semaphore_mem>>) {add = true}
        %dma_wait3A_173 = arith.constant 0 : i32
        %dma_wait3A_174 = arith.constant 0 : i32
        %dma_wait3A_175 = tpu.memref_slice %arg12[%dma_wait3A_173, %dma_wait3A_174] : memref<11008x128xf32, #tpu.memory_space<vmem_shared>> -> memref<11008x128xf32, #tpu.memory_space<vmem_shared>>
        tpu.wait_indirect_dma semaphore(%run_scoped3A : memref<!tpu.dma_semaphore, #tpu.memory_space<semaphore_mem>>) src(%arg19 : memref<128x128xf32, #tpu.memory_space<vmem>>) dst(%dma_wait3A_175 : memref<11008x128xf32, #tpu.memory_space<vmem_shared>>)
        tpu.yield
      }) : () -> ()
    }
    %scan3A_10 = arith.constant 43 : i32
    %barrier3A_11 = arith.constant 0 : index
    tpu.barrier barrier_id(%barrier3A_11)
    %eq3A_12 = arith.constant 0 : i32
    %eq3A_13 = arith.cmpi eq, %arg1, %eq3A_12 : i32
    %convert_element_type3A_14 = arith.extui %eq3A_13 : i1 to i32
    %cond3A_15 = arith.constant 0 : i32
    %cond3A_16 = arith.cmpi ne, %convert_element_type3A_14, %cond3A_15 : i32
    scf.if %cond3A_16 {
      "tpu.region"() ({
        %run_scoped3A = tpu.sem_alloc : memref<!tpu.dma_semaphore, #tpu.memory_space<semaphore_mem>>
        %dma_start3A = arith.constant 0 : i32
        %dma_start3A_17 = arith.constant 0 : i32
        %dma_start3A_18 = tpu.memref_slice %arg10[%arg0, %dma_start3A, %dma_start3A_17] : memref<2x11008x128xf32, #tpu.memory_space<hbm>> -> memref<1x11008x128xf32, #tpu.memory_space<hbm>>
        %dma_start3A_19 = tpu.memref_squeeze %dma_start3A_18 : memref<1x11008x128xf32, #tpu.memory_space<hbm>> -> memref<11008x128xf32, #tpu.memory_space<hbm>>
        tpu.enqueue_dma source(%arg12 : memref<11008x128xf32, #tpu.memory_space<vmem_shared>>) target(%dma_start3A_19 : memref<11008x128xf32, #tpu.memory_space<hbm>>) target_semaphore(%run_scoped3A : memref<!tpu.dma_semaphore, #tpu.memory_space<semaphore_mem>>)
        %dma_wait3A = arith.constant 0 : i32
        %dma_wait3A_20 = arith.constant 0 : i32
        %dma_wait3A_21 = tpu.memref_slice %arg10[%arg0, %dma_wait3A, %dma_wait3A_20] : memref<2x11008x128xf32, #tpu.memory_space<hbm>> -> memref<1x11008x128xf32, #tpu.memory_space<hbm>>
        %dma_wait3A_22 = tpu.memref_squeeze %dma_wait3A_21 : memref<1x11008x128xf32, #tpu.memory_space<hbm>> -> memref<11008x128xf32, #tpu.memory_space<hbm>>
        tpu.wait_dma2 semaphore(%run_scoped3A : memref<!tpu.dma_semaphore, #tpu.memory_space<semaphore_mem>>) src(%arg12 : memref<11008x128xf32, #tpu.memory_space<vmem_shared>>) dst(%dma_wait3A_22 : memref<11008x128xf32, #tpu.memory_space<hbm>>)
        tpu.yield
      }) : () -> ()
      "tpu.region"() ({
        %run_scoped3A = tpu.sem_alloc : memref<!tpu.dma_semaphore, #tpu.memory_space<semaphore_mem>>
        %dma_start3A = arith.constant 0 : i32
        %dma_start3A_17 = tpu.memref_slice %arg11[%arg0, %dma_start3A] : memref<2x11008xf32, #tpu.memory_space<hbm>> -> memref<1x11008xf32, #tpu.memory_space<hbm>>
        %dma_start3A_18 = tpu.memref_squeeze %dma_start3A_17 : memref<1x11008xf32, #tpu.memory_space<hbm>> -> memref<11008xf32, #tpu.memory_space<hbm>>
        tpu.enqueue_dma source(%arg13 : memref<11008xf32, #tpu.memory_space<vmem_shared>>) target(%dma_start3A_18 : memref<11008xf32, #tpu.memory_space<hbm>>) target_semaphore(%run_scoped3A : memref<!tpu.dma_semaphore, #tpu.memory_space<semaphore_mem>>)
        %dma_wait3A = arith.constant 0 : i32
        %dma_wait3A_19 = tpu.memref_slice %arg11[%arg0, %dma_wait3A] : memref<2x11008xf32, #tpu.memory_space<hbm>> -> memref<1x11008xf32, #tpu.memory_space<hbm>>
        %dma_wait3A_20 = tpu.memref_squeeze %dma_wait3A_19 : memref<1x11008xf32, #tpu.memory_space<hbm>> -> memref<11008xf32, #tpu.memory_space<hbm>>
        tpu.wait_dma2 semaphore(%run_scoped3A : memref<!tpu.dma_semaphore, #tpu.memory_space<semaphore_mem>>) src(%arg13 : memref<11008xf32, #tpu.memory_space<vmem_shared>>) dst(%dma_wait3A_20 : memref<11008xf32, #tpu.memory_space<hbm>>)
        tpu.yield
      }) : () -> ()
    } else {
    }
    return
  }
}

module attributes {stable_mosaic.version = 14 : i64} {
  func.func @_tc_data_gin_body(%arg0: i32, %arg1: memref<1000x128xf32, #tpu.memory_space<vmem>>, %arg2: memref<2x1000x128xf32, #tpu.memory_space<vmem>>, %arg3: memref<128x256xf32, #tpu.memory_space<vmem>>, %arg4: memref<256xf32, #tpu.memory_space<vmem>>, %arg5: memref<256x128xf32, #tpu.memory_space<vmem>>, %arg6: memref<1000x128xf32, #tpu.memory_space<vmem>>) attributes {dimension_semantics = [#tpu.dimension_semantics<arbitrary>], iteration_bounds = array<i64: 10>, scalar_prefetch = 0 : i64, scratch_operands = 0 : i64, tpu.core_type = #tpu.core_type<tc>, window_params = [{transform_indices = @transform_0, window_bounds = array<i64: 1000, 128>}, {transform_indices = @transform_1, window_bounds = array<i64: 2, 1000, 128>}, {pipeline_mode = #tpu.pipeline_mode<synchronous>, transform_indices = @transform_2, window_bounds = array<i64: 128, 256>}, {pipeline_mode = #tpu.pipeline_mode<synchronous>, transform_indices = @transform_3, window_bounds = array<i64: 256>}, {pipeline_mode = #tpu.pipeline_mode<synchronous>, transform_indices = @transform_4, window_bounds = array<i64: 256, 128>}, {transform_indices = @transform_5, window_bounds = array<i64: 1000, 128>}]} {
    %get3A = arith.constant 0 : index
    %get3A_0 = arith.constant 0 : index
    %get3A_1 = vector.load %arg1[%get3A, %get3A_0] : memref<1000x128xf32, #tpu.memory_space<vmem>>, vector<1000x128xf32>
    %get3A_2 = arith.constant 0 : index
    %get3A_3 = arith.constant 0 : index
    %get3A_4 = arith.constant 0 : index
    %get3A_5 = vector.load %arg2[%get3A_2, %get3A_3, %get3A_4] : memref<2x1000x128xf32, #tpu.memory_space<vmem>>, vector<1x1000x128xf32>
    %get3A_6 = vector.shape_cast %get3A_5 : vector<1x1000x128xf32> to vector<1000x128xf32>
    %add3A = arith.addf %get3A_1, %get3A_6 : vector<1000x128xf32>
    %get3A_7 = arith.constant 1 : index
    %get3A_8 = arith.constant 0 : index
    %get3A_9 = arith.constant 0 : index
    %get3A_10 = vector.load %arg2[%get3A_7, %get3A_8, %get3A_9] : memref<2x1000x128xf32, #tpu.memory_space<vmem>>, vector<1x1000x128xf32>
    %get3A_11 = vector.shape_cast %get3A_10 : vector<1x1000x128xf32> to vector<1000x128xf32>
    %add3A_12 = arith.addf %add3A, %get3A_11 : vector<1000x128xf32>
    %get3A_13 = arith.constant 0 : index
    %get3A_14 = arith.constant 0 : index
    %get3A_15 = vector.load %arg3[%get3A_13, %get3A_14] : memref<128x256xf32, #tpu.memory_space<vmem>>, vector<128x256xf32>
    %dot_general3A = arith.constant dense<0.000000e+00> : vector<1000x256xf32>
    %dot_general3A_16 = tpu.matmul %add3A_12, %get3A_15, %dot_general3A {dimension_numbers = #tpu.dot_dimension_numbers<[1], [0], [0], [1], [0, 0, 1, 1], [], []>, precision = #tpu.contract_precision<fp32>, transpose_lhs_hint = false} : vector<1000x128xf32>, vector<128x256xf32>, vector<1000x256xf32> -> vector<1000x256xf32>
    %get3A_17 = arith.constant 0 : index
    %get3A_18 = vector.load %arg4[%get3A_17] : memref<256xf32, #tpu.memory_space<vmem>>, vector<256xf32>
    %broadcast_in_dim3A = vector.shape_cast %get3A_18 : vector<256xf32> to vector<1x256xf32>
    %add3A_19 = vector.broadcast %broadcast_in_dim3A : vector<1x256xf32> to vector<1000x256xf32>
    %add3A_20 = arith.addf %dot_general3A_16, %add3A_19 : vector<1000x256xf32>
    %max3A = arith.constant 0.000000e+00 : f32
    %max3A_21 = vector.broadcast %max3A : f32 to vector<1000x256xf32>
    %max3A_22 = arith.maximumf %add3A_20, %max3A_21 : vector<1000x256xf32>
    %get3A_23 = arith.constant 0 : index
    %get3A_24 = arith.constant 0 : index
    %get3A_25 = vector.load %arg5[%get3A_23, %get3A_24] : memref<256x128xf32, #tpu.memory_space<vmem>>, vector<256x128xf32>
    %dot_general3A_26 = arith.constant dense<0.000000e+00> : vector<1000x128xf32>
    %dot_general3A_27 = tpu.matmul %max3A_22, %get3A_25, %dot_general3A_26 {dimension_numbers = #tpu.dot_dimension_numbers<[1], [0], [0], [1], [0, 0, 1, 1], [], []>, precision = #tpu.contract_precision<fp32>, transpose_lhs_hint = false} : vector<1000x256xf32>, vector<256x128xf32>, vector<1000x128xf32> -> vector<1000x128xf32>
    %swap3A = arith.constant 0 : index
    %swap3A_28 = arith.constant 0 : index
    %swap3A_29 = vector.load %arg6[%swap3A, %swap3A_28] : memref<1000x128xf32, #tpu.memory_space<vmem>>, vector<1000x128xf32>
    tpu.vector_store %arg6[%swap3A, %swap3A_28], %dot_general3A_27 {strides = array<i32>} : memref<1000x128xf32, #tpu.memory_space<vmem>>, vector<1000x128xf32>,
    return
  }
  func.func @transform_0(%arg0: i32) -> (i32, i32) {
    %c0_i32 = arith.constant 0 : i32
    %c0_i32_0 = arith.constant 0 : i32
    return %arg0, %c0_i32 : i32, i32
  }
  func.func @transform_1(%arg0: i32) -> (i32, i32, i32) {
    %c0_i32 = arith.constant 0 : i32
    %c0_i32_0 = arith.constant 0 : i32
    %c0_i32_1 = arith.constant 0 : i32
    return %c0_i32, %arg0, %c0_i32_0 : i32, i32, i32
  }
  func.func @transform_2(%arg0: i32) -> (i32, i32) {
    %c0_i32 = arith.constant 0 : i32
    %c0_i32_0 = arith.constant 0 : i32
    %c0_i32_1 = arith.constant 0 : i32
    return %c0_i32, %c0_i32_0 : i32, i32
  }
  func.func @transform_3(%arg0: i32) -> i32 {
    %c0_i32 = arith.constant 0 : i32
    %c0_i32_0 = arith.constant 0 : i32
    return %c0_i32 : i32
  }
  func.func @transform_4(%arg0: i32) -> (i32, i32) {
    %c0_i32 = arith.constant 0 : i32
    %c0_i32_0 = arith.constant 0 : i32
    %c0_i32_1 = arith.constant 0 : i32
    return %c0_i32, %c0_i32_0 : i32, i32
  }
  func.func @transform_5(%arg0: i32) -> (i32, i32) {
    %c0_i32 = arith.constant 0 : i32
    %c0_i32_0 = arith.constant 0 : i32
    return %arg0, %c0_i32 : i32, i32
  }
}

module attributes {stable_mosaic.version = 14 : i64} {
  func.func @_tc_query_gat_body(%arg0: memref<1000x128xf32, #tpu.memory_space<vmem>>, %arg1: memref<10000x128xf32, #tpu.memory_space<vmem>>, %arg2: memref<2x1008x128xf32, #tpu.memory_space<vmem>>, %arg3: memref<128x128xf32, #tpu.memory_space<vmem>>, %arg4: memref<128xf32, #tpu.memory_space<vmem>>, %arg5: memref<128x128xf32, #tpu.memory_space<vmem>>, %arg6: memref<128x128xf32, #tpu.memory_space<vmem>>, %arg7: memref<128xf32, #tpu.memory_space<vmem>>, %arg8: memref<128xf32, #tpu.memory_space<vmem>>, %arg9: memref<1000x128xf32, #tpu.memory_space<vmem>>, %arg10: memref<11008x128xf32, #tpu.memory_space<vmem>>, %arg11: memref<1000xf32, #tpu.memory_space<vmem>>, %arg12: memref<10000xf32, #tpu.memory_space<vmem>>, %arg13: memref<1000xf32, #tpu.memory_space<vmem>>, %arg14: memref<10000xf32, #tpu.memory_space<vmem>>, %arg15: memref<1x128xf32, #tpu.memory_space<vmem>>) attributes {dimension_semantics = [], scalar_prefetch = 0 : i64, scratch_operands = 0 : i64, tpu.core_type = #tpu.core_type<tc>} {
    %get3A = arith.constant 0 : index
    %get3A_0 = arith.constant 0 : index
    %get3A_1 = vector.load %arg0[%get3A, %get3A_0] : memref<1000x128xf32, #tpu.memory_space<vmem>>, vector<1000x128xf32>
    %get3A_2 = arith.constant 0 : index
    %get3A_3 = arith.constant 0 : index
    %get3A_4 = arith.constant 0 : index
    %get3A_5 = vector.load %arg2[%get3A_2, %get3A_3, %get3A_4] : memref<2x1008x128xf32, #tpu.memory_space<vmem>>, vector<1x1000x128xf32>
    %get3A_6 = vector.shape_cast %get3A_5 : vector<1x1000x128xf32> to vector<1000x128xf32>
    %add3A = arith.addf %get3A_1, %get3A_6 : vector<1000x128xf32>
    %get3A_7 = arith.constant 1 : index
    %get3A_8 = arith.constant 0 : index
    %get3A_9 = arith.constant 0 : index
    %get3A_10 = vector.load %arg2[%get3A_7, %get3A_8, %get3A_9] : memref<2x1008x128xf32, #tpu.memory_space<vmem>>, vector<1x1000x128xf32>
    %get3A_11 = vector.shape_cast %get3A_10 : vector<1x1000x128xf32> to vector<1000x128xf32>
    %add3A_12 = arith.addf %add3A, %get3A_11 : vector<1000x128xf32>
    %get3A_13 = arith.constant 0 : index
    %get3A_14 = arith.constant 0 : index
    %get3A_15 = vector.load %arg3[%get3A_13, %get3A_14] : memref<128x128xf32, #tpu.memory_space<vmem>>, vector<128x128xf32>
    %dot_general3A = arith.constant dense<0.000000e+00> : vector<1000x128xf32>
    %dot_general3A_16 = tpu.matmul %add3A_12, %get3A_15, %dot_general3A {dimension_numbers = #tpu.dot_dimension_numbers<[1], [0], [0], [1], [0, 0, 1, 1], [], []>, precision = #tpu.contract_precision<fp32>, transpose_lhs_hint = false} : vector<1000x128xf32>, vector<128x128xf32>, vector<1000x128xf32> -> vector<1000x128xf32>
    %get3A_17 = arith.constant 0 : index
    %get3A_18 = vector.load %arg4[%get3A_17] : memref<128xf32, #tpu.memory_space<vmem>>, vector<128xf32>
    %broadcast_in_dim3A = vector.shape_cast %get3A_18 : vector<128xf32> to vector<1x128xf32>
    %add3A_19 = vector.broadcast %broadcast_in_dim3A : vector<1x128xf32> to vector<1000x128xf32>
    %add3A_20 = arith.addf %dot_general3A_16, %add3A_19 : vector<1000x128xf32>
    %max3A = arith.constant 0.000000e+00 : f32
    %max3A_21 = vector.broadcast %max3A : f32 to vector<1000x128xf32>
    %max3A_22 = arith.maximumf %add3A_20, %max3A_21 : vector<1000x128xf32>
    %get3A_23 = arith.constant 0 : index
    %get3A_24 = arith.constant 0 : index
    %get3A_25 = vector.load %arg5[%get3A_23, %get3A_24] : memref<128x128xf32, #tpu.memory_space<vmem>>, vector<128x128xf32>
    %dot_general3A_26 = arith.constant dense<0.000000e+00> : vector<1000x128xf32>
    %dot_general3A_27 = tpu.matmul %max3A_22, %get3A_25, %dot_general3A_26 {dimension_numbers = #tpu.dot_dimension_numbers<[1], [0], [0], [1], [0, 0, 1, 1], [], []>, precision = #tpu.contract_precision<fp32>, transpose_lhs_hint = false} : vector<1000x128xf32>, vector<128x128xf32>, vector<1000x128xf32> -> vector<1000x128xf32>
    %swap3A = arith.constant 0 : index
    %swap3A_28 = arith.constant 0 : index
    %swap3A_29 = vector.load %arg9[%swap3A, %swap3A_28] : memref<1000x128xf32, #tpu.memory_space<vmem>>, vector<1000x128xf32>
    tpu.vector_store %arg9[%swap3A, %swap3A_28], %dot_general3A_27 {strides = array<i32>} : memref<1000x128xf32, #tpu.memory_space<vmem>>, vector<1000x128xf32>,
    %get3A_30 = arith.constant 0 : index
    %get3A_31 = arith.constant 0 : index
    %get3A_32 = vector.load %arg0[%get3A_30, %get3A_31] : memref<1000x128xf32, #tpu.memory_space<vmem>>, vector<1000x128xf32>
    %get3A_33 = arith.constant 0 : index
    %get3A_34 = arith.constant 0 : index
    %get3A_35 = vector.load %arg6[%get3A_33, %get3A_34] : memref<128x128xf32, #tpu.memory_space<vmem>>, vector<128x128xf32>
    %dot_general3A_36 = arith.constant dense<0.000000e+00> : vector<1000x128xf32>
    %dot_general3A_37 = tpu.matmul %get3A_32, %get3A_35, %dot_general3A_36 {dimension_numbers = #tpu.dot_dimension_numbers<[1], [0], [0], [1], [0, 0, 1, 1], [], []>, precision = #tpu.contract_precision<fp32>, transpose_lhs_hint = false} : vector<1000x128xf32>, vector<128x128xf32>, vector<1000x128xf32> -> vector<1000x128xf32>
    %get3A_38 = arith.constant 0 : index
    %get3A_39 = arith.constant 0 : index
    %get3A_40 = vector.load %arg1[%get3A_38, %get3A_39] : memref<10000x128xf32, #tpu.memory_space<vmem>>, vector<10000x128xf32>
    %get3A_41 = arith.constant 0 : index
    %get3A_42 = arith.constant 0 : index
    %get3A_43 = vector.load %arg6[%get3A_41, %get3A_42] : memref<128x128xf32, #tpu.memory_space<vmem>>, vector<128x128xf32>
    %dot_general3A_44 = arith.constant dense<0.000000e+00> : vector<10000x128xf32>
    %dot_general3A_45 = tpu.matmul %get3A_40, %get3A_43, %dot_general3A_44 {dimension_numbers = #tpu.dot_dimension_numbers<[1], [0], [0], [1], [0, 0, 1, 1], [], []>, precision = #tpu.contract_precision<fp32>, transpose_lhs_hint = false} : vector<10000x128xf32>, vector<128x128xf32>, vector<10000x128xf32> -> vector<10000x128xf32>
    %swap3A_46 = arith.constant 0 : index
    %swap3A_47 = arith.constant 0 : index
    %swap3A_48 = vector.load %arg10[%swap3A_46, %swap3A_47] : memref<11008x128xf32, #tpu.memory_space<vmem>>, vector<1000x128xf32>
    tpu.vector_store %arg10[%swap3A_46, %swap3A_47], %dot_general3A_37 {strides = array<i32>} : memref<11008x128xf32, #tpu.memory_space<vmem>>, vector<1000x128xf32>,
    %swap3A_49 = arith.constant 1000 : index
    %swap3A_50 = arith.constant 0 : index
    %swap3A_51 = vector.load %arg10[%swap3A_49, %swap3A_50] : memref<11008x128xf32, #tpu.memory_space<vmem>>, vector<10000x128xf32>
    tpu.vector_store %arg10[%swap3A_49, %swap3A_50], %dot_general3A_45 {strides = array<i32>} : memref<11008x128xf32, #tpu.memory_space<vmem>>, vector<10000x128xf32>,
    %broadcast_in_dim3A_52 = arith.constant 0.000000e+00 : f32
    %broadcast_in_dim3A_53 = vector.broadcast %broadcast_in_dim3A_52 : f32 to vector<8x128xf32>
    %swap3A_54 = arith.constant 11000 : index
    %swap3A_55 = arith.constant 0 : index
    %swap3A_56 = vector.load %arg10[%swap3A_54, %swap3A_55] : memref<11008x128xf32, #tpu.memory_space<vmem>>, vector<8x128xf32>
    tpu.vector_store %arg10[%swap3A_54, %swap3A_55], %broadcast_in_dim3A_53 {strides = array<i32>} : memref<11008x128xf32, #tpu.memory_space<vmem>>, vector<8x128xf32>,
    %get3A_57 = arith.constant 0 : index
    %get3A_58 = vector.load %arg7[%get3A_57] : memref<128xf32, #tpu.memory_space<vmem>>, vector<128xf32>
    %broadcast_in_dim3A_59 = vector.shape_cast %get3A_58 : vector<128xf32> to vector<1x128xf32>
    %get3A_60 = arith.constant 0 : index
    %get3A_61 = vector.load %arg8[%get3A_60] : memref<128xf32, #tpu.memory_space<vmem>>, vector<128xf32>
    %broadcast_in_dim3A_62 = vector.shape_cast %get3A_61 : vector<128xf32> to vector<1x128xf32>
    %mul3A = vector.broadcast %broadcast_in_dim3A_59 : vector<1x128xf32> to vector<1000x128xf32>
    %mul3A_63 = arith.mulf %dot_general3A_37, %mul3A : vector<1000x128xf32>
    %reduce_sum3A = arith.constant dense<0.000000e+00> : vector<1000xf32>
    %reduce_sum3A_64 = vector.multi_reduction <add>, %mul3A_63, %reduce_sum3A [1] : vector<1000x128xf32> to vector<1000xf32>
    %mul3A_65 = vector.broadcast %broadcast_in_dim3A_59 : vector<1x128xf32> to vector<10000x128xf32>
    %mul3A_66 = arith.mulf %dot_general3A_45, %mul3A_65 : vector<10000x128xf32>
    %reduce_sum3A_67 = arith.constant dense<0.000000e+00> : vector<10000xf32>
    %reduce_sum3A_68 = vector.multi_reduction <add>, %mul3A_66, %reduce_sum3A_67 [1] : vector<10000x128xf32> to vector<10000xf32>
    %mul3A_69 = vector.broadcast %broadcast_in_dim3A_62 : vector<1x128xf32> to vector<1000x128xf32>
    %mul3A_70 = arith.mulf %dot_general3A_37, %mul3A_69 : vector<1000x128xf32>
    %reduce_sum3A_71 = arith.constant dense<0.000000e+00> : vector<1000xf32>
    %reduce_sum3A_72 = vector.multi_reduction <add>, %mul3A_70, %reduce_sum3A_71 [1] : vector<1000x128xf32> to vector<1000xf32>
    %mul3A_73 = vector.broadcast %broadcast_in_dim3A_62 : vector<1x128xf32> to vector<10000x128xf32>
    %mul3A_74 = arith.mulf %dot_general3A_45, %mul3A_73 : vector<10000x128xf32>
    %reduce_sum3A_75 = arith.constant dense<0.000000e+00> : vector<10000xf32>
    %reduce_sum3A_76 = vector.multi_reduction <add>, %mul3A_74, %reduce_sum3A_75 [1] : vector<10000x128xf32> to vector<10000xf32>
    %swap3A_77 = arith.constant 0 : index
    %swap3A_78 = vector.load %arg11[%swap3A_77] : memref<1000xf32, #tpu.memory_space<vmem>>, vector<1000xf32>
    tpu.vector_store %arg11[%swap3A_77], %reduce_sum3A_64 {strides = array<i32>} : memref<1000xf32, #tpu.memory_space<vmem>>, vector<1000xf32>,
    %swap3A_79 = arith.constant 0 : index
    %swap3A_80 = vector.load %arg12[%swap3A_79] : memref<10000xf32, #tpu.memory_space<vmem>>, vector<10000xf32>
    tpu.vector_store %arg12[%swap3A_79], %reduce_sum3A_68 {strides = array<i32>} : memref<10000xf32, #tpu.memory_space<vmem>>, vector<10000xf32>,
    %swap3A_81 = arith.constant 0 : index
    %swap3A_82 = vector.load %arg13[%swap3A_81] : memref<1000xf32, #tpu.memory_space<vmem>>, vector<1000xf32>
    tpu.vector_store %arg13[%swap3A_81], %reduce_sum3A_72 {strides = array<i32>} : memref<1000xf32, #tpu.memory_space<vmem>>, vector<1000xf32>,
    %swap3A_83 = arith.constant 0 : index
    %swap3A_84 = vector.load %arg14[%swap3A_83] : memref<10000xf32, #tpu.memory_space<vmem>>, vector<10000xf32>
    tpu.vector_store %arg14[%swap3A_83], %reduce_sum3A_76 {strides = array<i32>} : memref<10000xf32, #tpu.memory_space<vmem>>, vector<10000xf32>,
    %reduce_max3A = vector.shape_cast %reduce_sum3A_64 : vector<1000xf32> to vector<1x1000xf32>
    %reduce_max3A_85 = arith.constant dense<0xFF800000> : vector<1xf32>
    %reduce_max3A_86 = vector.multi_reduction <maximumf>, %reduce_max3A, %reduce_max3A_85 [1] : vector<1x1000xf32> to vector<1xf32>
    %reduce_max3A_87 = vector.shape_cast %reduce_max3A_86 : vector<1xf32> to vector<1x1xf32>
    %reduce_max3A_88 = vector.extract %reduce_max3A_87[0, 0] : f32 from vector<1x1xf32>
    %reduce_max3A_89 = vector.shape_cast %reduce_sum3A_68 : vector<10000xf32> to vector<1x10000xf32>
    %reduce_max3A_90 = arith.constant dense<0xFF800000> : vector<1xf32>
    %reduce_max3A_91 = vector.multi_reduction <maximumf>, %reduce_max3A_89, %reduce_max3A_90 [1] : vector<1x10000xf32> to vector<1xf32>
    %reduce_max3A_92 = vector.shape_cast %reduce_max3A_91 : vector<1xf32> to vector<1x1xf32>
    %reduce_max3A_93 = vector.extract %reduce_max3A_92[0, 0] : f32 from vector<1x1xf32>
    %max3A_94 = arith.maximumf %reduce_max3A_88, %reduce_max3A_93 : f32
    %max3A_95 = arith.constant 0.000000e+00 : f32
    %max3A_96 = arith.maximumf %max3A_94, %max3A_95 : f32
    %reduce_max3A_97 = vector.shape_cast %reduce_sum3A_72 : vector<1000xf32> to vector<1x1000xf32>
    %reduce_max3A_98 = arith.constant dense<0xFF800000> : vector<1xf32>
    %reduce_max3A_99 = vector.multi_reduction <maximumf>, %reduce_max3A_97, %reduce_max3A_98 [1] : vector<1x1000xf32> to vector<1xf32>
    %reduce_max3A_100 = vector.shape_cast %reduce_max3A_99 : vector<1xf32> to vector<1x1xf32>
    %reduce_max3A_101 = vector.extract %reduce_max3A_100[0, 0] : f32 from vector<1x1xf32>
    %reduce_max3A_102 = vector.shape_cast %reduce_sum3A_76 : vector<10000xf32> to vector<1x10000xf32>
    %reduce_max3A_103 = arith.constant dense<0xFF800000> : vector<1xf32>
    %reduce_max3A_104 = vector.multi_reduction <maximumf>, %reduce_max3A_102, %reduce_max3A_103 [1] : vector<1x10000xf32> to vector<1xf32>
    %reduce_max3A_105 = vector.shape_cast %reduce_max3A_104 : vector<1xf32> to vector<1x1xf32>
    %reduce_max3A_106 = vector.extract %reduce_max3A_105[0, 0] : f32 from vector<1x1xf32>
    %max3A_107 = arith.maximumf %reduce_max3A_101, %reduce_max3A_106 : f32
    %max3A_108 = arith.constant 0.000000e+00 : f32
    %max3A_109 = arith.maximumf %max3A_107, %max3A_108 : f32
    %add3A_110 = arith.addf %max3A_96, %max3A_109 : f32
    %mul3A_111 = arith.constant 2.000000e-01 : f32
    %mul3A_112 = arith.mulf %mul3A_111, %add3A_110 : f32
    %max3A_113 = arith.maximumf %add3A_110, %mul3A_112 : f32
    %broadcast_in_dim3A_114 = vector.broadcast %max3A_113 : f32 to vector<1x128xf32>
    %swap3A_115 = arith.constant 0 : index
    %swap3A_116 = arith.constant 0 : index
    %swap3A_117 = vector.load %arg15[%swap3A_115, %swap3A_116] : memref<1x128xf32, #tpu.memory_space<vmem>>, vector<1x128xf32>
    tpu.vector_store %arg15[%swap3A_115, %swap3A_116], %broadcast_in_dim3A_114 {strides = array<i32>} : memref<1x128xf32, #tpu.memory_space<vmem>>, vector<1x128xf32>,
    return
  }
}

module attributes {stable_mosaic.version = 14 : i64} {
  func.func @body(%arg0: memref<1000x128xf32, #tpu.memory_space<vmem>>, %arg1: memref<2x1008x128xf32, #tpu.memory_space<vmem>>, %arg2: memref<128xf32, #tpu.memory_space<vmem>>, %arg3: memref<1000x128xf32, #tpu.memory_space<vmem>>, %arg4: memref<1x128xf32, #tpu.memory_space<vmem>>) attributes {dimension_semantics = [], scalar_prefetch = 0 : i64, scratch_operands = 0 : i64, tpu.core_type = #tpu.core_type<tc>} {
    %get3A = arith.constant 0 : index
    %get3A_0 = arith.constant 0 : index
    %get3A_1 = vector.load %arg0[%get3A, %get3A_0] : memref<1000x128xf32, #tpu.memory_space<vmem>>, vector<1000x128xf32>
    %get3A_2 = arith.constant 0 : index
    %get3A_3 = arith.constant 0 : index
    %get3A_4 = arith.constant 0 : index
    %get3A_5 = vector.load %arg1[%get3A_2, %get3A_3, %get3A_4] : memref<2x1008x128xf32, #tpu.memory_space<vmem>>, vector<1x1000x128xf32>
    %get3A_6 = vector.shape_cast %get3A_5 : vector<1x1000x128xf32> to vector<1000x128xf32>
    %add3A = arith.addf %get3A_1, %get3A_6 : vector<1000x128xf32>
    %get3A_7 = arith.constant 1 : index
    %get3A_8 = arith.constant 0 : index
    %get3A_9 = arith.constant 0 : index
    %get3A_10 = vector.load %arg1[%get3A_7, %get3A_8, %get3A_9] : memref<2x1008x128xf32, #tpu.memory_space<vmem>>, vector<1x1000x128xf32>
    %get3A_11 = vector.shape_cast %get3A_10 : vector<1x1000x128xf32> to vector<1000x128xf32>
    %add3A_12 = arith.addf %add3A, %get3A_11 : vector<1000x128xf32>
    %get3A_13 = arith.constant 0 : index
    %get3A_14 = vector.load %arg2[%get3A_13] : memref<128xf32, #tpu.memory_space<vmem>>, vector<128xf32>
    %broadcast_in_dim3A = vector.shape_cast %get3A_14 : vector<128xf32> to vector<1x128xf32>
    %add3A_15 = vector.broadcast %broadcast_in_dim3A : vector<1x128xf32> to vector<1000x128xf32>
    %add3A_16 = arith.addf %add3A_12, %add3A_15 : vector<1000x128xf32>
    %swap3A = arith.constant 0 : index
    %swap3A_17 = arith.constant 0 : index
    %swap3A_18 = vector.load %arg3[%swap3A, %swap3A_17] : memref<1000x128xf32, #tpu.memory_space<vmem>>, vector<1000x128xf32>
    tpu.vector_store %arg3[%swap3A, %swap3A_17], %add3A_16 {strides = array<i32>} : memref<1000x128xf32, #tpu.memory_space<vmem>>, vector<1000x128xf32>,
    %reduce_sum3A = arith.constant dense<0.000000e+00> : vector<128xf32>
    %reduce_sum3A_19 = vector.multi_reduction <add>, %add3A_16, %reduce_sum3A [0] : vector<1000x128xf32> to vector<128xf32>
    %broadcast_in_dim3A_20 = vector.shape_cast %reduce_sum3A_19 : vector<128xf32> to vector<1x128xf32>
    %swap3A_21 = arith.constant 0 : index
    %swap3A_22 = arith.constant 0 : index
    %swap3A_23 = vector.load %arg4[%swap3A_21, %swap3A_22] : memref<1x128xf32, #tpu.memory_space<vmem>>, vector<1x128xf32>
    tpu.vector_store %arg4[%swap3A_21, %swap3A_22], %broadcast_in_dim3A_20 {strides = array<i32>} : memref<1x128xf32, #tpu.memory_space<vmem>>, vector<1x128xf32>,
    return
  }
}

module attributes {stable_mosaic.version = 14 : i64} {
  func.func @body(%arg0: memref<10000x128xf32, #tpu.memory_space<vmem>>, %arg1: memref<2x10008x128xf32, #tpu.memory_space<vmem>>, %arg2: memref<128xf32, #tpu.memory_space<vmem>>, %arg3: memref<10000x128xf32, #tpu.memory_space<vmem>>, %arg4: memref<1x128xf32, #tpu.memory_space<vmem>>) attributes {dimension_semantics = [], scalar_prefetch = 0 : i64, scratch_operands = 0 : i64, tpu.core_type = #tpu.core_type<tc>} {
    %get3A = arith.constant 0 : index
    %get3A_0 = arith.constant 0 : index
    %get3A_1 = vector.load %arg0[%get3A, %get3A_0] : memref<10000x128xf32, #tpu.memory_space<vmem>>, vector<10000x128xf32>
    %get3A_2 = arith.constant 0 : index
    %get3A_3 = arith.constant 0 : index
    %get3A_4 = arith.constant 0 : index
    %get3A_5 = vector.load %arg1[%get3A_2, %get3A_3, %get3A_4] : memref<2x10008x128xf32, #tpu.memory_space<vmem>>, vector<1x10000x128xf32>
    %get3A_6 = vector.shape_cast %get3A_5 : vector<1x10000x128xf32> to vector<10000x128xf32>
    %add3A = arith.addf %get3A_1, %get3A_6 : vector<10000x128xf32>
    %get3A_7 = arith.constant 1 : index
    %get3A_8 = arith.constant 0 : index
    %get3A_9 = arith.constant 0 : index
    %get3A_10 = vector.load %arg1[%get3A_7, %get3A_8, %get3A_9] : memref<2x10008x128xf32, #tpu.memory_space<vmem>>, vector<1x10000x128xf32>
    %get3A_11 = vector.shape_cast %get3A_10 : vector<1x10000x128xf32> to vector<10000x128xf32>
    %add3A_12 = arith.addf %add3A, %get3A_11 : vector<10000x128xf32>
    %get3A_13 = arith.constant 0 : index
    %get3A_14 = vector.load %arg2[%get3A_13] : memref<128xf32, #tpu.memory_space<vmem>>, vector<128xf32>
    %broadcast_in_dim3A = vector.shape_cast %get3A_14 : vector<128xf32> to vector<1x128xf32>
    %add3A_15 = vector.broadcast %broadcast_in_dim3A : vector<1x128xf32> to vector<10000x128xf32>
    %add3A_16 = arith.addf %add3A_12, %add3A_15 : vector<10000x128xf32>
    %swap3A = arith.constant 0 : index
    %swap3A_17 = arith.constant 0 : index
    %swap3A_18 = vector.load %arg3[%swap3A, %swap3A_17] : memref<10000x128xf32, #tpu.memory_space<vmem>>, vector<10000x128xf32>
    tpu.vector_store %arg3[%swap3A, %swap3A_17], %add3A_16 {strides = array<i32>} : memref<10000x128xf32, #tpu.memory_space<vmem>>, vector<10000x128xf32>,
    %reduce_sum3A = arith.constant dense<0.000000e+00> : vector<128xf32>
    %reduce_sum3A_19 = vector.multi_reduction <add>, %add3A_16, %reduce_sum3A [0] : vector<10000x128xf32> to vector<128xf32>
    %broadcast_in_dim3A_20 = vector.shape_cast %reduce_sum3A_19 : vector<128xf32> to vector<1x128xf32>
    %swap3A_21 = arith.constant 0 : index
    %swap3A_22 = arith.constant 0 : index
    %swap3A_23 = vector.load %arg4[%swap3A_21, %swap3A_22] : memref<1x128xf32, #tpu.memory_space<vmem>>, vector<1x128xf32>
    tpu.vector_store %arg4[%swap3A_21, %swap3A_22], %broadcast_in_dim3A_20 {strides = array<i32>} : memref<1x128xf32, #tpu.memory_space<vmem>>, vector<1x128xf32>,
    return
  }
}

module attributes {stable_mosaic.version = 14 : i64} {
  func.func @_tc_gat_pool_body(%arg0: memref<2x11008x128xf32, #tpu.memory_space<vmem>>, %arg1: memref<2x11008xf32, #tpu.memory_space<vmem>>, %arg2: memref<1x128xf32, #tpu.memory_space<vmem>>, %arg3: memref<1x128xf32, #tpu.memory_space<vmem>>) attributes {dimension_semantics = [], scalar_prefetch = 0 : i64, scratch_operands = 0 : i64, tpu.core_type = #tpu.core_type<tc>} {
    %get3A = arith.constant 0 : index
    %get3A_0 = arith.constant 0 : index
    %get3A_1 = arith.constant 0 : index
    %get3A_2 = vector.load %arg0[%get3A, %get3A_0, %get3A_1] : memref<2x11008x128xf32, #tpu.memory_space<vmem>>, vector<1x11008x128xf32>
    %get3A_3 = vector.shape_cast %get3A_2 : vector<1x11008x128xf32> to vector<11008x128xf32>
    %get3A_4 = arith.constant 1 : index
    %get3A_5 = arith.constant 0 : index
    %get3A_6 = arith.constant 0 : index
    %get3A_7 = vector.load %arg0[%get3A_4, %get3A_5, %get3A_6] : memref<2x11008x128xf32, #tpu.memory_space<vmem>>, vector<1x11008x128xf32>
    %get3A_8 = vector.shape_cast %get3A_7 : vector<1x11008x128xf32> to vector<11008x128xf32>
    %add3A = arith.addf %get3A_3, %get3A_8 : vector<11008x128xf32>
    %get3A_9 = arith.constant 0 : index
    %get3A_10 = arith.constant 0 : index
    %get3A_11 = vector.load %arg1[%get3A_9, %get3A_10] : memref<2x11008xf32, #tpu.memory_space<vmem>>, vector<1x11008xf32>
    %get3A_12 = vector.shape_cast %get3A_11 : vector<1x11008xf32> to vector<11008xf32>
    %get3A_13 = arith.constant 1 : index
    %get3A_14 = arith.constant 0 : index
    %get3A_15 = vector.load %arg1[%get3A_13, %get3A_14] : memref<2x11008xf32, #tpu.memory_space<vmem>>, vector<1x11008xf32>
    %get3A_16 = vector.shape_cast %get3A_15 : vector<1x11008xf32> to vector<11008xf32>
    %add3A_17 = arith.addf %get3A_12, %get3A_16 : vector<11008xf32>
    %reshape3A = vector.shape_cast %add3A_17 : vector<11008xf32> to vector<1x11008xf32>
    %add3A_18 = arith.constant 1.000000e-16 : f32
    %add3A_19 = vector.broadcast %add3A_18 : f32 to vector<1x11008xf32>
    %add3A_20 = arith.addf %reshape3A, %add3A_19 : vector<1x11008xf32>
    %div3A = arith.constant 1.000000e+00 : f32
    %div3A_21 = vector.broadcast %div3A : f32 to vector<1x11008xf32>
    %div3A_22 = arith.divf %div3A_21, %add3A_20 : vector<1x11008xf32>
    %iota3A = tpu.iota {dimensions = array<i32: 1>} : vector<1x11008xi32>
    %lt3A = arith.constant 1000 : i32
    %lt3A_23 = vector.broadcast %lt3A : i32 to vector<1x11008xi32>
    %lt3A_24 = arith.cmpi slt, %iota3A, %lt3A_23 : vector<1x11008xi32>
    %jit3A = arith.constant 0.000000e+00 : f32
    %broadcast_in_dim3A = vector.broadcast %jit3A : f32 to vector<1x11008xf32>
    %select_n3A = arith.select %lt3A_24, %div3A_22, %broadcast_in_dim3A : vector<1x11008xi1>, vector<1x11008xf32>
    %ge3A = arith.constant 1000 : i32
    %ge3A_25 = vector.broadcast %ge3A : i32 to vector<1x11008xi32>
    %ge3A_26 = arith.cmpi sge, %iota3A, %ge3A_25 : vector<1x11008xi32>
    %lt3A_27 = arith.constant 11000 : i32
    %lt3A_28 = vector.broadcast %lt3A_27 : i32 to vector<1x11008xi32>
    %lt3A_29 = arith.cmpi slt, %iota3A, %lt3A_28 : vector<1x11008xi32>
    %and3A = arith.andi %ge3A_26, %lt3A_29 : vector<1x11008xi1>
    %jit3A_30 = arith.constant 0.000000e+00 : f32
    %broadcast_in_dim3A_31 = vector.broadcast %jit3A_30 : f32 to vector<1x11008xf32>
    %select_n3A_32 = arith.select %and3A, %div3A_22, %broadcast_in_dim3A_31 : vector<1x11008xi1>, vector<1x11008xf32>
    %dot_general3A = arith.constant dense<0.000000e+00> : vector<1x128xf32>
    %dot_general3A_33 = tpu.matmul %select_n3A, %add3A, %dot_general3A {dimension_numbers = #tpu.dot_dimension_numbers<[1], [0], [0], [1], [0, 0, 1, 1], [], []>, precision = #tpu.contract_precision<fp32>, transpose_lhs_hint = false} : vector<1x11008xf32>, vector<11008x128xf32>, vector<1x128xf32> -> vector<1x128xf32>
    %swap3A = arith.constant 0 : index
    %swap3A_34 = arith.constant 0 : index
    %swap3A_35 = vector.load %arg2[%swap3A, %swap3A_34] : memref<1x128xf32, #tpu.memory_space<vmem>>, vector<1x128xf32>
    tpu.vector_store %arg2[%swap3A, %swap3A_34], %dot_general3A_33 {strides = array<i32>} : memref<1x128xf32, #tpu.memory_space<vmem>>, vector<1x128xf32>,
    %dot_general3A_36 = arith.constant dense<0.000000e+00> : vector<1x128xf32>
    %dot_general3A_37 = tpu.matmul %select_n3A_32, %add3A, %dot_general3A_36 {dimension_numbers = #tpu.dot_dimension_numbers<[1], [0], [0], [1], [0, 0, 1, 1], [], []>, precision = #tpu.contract_precision<fp32>, transpose_lhs_hint = false} : vector<1x11008xf32>, vector<11008x128xf32>, vector<1x128xf32> -> vector<1x128xf32>
    %swap3A_38 = arith.constant 0 : index
    %swap3A_39 = arith.constant 0 : index
    %swap3A_40 = vector.load %arg3[%swap3A_38, %swap3A_39] : memref<1x128xf32, #tpu.memory_space<vmem>>, vector<1x128xf32>
    tpu.vector_store %arg3[%swap3A_38, %swap3A_39], %dot_general3A_37 {strides = array<i32>} : memref<1x128xf32, #tpu.memory_space<vmem>>, vector<1x128xf32>,
    return
  }
}

module attributes {stable_mosaic.version = 14 : i64} {
  func.func @_tc_mlp_body(%arg0: memref<1x128xf32, #tpu.memory_space<vmem>>, %arg1: memref<1x128xf32, #tpu.memory_space<vmem>>, %arg2: memref<1x128xf32, #tpu.memory_space<vmem>>, %arg3: memref<1x128xf32, #tpu.memory_space<vmem>>, %arg4: memref<512x256xf32, #tpu.memory_space<vmem>>, %arg5: memref<256xf32, #tpu.memory_space<vmem>>, %arg6: memref<256x128xf32, #tpu.memory_space<vmem>>, %arg7: memref<128xf32, #tpu.memory_space<vmem>>, %arg8: memref<128x64xf32, #tpu.memory_space<vmem>>, %arg9: memref<64xf32, #tpu.memory_space<vmem>>, %arg10: memref<64x37392xf32, #tpu.memory_space<vmem>>, %arg11: memref<37392xf32, #tpu.memory_space<vmem>>, %arg12: memref<1x37392xf32, #tpu.memory_space<vmem>>) attributes {dimension_semantics = [], scalar_prefetch = 0 : i64, scratch_operands = 0 : i64, tpu.core_type = #tpu.core_type<tc>} {
    %get3A = arith.constant 0 : index
    %get3A_0 = arith.constant 0 : index
    %get3A_1 = vector.load %arg0[%get3A, %get3A_0] : memref<1x128xf32, #tpu.memory_space<vmem>>, vector<1x128xf32>
    %get3A_2 = arith.constant 0 : index
    %get3A_3 = arith.constant 0 : index
    %get3A_4 = vector.load %arg1[%get3A_2, %get3A_3] : memref<1x128xf32, #tpu.memory_space<vmem>>, vector<1x128xf32>
    %get3A_5 = arith.constant 0 : index
    %get3A_6 = arith.constant 0 : index
    %get3A_7 = vector.load %arg2[%get3A_5, %get3A_6] : memref<1x128xf32, #tpu.memory_space<vmem>>, vector<1x128xf32>
    %get3A_8 = arith.constant 0 : index
    %get3A_9 = arith.constant 0 : index
    %get3A_10 = vector.load %arg3[%get3A_8, %get3A_9] : memref<1x128xf32, #tpu.memory_space<vmem>>, vector<1x128xf32>
    %concatenate3A = tpu.concatenate %get3A_1, %get3A_4, %get3A_7, %get3A_10 in 1 : vector<1x128xf32>, vector<1x128xf32>, vector<1x128xf32>, vector<1x128xf32> -> vector<1x512xf32>
    %get3A_11 = arith.constant 0 : index
    %get3A_12 = arith.constant 0 : index
    %get3A_13 = vector.load %arg4[%get3A_11, %get3A_12] : memref<512x256xf32, #tpu.memory_space<vmem>>, vector<512x256xf32>
    %dot_general3A = arith.constant dense<0.000000e+00> : vector<1x256xf32>
    %dot_general3A_14 = tpu.matmul %concatenate3A, %get3A_13, %dot_general3A {dimension_numbers = #tpu.dot_dimension_numbers<[1], [0], [0], [1], [0, 0, 1, 1], [], []>, precision = #tpu.contract_precision<fp32>, transpose_lhs_hint = false} : vector<1x512xf32>, vector<512x256xf32>, vector<1x256xf32> -> vector<1x256xf32>
    %get3A_15 = arith.constant 0 : index
    %get3A_16 = vector.load %arg5[%get3A_15] : memref<256xf32, #tpu.memory_space<vmem>>, vector<256xf32>
    %broadcast_in_dim3A = vector.shape_cast %get3A_16 : vector<256xf32> to vector<1x256xf32>
    %add3A = arith.addf %dot_general3A_14, %broadcast_in_dim3A : vector<1x256xf32>
    %get3A_17 = arith.constant 0 : index
    %get3A_18 = arith.constant 0 : index
    %get3A_19 = vector.load %arg6[%get3A_17, %get3A_18] : memref<256x128xf32, #tpu.memory_space<vmem>>, vector<256x128xf32>
    %dot_general3A_20 = arith.constant dense<0.000000e+00> : vector<1x128xf32>
    %dot_general3A_21 = tpu.matmul %add3A, %get3A_19, %dot_general3A_20 {dimension_numbers = #tpu.dot_dimension_numbers<[1], [0], [0], [1], [0, 0, 1, 1], [], []>, precision = #tpu.contract_precision<fp32>, transpose_lhs_hint = false} : vector<1x256xf32>, vector<256x128xf32>, vector<1x128xf32> -> vector<1x128xf32>
    %get3A_22 = arith.constant 0 : index
    %get3A_23 = vector.load %arg7[%get3A_22] : memref<128xf32, #tpu.memory_space<vmem>>, vector<128xf32>
    %broadcast_in_dim3A_24 = vector.shape_cast %get3A_23 : vector<128xf32> to vector<1x128xf32>
    %add3A_25 = arith.addf %dot_general3A_21, %broadcast_in_dim3A_24 : vector<1x128xf32>
    %max3A = arith.constant 0.000000e+00 : f32
    %max3A_26 = vector.broadcast %max3A : f32 to vector<1x128xf32>
    %max3A_27 = arith.maximumf %add3A_25, %max3A_26 : vector<1x128xf32>
    %get3A_28 = arith.constant 0 : index
    %get3A_29 = arith.constant 0 : index
    %get3A_30 = vector.load %arg8[%get3A_28, %get3A_29] : memref<128x64xf32, #tpu.memory_space<vmem>>, vector<128x64xf32>
    %dot_general3A_31 = arith.constant dense<0.000000e+00> : vector<1x64xf32>
    %dot_general3A_32 = tpu.matmul %max3A_27, %get3A_30, %dot_general3A_31 {dimension_numbers = #tpu.dot_dimension_numbers<[1], [0], [0], [1], [0, 0, 1, 1], [], []>, precision = #tpu.contract_precision<fp32>, transpose_lhs_hint = false} : vector<1x128xf32>, vector<128x64xf32>, vector<1x64xf32> -> vector<1x64xf32>
    %get3A_33 = arith.constant 0 : index
    %get3A_34 = vector.load %arg9[%get3A_33] : memref<64xf32, #tpu.memory_space<vmem>>, vector<64xf32>
    %broadcast_in_dim3A_35 = vector.shape_cast %get3A_34 : vector<64xf32> to vector<1x64xf32>
    %add3A_36 = arith.addf %dot_general3A_32, %broadcast_in_dim3A_35 : vector<1x64xf32>
    %max3A_37 = arith.constant 0.000000e+00 : f32
    %max3A_38 = vector.broadcast %max3A_37 : f32 to vector<1x64xf32>
    %max3A_39 = arith.maximumf %add3A_36, %max3A_38 : vector<1x64xf32>
    %get3A_40 = arith.constant 0 : index
    %get3A_41 = arith.constant 0 : index
    %get3A_42 = vector.load %arg10[%get3A_40, %get3A_41] : memref<64x37392xf32, #tpu.memory_space<vmem>>, vector<64x37392xf32>
    %dot_general3A_43 = arith.constant dense<0.000000e+00> : vector<1x37392xf32>
    %dot_general3A_44 = tpu.matmul %max3A_39, %get3A_42, %dot_general3A_43 {dimension_numbers = #tpu.dot_dimension_numbers<[1], [0], [0], [1], [0, 0, 1, 1], [], []>, precision = #tpu.contract_precision<fp32>, transpose_lhs_hint = false} : vector<1x64xf32>, vector<64x37392xf32>, vector<1x37392xf32> -> vector<1x37392xf32>
    %get3A_45 = arith.constant 0 : index
    %get3A_46 = vector.load %arg11[%get3A_45] : memref<37392xf32, #tpu.memory_space<vmem>>, vector<37392xf32>
    %broadcast_in_dim3A_47 = vector.shape_cast %get3A_46 : vector<37392xf32> to vector<1x37392xf32>
    %add3A_48 = arith.addf %dot_general3A_44, %broadcast_in_dim3A_47 : vector<1x37392xf32>
    %max3A_49 = arith.constant 0.000000e+00 : f32
    %max3A_50 = vector.broadcast %max3A_49 : f32 to vector<1x37392xf32>
    %max3A_51 = arith.maximumf %add3A_48, %max3A_50 : vector<1x37392xf32>
    %swap3A = arith.constant 0 : index
    %swap3A_52 = arith.constant 0 : index
    %swap3A_53 = vector.load %arg12[%swap3A, %swap3A_52] : memref<1x37392xf32, #tpu.memory_space<vmem>>, vector<1x37392xf32>
    tpu.vector_store %arg12[%swap3A, %swap3A_52], %max3A_51 {strides = array<i32>} : memref<1x37392xf32, #tpu.memory_space<vmem>>, vector<1x37392xf32>,
    return
  }
}

</mosaic_0001>

<sc_bundles>
// kernel: kernel.11.cloned.1.call-start
scs
__scs_entry_jumppad:
0x0: {  	(pc) =	sbr.rel $0x88, $3  }
0x1: {  	(tag) =	ssettag $0x0;
	lr =	simm.s32 $0x1  }
0x2: {  	[smem:$0x3F89] =	sst lr;
	_ =	strace $0xD0000000  }
0x3: {  	_ = 	snop  }
0x4: {  	_ = 	snop  }
0x5: {  	_ = 	snop  }
0x6: {  	_ = 	snop  }
0x7: {  	_ = 	snop  }
__scs_overlays_trampoline_lowered:
0x8: {  	[smem:$0x3F98] =	sst s0  }
0x9: {  	[smem:$0x3F99] =	sst s1  }
0xa: {  	[smem:$0x3F9A] =	sst s2  }
0xb: {  	[smem:$0x3F9B] =	sst s3  }
0xc: {  	[smem:$0x3F9C] =	sst s4  }
0xd: {  	[smem:$0x3F9D] =	sst s5  }
0xe: {  	[smem:$0x3F9E] =	sst s6  }
0xf: {  	[smem:$0x3F9F] =	sst s7  }
0x10: {  	[smem:$0x3FA0] =	sst s8  }
0x11: {  	[smem:$0x3FA1] =	sst s9;
	s0 =	simm.s32 @!p0 $0x0  }
0x12: {  	s1 =	sld [smem:$0x3F87];
	s0 =	simm.s32 @p0 $0x1  }
0x13: {  	[smem:$0x3FA2] =	sst s0;
	s0 =	simm.s32 @!p1 $0x0  }
0x14: {  	s2 =	sld [smem:$0x3F86];
	s0 =	simm.s32 @p1 $0x1  }
0x15: {  	[smem:$0x3FA3] =	sst s0;
	s0 =	simm.s32 @!p2 $0x0  }
0x16: {  	s3 =	sld [smem:$0x3FDB];
	s0 =	simm.s32 @p2 $0x1  }
0x17: {  	s4 =	simm.s32 $0x1BF5;
	[smem:$0x3FA5] =	sst s0  }
0x18: {  	s0 =	sld [smem:$0x3F88];
	_ =	swait.ge [sflag:s4], $0x0  }
0x19: {  	s7 =	sld [smem:$0x3F89]  }
0x1a: {  	s8 =	sadd.s32 $0xFFFFE003, lr  }
0x1b: {  	s9 =	sadd.s32 $0xFFFFFEF7, lr;
	s5 =	simm.s32 $0xFFFFFFFF;
	p2 =	slt.u32 s8, $0xFFFFF086  }
0x1c: {  	p1 =	slt.u32 s9, $0xF7A;
	s5 =	simm.s32 @!p2 $0x0  }
0x1d: {  	s5 =	simm.s32 @p1 $0x1;
	p0 =	seq.s32 s7, s2  }
0x1e: {  	s7 =	smul.u32 @!p0 $0xF7A, s2;
	p2 =	seq.s32 @!p0 s5, $0x0  }
0x1f: {  	s9 =	smul.u32 $0xF7A, s1;
	s8 =	simm.s32 @!p0 $0x1BF5;
	p2 =	por !p2, p0  }
0x20: {  	[sflag:s8] =	ssyncset.s32 @!p0 $0xFFFFF086;
	s6 =	sadd.s32 @!p0 s3, s7;
	s7 =	simm.s32 @!p0 $0x108  }
0x21: {  	s3 =	sadd.s32 s3, s9;
	s6 =	sadd.s32 @!p0 $0x88, s6;
	s7 =	simm.s32 @p2 $0x1082  }
0x22: {  	[simem:s7], [sflag:s8] =	dma.local @!p0 [hbm:s6], $0xF7A  }
0x23: {  	s9 =	sor.u32 $0xD0000000, s2;
	s6 =	simm.s32 $0x108;
	_ =	swait.ge @!p0 [sflag:s8], $0x0  }
0x24: {  	s3 =	sadd.s32 $0x88, s3;
	s6 =	simm.s32 @!p1 $0x1082;
	[sflag:s4] =	ssyncset.s32 $0xFFFFF086  }
0x25: {  	[simem:s6], [sflag:s4] =	dma.local [hbm:s3], $0xF7A  }
0x26: {  	[smem:$0x3F89] =	sst s1;
	(tag) =	ssettag s2;
	_ =	strace s9  }
0x27: {  	s1 =	sld [smem:$0x3F99]  }
0x28: {  	s2 =	sld [smem:$0x3F9A]  }
0x29: {  	s4 =	sld [smem:$0x3F9C]  }
0x2a: {  	p0 =	seq.s32 s5, $0x0;
	s5 =	sld [smem:$0x3F9D]  }
0x2b: {  	s6 =	sld [smem:$0x3F9E]  }
0x2c: {  	s7 =	sld [smem:$0x3F9F]  }
0x2d: {  	s3 =	simm.s32 $0x108;
	s8 =	sld [smem:$0x3FA0]  }
0x2e: {  	s3 =	simm.s32 @!p0 $0x1082;
	s9 =	sld [smem:$0x3FA1]  }
0x2f: {  	lr =	sadd.s32 s0, s3;
	s0 =	sld [smem:$0x3F98]  }
0x30: {  	s3 =	sld [smem:$0x3F9B]  }
0x31: {  	[smem:$0x3FA4] =	sst s10  }
0x32: {  	s10 =	sld [smem:$0x3FA2];
	_ =	sdelay $0x3  }
0x33: {  	p0 =	seq.s32 s10, $0x1;
	s10 =	sld [smem:$0x3FA4];
	_ =	sdelay $0x3  }
0x34: {  	[smem:$0x3FA4] =	sst s10  }
0x35: {  	s10 =	sld [smem:$0x3FA3];
	_ =	sdelay $0x3  }
0x36: {  	p1 =	seq.s32 s10, $0x1;
	s10 =	sld [smem:$0x3FA4];
	_ =	sdelay $0x3  }
0x37: {  	[smem:$0x3FA4] =	sst s10  }
0x38: {  	s10 =	sld [smem:$0x3FA5]  }
0x39: {  	_ = 	snop;
	(pc) =	sbr.ind lr, $3  }
0x3a: {  	_ = 	snop  }
0x3b: {  	_ = 	snop  }
0x3c: {  	p2 =	seq.s32 s10, $0x1;
	s10 =	sld [smem:$0x3FA4]  }
0x3d: {  	_ =	shalt  }
0x3e: {  	_ =	shalt  }
0x3f: {  	_ =	shalt  }
0x40: {  	_ =	shalt  }
0x41: {  	_ =	shalt  }
0x42: {  	_ =	shalt  }
0x43: {  	_ =	shalt  }
0x44: {  	_ =	shalt  }
0x45: {  	_ =	shalt  }
0x46: {  	_ =	shalt  }
0x47: {  	_ =	shalt  }
0x48: {  	_ =	shalt  }
0x49: {  	_ =	shalt  }
0x4a: {  	_ =	shalt  }
0x4b: {  	_ =	shalt  }
0x4c: {  	_ =	shalt  }
0x4d: {  	_ =	shalt  }
0x4e: {  	_ =	shalt  }
0x4f: {  	_ =	shalt  }
0x50: {  	_ =	shalt  }
0x51: {  	_ =	shalt  }
0x52: {  	_ =	shalt  }
0x53: {  	_ =	shalt  }
0x54: {  	_ =	shalt  }
0x55: {  	_ =	shalt  }
0x56: {  	_ =	shalt  }
0x57: {  	_ =	shalt  }
0x58: {  	_ =	shalt  }
0x59: {  	_ =	shalt  }
0x5a: {  	_ =	shalt  }
0x5b: {  	_ =	shalt  }
0x5c: {  	_ =	shalt  }
0x5d: {  	_ =	shalt  }
0x5e: {  	_ =	shalt  }
0x5f: {  	_ =	shalt  }
0x60: {  	_ =	shalt  }
0x61: {  	_ =	shalt  }
0x62: {  	_ =	shalt  }
0x63: {  	_ =	shalt  }
0x64: {  	_ =	shalt  }
0x65: {  	_ =	shalt  }
0x66: {  	_ =	shalt  }
0x67: {  	_ =	shalt  }
0x68: {  	_ =	shalt  }
0x69: {  	_ =	shalt  }
0x6a: {  	_ =	shalt  }
0x6b: {  	_ =	shalt  }
0x6c: {  	_ =	shalt  }
0x6d: {  	_ =	shalt  }
0x6e: {  	_ =	shalt  }
0x6f: {  	_ =	shalt  }
0x70: {  	_ =	shalt  }
0x71: {  	_ =	shalt  }
0x72: {  	_ =	shalt  }
0x73: {  	_ =	shalt  }
0x74: {  	_ =	shalt  }
0x75: {  	_ =	shalt  }
0x76: {  	_ =	shalt  }
0x77: {  	_ =	shalt  }
0x78: {  	_ =	shalt  }
0x79: {  	_ =	shalt  }
0x7a: {  	_ =	shalt  }
0x7b: {  	_ =	shalt  }
0x7c: {  	_ =	shalt  }
0x7d: {  	_ =	shalt  }
0x7e: {  	_ =	shalt  }
0x7f: {  	_ =	shalt  }
0x80: {  	_ =	shalt  }
0x81: {  	_ =	shalt  }
0x82: {  	_ =	shalt  }
0x83: {  	_ =	shalt  }
0x84: {  	_ =	shalt  }
0x85: {  	_ =	shalt  }
0x86: {  	_ =	shalt  }
0x87: {  	_ =	shalt  }
.Lfunc_end0:
.L_simem_size_0:
called_computation_lowered:
.L_overlay_start_0:
0x88: {  	s2 =	sld [smem:$0x3FD9]  }
0x89: {  	s3 =	sld [smem:$0x3FFE];
	_ =	sdelay $0x1  }
0x8a: {  	s1 =	srdreg.scid  }
0x8b: {  	s0 =	sand.u32 $0x1, s1  }
0x8c: {  	s17 =	sshll.u32 s0, $0xA;
	s2 =	sadd.s32 s3, s2  }
0x8d: {  	s2 =	sadd.s32 s2, s17  }
0x8e: {  	[smem:$0x3FB0] =	sst s2  }
0x8f: {  	_ = 	snop  }
0x90: {  	s2 =	sld [smem:$0x3FC9]  }
0x91: {  	s18 =	sld [smem:$0x3FC8];
	(tm) =	ssettm $0x1  }
0x92: {  	s4 =	sld [smem:$0x3FFB];
	_ =	sdelay $0x3  }
0x93: {  	_ =	strace s4  }
0x94: {  	s4 =	sld [smem:$0x3FFC];
	_ =	sdelay $0x3  }
0x95: {  	_ =	strace s4  }
0x96: {  	s4 =	sld [smem:$0x3FFD];
	_ =	sdelay $0x3  }
0x97: {  	_ =	strace s4  }
0x98: {  	_ =	strace $0x8FFFFFFF  }
0x99: {  	s19 =	sld [smem:$0x3FDB];
	_ =	sdelay $0x1  }
0x9a: {  	s5 =	simm.s32 $_scs_section_size  }
0x9b: {  	s6 =	simm.s32 $_size__tile_overlayer_lowered;
	s7 =	simm.s32 $_tile_overlayer_lowered  }
0x9c: {  	s22 =	simm.s32 $0x1BFF;
	s21 =	sshll.u32 s7, $0x1;
	s4 =	sadd.s32 s5, s19  }
0x9d: {  	s8 =	simm.s32 $0x0;
	s20 =	sshll.u32 s6, $0x1;
	s6 =	sadd.s32 s21, s4  }
0x9e: {  	[timem:s8], [sflag:s22] =	dma.local [hbm:s6], s20  }
0x9f: {  	_ =	swait.ge [sflag:s22], s20  }
0xa0: {  	s5 =	ssub.s32 $0x0, s20;
	[sflag:s22] =	ssyncset.done $0x0  }
0xa1: {  	[sflag:s22] =	ssyncadd.s32 s5;
	_ =	sdelay $0x1  }
0xa2: {  	s23 =	simm.s32 $0x1B8B  }
0xa3: {  	_ =	swait.ge [sflag:s23], $0x1  }
0xa4: {  	[sflag:s23] =	ssyncset.done $0x0  }
0xa5: {  	s25 =	simm.s32 $0x1B8E;
	s24 =	sld [smem:$0x3FFE];
	[sflag:s23] =	ssyncadd.s32 $0xFFFFFFFF  }
0xa6: {  	s26 =	simm.s32 $execute0_lowered;
	[smem:$0x3FD2] =	sst s25  }
0xa7: {  	s6 =	sshll.u32 s26, $0x1;
	_ =	strace $0x80000046;
	[dreg:$0x1] =	wrdreg $0xFFFFFFFF  }
0xa8: {  	s28 =	simm.s32 $_size_execute0_lowered;
	s4 =	sadd.s32 s4, s6;
	[dreg:$0x0] =	wrdreg $0x0  }
0xa9: {  	s6 =	sshll.u32 s28, $0x1;
	[dreg:$0x2] =	wrdreg s4  }
0xaa: {  	[dreg:$0x3] =	wrdreg s6  }
0xab: {  	[dreg:$0x4] =	wrdreg $0xC0  }
0xac: {  	_ =	task [dreg:s8], $0x5FFFF  }
0xad: {  	[dreg:$0x1] =	wrdreg $0xFFFFFFFF  }
0xae: {  	[dreg:$0x0] =	wrdreg $0x60  }
0xaf: {  	[dreg:$0x2] =	wrdreg s2  }
0xb0: {  	[dreg:$0x3] =	wrdreg s18  }
0xb1: {  	[dreg:$0x4] =	wrdreg s24  }
0xb2: {  	[dreg:$0x5] =	wrdreg $0x0  }
0xb3: {  	[dreg:$0x6] =	wrdreg $0x1F800  }
0xb4: {  	[dreg:$0x7] =	wrdreg $0x9  }
0xb5: {  	_ =	task.clear_ibuf [dreg:s8], $0x8FFFF;
	_ =	strace $0x90000046  }
0xb6: {  	s29 =	simm.s32 $0x9;
	_ =	strace $0x80000048  }
0xb7: {  	_ =	swait.ge [sflag:s29], $0x1  }
0xb8: {  	[sflag:s29] =	ssyncadd.s32 $0xFFFFFFFF  }
0xb9: {  	_ =	strace $0x90000048  }
0xba: {  	_ =	sfence  }
0xbb: {  	s30 =	sld [smem:$0x0];
	_ =	sdelay $0x2  }
0xbc: {  	s31 =	sshll.u32 s1, $0xD;
	s1 =	sshrl.u32 s1, $0x2  }
0xbd: {  	s3 =	sand.u32 $0x4000, s31;
	s1 =	sadd.s32 s1, s30  }
0xbe: {  	s0 =	sor.u32 s3, s0;
	s1 =	sshll.u32 s1, $0x11  }
0xbf: {  	s0 =	sor.u32 s1, s0  }
0xc0: {  	s0 =	sadd.s32 $0x8F2B, s0  }
0xc1: {  	[sflag:s0] =	ssyncadd.remote.s32 $0x1  }
0xc2: {  	_ =	sfence.sel $0xFFFF  }
0xc3: {  	[dreg:$0x0] =	wrdreg $0xFFFFFFFF;
	(pc) =	sbr.abs _section_cstart, $3  }
0xc4: {  	[dreg:$0x1] =	wrdreg $0xFFFFFFFF  }
0xc5: {  	_ =	task.clear_ibuf [dreg:s8], $0x2FFFF;
	_ =	strace $0x9FFFFFFF  }
0xc6: {  	(tm) =	ssettm $0x7FFFFFFF  }
0xc7: {  	_ =	shalt  }
tec
execute0_lowered:
.L_overlay_start_1:
0x0: {  	(tag) =	ssettag $0x1  }
0x1: {  	s1 =	rddreg [dreg:$0x0]  }
0x2: {  	s2 =	rddreg [dreg:$0x1]  }
0x3: {  	s7 =	rddreg [dreg:$0x2]  }
0x4: {  	s3 =	rddreg [dreg:$0x3]  }
0x5: {  	s4 =	rddreg [dreg:$0x4];
	s5 =	simm.s32 $0x0  }
0x6: {  	s20 =	stileid.u32;
	s6 =	srdreg.scid;
	s22 =	simm.s32 $0x158C0  }
0x7: {  	s23 =	simm.s32 $0x80;
	s24 =	simm.s32 $0x15940;
	s25 =	simm.s32 $0x1  }
0x8: {  	[smem:$0x7FF] =	sst s5;
	s8 =	smul.u32 $0x9E0, s20;
	s12 =	sand.u32 $0x1, s6  }
0x9: {  	s16 =	sadd.s32 $0x5600, s7;
	s17 =	sadd.s32 $0xFC00, s7;
	s6 =	sadd.s32 $0x1A200, s7  }
0xa: {  	s29 =	sshll.u32 s20, $0x7;
	p0 =	sne.s32 s20, $0x0;
	s9 =	smul.u32 $0x3F00, s12  }
0xb: {  	s20 =	simm.s32 $0x15840;
	_ =	strace $0x80000047;
	s10 =	smul.u32 $0x27180, s12  }
0xc: {  	s26 =	ssub.s32 $0x2, s12;
	s30 =	sshll.u32 s12, $0x6;
	s21 =	smul.u32 $0x4F0, s12  }
0xd: {  	s18 =	sadd.s32 s8, s7;
	s28 =	sshrl.u32 s26, $0x1;
	s19 =	sor.u32 s30, s29  }
0xe: {  	s9 =	sadd.s32 s9, s7;
	s10 =	sadd.s32 s10, s7;
	s11 =	ssub.s32 s26, s28  }
0xf: {  	s13 =	sor.u32 $0x10, s19;
	s15 =	sor.u32 $0x20, s19;
	s21 =	sadd.s32 s21, s18  }
0x10: {  	s26 =	simm.s32 $0x0;
	s0 =	sadd.s32 $0x93600, s9;
	s31 =	sadd.s32 $0x45200, s10  }
0x11: {  	s9 =	smax.u32 s11, $0x1;
	s10 =	sadd.s32 s16, s19;
	s11 =	sadd.s32 s17, s19  }
0x12: {  	s12 =	sadd.s32 s16, s13;
	s13 =	sadd.s32 s17, s13;
	s14 =	sadd.s32 s16, s15  }
0x13: {  	s15 =	sadd.s32 s17, s15;
	s19 =	sor.u32 $0x30, s19;
	[dreg:$0x6] =	wrdreg s0  }
0x14: {  	s18 =	sadd.s32 $0x10400, s21;
	[dreg:$0x7] =	wrdreg s31;
	s16 =	sadd.s32 s16, s19  }
0x15: {  	s17 =	sadd.s32 s17, s19;
	s19 =	sadd.s32 $0x5E00, s21;
	s21 =	simm.s32 $0x2  }
.LBB2_1:
0x16: {  	s28 =	sshrl.u32 @!p0 s3, $0x3;
	s30 =	simm.s32 @!p0 $0x1C02;
	s31 =	simm.s32 @!p0 $0x2  }
0x17: {  	[spmem:s28], [sflag:s30] =	dma.local @!p0 [hbm:s6], $0x3F00  }
0x18: {  	_ =	swait.ge @!p0 [sflag:s31], $0x3F00  }
0x19: {  	[sflag:s31] =	ssyncset.done @!p0 $0x0  }
0x1a: {  	s29 =	sshrl.u32 @!p0 s4, $0x3;
	[sflag:s31] =	ssyncadd.s32 @!p0 $0xFFFFC100  }
0x1b: {  	[spmem:s29], [sflag:s30] =	dma.local @!p0 [hbm:s6], $0x27180  }
0x1c: {  	_ =	swait.ge @!p0 [sflag:s31], $0x27180  }
0x1d: {  	[sflag:s31] =	ssyncset.done @!p0 $0x0  }
0x1e: {  	[sflag:s31] =	ssyncadd.s32 @!p0 $0xFFFD8E80  }
0x1f: {  	[bflag:$0x0] =	sbarrier.arrive $0xFFFF  }
0x20: {  	[tilespmem:s20], [sflag:$0x2] =	stream.linear.gather [hbm4b:s10+s5], $0x80, $0x38;
	[tilespmem:$0x19940] =	vst v63  }
0x21: {  	_ =	swait.ge [sflag:s21], $0x80  }
0x22: {  	[sflag:s21] =	ssyncset.done $0x0  }
0x23: {  	[sflag:s21] =	ssyncadd.s32 $0xFFFFFF80  }
0x24: {  	[tilespmem:s22], [sflag:$0x2] =	stream.linear.gather [hbm4b:s11+s5], $0x80, $0x38;
	[tilespmem:$0x19940] =	vst v63  }
0x25: {  	_ =	swait.ge [sflag:s21], $0x80  }
0x26: {  	[sflag:s21] =	ssyncset.done $0x0  }
0x27: {  	[sflag:s21] =	ssyncadd.s32 $0xFFFFFF80  }
0x28: {  	[tilespmem:s24], [sflag:$0x1] =	stream.indirect.gather [hbm4b:s1+s23], $0x80, s20, s23, $0xb8;
	[tilespmem:$0x19940] =	vst v63  }
0x29: {  	_ =	swait.ge [sflag:s25], $0x4000  }
0x2a: {  	[sflag:s25] =	ssyncset.done $0x0  }
0x2b: {  	[sflag:s25] =	ssyncadd.s32 $0xFFFFC000  }
0x2c: {  	[spmem:s3] =	stream.indirect.scatter.add.f32 [tilespmem:s24], [sflag:$0x2], $0x80, s22, s23, $0xb8;
	[tilespmem:$0x19940] =	vst v63  }
0x2d: {  	_ =	swait.ge [sflag:s21], $0x4000  }
0x2e: {  	[sflag:s21] =	ssyncset.done $0x0  }
0x2f: {  	[sflag:s21] =	ssyncadd.s32 $0xFFFFC000  }
0x30: {  	[tilespmem:s20], [sflag:$0x2] =	stream.linear.gather [hbm4b:s12+s5], $0x80, $0x38;
	[tilespmem:$0x19940] =	vst v63  }
0x31: {  	_ =	swait.ge [sflag:s21], $0x80  }
0x32: {  	[sflag:s21] =	ssyncset.done $0x0  }
0x33: {  	[sflag:s21] =	ssyncadd.s32 $0xFFFFFF80  }
0x34: {  	[tilespmem:s22], [sflag:$0x2] =	stream.linear.gather [hbm4b:s13+s5], $0x80, $0x38;
	[tilespmem:$0x19940] =	vst v63  }
0x35: {  	_ =	swait.ge [sflag:s21], $0x80  }
0x36: {  	[sflag:s21] =	ssyncset.done $0x0  }
0x37: {  	[sflag:s21] =	ssyncadd.s32 $0xFFFFFF80  }
0x38: {  	[tilespmem:s24], [sflag:$0x1] =	stream.indirect.gather [hbm4b:s1+s23], $0x80, s20, s23, $0xb8;
	[tilespmem:$0x19940] =	vst v63  }
0x39: {  	_ =	swait.ge [sflag:s25], $0x4000  }
0x3a: {  	[sflag:s25] =	ssyncset.done $0x0  }
0x3b: {  	[sflag:s25] =	ssyncadd.s32 $0xFFFFC000  }
0x3c: {  	[spmem:s3] =	stream.indirect.scatter.add.f32 [tilespmem:s24], [sflag:$0x2], $0x80, s22, s23, $0xb8;
	[tilespmem:$0x19940] =	vst v63  }
0x3d: {  	_ =	swait.ge [sflag:s21], $0x4000  }
0x3e: {  	[sflag:s21] =	ssyncset.done $0x0  }
0x3f: {  	[sflag:s21] =	ssyncadd.s32 $0xFFFFC000  }
0x40: {  	[tilespmem:s20], [sflag:$0x2] =	stream.linear.gather [hbm4b:s14+s5], $0x80, $0x38;
	[tilespmem:$0x19940] =	vst v63  }
0x41: {  	_ =	swait.ge [sflag:s21], $0x80  }
0x42: {  	[sflag:s21] =	ssyncset.done $0x0  }
0x43: {  	[sflag:s21] =	ssyncadd.s32 $0xFFFFFF80  }
0x44: {  	[tilespmem:s22], [sflag:$0x2] =	stream.linear.gather [hbm4b:s15+s5], $0x80, $0x38;
	[tilespmem:$0x19940] =	vst v63  }
0x45: {  	_ =	swait.ge [sflag:s21], $0x80  }
0x46: {  	[sflag:s21] =	ssyncset.done $0x0  }
0x47: {  	[sflag:s21] =	ssyncadd.s32 $0xFFFFFF80  }
0x48: {  	[tilespmem:s24], [sflag:$0x1] =	stream.indirect.gather [hbm4b:s1+s23], $0x80, s20, s23, $0xb8;
	[tilespmem:$0x19940] =	vst v63  }
0x49: {  	_ =	swait.ge [sflag:s25], $0x4000  }
0x4a: {  	[sflag:s25] =	ssyncset.done $0x0  }
0x4b: {  	[sflag:s25] =	ssyncadd.s32 $0xFFFFC000  }
0x4c: {  	[spmem:s3] =	stream.indirect.scatter.add.f32 [tilespmem:s24], [sflag:$0x2], $0x80, s22, s23, $0xb8;
	[tilespmem:$0x19940] =	vst v63  }
0x4d: {  	_ =	swait.ge [sflag:s21], $0x4000  }
0x4e: {  	[sflag:s21] =	ssyncset.done $0x0  }
0x4f: {  	[sflag:s21] =	ssyncadd.s32 $0xFFFFC000  }
0x50: {  	[tilespmem:s20], [sflag:$0x2] =	stream.linear.gather [hbm4b:s16+s5], $0x80, $0x38;
	[tilespmem:$0x19940] =	vst v63  }
0x51: {  	_ =	swait.ge [sflag:s21], $0x80  }
0x52: {  	[sflag:s21] =	ssyncset.done $0x0  }
0x53: {  	[sflag:s21] =	ssyncadd.s32 $0xFFFFFF80  }
0x54: {  	[tilespmem:s22], [sflag:$0x2] =	stream.linear.gather [hbm4b:s17+s5], $0x80, $0x38;
	[tilespmem:$0x19940] =	vst v63  }
0x55: {  	_ =	swait.ge [sflag:s21], $0x80  }
0x56: {  	[sflag:s21] =	ssyncset.done $0x0  }
0x57: {  	[sflag:s21] =	ssyncadd.s32 $0xFFFFFF80  }
0x58: {  	[tilespmem:s24], [sflag:$0x1] =	stream.indirect.gather [hbm4b:s1+s23], $0x80, s20, s23, $0xb8;
	[tilespmem:$0x19940] =	vst v63  }
0x59: {  	_ =	swait.ge [sflag:s25], $0x4000  }
0x5a: {  	[sflag:s25] =	ssyncset.done $0x0  }
0x5b: {  	[sflag:s25] =	ssyncadd.s32 $0xFFFFC000  }
0x5c: {  	[spmem:s3] =	stream.indirect.scatter.add.f32 [tilespmem:s24], [sflag:$0x2], $0x80, s22, s23, $0xb8;
	[tilespmem:$0x19940] =	vst v63  }
0x5d: {  	_ =	swait.ge [sflag:s21], $0x4000  }
0x5e: {  	[sflag:s21] =	ssyncset.done $0x0  }
0x5f: {  	s30 =	sadd.s32 $0x0, s19;
	[sflag:s21] =	ssyncadd.s32 $0xFFFFC000  }
0x60: {  	[tilespmem:s20], [sflag:$0x2] =	stream.linear.gather [hbm4b:s30+s5], $0x80, $0x38;
	[tilespmem:$0x19940] =	vst v63  }
0x61: {  	_ =	swait.ge [sflag:s21], $0x80  }
0x62: {  	[sflag:s21] =	ssyncset.done $0x0  }
0x63: {  	s30 =	sadd.s32 $0x0, s18;
	[sflag:s21] =	ssyncadd.s32 $0xFFFFFF80  }
0x64: {  	[tilespmem:s22], [sflag:$0x2] =	stream.linear.gather [hbm4b:s30+s5], $0x80, $0x38;
	[tilespmem:$0x19940] =	vst v63  }
0x65: {  	_ =	swait.ge [sflag:s21], $0x80  }
0x66: {  	[sflag:s21] =	ssyncset.done $0x0  }
0x67: {  	[sflag:s21] =	ssyncadd.s32 $0xFFFFFF80  }
0x68: {  	[tilespmem:s24], [sflag:$0x1] =	stream.indirect.gather [hbm4b:s2+s23], $0x80, s20, s23, $0xb8;
	[tilespmem:$0x19940] =	vst v63  }
0x69: {  	_ =	swait.ge [sflag:s25], $0x4000  }
0x6a: {  	[sflag:s25] =	ssyncset.done $0x0  }
0x6b: {  	[sflag:s25] =	ssyncadd.s32 $0xFFFFC000  }
0x6c: {  	[spmem:s4] =	stream.indirect.scatter.add.f32 [tilespmem:s24], [sflag:$0x2], $0x80, s22, s23, $0xb8;
	[tilespmem:$0x19940] =	vst v63  }
0x6d: {  	_ =	swait.ge [sflag:s21], $0x4000  }
0x6e: {  	s31 =	simm.s32 $0x20;
	s30 =	simm.s32 $0x10;
	[sflag:s21] =	ssyncset.done $0x0  }
.LBB2_2:
0x6f: {  	s0 =	sadd.s32 s30, s19  }
0x70: {  	[sflag:s21] =	ssyncadd.s32 $0xFFFFC000;
	s7 =	smov.u32 s31;
	s8 =	sadd.s32 $0x10, s31  }
0x71: {  	[tilespmem:s20], [sflag:$0x2] =	stream.linear.gather [hbm4b:s0+s5], $0x80, $0x38;
	[tilespmem:$0x19940] =	vst v63  }
0x72: {  	p1 =	sne.s32 s31, $0x4E0;
	_ =	swait.ge [sflag:s21], $0x80  }
0x73: {  	[sflag:s21] =	ssyncset.done $0x0  }
0x74: {  	s0 =	sadd.s32 s30, s18;
	s30 =	smov.u32 s7;
	[sflag:s21] =	ssyncadd.s32 $0xFFFFFF80  }
0x75: {  	[tilespmem:s22], [sflag:$0x2] =	stream.linear.gather [hbm4b:s0+s5], $0x80, $0x38;
	[tilespmem:$0x19940] =	vst v63  }
0x76: {  	_ =	swait.ge [sflag:s21], $0x80  }
0x77: {  	[sflag:s21] =	ssyncset.done $0x0  }
0x78: {  	[sflag:s21] =	ssyncadd.s32 $0xFFFFFF80  }
0x79: {  	[tilespmem:s24], [sflag:$0x1] =	stream.indirect.gather [hbm4b:s2+s23], $0x80, s20, s23, $0xb8;
	[tilespmem:$0x19940] =	vst v63  }
0x7a: {  	_ =	swait.ge [sflag:s25], $0x4000  }
.Ltmp0:
0x7b: {  	[sflag:s25] =	ssyncset.done $0x0;
	(pc) =	sbr.rel @p1 .LBB2_2-.Ltmp0, $4  }
0x7c: {  	[sflag:s25] =	ssyncadd.s32 $0xFFFFC000  }
0x7d: {  	[spmem:s4] =	stream.indirect.scatter.add.f32 [tilespmem:s24], [sflag:$0x2], $0x80, s22, s23, $0xb8;
	[tilespmem:$0x19940] =	vst v63  }
0x7e: {  	_ =	swait.ge [sflag:s21], $0x4000  }
0x7f: {  	s31 =	smov.u32 s8;
	[sflag:s21] =	ssyncset.done $0x0  }
0x80: {  	s0 =	sadd.s32 s30, s19;
	[sflag:s21] =	ssyncadd.s32 $0xFFFFC000  }
0x81: {  	[tilespmem:s20], [sflag:$0x2] =	stream.linear.gather [hbm4b:s0+s5], $0x80, $0x38;
	[tilespmem:$0x19940] =	vst v63  }
0x82: {  	_ =	swait.ge [sflag:s21], $0x80  }
0x83: {  	[sflag:s21] =	ssyncset.done $0x0  }
0x84: {  	s31 =	sadd.s32 s30, s18;
	[sflag:s21] =	ssyncadd.s32 $0xFFFFFF80  }
0x85: {  	[tilespmem:s22], [sflag:$0x2] =	stream.linear.gather [hbm4b:s31+s5], $0x80, $0x38;
	[tilespmem:$0x19940] =	vst v63  }
0x86: {  	_ =	swait.ge [sflag:s21], $0x80  }
0x87: {  	[sflag:s21] =	ssyncset.done $0x0  }
0x88: {  	[sflag:s21] =	ssyncadd.s32 $0xFFFFFF80  }
0x89: {  	[tilespmem:s24], [sflag:$0x1] =	stream.indirect.gather [hbm4b:s2+s23], $0x80, s20, s23, $0xb8;
	[tilespmem:$0x19940] =	vst v63  }
0x8a: {  	_ =	swait.ge [sflag:s25], $0x4000  }
0x8b: {  	[sflag:s25] =	ssyncset.done $0x0  }
0x8c: {  	[sflag:s25] =	ssyncadd.s32 $0xFFFFC000  }
0x8d: {  	[spmem:s4] =	stream.indirect.scatter.add.f32 [tilespmem:s24], [sflag:$0x2], $0x80, s22, s23, $0xb8;
	[tilespmem:$0x19940] =	vst v63  }
0x8e: {  	_ =	swait.ge [sflag:s21], $0x4000  }
0x8f: {  	[sflag:s21] =	ssyncset.done $0x0  }
0x90: {  	[sflag:s21] =	ssyncadd.s32 $0xFFFFC000  }
0x91: {  	[bflag:$0x0] =	sbarrier.arrive $0xFFFF  }
0x92: {  	s0 =	simm.s32 @!p0 $0x1C02;
	s7 =	rddreg [dreg:$0x6]  }
0x93: {  	[hbm:s7], [sflag:s0] =	dma.local @!p0 [spmem:s28], $0x3F00  }
0x94: {  	s7 =	simm.s32 @!p0 $0x2  }
0x95: {  	s26 =	sadd.s32 $0x1, s26;
	_ =	swait.ge @!p0 [sflag:s7], $0x3F00  }
0x96: {  	p1 =	sne.s32 s26, s9;
	[sflag:s7] =	ssyncset.done @!p0 $0x0  }
.Ltmp1:
0x97: {  	s8 =	rddreg [dreg:$0x7];
	[sflag:s7] =	ssyncadd.s32 @!p0 $0xFFFFC100;
	(pc) =	sbr.rel @p1 .LBB2_1-.Ltmp1, $4  }
0x98: {  	[hbm:s8], [sflag:s0] =	dma.local @!p0 [spmem:s29], $0x27180  }
0x99: {  	_ =	swait.ge @!p0 [sflag:s7], $0x27180  }
0x9a: {  	[sflag:s7] =	ssyncset.done @!p0 $0x0  }
0x9b: {  	[sflag:s7] =	ssyncadd.s32 @!p0 $0xFFFD8E80  }
0x9c: {  	_ =	sfence.sel $0x180000  }
0x9d: {  	[bflag:$0x0] =	sbarrier.arrive $0xFFFF  }
0x9e: {  	_ =	strace $0x90000047  }
0x9f: {  	[bflag:$0x2] =	sbarrier.arrive $0xFFFF  }
0xa0: {  	s0 =	rddreg [dreg:$0x5]  }
0xa1: {  	s0 =	sadd.s32 @!p0 $0x100000, s0  }
0xa2: {  	[sflag:s0] =	ssyncadd.tile.s32 @!p0 $0x1;
	_ =	shalt  }
.Lfunc_end2:
_tile_overlayer_lowered:
.L_overlay_start_2:
0xa3: {  	(tag) =	ssettag $0x2  }
0xa4: {  	s0 =	rddreg [dreg:$0x0];
	s2 =	stileid.u32  }
0xa5: {  	s1 =	rddreg [dreg:$0x1];
	p0 =	sne.s32 s2, $0x0  }
0xa6: {  	s3 =	rddreg [dreg:$0x2];
	[bflag:$0x3] =	sbarrier.arrive $0xFFFF;
	s2 =	simm.s32 @!p0 $0x1C02  }
0xa7: {  	[timem:s3], [sflag:s2] =	dma.local @!p0 [hbm:s0], s1  }
0xa8: {  	s0 =	simm.s32 @!p0 $0x2  }
0xa9: {  	_ =	swait.ge @!p0 [sflag:s0], s1  }
0xaa: {  	s1 =	ssub.s32 @!p0 $0x0, s1;
	[sflag:s0] =	ssyncset.done @!p0 $0x0  }
0xab: {  	[sflag:s0] =	ssyncadd.s32 @!p0 s1  }
0xac: {  	[bflag:$0x3] =	sbarrier.arrive $0xFFFF  }
0xad: {  	_ =	shalt  }

// kernel: kernel.14.cloned.1.call-start
scs
__scs_entry_jumppad:
0x0: {  	(pc) =	sbr.rel $0x88, $3  }
0x1: {  	(tag) =	ssettag $0x0;
	lr =	simm.s32 $0x1  }
0x2: {  	[smem:$0x3F89] =	sst lr;
	_ =	strace $0xD0000000  }
0x3: {  	_ = 	snop  }
0x4: {  	_ = 	snop  }
0x5: {  	_ = 	snop  }
0x6: {  	_ = 	snop  }
0x7: {  	_ = 	snop  }
__scs_overlays_trampoline_lowered:
0x8: {  	[smem:$0x3F98] =	sst s0  }
0x9: {  	[smem:$0x3F99] =	sst s1  }
0xa: {  	[smem:$0x3F9A] =	sst s2  }
0xb: {  	[smem:$0x3F9B] =	sst s3  }
0xc: {  	[smem:$0x3F9C] =	sst s4  }
0xd: {  	[smem:$0x3F9D] =	sst s5  }
0xe: {  	[smem:$0x3F9E] =	sst s6  }
0xf: {  	[smem:$0x3F9F] =	sst s7  }
0x10: {  	[smem:$0x3FA0] =	sst s8  }
0x11: {  	[smem:$0x3FA1] =	sst s9;
	s0 =	simm.s32 @!p0 $0x0  }
0x12: {  	s1 =	sld [smem:$0x3F87];
	s0 =	simm.s32 @p0 $0x1  }
0x13: {  	[smem:$0x3FA2] =	sst s0;
	s0 =	simm.s32 @!p1 $0x0  }
0x14: {  	s2 =	sld [smem:$0x3F86];
	s0 =	simm.s32 @p1 $0x1  }
0x15: {  	[smem:$0x3FA3] =	sst s0;
	s0 =	simm.s32 @!p2 $0x0  }
0x16: {  	s3 =	sld [smem:$0x3FDB];
	s0 =	simm.s32 @p2 $0x1  }
0x17: {  	s4 =	simm.s32 $0x1BF5;
	[smem:$0x3FA5] =	sst s0  }
0x18: {  	s0 =	sld [smem:$0x3F88];
	_ =	swait.ge [sflag:s4], $0x0  }
0x19: {  	s7 =	sld [smem:$0x3F89]  }
0x1a: {  	s8 =	sadd.s32 $0xFFFFE003, lr  }
0x1b: {  	s9 =	sadd.s32 $0xFFFFFEF7, lr;
	s5 =	simm.s32 $0xFFFFFFFF;
	p2 =	slt.u32 s8, $0xFFFFF086  }
0x1c: {  	p1 =	slt.u32 s9, $0xF7A;
	s5 =	simm.s32 @!p2 $0x0  }
0x1d: {  	s5 =	simm.s32 @p1 $0x1;
	p0 =	seq.s32 s7, s2  }
0x1e: {  	s7 =	smul.u32 @!p0 $0xF7A, s2;
	p2 =	seq.s32 @!p0 s5, $0x0  }
0x1f: {  	s9 =	smul.u32 $0xF7A, s1;
	s8 =	simm.s32 @!p0 $0x1BF5;
	p2 =	por !p2, p0  }
0x20: {  	[sflag:s8] =	ssyncset.s32 @!p0 $0xFFFFF086;
	s6 =	sadd.s32 @!p0 s3, s7;
	s7 =	simm.s32 @!p0 $0x108  }
0x21: {  	s3 =	sadd.s32 s3, s9;
	s6 =	sadd.s32 @!p0 $0x88, s6;
	s7 =	simm.s32 @p2 $0x1082  }
0x22: {  	[simem:s7], [sflag:s8] =	dma.local @!p0 [hbm:s6], $0xF7A  }
0x23: {  	s9 =	sor.u32 $0xD0000000, s2;
	s6 =	simm.s32 $0x108;
	_ =	swait.ge @!p0 [sflag:s8], $0x0  }
0x24: {  	s3 =	sadd.s32 $0x88, s3;
	s6 =	simm.s32 @!p1 $0x1082;
	[sflag:s4] =	ssyncset.s32 $0xFFFFF086  }
0x25: {  	[simem:s6], [sflag:s4] =	dma.local [hbm:s3], $0xF7A  }
0x26: {  	[smem:$0x3F89] =	sst s1;
	(tag) =	ssettag s2;
	_ =	strace s9  }
0x27: {  	s1 =	sld [smem:$0x3F99]  }
0x28: {  	s2 =	sld [smem:$0x3F9A]  }
0x29: {  	s4 =	sld [smem:$0x3F9C]  }
0x2a: {  	p0 =	seq.s32 s5, $0x0;
	s5 =	sld [smem:$0x3F9D]  }
0x2b: {  	s6 =	sld [smem:$0x3F9E]  }
0x2c: {  	s7 =	sld [smem:$0x3F9F]  }
0x2d: {  	s3 =	simm.s32 $0x108;
	s8 =	sld [smem:$0x3FA0]  }
0x2e: {  	s3 =	simm.s32 @!p0 $0x1082;
	s9 =	sld [smem:$0x3FA1]  }
0x2f: {  	lr =	sadd.s32 s0, s3;
	s0 =	sld [smem:$0x3F98]  }
0x30: {  	s3 =	sld [smem:$0x3F9B]  }
0x31: {  	[smem:$0x3FA4] =	sst s10  }
0x32: {  	s10 =	sld [smem:$0x3FA2];
	_ =	sdelay $0x3  }
0x33: {  	p0 =	seq.s32 s10, $0x1;
	s10 =	sld [smem:$0x3FA4];
	_ =	sdelay $0x3  }
0x34: {  	[smem:$0x3FA4] =	sst s10  }
0x35: {  	s10 =	sld [smem:$0x3FA3];
	_ =	sdelay $0x3  }
0x36: {  	p1 =	seq.s32 s10, $0x1;
	s10 =	sld [smem:$0x3FA4];
	_ =	sdelay $0x3  }
0x37: {  	[smem:$0x3FA4] =	sst s10  }
0x38: {  	s10 =	sld [smem:$0x3FA5]  }
0x39: {  	_ = 	snop;
	(pc) =	sbr.ind lr, $3  }
0x3a: {  	_ = 	snop  }
0x3b: {  	_ = 	snop  }
0x3c: {  	p2 =	seq.s32 s10, $0x1;
	s10 =	sld [smem:$0x3FA4]  }
0x3d: {  	_ =	shalt  }
0x3e: {  	_ =	shalt  }
0x3f: {  	_ =	shalt  }
0x40: {  	_ =	shalt  }
0x41: {  	_ =	shalt  }
0x42: {  	_ =	shalt  }
0x43: {  	_ =	shalt  }
0x44: {  	_ =	shalt  }
0x45: {  	_ =	shalt  }
0x46: {  	_ =	shalt  }
0x47: {  	_ =	shalt  }
0x48: {  	_ =	shalt  }
0x49: {  	_ =	shalt  }
0x4a: {  	_ =	shalt  }
0x4b: {  	_ =	shalt  }
0x4c: {  	_ =	shalt  }
0x4d: {  	_ =	shalt  }
0x4e: {  	_ =	shalt  }
0x4f: {  	_ =	shalt  }
0x50: {  	_ =	shalt  }
0x51: {  	_ =	shalt  }
0x52: {  	_ =	shalt  }
0x53: {  	_ =	shalt  }
0x54: {  	_ =	shalt  }
0x55: {  	_ =	shalt  }
0x56: {  	_ =	shalt  }
0x57: {  	_ =	shalt  }
0x58: {  	_ =	shalt  }
0x59: {  	_ =	shalt  }
0x5a: {  	_ =	shalt  }
0x5b: {  	_ =	shalt  }
0x5c: {  	_ =	shalt  }
0x5d: {  	_ =	shalt  }
0x5e: {  	_ =	shalt  }
0x5f: {  	_ =	shalt  }
0x60: {  	_ =	shalt  }
0x61: {  	_ =	shalt  }
0x62: {  	_ =	shalt  }
0x63: {  	_ =	shalt  }
0x64: {  	_ =	shalt  }
0x65: {  	_ =	shalt  }
0x66: {  	_ =	shalt  }
0x67: {  	_ =	shalt  }
0x68: {  	_ =	shalt  }
0x69: {  	_ =	shalt  }
0x6a: {  	_ =	shalt  }
0x6b: {  	_ =	shalt  }
0x6c: {  	_ =	shalt  }
0x6d: {  	_ =	shalt  }
0x6e: {  	_ =	shalt  }
0x6f: {  	_ =	shalt  }
0x70: {  	_ =	shalt  }
0x71: {  	_ =	shalt  }
0x72: {  	_ =	shalt  }
0x73: {  	_ =	shalt  }
0x74: {  	_ =	shalt  }
0x75: {  	_ =	shalt  }
0x76: {  	_ =	shalt  }
0x77: {  	_ =	shalt  }
0x78: {  	_ =	shalt  }
0x79: {  	_ =	shalt  }
0x7a: {  	_ =	shalt  }
0x7b: {  	_ =	shalt  }
0x7c: {  	_ =	shalt  }
0x7d: {  	_ =	shalt  }
0x7e: {  	_ =	shalt  }
0x7f: {  	_ =	shalt  }
0x80: {  	_ =	shalt  }
0x81: {  	_ =	shalt  }
0x82: {  	_ =	shalt  }
0x83: {  	_ =	shalt  }
0x84: {  	_ =	shalt  }
0x85: {  	_ =	shalt  }
0x86: {  	_ =	shalt  }
0x87: {  	_ =	shalt  }
.Lfunc_end0:
.L_simem_size_0:
called_computation.1_lowered:
.L_overlay_start_0:
0x88: {  	s2 =	sld [smem:$0x3FD9]  }
0x89: {  	s3 =	sld [smem:$0x3FFE];
	_ =	sdelay $0x1  }
0x8a: {  	s1 =	srdreg.scid  }
0x8b: {  	s0 =	sand.u32 $0x1, s1  }
0x8c: {  	s14 =	sshll.u32 s0, $0xA;
	s2 =	sadd.s32 s3, s2  }
0x8d: {  	s2 =	sadd.s32 s2, s14  }
0x8e: {  	[smem:$0x3FB0] =	sst s2  }
0x8f: {  	_ = 	snop  }
0x90: {  	s2 =	sld [smem:$0x3FD0];
	_ =	sdelay $0x2  }
0x91: {  	s15 =	simm.s32 $0xB;
	s4 =	simm.s32 $0x10  }
0x92: {  	[smem:s4], [sflag:s15] =	dma.local [hbm:s2], $0x1  }
0x93: {  	_ =	swait.eq [sflag:s15], $0x1  }
0x94: {  	[sflag:s15] =	ssyncset.done $0x0  }
0x95: {  	s16 =	sld [smem:$0x11];
	[sflag:s15] =	ssyncadd.s32 $0xFFFFFFFF  }
0x96: {  	s17 =	sld [smem:$0x12];
	(tm) =	ssettm $0x1  }
0x97: {  	s18 =	sld [smem:$0x3FFB];
	_ =	sdelay $0x3  }
0x98: {  	_ =	strace s18  }
0x99: {  	s4 =	sld [smem:$0x3FFC];
	_ =	sdelay $0x3  }
0x9a: {  	_ =	strace s4  }
0x9b: {  	s4 =	sld [smem:$0x3FFD];
	_ =	sdelay $0x3  }
0x9c: {  	_ =	strace s4  }
0x9d: {  	_ =	strace $0x8FFFFFFF  }
0x9e: {  	s19 =	sld [smem:$0x3FDB];
	_ =	sdelay $0x1  }
0x9f: {  	s5 =	simm.s32 $_scs_section_size  }
0xa0: {  	s6 =	simm.s32 $_size__tile_overlayer_lowered;
	s7 =	simm.s32 $_tile_overlayer_lowered  }
0xa1: {  	s22 =	simm.s32 $0x1BFF;
	s21 =	sshll.u32 s7, $0x1;
	s4 =	sadd.s32 s5, s19  }
0xa2: {  	s8 =	simm.s32 $0x0;
	s20 =	sshll.u32 s6, $0x1;
	s6 =	sadd.s32 s21, s4  }
0xa3: {  	[timem:s8], [sflag:s22] =	dma.local [hbm:s6], s20  }
0xa4: {  	_ =	swait.ge [sflag:s22], s20  }
0xa5: {  	s5 =	ssub.s32 $0x0, s20;
	[sflag:s22] =	ssyncset.done $0x0  }
0xa6: {  	[sflag:s22] =	ssyncadd.s32 s5;
	_ =	sdelay $0x1  }
0xa7: {  	s23 =	simm.s32 $0x1B8B  }
0xa8: {  	_ =	swait.ge [sflag:s23], $0x1  }
0xa9: {  	[sflag:s23] =	ssyncset.done $0x0  }
0xaa: {  	s25 =	simm.s32 $0x1B8E;
	s24 =	sld [smem:$0x3FFE];
	[sflag:s23] =	ssyncadd.s32 $0xFFFFFFFF  }
0xab: {  	s26 =	simm.s32 $execute0_lowered;
	[smem:$0x3FD2] =	sst s25  }
0xac: {  	s6 =	sshll.u32 s26, $0x1;
	_ =	strace $0x80000049;
	[dreg:$0x1] =	wrdreg $0xFFFFFFFF  }
0xad: {  	s28 =	simm.s32 $_size_execute0_lowered;
	s4 =	sadd.s32 s4, s6;
	[dreg:$0x0] =	wrdreg $0x0  }
0xae: {  	s6 =	sshll.u32 s28, $0x1;
	[dreg:$0x2] =	wrdreg s4  }
0xaf: {  	[dreg:$0x3] =	wrdreg s6  }
0xb0: {  	[dreg:$0x4] =	wrdreg $0xC0  }
0xb1: {  	_ =	task [dreg:s8], $0x5FFFF  }
0xb2: {  	[dreg:$0x1] =	wrdreg $0xFFFFFFFF  }
0xb3: {  	[dreg:$0x0] =	wrdreg $0x60  }
0xb4: {  	[dreg:$0x2] =	wrdreg s16  }
0xb5: {  	[dreg:$0x3] =	wrdreg s17  }
0xb6: {  	[dreg:$0x4] =	wrdreg s24  }
0xb7: {  	[dreg:$0x5] =	wrdreg $0x0  }
0xb8: {  	[dreg:$0x6] =	wrdreg $0x1F800  }
0xb9: {  	[dreg:$0x7] =	wrdreg $0x9  }
0xba: {  	_ =	task.clear_ibuf [dreg:s8], $0x8FFFF;
	_ =	strace $0x90000049  }
0xbb: {  	s29 =	simm.s32 $0x9;
	_ =	strace $0x8000004B  }
0xbc: {  	_ =	swait.ge [sflag:s29], $0x1  }
0xbd: {  	[sflag:s29] =	ssyncadd.s32 $0xFFFFFFFF  }
0xbe: {  	_ =	strace $0x9000004B  }
0xbf: {  	_ =	sfence  }
0xc0: {  	s30 =	sld [smem:$0x0];
	_ =	sdelay $0x2  }
0xc1: {  	s31 =	sshll.u32 s1, $0xD;
	s1 =	sshrl.u32 s1, $0x2  }
0xc2: {  	s3 =	sand.u32 $0x4000, s31;
	s1 =	sadd.s32 s1, s30  }
0xc3: {  	s0 =	sor.u32 s3, s0;
	s1 =	sshll.u32 s1, $0x11  }
0xc4: {  	s0 =	sor.u32 s1, s0  }
0xc5: {  	s0 =	sadd.s32 $0x8F2B, s0  }
0xc6: {  	[sflag:s0] =	ssyncadd.remote.s32 $0x1  }
0xc7: {  	_ =	sfence.sel $0xFFFF  }
0xc8: {  	[dreg:$0x0] =	wrdreg $0xFFFFFFFF;
	(pc) =	sbr.abs _section_cstart, $3  }
0xc9: {  	[dreg:$0x1] =	wrdreg $0xFFFFFFFF  }
0xca: {  	_ =	task.clear_ibuf [dreg:s8], $0x2FFFF;
	_ =	strace $0x9FFFFFFF  }
0xcb: {  	(tm) =	ssettm $0x7FFFFFFF  }
tec
execute0_lowered:
.L_overlay_start_1:
0x0: {  	(tag) =	ssettag $0x1  }
0x1: {  	s1 =	rddreg [dreg:$0x0]  }
0x2: {  	s2 =	rddreg [dreg:$0x1]  }
0x3: {  	s7 =	rddreg [dreg:$0x2]  }
0x4: {  	s3 =	rddreg [dreg:$0x3]  }
0x5: {  	s4 =	rddreg [dreg:$0x4];
	s5 =	simm.s32 $0x0  }
0x6: {  	s20 =	stileid.u32;
	s6 =	srdreg.scid;
	s22 =	simm.s32 $0x158C0  }
0x7: {  	s23 =	simm.s32 $0x80;
	s24 =	simm.s32 $0x15940;
	s25 =	simm.s32 $0x1  }
0x8: {  	[smem:$0x7FF] =	sst s5;
	s8 =	smul.u32 $0x9E0, s20;
	s12 =	sand.u32 $0x1, s6  }
0x9: {  	s16 =	sadd.s32 $0x5600, s7;
	s17 =	sadd.s32 $0xFC00, s7;
	s6 =	sadd.s32 $0x1A200, s7  }
0xa: {  	s29 =	sshll.u32 s20, $0x7;
	p0 =	sne.s32 s20, $0x0;
	s9 =	smul.u32 $0x3F00, s12  }
0xb: {  	s20 =	simm.s32 $0x15840;
	_ =	strace $0x8000004A;
	s10 =	smul.u32 $0x27180, s12  }
0xc: {  	s26 =	ssub.s32 $0x2, s12;
	s30 =	sshll.u32 s12, $0x6;
	s21 =	smul.u32 $0x4F0, s12  }
0xd: {  	s18 =	sadd.s32 s8, s7;
	s28 =	sshrl.u32 s26, $0x1;
	s19 =	sor.u32 s30, s29  }
0xe: {  	s9 =	sadd.s32 s9, s7;
	s10 =	sadd.s32 s10, s7;
	s11 =	ssub.s32 s26, s28  }
0xf: {  	s13 =	sor.u32 $0x10, s19;
	s15 =	sor.u32 $0x20, s19;
	s21 =	sadd.s32 s21, s18  }
0x10: {  	s26 =	simm.s32 $0x0;
	s0 =	sadd.s32 $0x70200, s9;
	s31 =	sadd.s32 $0x78000, s10  }
0x11: {  	s9 =	smax.u32 s11, $0x1;
	s10 =	sadd.s32 s16, s19;
	s11 =	sadd.s32 s17, s19  }
0x12: {  	s12 =	sadd.s32 s16, s13;
	s13 =	sadd.s32 s17, s13;
	s14 =	sadd.s32 s16, s15  }
0x13: {  	s15 =	sadd.s32 s17, s15;
	s19 =	sor.u32 $0x30, s19;
	[dreg:$0x6] =	wrdreg s0  }
0x14: {  	s18 =	sadd.s32 $0x10400, s21;
	[dreg:$0x7] =	wrdreg s31;
	s16 =	sadd.s32 s16, s19  }
0x15: {  	s17 =	sadd.s32 s17, s19;
	s19 =	sadd.s32 $0x5E00, s21;
	s21 =	simm.s32 $0x2  }
.LBB2_1:
0x16: {  	s28 =	sshrl.u32 @!p0 s3, $0x3;
	s30 =	simm.s32 @!p0 $0x1C02;
	s31 =	simm.s32 @!p0 $0x2  }
0x17: {  	[spmem:s28], [sflag:s30] =	dma.local @!p0 [hbm:s6], $0x3F00  }
0x18: {  	_ =	swait.ge @!p0 [sflag:s31], $0x3F00  }
0x19: {  	[sflag:s31] =	ssyncset.done @!p0 $0x0  }
0x1a: {  	s29 =	sshrl.u32 @!p0 s4, $0x3;
	[sflag:s31] =	ssyncadd.s32 @!p0 $0xFFFFC100  }
0x1b: {  	[spmem:s29], [sflag:s30] =	dma.local @!p0 [hbm:s6], $0x27180  }
0x1c: {  	_ =	swait.ge @!p0 [sflag:s31], $0x27180  }
0x1d: {  	[sflag:s31] =	ssyncset.done @!p0 $0x0  }
0x1e: {  	[sflag:s31] =	ssyncadd.s32 @!p0 $0xFFFD8E80  }
0x1f: {  	[bflag:$0x0] =	sbarrier.arrive $0xFFFF  }
0x20: {  	[tilespmem:s20], [sflag:$0x2] =	stream.linear.gather [hbm4b:s10+s5], $0x80, $0x38;
	[tilespmem:$0x19940] =	vst v63  }
0x21: {  	_ =	swait.ge [sflag:s21], $0x80  }
0x22: {  	[sflag:s21] =	ssyncset.done $0x0  }
0x23: {  	[sflag:s21] =	ssyncadd.s32 $0xFFFFFF80  }
0x24: {  	[tilespmem:s22], [sflag:$0x2] =	stream.linear.gather [hbm4b:s11+s5], $0x80, $0x38;
	[tilespmem:$0x19940] =	vst v63  }
0x25: {  	_ =	swait.ge [sflag:s21], $0x80  }
0x26: {  	[sflag:s21] =	ssyncset.done $0x0  }
0x27: {  	[sflag:s21] =	ssyncadd.s32 $0xFFFFFF80  }
0x28: {  	[tilespmem:s24], [sflag:$0x1] =	stream.indirect.gather [hbm4b:s1+s23], $0x80, s20, s23, $0xb8;
	[tilespmem:$0x19940] =	vst v63  }
0x29: {  	_ =	swait.ge [sflag:s25], $0x4000  }
0x2a: {  	[sflag:s25] =	ssyncset.done $0x0  }
0x2b: {  	[sflag:s25] =	ssyncadd.s32 $0xFFFFC000  }
0x2c: {  	[spmem:s3] =	stream.indirect.scatter.add.f32 [tilespmem:s24], [sflag:$0x2], $0x80, s22, s23, $0xb8;
	[tilespmem:$0x19940] =	vst v63  }
0x2d: {  	_ =	swait.ge [sflag:s21], $0x4000  }
0x2e: {  	[sflag:s21] =	ssyncset.done $0x0  }
0x2f: {  	[sflag:s21] =	ssyncadd.s32 $0xFFFFC000  }
0x30: {  	[tilespmem:s20], [sflag:$0x2] =	stream.linear.gather [hbm4b:s12+s5], $0x80, $0x38;
	[tilespmem:$0x19940] =	vst v63  }
0x31: {  	_ =	swait.ge [sflag:s21], $0x80  }
0x32: {  	[sflag:s21] =	ssyncset.done $0x0  }
0x33: {  	[sflag:s21] =	ssyncadd.s32 $0xFFFFFF80  }
0x34: {  	[tilespmem:s22], [sflag:$0x2] =	stream.linear.gather [hbm4b:s13+s5], $0x80, $0x38;
	[tilespmem:$0x19940] =	vst v63  }
0x35: {  	_ =	swait.ge [sflag:s21], $0x80  }
0x36: {  	[sflag:s21] =	ssyncset.done $0x0  }
0x37: {  	[sflag:s21] =	ssyncadd.s32 $0xFFFFFF80  }
0x38: {  	[tilespmem:s24], [sflag:$0x1] =	stream.indirect.gather [hbm4b:s1+s23], $0x80, s20, s23, $0xb8;
	[tilespmem:$0x19940] =	vst v63  }
0x39: {  	_ =	swait.ge [sflag:s25], $0x4000  }
0x3a: {  	[sflag:s25] =	ssyncset.done $0x0  }
0x3b: {  	[sflag:s25] =	ssyncadd.s32 $0xFFFFC000  }
0x3c: {  	[spmem:s3] =	stream.indirect.scatter.add.f32 [tilespmem:s24], [sflag:$0x2], $0x80, s22, s23, $0xb8;
	[tilespmem:$0x19940] =	vst v63  }
0x3d: {  	_ =	swait.ge [sflag:s21], $0x4000  }
0x3e: {  	[sflag:s21] =	ssyncset.done $0x0  }
0x3f: {  	[sflag:s21] =	ssyncadd.s32 $0xFFFFC000  }
0x40: {  	[tilespmem:s20], [sflag:$0x2] =	stream.linear.gather [hbm4b:s14+s5], $0x80, $0x38;
	[tilespmem:$0x19940] =	vst v63  }
0x41: {  	_ =	swait.ge [sflag:s21], $0x80  }
0x42: {  	[sflag:s21] =	ssyncset.done $0x0  }
0x43: {  	[sflag:s21] =	ssyncadd.s32 $0xFFFFFF80  }
0x44: {  	[tilespmem:s22], [sflag:$0x2] =	stream.linear.gather [hbm4b:s15+s5], $0x80, $0x38;
	[tilespmem:$0x19940] =	vst v63  }
0x45: {  	_ =	swait.ge [sflag:s21], $0x80  }
0x46: {  	[sflag:s21] =	ssyncset.done $0x0  }
0x47: {  	[sflag:s21] =	ssyncadd.s32 $0xFFFFFF80  }
0x48: {  	[tilespmem:s24], [sflag:$0x1] =	stream.indirect.gather [hbm4b:s1+s23], $0x80, s20, s23, $0xb8;
	[tilespmem:$0x19940] =	vst v63  }
0x49: {  	_ =	swait.ge [sflag:s25], $0x4000  }
0x4a: {  	[sflag:s25] =	ssyncset.done $0x0  }
0x4b: {  	[sflag:s25] =	ssyncadd.s32 $0xFFFFC000  }
0x4c: {  	[spmem:s3] =	stream.indirect.scatter.add.f32 [tilespmem:s24], [sflag:$0x2], $0x80, s22, s23, $0xb8;
	[tilespmem:$0x19940] =	vst v63  }
0x4d: {  	_ =	swait.ge [sflag:s21], $0x4000  }
0x4e: {  	[sflag:s21] =	ssyncset.done $0x0  }
0x4f: {  	[sflag:s21] =	ssyncadd.s32 $0xFFFFC000  }
0x50: {  	[tilespmem:s20], [sflag:$0x2] =	stream.linear.gather [hbm4b:s16+s5], $0x80, $0x38;
	[tilespmem:$0x19940] =	vst v63  }
0x51: {  	_ =	swait.ge [sflag:s21], $0x80  }
0x52: {  	[sflag:s21] =	ssyncset.done $0x0  }
0x53: {  	[sflag:s21] =	ssyncadd.s32 $0xFFFFFF80  }
0x54: {  	[tilespmem:s22], [sflag:$0x2] =	stream.linear.gather [hbm4b:s17+s5], $0x80, $0x38;
	[tilespmem:$0x19940] =	vst v63  }
0x55: {  	_ =	swait.ge [sflag:s21], $0x80  }
0x56: {  	[sflag:s21] =	ssyncset.done $0x0  }
0x57: {  	[sflag:s21] =	ssyncadd.s32 $0xFFFFFF80  }
0x58: {  	[tilespmem:s24], [sflag:$0x1] =	stream.indirect.gather [hbm4b:s1+s23], $0x80, s20, s23, $0xb8;
	[tilespmem:$0x19940] =	vst v63  }
0x59: {  	_ =	swait.ge [sflag:s25], $0x4000  }
0x5a: {  	[sflag:s25] =	ssyncset.done $0x0  }
0x5b: {  	[sflag:s25] =	ssyncadd.s32 $0xFFFFC000  }
0x5c: {  	[spmem:s3] =	stream.indirect.scatter.add.f32 [tilespmem:s24], [sflag:$0x2], $0x80, s22, s23, $0xb8;
	[tilespmem:$0x19940] =	vst v63  }
0x5d: {  	_ =	swait.ge [sflag:s21], $0x4000  }
0x5e: {  	[sflag:s21] =	ssyncset.done $0x0  }
0x5f: {  	s30 =	sadd.s32 $0x0, s19;
	[sflag:s21] =	ssyncadd.s32 $0xFFFFC000  }
0x60: {  	[tilespmem:s20], [sflag:$0x2] =	stream.linear.gather [hbm4b:s30+s5], $0x80, $0x38;
	[tilespmem:$0x19940] =	vst v63  }
0x61: {  	_ =	swait.ge [sflag:s21], $0x80  }
0x62: {  	[sflag:s21] =	ssyncset.done $0x0  }
0x63: {  	s30 =	sadd.s32 $0x0, s18;
	[sflag:s21] =	ssyncadd.s32 $0xFFFFFF80  }
0x64: {  	[tilespmem:s22], [sflag:$0x2] =	stream.linear.gather [hbm4b:s30+s5], $0x80, $0x38;
	[tilespmem:$0x19940] =	vst v63  }
0x65: {  	_ =	swait.ge [sflag:s21], $0x80  }
0x66: {  	[sflag:s21] =	ssyncset.done $0x0  }
0x67: {  	[sflag:s21] =	ssyncadd.s32 $0xFFFFFF80  }
0x68: {  	[tilespmem:s24], [sflag:$0x1] =	stream.indirect.gather [hbm4b:s2+s23], $0x80, s20, s23, $0xb8;
	[tilespmem:$0x19940] =	vst v63  }
0x69: {  	_ =	swait.ge [sflag:s25], $0x4000  }
0x6a: {  	[sflag:s25] =	ssyncset.done $0x0  }
0x6b: {  	[sflag:s25] =	ssyncadd.s32 $0xFFFFC000  }
0x6c: {  	[spmem:s4] =	stream.indirect.scatter.add.f32 [tilespmem:s24], [sflag:$0x2], $0x80, s22, s23, $0xb8;
	[tilespmem:$0x19940] =	vst v63  }
0x6d: {  	_ =	swait.ge [sflag:s21], $0x4000  }
0x6e: {  	s31 =	simm.s32 $0x20;
	s30 =	simm.s32 $0x10;
	[sflag:s21] =	ssyncset.done $0x0  }
.LBB2_2:
0x6f: {  	s0 =	sadd.s32 s30, s19  }
0x70: {  	[sflag:s21] =	ssyncadd.s32 $0xFFFFC000;
	s7 =	smov.u32 s31;
	s8 =	sadd.s32 $0x10, s31  }
0x71: {  	[tilespmem:s20], [sflag:$0x2] =	stream.linear.gather [hbm4b:s0+s5], $0x80, $0x38;
	[tilespmem:$0x19940] =	vst v63  }
0x72: {  	p1 =	sne.s32 s31, $0x4E0;
	_ =	swait.ge [sflag:s21], $0x80  }
0x73: {  	[sflag:s21] =	ssyncset.done $0x0  }
0x74: {  	s0 =	sadd.s32 s30, s18;
	s30 =	smov.u32 s7;
	[sflag:s21] =	ssyncadd.s32 $0xFFFFFF80  }
0x75: {  	[tilespmem:s22], [sflag:$0x2] =	stream.linear.gather [hbm4b:s0+s5], $0x80, $0x38;
	[tilespmem:$0x19940] =	vst v63  }
0x76: {  	_ =	swait.ge [sflag:s21], $0x80  }
0x77: {  	[sflag:s21] =	ssyncset.done $0x0  }
0x78: {  	[sflag:s21] =	ssyncadd.s32 $0xFFFFFF80  }
0x79: {  	[tilespmem:s24], [sflag:$0x1] =	stream.indirect.gather [hbm4b:s2+s23], $0x80, s20, s23, $0xb8;
	[tilespmem:$0x19940] =	vst v63  }
0x7a: {  	_ =	swait.ge [sflag:s25], $0x4000  }
.Ltmp0:
0x7b: {  	[sflag:s25] =	ssyncset.done $0x0;
	(pc) =	sbr.rel @p1 .LBB2_2-.Ltmp0, $4  }
0x7c: {  	[sflag:s25] =	ssyncadd.s32 $0xFFFFC000  }
0x7d: {  	[spmem:s4] =	stream.indirect.scatter.add.f32 [tilespmem:s24], [sflag:$0x2], $0x80, s22, s23, $0xb8;
	[tilespmem:$0x19940] =	vst v63  }
0x7e: {  	_ =	swait.ge [sflag:s21], $0x4000  }
0x7f: {  	s31 =	smov.u32 s8;
	[sflag:s21] =	ssyncset.done $0x0  }
0x80: {  	s0 =	sadd.s32 s30, s19;
	[sflag:s21] =	ssyncadd.s32 $0xFFFFC000  }
0x81: {  	[tilespmem:s20], [sflag:$0x2] =	stream.linear.gather [hbm4b:s0+s5], $0x80, $0x38;
	[tilespmem:$0x19940] =	vst v63  }
0x82: {  	_ =	swait.ge [sflag:s21], $0x80  }
0x83: {  	[sflag:s21] =	ssyncset.done $0x0  }
0x84: {  	s31 =	sadd.s32 s30, s18;
	[sflag:s21] =	ssyncadd.s32 $0xFFFFFF80  }
0x85: {  	[tilespmem:s22], [sflag:$0x2] =	stream.linear.gather [hbm4b:s31+s5], $0x80, $0x38;
	[tilespmem:$0x19940] =	vst v63  }
0x86: {  	_ =	swait.ge [sflag:s21], $0x80  }
0x87: {  	[sflag:s21] =	ssyncset.done $0x0  }
0x88: {  	[sflag:s21] =	ssyncadd.s32 $0xFFFFFF80  }
0x89: {  	[tilespmem:s24], [sflag:$0x1] =	stream.indirect.gather [hbm4b:s2+s23], $0x80, s20, s23, $0xb8;
	[tilespmem:$0x19940] =	vst v63  }
0x8a: {  	_ =	swait.ge [sflag:s25], $0x4000  }
0x8b: {  	[sflag:s25] =	ssyncset.done $0x0  }
0x8c: {  	[sflag:s25] =	ssyncadd.s32 $0xFFFFC000  }
0x8d: {  	[spmem:s4] =	stream.indirect.scatter.add.f32 [tilespmem:s24], [sflag:$0x2], $0x80, s22, s23, $0xb8;
	[tilespmem:$0x19940] =	vst v63  }
0x8e: {  	_ =	swait.ge [sflag:s21], $0x4000  }
0x8f: {  	[sflag:s21] =	ssyncset.done $0x0  }
0x90: {  	[sflag:s21] =	ssyncadd.s32 $0xFFFFC000  }
0x91: {  	[bflag:$0x0] =	sbarrier.arrive $0xFFFF  }
0x92: {  	s0 =	simm.s32 @!p0 $0x1C02;
	s7 =	rddreg [dreg:$0x6]  }
0x93: {  	[hbm:s7], [sflag:s0] =	dma.local @!p0 [spmem:s28], $0x3F00  }
0x94: {  	s7 =	simm.s32 @!p0 $0x2  }
0x95: {  	s26 =	sadd.s32 $0x1, s26;
	_ =	swait.ge @!p0 [sflag:s7], $0x3F00  }
0x96: {  	p1 =	sne.s32 s26, s9;
	[sflag:s7] =	ssyncset.done @!p0 $0x0  }
.Ltmp1:
0x97: {  	s8 =	rddreg [dreg:$0x7];
	[sflag:s7] =	ssyncadd.s32 @!p0 $0xFFFFC100;
	(pc) =	sbr.rel @p1 .LBB2_1-.Ltmp1, $4  }
0x98: {  	[hbm:s8], [sflag:s0] =	dma.local @!p0 [spmem:s29], $0x27180  }
0x99: {  	_ =	swait.ge @!p0 [sflag:s7], $0x27180  }
0x9a: {  	[sflag:s7] =	ssyncset.done @!p0 $0x0  }
0x9b: {  	[sflag:s7] =	ssyncadd.s32 @!p0 $0xFFFD8E80  }
0x9c: {  	_ =	sfence.sel $0x180000  }
0x9d: {  	[bflag:$0x0] =	sbarrier.arrive $0xFFFF  }
0x9e: {  	_ =	strace $0x9000004A  }
0x9f: {  	[bflag:$0x2] =	sbarrier.arrive $0xFFFF  }
0xa0: {  	s0 =	rddreg [dreg:$0x5]  }
0xa1: {  	s0 =	sadd.s32 @!p0 $0x100000, s0  }
0xa2: {  	[sflag:s0] =	ssyncadd.tile.s32 @!p0 $0x1;
	_ =	shalt  }
.Lfunc_end2:
_tile_overlayer_lowered:
.L_overlay_start_2:
0xa3: {  	(tag) =	ssettag $0x2  }
0xa4: {  	s0 =	rddreg [dreg:$0x0];
	s2 =	stileid.u32  }
0xa5: {  	s1 =	rddreg [dreg:$0x1];
	p0 =	sne.s32 s2, $0x0  }
0xa6: {  	s3 =	rddreg [dreg:$0x2];
	[bflag:$0x3] =	sbarrier.arrive $0xFFFF;
	s2 =	simm.s32 @!p0 $0x1C02  }
0xa7: {  	[timem:s3], [sflag:s2] =	dma.local @!p0 [hbm:s0], s1  }
0xa8: {  	s0 =	simm.s32 @!p0 $0x2  }
0xa9: {  	_ =	swait.ge @!p0 [sflag:s0], s1  }
0xaa: {  	s1 =	ssub.s32 @!p0 $0x0, s1;
	[sflag:s0] =	ssyncset.done @!p0 $0x0  }
0xab: {  	[sflag:s0] =	ssyncadd.s32 @!p0 s1  }
0xac: {  	[bflag:$0x3] =	sbarrier.arrive $0xFFFF  }
0xad: {  	_ =	shalt  }

// kernel: kernel.17.cloned.1.call-start
scs
__scs_entry_jumppad:
0x0: {  	(pc) =	sbr.rel $0x88, $3  }
0x1: {  	(tag) =	ssettag $0x0;
	lr =	simm.s32 $0x1  }
0x2: {  	[smem:$0x3F89] =	sst lr;
	_ =	strace $0xD0000000  }
0x3: {  	_ = 	snop  }
0x4: {  	_ = 	snop  }
0x5: {  	_ = 	snop  }
0x6: {  	_ = 	snop  }
0x7: {  	_ = 	snop  }
__scs_overlays_trampoline_lowered:
0x8: {  	[smem:$0x3F98] =	sst s0  }
0x9: {  	[smem:$0x3F99] =	sst s1  }
0xa: {  	[smem:$0x3F9A] =	sst s2  }
0xb: {  	[smem:$0x3F9B] =	sst s3  }
0xc: {  	[smem:$0x3F9C] =	sst s4  }
0xd: {  	[smem:$0x3F9D] =	sst s5  }
0xe: {  	[smem:$0x3F9E] =	sst s6  }
0xf: {  	[smem:$0x3F9F] =	sst s7  }
0x10: {  	[smem:$0x3FA0] =	sst s8  }
0x11: {  	[smem:$0x3FA1] =	sst s9;
	s0 =	simm.s32 @!p0 $0x0  }
0x12: {  	s1 =	sld [smem:$0x3F87];
	s0 =	simm.s32 @p0 $0x1  }
0x13: {  	[smem:$0x3FA2] =	sst s0;
	s0 =	simm.s32 @!p1 $0x0  }
0x14: {  	s2 =	sld [smem:$0x3F86];
	s0 =	simm.s32 @p1 $0x1  }
0x15: {  	[smem:$0x3FA3] =	sst s0;
	s0 =	simm.s32 @!p2 $0x0  }
0x16: {  	s3 =	sld [smem:$0x3FDB];
	s0 =	simm.s32 @p2 $0x1  }
0x17: {  	s4 =	simm.s32 $0x1BF5;
	[smem:$0x3FA5] =	sst s0  }
0x18: {  	s0 =	sld [smem:$0x3F88];
	_ =	swait.ge [sflag:s4], $0x0  }
0x19: {  	s7 =	sld [smem:$0x3F89]  }
0x1a: {  	s8 =	sadd.s32 $0xFFFFE003, lr  }
0x1b: {  	s9 =	sadd.s32 $0xFFFFFEF7, lr;
	s5 =	simm.s32 $0xFFFFFFFF;
	p2 =	slt.u32 s8, $0xFFFFF086  }
0x1c: {  	p1 =	slt.u32 s9, $0xF7A;
	s5 =	simm.s32 @!p2 $0x0  }
0x1d: {  	s5 =	simm.s32 @p1 $0x1;
	p0 =	seq.s32 s7, s2  }
0x1e: {  	s7 =	smul.u32 @!p0 $0xF7A, s2;
	p2 =	seq.s32 @!p0 s5, $0x0  }
0x1f: {  	s9 =	smul.u32 $0xF7A, s1;
	s8 =	simm.s32 @!p0 $0x1BF5;
	p2 =	por !p2, p0  }
0x20: {  	[sflag:s8] =	ssyncset.s32 @!p0 $0xFFFFF086;
	s6 =	sadd.s32 @!p0 s3, s7;
	s7 =	simm.s32 @!p0 $0x108  }
0x21: {  	s3 =	sadd.s32 s3, s9;
	s6 =	sadd.s32 @!p0 $0x88, s6;
	s7 =	simm.s32 @p2 $0x1082  }
0x22: {  	[simem:s7], [sflag:s8] =	dma.local @!p0 [hbm:s6], $0xF7A  }
0x23: {  	s9 =	sor.u32 $0xD0000000, s2;
	s6 =	simm.s32 $0x108;
	_ =	swait.ge @!p0 [sflag:s8], $0x0  }
0x24: {  	s3 =	sadd.s32 $0x88, s3;
	s6 =	simm.s32 @!p1 $0x1082;
	[sflag:s4] =	ssyncset.s32 $0xFFFFF086  }
0x25: {  	[simem:s6], [sflag:s4] =	dma.local [hbm:s3], $0xF7A  }
0x26: {  	[smem:$0x3F89] =	sst s1;
	(tag) =	ssettag s2;
	_ =	strace s9  }
0x27: {  	s1 =	sld [smem:$0x3F99]  }
0x28: {  	s2 =	sld [smem:$0x3F9A]  }
0x29: {  	s4 =	sld [smem:$0x3F9C]  }
0x2a: {  	p0 =	seq.s32 s5, $0x0;
	s5 =	sld [smem:$0x3F9D]  }
0x2b: {  	s6 =	sld [smem:$0x3F9E]  }
0x2c: {  	s7 =	sld [smem:$0x3F9F]  }
0x2d: {  	s3 =	simm.s32 $0x108;
	s8 =	sld [smem:$0x3FA0]  }
0x2e: {  	s3 =	simm.s32 @!p0 $0x1082;
	s9 =	sld [smem:$0x3FA1]  }
0x2f: {  	lr =	sadd.s32 s0, s3;
	s0 =	sld [smem:$0x3F98]  }
0x30: {  	s3 =	sld [smem:$0x3F9B]  }
0x31: {  	[smem:$0x3FA4] =	sst s10  }
0x32: {  	s10 =	sld [smem:$0x3FA2];
	_ =	sdelay $0x3  }
0x33: {  	p0 =	seq.s32 s10, $0x1;
	s10 =	sld [smem:$0x3FA4];
	_ =	sdelay $0x3  }
0x34: {  	[smem:$0x3FA4] =	sst s10  }
0x35: {  	s10 =	sld [smem:$0x3FA3];
	_ =	sdelay $0x3  }
0x36: {  	p1 =	seq.s32 s10, $0x1;
	s10 =	sld [smem:$0x3FA4];
	_ =	sdelay $0x3  }
0x37: {  	[smem:$0x3FA4] =	sst s10  }
0x38: {  	s10 =	sld [smem:$0x3FA5]  }
0x39: {  	_ = 	snop;
	(pc) =	sbr.ind lr, $3  }
0x3a: {  	_ = 	snop  }
0x3b: {  	_ = 	snop  }
0x3c: {  	p2 =	seq.s32 s10, $0x1;
	s10 =	sld [smem:$0x3FA4]  }
0x3d: {  	_ =	shalt  }
0x3e: {  	_ =	shalt  }
0x3f: {  	_ =	shalt  }
0x40: {  	_ =	shalt  }
0x41: {  	_ =	shalt  }
0x42: {  	_ =	shalt  }
0x43: {  	_ =	shalt  }
0x44: {  	_ =	shalt  }
0x45: {  	_ =	shalt  }
0x46: {  	_ =	shalt  }
0x47: {  	_ =	shalt  }
0x48: {  	_ =	shalt  }
0x49: {  	_ =	shalt  }
0x4a: {  	_ =	shalt  }
0x4b: {  	_ =	shalt  }
0x4c: {  	_ =	shalt  }
0x4d: {  	_ =	shalt  }
0x4e: {  	_ =	shalt  }
0x4f: {  	_ =	shalt  }
0x50: {  	_ =	shalt  }
0x51: {  	_ =	shalt  }
0x52: {  	_ =	shalt  }
0x53: {  	_ =	shalt  }
0x54: {  	_ =	shalt  }
0x55: {  	_ =	shalt  }
0x56: {  	_ =	shalt  }
0x57: {  	_ =	shalt  }
0x58: {  	_ =	shalt  }
0x59: {  	_ =	shalt  }
0x5a: {  	_ =	shalt  }
0x5b: {  	_ =	shalt  }
0x5c: {  	_ =	shalt  }
0x5d: {  	_ =	shalt  }
0x5e: {  	_ =	shalt  }
0x5f: {  	_ =	shalt  }
0x60: {  	_ =	shalt  }
0x61: {  	_ =	shalt  }
0x62: {  	_ =	shalt  }
0x63: {  	_ =	shalt  }
0x64: {  	_ =	shalt  }
0x65: {  	_ =	shalt  }
0x66: {  	_ =	shalt  }
0x67: {  	_ =	shalt  }
0x68: {  	_ =	shalt  }
0x69: {  	_ =	shalt  }
0x6a: {  	_ =	shalt  }
0x6b: {  	_ =	shalt  }
0x6c: {  	_ =	shalt  }
0x6d: {  	_ =	shalt  }
0x6e: {  	_ =	shalt  }
0x6f: {  	_ =	shalt  }
0x70: {  	_ =	shalt  }
0x71: {  	_ =	shalt  }
0x72: {  	_ =	shalt  }
0x73: {  	_ =	shalt  }
0x74: {  	_ =	shalt  }
0x75: {  	_ =	shalt  }
0x76: {  	_ =	shalt  }
0x77: {  	_ =	shalt  }
0x78: {  	_ =	shalt  }
0x79: {  	_ =	shalt  }
0x7a: {  	_ =	shalt  }
0x7b: {  	_ =	shalt  }
0x7c: {  	_ =	shalt  }
0x7d: {  	_ =	shalt  }
0x7e: {  	_ =	shalt  }
0x7f: {  	_ =	shalt  }
0x80: {  	_ =	shalt  }
0x81: {  	_ =	shalt  }
0x82: {  	_ =	shalt  }
0x83: {  	_ =	shalt  }
0x84: {  	_ =	shalt  }
0x85: {  	_ =	shalt  }
0x86: {  	_ =	shalt  }
0x87: {  	_ =	shalt  }
.Lfunc_end0:
.L_simem_size_0:
called_computation.2_lowered:
.L_overlay_start_0:
0x88: {  	s2 =	sld [smem:$0x3FD9]  }
0x89: {  	s3 =	sld [smem:$0x3FFE];
	_ =	sdelay $0x1  }
0x8a: {  	s1 =	srdreg.scid  }
0x8b: {  	s0 =	sand.u32 $0x1, s1  }
0x8c: {  	s15 =	sshll.u32 s0, $0xA;
	s2 =	sadd.s32 s3, s2  }
0x8d: {  	s2 =	sadd.s32 s2, s15  }
0x8e: {  	[smem:$0x3FB0] =	sst s2  }
0x8f: {  	_ = 	snop  }
0x90: {  	s2 =	sld [smem:$0x3FD0];
	_ =	sdelay $0x2  }
0x91: {  	s16 =	simm.s32 $0xB;
	s4 =	simm.s32 $0x10  }
0x92: {  	[smem:s4], [sflag:s16] =	dma.local [hbm:s2], $0x1  }
0x93: {  	_ =	swait.eq [sflag:s16], $0x1  }
0x94: {  	[sflag:s16] =	ssyncset.done $0x0  }
0x95: {  	[sflag:s16] =	ssyncadd.s32 $0xFFFFFFFF  }
0x96: {  	s17 =	sld [smem:$0x10];
	(tm) =	ssettm $0x1  }
0x97: {  	s18 =	sld [smem:$0x3FFB];
	_ =	sdelay $0x3  }
0x98: {  	_ =	strace s18  }
0x99: {  	s2 =	sld [smem:$0x3FFC];
	_ =	sdelay $0x3  }
0x9a: {  	_ =	strace s2  }
0x9b: {  	s2 =	sld [smem:$0x3FFD];
	_ =	sdelay $0x3  }
0x9c: {  	_ =	strace s2  }
0x9d: {  	_ =	strace $0x8FFFFFFF  }
0x9e: {  	s19 =	sld [smem:$0x3FDB];
	_ =	sdelay $0x1  }
0x9f: {  	s20 =	simm.s32 $_scs_section_size  }
0xa0: {  	s5 =	simm.s32 $_size__tile_overlayer_lowered;
	s6 =	simm.s32 $_tile_overlayer_lowered  }
0xa1: {  	s7 =	simm.s32 $0x1BFF;
	s21 =	sshll.u32 s6, $0x1;
	s4 =	sadd.s32 s20, s19  }
0xa2: {  	s22 =	simm.s32 $0x0;
	s5 =	sshll.u32 s5, $0x1;
	s6 =	sadd.s32 s21, s4  }
0xa3: {  	[timem:s22], [sflag:s7] =	dma.local [hbm:s6], s5  }
0xa4: {  	_ =	swait.ge [sflag:s7], s5  }
0xa5: {  	s5 =	ssub.s32 $0x0, s5;
	[sflag:s7] =	ssyncset.done $0x0  }
0xa6: {  	[sflag:s7] =	ssyncadd.s32 s5;
	_ =	sdelay $0x1  }
0xa7: {  	s23 =	simm.s32 $0x1B8B  }
0xa8: {  	_ =	swait.ge [sflag:s23], $0x1  }
0xa9: {  	[sflag:s23] =	ssyncset.done $0x0  }
0xaa: {  	[sflag:s23] =	ssyncadd.s32 $0xFFFFFFFF  }
0xab: {  	s5 =	sld [smem:$0x0]  }
0xac: {  	s6 =	sand.u32 $0xFFFFFFFE, s1  }
0xad: {  	p0 =	sne.s32 s1, s6  }
0xae: {  	s6 =	sshll.u32 @p0 s6, $0xE  }
0xaf: {  	s6 =	sadd.s32 @p0 $0x11B8D, s6;
	s7 =	sshll.u32 @p0 s5, $0x11  }
0xb0: {  	s6 =	sor.u32 @p0 s7, s6  }
0xb1: {  	[sflag:s6] =	ssyncadd.remote.s32 @p0 $0x1;
	_ =	sdelay $0x1  }
0xb2: {  	s6 =	simm.s32 @p0 $0x1B8D  }
0xb3: {  	_ =	swait.eq @p0 [sflag:s6], $0x1  }
0xb4: {  	[sflag:s6] =	ssyncadd.s32 @p0 $0xFFFFFFFF  }
0xb5: {  	s7 =	sshll.u32 @!p0 s1, $0xE  }
0xb6: {  	s7 =	sor.u32 @!p0 $0x4000, s7;
	s6 =	simm.s32 @!p0 $0x1B8D  }
0xb7: {  	s5 =	sshll.u32 @!p0 s5, $0x11;
	s7 =	sadd.s32 @!p0 $0x11B8D, s7;
	_ =	swait.eq @!p0 [sflag:s6], $0x1  }
0xb8: {  	s5 =	sor.u32 @!p0 s5, s7;
	[sflag:s6] =	ssyncadd.s32 @!p0 $0xFFFFFFFF  }
0xb9: {  	s25 =	simm.s32 $0x1B8E;
	s24 =	sld [smem:$0x3FFE];
	[sflag:s5] =	ssyncadd.remote.s32 @!p0 $0x1  }
0xba: {  	s26 =	simm.s32 $execute0_lowered;
	[smem:$0x3FD2] =	sst s25  }
0xbb: {  	s6 =	sshll.u32 s26, $0x1;
	_ =	strace $0x8000004C;
	[dreg:$0x1] =	wrdreg $0xFFFFFFFF  }
0xbc: {  	s28 =	simm.s32 $_size_execute0_lowered;
	s4 =	sadd.s32 s4, s6;
	[dreg:$0x0] =	wrdreg $0x0  }
0xbd: {  	s6 =	sshll.u32 s28, $0x1;
	[dreg:$0x2] =	wrdreg s4  }
0xbe: {  	[dreg:$0x3] =	wrdreg s6  }
0xbf: {  	[dreg:$0x4] =	wrdreg $0xC0  }
0xc0: {  	_ =	task [dreg:s22], $0x5FFFF  }
0xc1: {  	[dreg:$0x1] =	wrdreg $0xFFFFFFFF  }
0xc2: {  	[dreg:$0x0] =	wrdreg $0x60  }
0xc3: {  	[dreg:$0x2] =	wrdreg s24  }
0xc4: {  	[dreg:$0x3] =	wrdreg s17  }
0xc5: {  	[dreg:$0x4] =	wrdreg $0x0  }
0xc6: {  	[dreg:$0x5] =	wrdreg $0x158000  }
0xc7: {  	[dreg:$0x6] =	wrdreg $0xA  }
0xc8: {  	_ =	task.clear_ibuf [dreg:s22], $0x7FFFF;
	_ =	strace $0x9000004C  }
0xc9: {  	s29 =	simm.s32 $0xA;
	_ =	strace $0x8000004E  }
0xca: {  	_ =	swait.ge [sflag:s29], $0x1  }
0xcb: {  	[sflag:s29] =	ssyncadd.s32 $0xFFFFFFFF  }
0xcc: {  	_ =	strace $0x9000004E  }
0xcd: {  	_ =	sfence  }
0xce: {  	s30 =	sld [smem:$0x0];
	_ =	sdelay $0x2  }
0xcf: {  	s31 =	sshll.u32 s1, $0xD;
	s1 =	sshrl.u32 s1, $0x2  }
0xd0: {  	s4 =	sand.u32 $0x4000, s31;
	s1 =	sadd.s32 s1, s30  }
0xd1: {  	s0 =	sor.u32 s4, s0;
	s1 =	sshll.u32 s1, $0x11  }
0xd2: {  	s0 =	sor.u32 s1, s0  }
0xd3: {  	s0 =	sadd.s32 $0x8F2B, s0  }
0xd4: {  	[sflag:s0] =	ssyncadd.remote.s32 $0x1  }
0xd5: {  	_ =	sfence.sel $0xFFFF  }
0xd6: {  	[dreg:$0x0] =	wrdreg $0xFFFFFFFF;
	(pc) =	sbr.abs _section_cstart, $3  }
0xd7: {  	[dreg:$0x1] =	wrdreg $0xFFFFFFFF  }
0xd8: {  	_ =	task.clear_ibuf [dreg:s22], $0x2FFFF;
	_ =	strace $0x9FFFFFFF  }
0xd9: {  	(tm) =	ssettm $0x7FFFFFFF  }
tec
execute0_lowered:
.L_overlay_start_1:
0x0: {  	(tag) =	ssettag $0x1  }
0x1: {  	s0 =	rddreg [dreg:$0x0]  }
0x2: {  	s14 =	rddreg [dreg:$0x1]  }
0x3: {  	s1 =	rddreg [dreg:$0x2]  }
0x4: {  	s2 =	rddreg [dreg:$0x3]  }
0x5: {  	s3 =	simm.s32 $0x0;
	s11 =	srdreg.scid;
	s16 =	stileid.u32  }
0x6: {  	s19 =	simm.s32 $0x2;
	s20 =	simm.s32 $0x15AB0;
	s21 =	simm.s32 $0x15B30  }
0x7: {  	s22 =	simm.s32 $0x80;
	s23 =	simm.s32 $0x15BB0;
	s24 =	simm.s32 $0x1  }
0x8: {  	s25 =	simm.s32 $0x15C30;
	s26 =	simm.s32 $0x15CB0;
	s28 =	simm.s32 $0x15D30  }
0x9: {  	s29 =	simm.s32 $0x0;
	[smem:$0x7FF] =	sst s3;
	s4 =	sadd.s32 $0x45200, s0  }
0xa: {  	s5 =	sadd.s32 $0xC6400, s0;
	s6 =	sadd.s32 $0xCBA00, s0;
	s7 =	sadd.s32 $0xD1000, s0  }
0xb: {  	s8 =	sadd.s32 $0xD1600, s0;
	s9 =	sadd.s32 $0xD1C00, s0;
	s10 =	sadd.s32 $0x1A200, s0  }
0xc: {  	s15 =	sand.u32 $0x1, s11;
	s17 =	sshll.u32 s16, $0x1;
	s11 =	sadd.s32 $0xD1E00, s0  }
0xd: {  	p0 =	sne.s32 s16, $0x0;
	_ =	strace $0x8000004D;
	s12 =	smul.u32 $0x2B000, s15  }
0xe: {  	s13 =	ssub.s32 $0x2, s15;
	s17 =	sor.u32 s15, s17;
	s31 =	sshll.u32 s15, $0x4  }
0xf: {  	s16 =	sshrl.u32 @!p0 s1, $0x3;
	s18 =	sshrl.u32 s13, $0x1;
	s14 =	sadd.s32 s14, s31  }
0x10: {  	s0 =	sadd.s32 s12, s0;
	s18 =	ssub.s32 s13, s18;
	s12 =	smul.u32 $0x2B, s17  }
0x11: {  	s17 =	sshrl.u32 @!p0 s2, $0x3;
	s13 =	sadd.s32 $0xD2400, s0;
	s15 =	smax.u32 s18, $0x1  }
.LBB2_1:
0x12: {  	s0 =	simm.s32 @!p0 $0x1C02;
	s30 =	simm.s32 @!p0 $0x2  }
0x13: {  	[spmem:s16], [sflag:s0] =	dma.local @!p0 [hbm:s10], $0x2B000  }
0x14: {  	_ =	swait.ge @!p0 [sflag:s30], $0x2B000  }
0x15: {  	[sflag:s30] =	ssyncset.done @!p0 $0x0  }
0x16: {  	[sflag:s30] =	ssyncadd.s32 @!p0 $0xFFFD5000  }
0x17: {  	[spmem:s17], [sflag:s0] =	dma.local @!p0 [hbm:s11], $0x560  }
0x18: {  	_ =	swait.ge @!p0 [sflag:s30], $0x560  }
0x19: {  	[sflag:s30] =	ssyncset.done @!p0 $0x0  }
0x1a: {  	s31 =	simm.s32 $0x0;
	s3 =	simm.s32 $0x19D30;
	[sflag:s30] =	ssyncadd.s32 @!p0 $0xFFFFFAA0  }
0x1b: {  	[tilespmem:s3], [sflag:$0x2] =	stream.linear.gather [hbm4b:s9+s31], $0x80, $0x38;
	[tilespmem:$0x19DB0] =	vst v63  }
0x1c: {  	_ =	swait.ge [sflag:s19], $0x80  }
0x1d: {  	[sflag:s19] =	ssyncset.done $0x0  }
0x1e: {  	[sflag:s19] =	ssyncadd.s32 $0xFFFFFF80  }
0x1f: {  	[bflag:$0x0] =	sbarrier.arrive $0xFFFF  }
0x20: {  	s30 =	simm.s32 $0x0;
	v0 =	vld [tilespmem:$0x19D30]  }
.LBB2_2:
0x21: {  	s0 =	sadd.s32 s12, s30  }
0x22: {  	s0 =	sshll.u32 s0, $0x4  }
0x23: {  	s31 =	simm.s32 $0x0;
	s3 =	sadd.s32 s5, s0  }
0x24: {  	[tilespmem:s20], [sflag:$0x2] =	stream.linear.gather [hbm4b:s3+s31], $0x80, $0x38;
	[tilespmem:$0x19DB0] =	vst v63  }
0x25: {  	_ =	swait.ge [sflag:s19], $0x80  }
0x26: {  	[sflag:s19] =	ssyncset.done $0x0  }
0x27: {  	s0 =	sadd.s32 s6, s0;
	[sflag:s19] =	ssyncadd.s32 $0xFFFFFF80  }
0x28: {  	[tilespmem:s21], [sflag:$0x2] =	stream.linear.gather [hbm4b:s0+s31], $0x80, $0x38;
	[tilespmem:$0x19DB0] =	vst v63  }
0x29: {  	_ =	swait.ge [sflag:s19], $0x80  }
0x2a: {  	[sflag:s19] =	ssyncset.done $0x0  }
0x2b: {  	[sflag:s19] =	ssyncadd.s32 $0xFFFFFF80  }
0x2c: {  	[tilespmem:s23], [sflag:$0x1] =	stream.indirect.gather [hbm4b:s7+s22], $0x1, s20, s22, $0xb8;
	[tilespmem:$0x19DB0] =	vst v63  }
0x2d: {  	_ =	swait.ge [sflag:s24], $0x80  }
0x2e: {  	[sflag:s24] =	ssyncset.done $0x0  }
0x2f: {  	[sflag:s24] =	ssyncadd.s32 $0xFFFFFF80  }
0x30: {  	[tilespmem:s25], [sflag:$0x1] =	stream.indirect.gather [hbm4b:s8+s22], $0x1, s21, s22, $0xb8;
	[tilespmem:$0x19DB0] =	vst v63  }
0x31: {  	_ =	swait.ge [sflag:s24], $0x80  }
0x32: {  	[sflag:s24] =	ssyncset.done $0x0  }
0x33: {  	[sflag:s24] =	ssyncadd.s32 $0xFFFFFF80  }
0x34: {  	v1 =	vld [tilespmem:$0x15BB0]  }
0x35: {  	v2 =	vld [tilespmem:$0x15C30]  }
0x36: {  	v3 =	vld [tilespmem:$0x15BC0]  }
0x37: {  	v4 =	vld [tilespmem:$0x15C40]  }
0x38: {  	v5 =	vld [tilespmem:$0x15BD0]  }
0x39: {  	v6 =	vld [tilespmem:$0x15C50]  }
0x3a: {  	v7 =	vld [tilespmem:$0x15BE0]  }
0x3b: {  	v8 =	vld [tilespmem:$0x15C60]  }
0x3c: {  	v51 =	vld [tilespmem:$0x15C70];
	v1 =	vadd.f32 v2, v1  }
0x3d: {  	v52 =	vld [tilespmem:$0x15C00];
	v3 =	vadd.f32 v4, v3  }
0x3e: {  	v11 =	vld [tilespmem:$0x15C80];
	v5 =	vadd.f32 v6, v5;
	v9 =	vmul.f32 $2.000000030e-01, v1  }
0x3f: {  	v12 =	vld [tilespmem:$0x15C10];
	v10 =	vmul.f32 $2.000000030e-01, v3  }
0x40: {  	v2 =	vld [tilespmem:$0x15BF0];
	v53 =	vmul.f32 $2.000000030e-01, v5;
	v1 =	vmax.f32 v1, v9  }
0x41: {  	v54 =	vld [tilespmem:$0x15C90];
	v3 =	vmax.f32 v3, v10;
	v1 =	vsub.f32 v1, v0  }
0x42: {  	v55 =	vld [tilespmem:$0x15C20];
	v5 =	vmax.f32 v5, v53;
	v3 =	vsub.f32 v3, v0  }
0x43: {  	v13 =	vld [tilespmem:$0x15CA0];
	v5 =	vsub.f32 v5, v0;
	v1 =	vmul.f32 $1.442695020e+00, v1  }
0x44: {  	v7 =	vadd.f32 v8, v7;
	v3 =	vmul.f32 $1.442695020e+00, v3  }
0x45: {  	(erf) = vpow2.f32 v1;
	v1 =	vadd.f32 v51, v2;
	v2 =	vmul.f32 $1.442695020e+00, v5  }
0x46: {  	v56 =	vmul.f32 $2.000000030e-01, v7;
	(erf) = vpow2.f32 v3;
	v3 =	vadd.f32 v11, v52  }
0x47: {  	(erf) = vpow2.f32 v2;
	v2 =	vadd.f32 v54, v12;
	v57 =	vmul.f32 $2.000000030e-01, v1  }
0x48: {  	v58 =	vadd.f32 v13, v55;
	v4 =	vmax.f32 v7, v56;
	v59 =	vmul.f32 $2.000000030e-01, v3  }
0x49: {  	v4 =	vsub.f32 v4, v0;
	v1 =	vmax.f32 v1, v57;
	v60 =	vmul.f32 $2.000000030e-01, v2  }
0x4a: {  	v61 =	vmul.f32 $2.000000030e-01, v58;
	v1 =	vsub.f32 v1, v0;
	v3 =	vmax.f32 v3, v59  }
0x4b: {  	v4 =	vmul.f32 $1.442695020e+00, v4;
	v2 =	vmax.f32 v2, v60;
	v3 =	vsub.f32 v3, v0  }
0x4c: {  	v62 =	vmax.f32 v58, v61;
	v1 =	vmul.f32 $1.442695020e+00, v1;
	v2 =	vsub.f32 v2, v0  }
0x4d: {  	v63 =	vsub.f32 v62, v0;
	(erf) = vpow2.f32 v4;
	v3 =	vmul.f32 $1.442695020e+00, v3  }
0x4e: {  	(erf) = vpow2.f32 v1;
	v1 =	vmul.f32 $1.442695020e+00, v2  }
0x4f: {  	v2 =	vmul.f32 $1.442695020e+00, v63;
	(erf) = vpow2.f32 v3  }
0x50: {  	(erf) = vpow2.f32 v1  }
0x51: {  	(erf) = vpow2.f32 v2;
	_ =	sdelay $0x1  }
0x52: {  	v1 =	vpop (erf)  }
0x53: {  	v2 =	vpop (erf);
	[tilespmem:$0x15CB0] =	vst v1  }
0x54: {  	v1 =	vpop (erf);
	[tilespmem:$0x15CC0] =	vst v2  }
0x55: {  	v2 =	vpop (erf);
	[tilespmem:$0x15CD0] =	vst v1  }
0x56: {  	[tilespmem:$0x15CE0] =	vst v2;
	v1 =	vpop (erf)  }
0x57: {  	v2 =	vpop (erf);
	[tilespmem:$0x15CF0] =	vst v1  }
0x58: {  	v1 =	vpop (erf);
	[tilespmem:$0x15D00] =	vst v2  }
0x59: {  	[tilespmem:$0x15D10] =	vst v1;
	v1 =	vpop (erf)  }
0x5a: {  	[tilespmem:$0x15D20] =	vst v1  }
0x5b: {  	[spmem:s2] =	stream.indirect.scatter.add.f32 [tilespmem:s26], [sflag:$0x2], $0x1, s21, s22, $0xb8;
	[tilespmem:$0x19DB0] =	vst v63  }
0x5c: {  	_ =	swait.ge [sflag:s19], $0x80  }
0x5d: {  	[sflag:s19] =	ssyncset.done $0x0  }
0x5e: {  	[sflag:s19] =	ssyncadd.s32 $0xFFFFFF80  }
0x5f: {  	[tilespmem:s28], [sflag:$0x1] =	stream.indirect.gather [hbm4b:s4+s22], $0x80, s20, s22, $0xb8;
	[tilespmem:$0x19DB0] =	vst v63  }
0x60: {  	_ =	swait.ge [sflag:s24], $0x4000  }
0x61: {  	[sflag:s24] =	ssyncset.done $0x0  }
0x62: {  	[sflag:s24] =	ssyncadd.s32 $0xFFFFC000  }
.LBB2_3:
0x63: {  	s0 =	sshll.u32 s31, $0x4  }
0x64: {  	s0 =	sand.u32 $0x3FFFFFF0, s0  }
0x65: {  	s18 =	sshll.u32 s31, $0xB;
	v1 =	vld [tilespmem:s0+$0x15CB0]  }
0x66: {  	s0 =	sand.u32 $0x3FFFF800, s18  }
0x67: {  	v2 =	vld [tilespmem:s0+$0x15D30]  }
0x68: {  	v3 =	vld [tilespmem:s0+$0x15D40]  }
0x69: {  	v4 =	vld [tilespmem:s0+$0x15D50]  }
0x6a: {  	v6 =	vld [tilespmem:s0+$0x15D60];
	v5 =	vbroadcast v1, $0x0  }
0x6b: {  	v7 =	vld [tilespmem:s0+$0x15D70]  }
0x6c: {  	v8 =	vld [tilespmem:s0+$0x15D80];
	v2 =	vmul.f32 v5, v2  }
0x6d: {  	v9 =	vld [tilespmem:s0+$0x15D90];
	v3 =	vmul.f32 v3, v5  }
0x6e: {  	v34 =	vld [tilespmem:s0+$0x15DA0];
	[tilespmem:s0+$0x15D30] =	vst v2;
	v2 =	vmul.f32 v4, v5  }
0x6f: {  	v35 =	vld [tilespmem:s0+$0x15DB0];
	[tilespmem:s0+$0x15D40] =	vst v3;
	v3 =	vmul.f32 v6, v5  }
0x70: {  	v36 =	vld [tilespmem:s0+$0x15DC0];
	[tilespmem:s0+$0x15D50] =	vst v2;
	v2 =	vmul.f32 v7, v5  }
0x71: {  	v37 =	vld [tilespmem:s0+$0x15DD0];
	[tilespmem:s0+$0x15D60] =	vst v3;
	v3 =	vmul.f32 v8, v5  }
0x72: {  	v10 =	vld [tilespmem:s0+$0x15DE0];
	v38 =	vbroadcast v1, $0x1;
	[tilespmem:s0+$0x15D70] =	vst v2;
	v2 =	vmul.f32 v9, v5  }
0x73: {  	v39 =	vld [tilespmem:s0+$0x15DF0];
	[tilespmem:s0+$0x15D80] =	vst v3;
	v3 =	vmul.f32 v34, v5  }
0x74: {  	v40 =	vld [tilespmem:s0+$0x15E00];
	[tilespmem:s0+$0x15D90] =	vst v2;
	v2 =	vmul.f32 v35, v38  }
0x75: {  	v41 =	vld [tilespmem:s0+$0x15E10];
	[tilespmem:s0+$0x15DA0] =	vst v3;
	v3 =	vmul.f32 v36, v38  }
0x76: {  	v42 =	vld [tilespmem:s0+$0x15E20];
	[tilespmem:s0+$0x15DB0] =	vst v2;
	v2 =	vmul.f32 v37, v38  }
0x77: {  	v43 =	vld [tilespmem:s0+$0x15E30];
	[tilespmem:s0+$0x15DC0] =	vst v3;
	v3 =	vmul.f32 v10, v38  }
0x78: {  	v44 =	vld [tilespmem:s0+$0x15E40];
	[tilespmem:s0+$0x15DD0] =	vst v2;
	v2 =	vmul.f32 v39, v38  }
0x79: {  	v45 =	vld [tilespmem:s0+$0x15E50];
	[tilespmem:s0+$0x15DE0] =	vst v3;
	v3 =	vmul.f32 v40, v38  }
0x7a: {  	v47 =	vld [tilespmem:s0+$0x15E60];
	v46 =	vbroadcast v1, $0x2;
	[tilespmem:s0+$0x15DF0] =	vst v2;
	v2 =	vmul.f32 v41, v38  }
0x7b: {  	v48 =	vld [tilespmem:s0+$0x15E70];
	[tilespmem:s0+$0x15E00] =	vst v3;
	v3 =	vmul.f32 v42, v38  }
0x7c: {  	v49 =	vld [tilespmem:s0+$0x15E80];
	[tilespmem:s0+$0x15E10] =	vst v2;
	v2 =	vmul.f32 v43, v46  }
0x7d: {  	v50 =	vld [tilespmem:s0+$0x15E90];
	[tilespmem:s0+$0x15E20] =	vst v3;
	v3 =	vmul.f32 v44, v46  }
0x7e: {  	v51 =	vld [tilespmem:s0+$0x15EA0];
	[tilespmem:s0+$0x15E30] =	vst v2;
	v2 =	vmul.f32 v45, v46  }
0x7f: {  	v52 =	vld [tilespmem:s0+$0x15EB0];
	[tilespmem:s0+$0x15E40] =	vst v3;
	v3 =	vmul.f32 v47, v46  }
0x80: {  	v53 =	vld [tilespmem:s0+$0x15EC0];
	[tilespmem:s0+$0x15E50] =	vst v2;
	v2 =	vmul.f32 v48, v46  }
0x81: {  	v54 =	vld [tilespmem:s0+$0x15ED0];
	[tilespmem:s0+$0x15E60] =	vst v3;
	v3 =	vmul.f32 v49, v46  }
0x82: {  	v56 =	vld [tilespmem:s0+$0x15EE0];
	v55 =	vbroadcast v1, $0x3;
	[tilespmem:s0+$0x15E70] =	vst v2;
	v2 =	vmul.f32 v50, v46  }
0x83: {  	v57 =	vld [tilespmem:s0+$0x15EF0];
	[tilespmem:s0+$0x15E80] =	vst v3;
	v3 =	vmul.f32 v51, v46  }
0x84: {  	v58 =	vld [tilespmem:s0+$0x15F00];
	[tilespmem:s0+$0x15E90] =	vst v2;
	v2 =	vmul.f32 v52, v55  }
0x85: {  	v59 =	vld [tilespmem:s0+$0x15F10];
	[tilespmem:s0+$0x15EA0] =	vst v3;
	v3 =	vmul.f32 v53, v55  }
0x86: {  	v60 =	vld [tilespmem:s0+$0x15F20];
	[tilespmem:s0+$0x15EB0] =	vst v2;
	v2 =	vmul.f32 v54, v55  }
0x87: {  	v61 =	vld [tilespmem:s0+$0x15F30];
	[tilespmem:s0+$0x15EC0] =	vst v3;
	v3 =	vmul.f32 v56, v55  }
0x88: {  	v62 =	vld [tilespmem:s0+$0x15F40];
	[tilespmem:s0+$0x15ED0] =	vst v2;
	v2 =	vmul.f32 v57, v55  }
0x89: {  	v63 =	vld [tilespmem:s0+$0x15F50];
	[tilespmem:s0+$0x15EE0] =	vst v3;
	v3 =	vmul.f32 v58, v55  }
0x8a: {  	v13 =	vld [tilespmem:s0+$0x15F60];
	v12 =	vbroadcast v1, $0x4;
	[tilespmem:s0+$0x15EF0] =	vst v2;
	v2 =	vmul.f32 v59, v55  }
0x8b: {  	v14 =	vld [tilespmem:s0+$0x15F70];
	[tilespmem:s0+$0x15F00] =	vst v3;
	v3 =	vmul.f32 v60, v55  }
0x8c: {  	v15 =	vld [tilespmem:s0+$0x15F80];
	[tilespmem:s0+$0x15F10] =	vst v2;
	v2 =	vmul.f32 v61, v12  }
0x8d: {  	v16 =	vld [tilespmem:s0+$0x15F90];
	[tilespmem:s0+$0x15F20] =	vst v3;
	v3 =	vmul.f32 v62, v12  }
0x8e: {  	v17 =	vld [tilespmem:s0+$0x15FA0];
	[tilespmem:s0+$0x15F30] =	vst v2;
	v2 =	vmul.f32 v63, v12  }
0x8f: {  	v18 =	vld [tilespmem:s0+$0x15FB0];
	[tilespmem:s0+$0x15F40] =	vst v3;
	v3 =	vmul.f32 v13, v12  }
0x90: {  	v19 =	vld [tilespmem:s0+$0x15FC0];
	[tilespmem:s0+$0x15F50] =	vst v2;
	v2 =	vmul.f32 v14, v12  }
0x91: {  	v20 =	vld [tilespmem:s0+$0x15FD0];
	[tilespmem:s0+$0x15F60] =	vst v3;
	v3 =	vmul.f32 v15, v12  }
0x92: {  	v22 =	vld [tilespmem:s0+$0x15FE0];
	v21 =	vbroadcast v1, $0x5;
	[tilespmem:s0+$0x15F70] =	vst v2;
	v2 =	vmul.f32 v16, v12  }
0x93: {  	v23 =	vld [tilespmem:s0+$0x15FF0];
	[tilespmem:s0+$0x15F80] =	vst v3;
	v3 =	vmul.f32 v17, v12  }
0x94: {  	v24 =	vld [tilespmem:s0+$0x16000];
	[tilespmem:s0+$0x15F90] =	vst v2;
	v2 =	vmul.f32 v18, v21  }
0x95: {  	v25 =	vld [tilespmem:s0+$0x16010];
	[tilespmem:s0+$0x15FA0] =	vst v3;
	v3 =	vmul.f32 v19, v21  }
0x96: {  	v26 =	vld [tilespmem:s0+$0x16020];
	[tilespmem:s0+$0x15FB0] =	vst v2;
	v2 =	vmul.f32 v20, v21  }
0x97: {  	v27 =	vld [tilespmem:s0+$0x16030];
	[tilespmem:s0+$0x15FC0] =	vst v3;
	v3 =	vmul.f32 v22, v21  }
0x98: {  	v28 =	vld [tilespmem:s0+$0x16040];
	[tilespmem:s0+$0x15FD0] =	vst v2;
	v2 =	vmul.f32 v23, v21  }
0x99: {  	v29 =	vld [tilespmem:s0+$0x16050];
	[tilespmem:s0+$0x15FE0] =	vst v3;
	v3 =	vmul.f32 v24, v21  }
0x9a: {  	v31 =	vld [tilespmem:s0+$0x16060];
	v30 =	vbroadcast v1, $0x6;
	[tilespmem:s0+$0x15FF0] =	vst v2;
	v2 =	vmul.f32 v25, v21  }
0x9b: {  	v32 =	vld [tilespmem:s0+$0x16070];
	[tilespmem:s0+$0x16000] =	vst v3;
	v3 =	vmul.f32 v26, v21  }
0x9c: {  	v33 =	vld [tilespmem:s0+$0x16080];
	[tilespmem:s0+$0x16010] =	vst v2;
	v2 =	vmul.f32 v27, v30  }
0x9d: {  	v34 =	vld [tilespmem:s0+$0x16090];
	[tilespmem:s0+$0x16020] =	vst v3;
	v3 =	vmul.f32 v28, v30  }
0x9e: {  	v35 =	vld [tilespmem:s0+$0x160A0];
	[tilespmem:s0+$0x16030] =	vst v2;
	v2 =	vmul.f32 v29, v30  }
0x9f: {  	v36 =	vld [tilespmem:s0+$0x160B0];
	[tilespmem:s0+$0x16040] =	vst v3;
	v3 =	vmul.f32 v31, v30  }
0xa0: {  	v37 =	vld [tilespmem:s0+$0x160C0];
	[tilespmem:s0+$0x16050] =	vst v2;
	v2 =	vmul.f32 v32, v30  }
0xa1: {  	v38 =	vld [tilespmem:s0+$0x160D0];
	[tilespmem:s0+$0x16060] =	vst v3;
	v3 =	vmul.f32 v33, v30  }
0xa2: {  	v39 =	vbroadcast v1, $0x7;
	v40 =	vld [tilespmem:s0+$0x160E0];
	[tilespmem:s0+$0x16070] =	vst v2;
	v2 =	vmul.f32 v34, v30  }
0xa3: {  	v41 =	vld [tilespmem:s0+$0x160F0];
	[tilespmem:s0+$0x16080] =	vst v3;
	v3 =	vmul.f32 v35, v30  }
0xa4: {  	v42 =	vld [tilespmem:s0+$0x16100];
	[tilespmem:s0+$0x16090] =	vst v2;
	v2 =	vmul.f32 v36, v39  }
0xa5: {  	v43 =	vld [tilespmem:s0+$0x16110];
	[tilespmem:s0+$0x160A0] =	vst v3;
	v3 =	vmul.f32 v37, v39  }
0xa6: {  	v44 =	vld [tilespmem:s0+$0x16120];
	[tilespmem:s0+$0x160B0] =	vst v2;
	v2 =	vmul.f32 v38, v39  }
0xa7: {  	v45 =	vld [tilespmem:s0+$0x16130];
	[tilespmem:s0+$0x160C0] =	vst v3;
	v3 =	vmul.f32 v40, v39  }
0xa8: {  	v46 =	vld [tilespmem:s0+$0x16140];
	[tilespmem:s0+$0x160D0] =	vst v2;
	v2 =	vmul.f32 v41, v39  }
0xa9: {  	v47 =	vld [tilespmem:s0+$0x16150];
	[tilespmem:s0+$0x160E0] =	vst v3;
	v3 =	vmul.f32 v42, v39  }
0xaa: {  	v48 =	vbroadcast v1, $0x8;
	v49 =	vld [tilespmem:s0+$0x16160];
	[tilespmem:s0+$0x160F0] =	vst v2;
	v2 =	vmul.f32 v43, v39  }
0xab: {  	v50 =	vld [tilespmem:s0+$0x16170];
	[tilespmem:s0+$0x16100] =	vst v3;
	v3 =	vmul.f32 v44, v39  }
0xac: {  	v51 =	vld [tilespmem:s0+$0x16180];
	[tilespmem:s0+$0x16110] =	vst v2;
	v2 =	vmul.f32 v45, v48  }
0xad: {  	v52 =	vld [tilespmem:s0+$0x16190];
	[tilespmem:s0+$0x16120] =	vst v3;
	v3 =	vmul.f32 v46, v48  }
0xae: {  	v53 =	vld [tilespmem:s0+$0x161A0];
	[tilespmem:s0+$0x16130] =	vst v2;
	v2 =	vmul.f32 v47, v48  }
0xaf: {  	v54 =	vld [tilespmem:s0+$0x161B0];
	[tilespmem:s0+$0x16140] =	vst v3;
	v3 =	vmul.f32 v49, v48  }
0xb0: {  	v55 =	vld [tilespmem:s0+$0x161C0];
	[tilespmem:s0+$0x16150] =	vst v2;
	v2 =	vmul.f32 v50, v48  }
0xb1: {  	v56 =	vld [tilespmem:s0+$0x161D0];
	[tilespmem:s0+$0x16160] =	vst v3;
	v3 =	vmul.f32 v51, v48  }
0xb2: {  	v57 =	vbroadcast v1, $0x9;
	v58 =	vld [tilespmem:s0+$0x161E0];
	[tilespmem:s0+$0x16170] =	vst v2;
	v2 =	vmul.f32 v52, v48  }
0xb3: {  	v59 =	vld [tilespmem:s0+$0x161F0];
	[tilespmem:s0+$0x16180] =	vst v3;
	v3 =	vmul.f32 v53, v48  }
0xb4: {  	v60 =	vld [tilespmem:s0+$0x16200];
	[tilespmem:s0+$0x16190] =	vst v2;
	v2 =	vmul.f32 v54, v57  }
0xb5: {  	v61 =	vld [tilespmem:s0+$0x16210];
	[tilespmem:s0+$0x161A0] =	vst v3;
	v3 =	vmul.f32 v55, v57  }
0xb6: {  	v62 =	vld [tilespmem:s0+$0x16220];
	[tilespmem:s0+$0x161B0] =	vst v2;
	v2 =	vmul.f32 v56, v57  }
0xb7: {  	v63 =	vld [tilespmem:s0+$0x16230];
	[tilespmem:s0+$0x161C0] =	vst v3;
	v3 =	vmul.f32 v58, v57  }
0xb8: {  	v12 =	vld [tilespmem:s0+$0x16240];
	[tilespmem:s0+$0x161D0] =	vst v2;
	v2 =	vmul.f32 v59, v57  }
0xb9: {  	v13 =	vld [tilespmem:s0+$0x16250];
	[tilespmem:s0+$0x161E0] =	vst v3;
	v3 =	vmul.f32 v60, v57  }
0xba: {  	v14 =	vbroadcast v1, $0xA;
	v15 =	vld [tilespmem:s0+$0x16260];
	[tilespmem:s0+$0x161F0] =	vst v2;
	v2 =	vmul.f32 v61, v57  }
0xbb: {  	v16 =	vld [tilespmem:s0+$0x16270];
	[tilespmem:s0+$0x16200] =	vst v3;
	v3 =	vmul.f32 v62, v57  }
0xbc: {  	v17 =	vld [tilespmem:s0+$0x16280];
	[tilespmem:s0+$0x16210] =	vst v2;
	v2 =	vmul.f32 v63, v14  }
0xbd: {  	v18 =	vld [tilespmem:s0+$0x16290];
	[tilespmem:s0+$0x16220] =	vst v3;
	v3 =	vmul.f32 v12, v14  }
0xbe: {  	v19 =	vld [tilespmem:s0+$0x162A0];
	[tilespmem:s0+$0x16230] =	vst v2;
	v2 =	vmul.f32 v13, v14  }
0xbf: {  	v20 =	vld [tilespmem:s0+$0x162B0];
	[tilespmem:s0+$0x16240] =	vst v3;
	v3 =	vmul.f32 v15, v14  }
0xc0: {  	v21 =	vld [tilespmem:s0+$0x162C0];
	[tilespmem:s0+$0x16250] =	vst v2;
	v2 =	vmul.f32 v16, v14  }
0xc1: {  	v22 =	vld [tilespmem:s0+$0x162D0];
	[tilespmem:s0+$0x16260] =	vst v3;
	v3 =	vmul.f32 v17, v14  }
0xc2: {  	v23 =	vbroadcast v1, $0xB;
	v24 =	vld [tilespmem:s0+$0x162E0];
	[tilespmem:s0+$0x16270] =	vst v2;
	v2 =	vmul.f32 v18, v14  }
0xc3: {  	v25 =	vld [tilespmem:s0+$0x162F0];
	[tilespmem:s0+$0x16280] =	vst v3;
	v3 =	vmul.f32 v19, v14  }
0xc4: {  	v26 =	vld [tilespmem:s0+$0x16300];
	[tilespmem:s0+$0x16290] =	vst v2;
	v2 =	vmul.f32 v20, v23  }
0xc5: {  	v27 =	vld [tilespmem:s0+$0x16310];
	[tilespmem:s0+$0x162A0] =	vst v3;
	v3 =	vmul.f32 v21, v23  }
0xc6: {  	v28 =	vld [tilespmem:s0+$0x16320];
	[tilespmem:s0+$0x162B0] =	vst v2;
	v2 =	vmul.f32 v22, v23  }
0xc7: {  	v29 =	vld [tilespmem:s0+$0x16330];
	[tilespmem:s0+$0x162C0] =	vst v3;
	v3 =	vmul.f32 v24, v23  }
0xc8: {  	v30 =	vld [tilespmem:s0+$0x16340];
	[tilespmem:s0+$0x162D0] =	vst v2;
	v2 =	vmul.f32 v25, v23  }
0xc9: {  	v31 =	vld [tilespmem:s0+$0x16350];
	[tilespmem:s0+$0x162E0] =	vst v3;
	v3 =	vmul.f32 v26, v23  }
0xca: {  	v32 =	vbroadcast v1, $0xC;
	v33 =	vld [tilespmem:s0+$0x16360];
	[tilespmem:s0+$0x162F0] =	vst v2;
	v2 =	vmul.f32 v27, v23  }
0xcb: {  	v34 =	vld [tilespmem:s0+$0x16370];
	[tilespmem:s0+$0x16300] =	vst v3;
	v3 =	vmul.f32 v28, v23  }
0xcc: {  	v35 =	vld [tilespmem:s0+$0x16380];
	[tilespmem:s0+$0x16310] =	vst v2;
	v2 =	vmul.f32 v29, v32  }
0xcd: {  	v36 =	vld [tilespmem:s0+$0x16390];
	[tilespmem:s0+$0x16320] =	vst v3;
	v3 =	vmul.f32 v30, v32  }
0xce: {  	v37 =	vld [tilespmem:s0+$0x163A0];
	[tilespmem:s0+$0x16330] =	vst v2;
	v2 =	vmul.f32 v31, v32  }
0xcf: {  	v38 =	vld [tilespmem:s0+$0x163B0];
	[tilespmem:s0+$0x16340] =	vst v3;
	v3 =	vmul.f32 v33, v32  }
0xd0: {  	v39 =	vld [tilespmem:s0+$0x163C0];
	[tilespmem:s0+$0x16350] =	vst v2;
	v2 =	vmul.f32 v34, v32  }
0xd1: {  	v40 =	vld [tilespmem:s0+$0x163D0];
	[tilespmem:s0+$0x16360] =	vst v3;
	v3 =	vmul.f32 v35, v32  }
0xd2: {  	v41 =	vbroadcast v1, $0xD;
	v42 =	vld [tilespmem:s0+$0x163E0];
	[tilespmem:s0+$0x16370] =	vst v2;
	v2 =	vmul.f32 v36, v32  }
0xd3: {  	v43 =	vld [tilespmem:s0+$0x163F0];
	[tilespmem:s0+$0x16380] =	vst v3;
	v3 =	vmul.f32 v37, v32  }
0xd4: {  	v44 =	vld [tilespmem:s0+$0x16400];
	[tilespmem:s0+$0x16390] =	vst v2;
	v2 =	vmul.f32 v38, v41  }
0xd5: {  	v45 =	vld [tilespmem:s0+$0x16410];
	[tilespmem:s0+$0x163A0] =	vst v3;
	v3 =	vmul.f32 v39, v41  }
0xd6: {  	v46 =	vld [tilespmem:s0+$0x16420];
	[tilespmem:s0+$0x163B0] =	vst v2;
	v2 =	vmul.f32 v40, v41  }
0xd7: {  	v47 =	vld [tilespmem:s0+$0x16430];
	[tilespmem:s0+$0x163C0] =	vst v3;
	v3 =	vmul.f32 v42, v41  }
0xd8: {  	v48 =	vld [tilespmem:s0+$0x16440];
	[tilespmem:s0+$0x163D0] =	vst v2;
	v2 =	vmul.f32 v43, v41  }
0xd9: {  	v49 =	vld [tilespmem:s0+$0x16450];
	[tilespmem:s0+$0x163E0] =	vst v3;
	v3 =	vmul.f32 v44, v41  }
0xda: {  	v50 =	vbroadcast v1, $0xE;
	v51 =	vld [tilespmem:s0+$0x16460];
	[tilespmem:s0+$0x163F0] =	vst v2;
	v2 =	vmul.f32 v45, v41  }
0xdb: {  	v52 =	vld [tilespmem:s0+$0x16470];
	[tilespmem:s0+$0x16400] =	vst v3;
	v3 =	vmul.f32 v46, v41  }
0xdc: {  	v53 =	vld [tilespmem:s0+$0x16480];
	[tilespmem:s0+$0x16410] =	vst v2;
	v2 =	vmul.f32 v47, v50  }
0xdd: {  	v54 =	vld [tilespmem:s0+$0x16490];
	[tilespmem:s0+$0x16420] =	vst v3;
	v3 =	vmul.f32 v48, v50  }
0xde: {  	v55 =	vld [tilespmem:s0+$0x164A0];
	[tilespmem:s0+$0x16430] =	vst v2;
	v2 =	vmul.f32 v49, v50  }
0xdf: {  	v56 =	vld [tilespmem:s0+$0x164B0];
	[tilespmem:s0+$0x16440] =	vst v3;
	v3 =	vmul.f32 v51, v50  }
0xe0: {  	v57 =	vld [tilespmem:s0+$0x164C0];
	[tilespmem:s0+$0x16450] =	vst v2;
	v2 =	vmul.f32 v52, v50  }
0xe1: {  	v58 =	vld [tilespmem:s0+$0x164D0];
	[tilespmem:s0+$0x16460] =	vst v3;
	v3 =	vmul.f32 v53, v50  }
0xe2: {  	v1 =	vbroadcast v1, $0xF;
	v59 =	vld [tilespmem:s0+$0x164E0];
	[tilespmem:s0+$0x16470] =	vst v2;
	v2 =	vmul.f32 v54, v50  }
0xe3: {  	v60 =	vld [tilespmem:s0+$0x164F0];
	[tilespmem:s0+$0x16480] =	vst v3;
	v3 =	vmul.f32 v55, v50  }
0xe4: {  	v61 =	vld [tilespmem:s0+$0x16500];
	[tilespmem:s0+$0x16490] =	vst v2;
	v2 =	vmul.f32 v56, v1  }
0xe5: {  	v62 =	vld [tilespmem:s0+$0x16510];
	[tilespmem:s0+$0x164A0] =	vst v3;
	v3 =	vmul.f32 v57, v1  }
0xe6: {  	v63 =	vld [tilespmem:s0+$0x16520];
	[tilespmem:s0+$0x164B0] =	vst v2;
	v2 =	vmul.f32 v58, v1  }
0xe7: {  	[tilespmem:s0+$0x164C0] =	vst v3;
	v3 =	vmul.f32 v59, v1  }
0xe8: {  	p1 =	sne.s32 s31, $0x7;
	[tilespmem:s0+$0x164D0] =	vst v2;
	v2 =	vmul.f32 v60, v1  }
.Ltmp0:
0xe9: {  	[tilespmem:s0+$0x164E0] =	vst v3;
	v3 =	vmul.f32 v61, v1;
	(pc) =	sbr.rel @p1 .LBB2_3-.Ltmp0, $4  }
0xea: {  	[tilespmem:s0+$0x164F0] =	vst v2;
	v2 =	vmul.f32 v62, v1  }
0xeb: {  	[tilespmem:s0+$0x16500] =	vst v3;
	v1 =	vmul.f32 v63, v1  }
0xec: {  	[tilespmem:s0+$0x16510] =	vst v2  }
0xed: {  	s31 =	sadd.s32 $0x1, s31;
	[tilespmem:s0+$0x16520] =	vst v1  }
0xee: {  	s30 =	sadd.s32 $0x1, s30  }
0xef: {  	p1 =	sne.s32 s30, $0x2B  }
.Ltmp1:
0xf0: {  	_ = 	snop;
	(pc) =	sbr.rel @p1 .LBB2_2-.Ltmp1, $4  }
0xf1: {  	[spmem:s1] =	stream.indirect.scatter.add.f32 [tilespmem:s28], [sflag:$0x2], $0x80, s21, s22, $0xb8;
	[tilespmem:$0x19DB0] =	vst v63  }
0xf2: {  	_ =	swait.ge [sflag:s19], $0x4000  }
0xf3: {  	[sflag:s19] =	ssyncset.done $0x0  }
0xf4: {  	[sflag:s19] =	ssyncadd.s32 $0xFFFFC000  }
0xf5: {  	[bflag:$0x0] =	sbarrier.arrive $0xFFFF;
	s0 =	simm.s32 @!p0 $0x1C02;
	s3 =	simm.s32 @!p0 $0x2  }
0xf6: {  	[hbm:s13], [sflag:s0] =	dma.local @!p0 [spmem:s16], $0x2B000  }
0xf7: {  	s30 =	simm.s32 @!p0 $0x1;
	s29 =	sadd.s32 $0x1, s29;
	_ =	swait.ge @!p0 [sflag:s3], $0x2B000  }
0xf8: {  	s31 =	simm.s32 @!p0 $0x20;
	p1 =	sne.s32 s29, s15;
	[sflag:s3] =	ssyncset.done @!p0 $0x0  }
.Ltmp2:
0xf9: {  	s18 =	simm.s32 @!p0 $0x10;
	[sflag:s3] =	ssyncadd.s32 @!p0 $0xFFFD5000;
	(pc) =	sbr.rel @p1 .LBB2_1-.Ltmp2, $4  }
0xfa: {  	[hbm:s14@s31], [sflag:s0] =	dma.strided @!p0 [spmem:s17@s18], $0x560, s30, $0x10   }
0xfb: {  	_ =	swait.ge @!p0 [sflag:s3], $0x560  }
0xfc: {  	[sflag:s3] =	ssyncset.done @!p0 $0x0  }
0xfd: {  	[sflag:s3] =	ssyncadd.s32 @!p0 $0xFFFFFAA0  }
0xfe: {  	_ =	sfence.sel $0x180000  }
0xff: {  	[bflag:$0x0] =	sbarrier.arrive $0xFFFF  }
0x100: {  	_ =	strace $0x9000004D  }
0x101: {  	[bflag:$0x2] =	sbarrier.arrive $0xFFFF  }
0x102: {  	s0 =	rddreg [dreg:$0x4]  }
0x103: {  	s0 =	sadd.s32 @!p0 $0x100000, s0  }
0x104: {  	[sflag:s0] =	ssyncadd.tile.s32 @!p0 $0x1;
	_ =	shalt  }
.Lfunc_end2:
_tile_overlayer_lowered:
.L_overlay_start_2:
0x105: {  	(tag) =	ssettag $0x2  }
0x106: {  	s0 =	rddreg [dreg:$0x0];
	s2 =	stileid.u32  }
0x107: {  	s1 =	rddreg [dreg:$0x1];
	p0 =	sne.s32 s2, $0x0  }
0x108: {  	s3 =	rddreg [dreg:$0x2];
	[bflag:$0x3] =	sbarrier.arrive $0xFFFF;
	s2 =	simm.s32 @!p0 $0x1C02  }
0x109: {  	[timem:s3], [sflag:s2] =	dma.local @!p0 [hbm:s0], s1  }
0x10a: {  	s0 =	simm.s32 @!p0 $0x2  }
0x10b: {  	_ =	swait.ge @!p0 [sflag:s0], s1  }
0x10c: {  	s1 =	ssub.s32 @!p0 $0x0, s1;
	[sflag:s0] =	ssyncset.done @!p0 $0x0  }
0x10d: {  	[sflag:s0] =	ssyncadd.s32 @!p0 s1  }
0x10e: {  	[bflag:$0x3] =	sbarrier.arrive $0xFFFF  }
0x10f: {  	_ =	shalt  }

</sc_bundles>
